<compile_context>
chip_gen: v7x
topology: tpu7x:2x2x1
jax: 0.10.2.dev20260603
libtpu: 0.0.44.dev20260713+nightly
codegen_flags: <defaults>
</compile_context>

<pallas_src>
import functools

import jax
import jax.numpy as jnp
import numpy as np
from jax import lax
from jax.experimental import pallas as pl
from jax.experimental.pallas import tpu as pltpu
from jax.experimental.pallas import tpu_sc as plsc

_VOCAB = 1_000_000
_VOCAB_PAD = 1_048_576
_TROWS = 8192
_TGRID = 8
_LANES = 128

_B, _N = 16384, 200
_TOTAL = _B * _N
_NC, _NS = 2, 16
_NW = _NC * _NS
_WCOLS = _B // _NW
_CROWS = 40
_CCOLS = 256
_NCHUNKS = (_N // _CROWS) * (_WCOLS // _CCOLS)
_CHUNK = _CROWS * _CCOLS

_E5 = float(np.exp(5.0))


def _table_body(total_ref, counts_ref, out_ref):
    total = total_ref[0, 0]
    freq = counts_ref[...] / total
    out_ref[...] = 1.0 / (1.0 + (freq + 1e-9) * _E5)


def _transform_table(counts_padded, total_tokens):
    blk = _TROWS // _TGRID
    return pl.pallas_call(
        _table_body,
        grid=(_TGRID,),
        in_specs=[
            pl.BlockSpec(memory_space=pltpu.SMEM),
            pl.BlockSpec((blk, _LANES), lambda i: (i, 0)),
        ],
        out_specs=pl.BlockSpec((blk, _LANES), lambda i: (i, 0)),
        out_shape=jax.ShapeDtypeStruct((_TROWS, _LANES), jnp.float32),
    )(jnp.reshape(total_tokens, (1, 1)), counts_padded)


def _gather_body(xt_hbm, table_hbm, out_hbm, tab_s,
                 idx0, idx1, val0, val1,
                 tsem, isem0, isem1, gsem, osem0, osem1):
    sid = lax.axis_index("s")
    wid = sid * _NC + lax.axis_index("c")
    cbase = wid * _WCOLS

    idx_bufs, val_bufs = [idx0, idx1], [val0, val1]
    isems, osems = [isem0, isem1], [osem0, osem1]

    @pl.when(sid == 0)
    def _():
        pltpu.async_copy(table_hbm, tab_s, tsem).wait()

    def blk(c):
        return (pl.ds((c // 2) * _CROWS, _CROWS),
                pl.ds(cbase + (c % 2) * _CCOLS, _CCOLS))

    idx_loads = [
        pltpu.make_async_copy(xt_hbm.at[blk(c)], idx_bufs[c % 2], isems[c % 2])
        for c in range(_NCHUNKS)
    ]
    out_stores = [
        pltpu.make_async_copy(val_bufs[c % 2], out_hbm.at[blk(c)], osems[c % 2])
        for c in range(_NCHUNKS)
    ]

    idx_loads[0].start()
    plsc.subcore_barrier()

    for c in range(_NCHUNKS):
        b = c % 2
        if c >= 2:
            out_stores[c - 2].wait()
        idx_loads[c].wait()
        if c + 1 < _NCHUNKS:
            idx_loads[c + 1].start()

        def _fire(i, carry):
            r = i >> 1
            k = (i & 1) * 128
            pltpu.make_async_copy(
                tab_s.at[idx_bufs[b].at[r, pl.ds(k, 128)]],
                val_bufs[b].at[r, pl.ds(k, 128)], gsem).start()
            return carry

        lax.fori_loop(0, _CROWS * 2, _fire, 0, unroll=8)

        def _drain(i, carry):
            pltpu.make_async_copy(
                tab_s.at[idx_bufs[b].at[0, pl.ds(0, 128)]],
                val_bufs[b].at[0, pl.ds(0, 128)], gsem).wait()
            return carry

        lax.fori_loop(0, _CROWS * 2, _drain, 0, unroll=8)
        out_stores[c].start()

    out_stores[_NCHUNKS - 2].wait()
    out_stores[_NCHUNKS - 1].wait()


_gather = pl.kernel(
    _gather_body,
    out_type=jax.ShapeDtypeStruct((_N, _B), jnp.float32),
    mesh=plsc.VectorSubcoreMesh(core_axis_name="c", subcore_axis_name="s"),
    scratch_types=[
        pltpu.VMEM_SHARED((_VOCAB_PAD,), jnp.float32),
        pltpu.VMEM((_CROWS, _CCOLS), jnp.int32),
        pltpu.VMEM((_CROWS, _CCOLS), jnp.int32),
        pltpu.VMEM((_CROWS, _CCOLS), jnp.float32),
        pltpu.VMEM((_CROWS, _CCOLS), jnp.float32),
        pltpu.SemaphoreType.DMA,
        pltpu.SemaphoreType.DMA,
        pltpu.SemaphoreType.DMA,
        pltpu.SemaphoreType.DMA,
        pltpu.SemaphoreType.DMA,
        pltpu.SemaphoreType.DMA,
    ],
)


@jax.jit
def kernel(x, token_counts, total_tokens):
    counts_padded = jnp.concatenate(
        [token_counts, jnp.ones((_VOCAB_PAD - _VOCAB,), jnp.float32)]
    ).reshape(_TROWS, _LANES)
    table = _transform_table(counts_padded, total_tokens).reshape(-1)
    out_t = _gather(x.T, table)
    return out_t.T

# --- scband reference (transcript-rebuilt; emitter-appended) ---
"""Pipeline reference for scband-viscous-flow-2216203125069 (READ-ONLY COPY).

The authoritative reference and input builder live on the scoring server;
editing this copy changes nothing except your own understanding.
"""

import jax, jax.numpy as jnp
import numpy as np

VOCAB_SIZE = 1000000
B, N = 16384, 200

def setup_inputs(seed: int = 0) -> dict:
    key = jax.random.key(seed)
    k1, _ = jax.random.split(key)
    x = jax.random.randint(k1, (B, N), 0, VOCAB_SIZE, dtype=jnp.int64 if jax.config.jax_enable_x64 else jnp.int32).astype(jnp.int32)
    token_counts = jnp.ones((VOCAB_SIZE,), dtype=jnp.float32)
    total_tokens = jnp.asarray(float(VOCAB_SIZE), dtype=jnp.float32)
    return {"x": x, "token_counts": token_counts, "total_tokens": total_tokens}

def reference(x, token_counts, total_tokens):
    # ViscousFlow.compute_viscosity: gather token frequencies, log-inverse-frequency, sigmoid shift
    freq = jnp.take(token_counts, x, axis=0) / total_tokens
    viscosity = -jnp.log(freq + 1e-09)
    viscosity = jax.nn.sigmoid(viscosity - 5.0)
    return viscosity

if __name__ == "__main__":
    import jax
    _d = setup_inputs()
    print(jax.jit(kernel)(*tuple(_d.values())))

</pallas_src>

<mosaic_0001>
#map = affine_map<(d0, d1) -> (0, 0)>
#map1 = affine_map<(d0, d1) -> (0)>
module attributes {stable_mosaic.version = 14 : i64} {
  func.func @_gather_body(%arg0: i32, %arg1: i32, %arg2: memref<200x16384xi32, #tpu.memory_space<hbm>>, %arg3: memref<1048576xf32, #tpu.memory_space<hbm>>, %arg4: memref<200x16384xf32, #tpu.memory_space<hbm>>, %arg5: memref<1048576xf32, #tpu.memory_space<vmem_shared>>, %arg6: memref<40x256xi32, #tpu.memory_space<vmem>>, %arg7: memref<40x256xi32, #tpu.memory_space<vmem>>, %arg8: memref<40x256xf32, #tpu.memory_space<vmem>>, %arg9: memref<40x256xf32, #tpu.memory_space<vmem>>, %arg10: memref<!tpu.dma_semaphore, #tpu.memory_space<semaphore_mem>>, %arg11: memref<!tpu.dma_semaphore, #tpu.memory_space<semaphore_mem>>, %arg12: memref<!tpu.dma_semaphore, #tpu.memory_space<semaphore_mem>>, %arg13: memref<!tpu.dma_semaphore, #tpu.memory_space<semaphore_mem>>, %arg14: memref<!tpu.dma_semaphore, #tpu.memory_space<semaphore_mem>>, %arg15: memref<!tpu.dma_semaphore, #tpu.memory_space<semaphore_mem>>) attributes {dimension_semantics = [#tpu.dimension_semantics<core_parallel>, #tpu.dimension_semantics<subcore_parallel>], iteration_bounds = array<i64: 2, 16>, scalar_prefetch = 0 : i64, scratch_operands = 11 : i64, tpu.core_type = #tpu.core_type<sc_vector_subcore>, window_params = [{transform_indices = #map}, {transform_indices = #map1}, {transform_indices = #map}]} {
    %mul3A = arith.constant 2 : i32
    %mul3A_0 = arith.muli %arg1, %mul3A : i32
    %add3A = arith.addi %mul3A_0, %arg0 : i32
    %mul3A_1 = arith.constant 512 : i32
    %mul3A_2 = arith.muli %add3A, %mul3A_1 : i32
    %eq3A = arith.constant 0 : i32
    %eq3A_3 = arith.cmpi eq, %arg1, %eq3A : i32
    %convert_element_type3A = arith.extui %eq3A_3 : i1 to i32
    %cond3A = arith.constant 0 : i32
    %cond3A_4 = arith.cmpi ne, %convert_element_type3A, %cond3A : i32
    scf.if %cond3A_4 {
      tpu.enqueue_dma source(%arg3 : memref<1048576xf32, #tpu.memory_space<hbm>>) target(%arg5 : memref<1048576xf32, #tpu.memory_space<vmem_shared>>) target_semaphore(%arg10 : memref<!tpu.dma_semaphore, #tpu.memory_space<semaphore_mem>>)
      tpu.wait_dma2 semaphore(%arg10 : memref<!tpu.dma_semaphore, #tpu.memory_space<semaphore_mem>>) src(%arg3 : memref<1048576xf32, #tpu.memory_space<hbm>>) dst(%arg5 : memref<1048576xf32, #tpu.memory_space<vmem_shared>>)
    } else {
    }
    %add3A_5 = arith.constant 0 : i32
    %add3A_6 = arith.addi %mul3A_2, %add3A_5 : i32
    %add3A_7 = arith.constant 256 : i32
    %add3A_8 = arith.addi %mul3A_2, %add3A_7 : i32
    %add3A_9 = arith.constant 0 : i32
    %add3A_10 = arith.addi %mul3A_2, %add3A_9 : i32
    %add3A_11 = arith.constant 256 : i32
    %add3A_12 = arith.addi %mul3A_2, %add3A_11 : i32
    %add3A_13 = arith.constant 0 : i32
    %add3A_14 = arith.addi %mul3A_2, %add3A_13 : i32
    %add3A_15 = arith.constant 256 : i32
    %add3A_16 = arith.addi %mul3A_2, %add3A_15 : i32
    %add3A_17 = arith.constant 0 : i32
    %add3A_18 = arith.addi %mul3A_2, %add3A_17 : i32
    %add3A_19 = arith.constant 256 : i32
    %add3A_20 = arith.addi %mul3A_2, %add3A_19 : i32
    %add3A_21 = arith.constant 0 : i32
    %add3A_22 = arith.addi %mul3A_2, %add3A_21 : i32
    %add3A_23 = arith.constant 256 : i32
    %add3A_24 = arith.addi %mul3A_2, %add3A_23 : i32
    %add3A_25 = arith.constant 0 : i32
    %add3A_26 = arith.addi %mul3A_2, %add3A_25 : i32
    %add3A_27 = arith.constant 256 : i32
    %add3A_28 = arith.addi %mul3A_2, %add3A_27 : i32
    %add3A_29 = arith.constant 0 : i32
    %add3A_30 = arith.addi %mul3A_2, %add3A_29 : i32
    %add3A_31 = arith.constant 256 : i32
    %add3A_32 = arith.addi %mul3A_2, %add3A_31 : i32
    %add3A_33 = arith.constant 0 : i32
    %add3A_34 = arith.addi %mul3A_2, %add3A_33 : i32
    %add3A_35 = arith.constant 256 : i32
    %add3A_36 = arith.addi %mul3A_2, %add3A_35 : i32
    %add3A_37 = arith.constant 0 : i32
    %add3A_38 = arith.addi %mul3A_2, %add3A_37 : i32
    %add3A_39 = arith.constant 256 : i32
    %add3A_40 = arith.addi %mul3A_2, %add3A_39 : i32
    %add3A_41 = arith.constant 0 : i32
    %add3A_42 = arith.addi %mul3A_2, %add3A_41 : i32
    %add3A_43 = arith.constant 256 : i32
    %add3A_44 = arith.addi %mul3A_2, %add3A_43 : i32
    %dma_start3A = arith.constant 0 : i32
    %dma_start3A_45 = tpu.memref_slice %arg2[%dma_start3A, %add3A_6] : memref<200x16384xi32, #tpu.memory_space<hbm>> -> memref<40x256xi32, #tpu.memory_space<hbm>>
    %dma_start3A_46 = arith.constant 0 : i32
    %dma_start3A_47 = tpu.memref_slice %arg2[%dma_start3A_46, %add3A_6] : memref<200x16384xi32, #tpu.memory_space<hbm>> -> memref<40x256xi32, #tpu.memory_space<hbm>>
    tpu.enqueue_dma source(%dma_start3A_47 : memref<40x256xi32, #tpu.memory_space<hbm>>) target(%arg6 : memref<40x256xi32, #tpu.memory_space<vmem>>) target_semaphore(%arg11 : memref<!tpu.dma_semaphore, #tpu.memory_space<semaphore_mem>>)
    %barrier3A = arith.constant 0 : index
    tpu.barrier barrier_id(%barrier3A)
    %dma_wait3A = arith.constant 0 : i32
    %dma_wait3A_48 = tpu.memref_slice %arg2[%dma_wait3A, %add3A_6] : memref<200x16384xi32, #tpu.memory_space<hbm>> -> memref<40x256xi32, #tpu.memory_space<hbm>>
    %dma_wait3A_49 = arith.constant 0 : i32
    %dma_wait3A_50 = tpu.memref_slice %arg2[%dma_wait3A_49, %add3A_6] : memref<200x16384xi32, #tpu.memory_space<hbm>> -> memref<40x256xi32, #tpu.memory_space<hbm>>
    tpu.wait_dma2 semaphore(%arg11 : memref<!tpu.dma_semaphore, #tpu.memory_space<semaphore_mem>>) src(%dma_wait3A_50 : memref<40x256xi32, #tpu.memory_space<hbm>>) dst(%arg6 : memref<40x256xi32, #tpu.memory_space<vmem>>)
    %dma_start3A_51 = arith.constant 0 : i32
    %dma_start3A_52 = tpu.memref_slice %arg2[%dma_start3A_51, %add3A_8] : memref<200x16384xi32, #tpu.memory_space<hbm>> -> memref<40x256xi32, #tpu.memory_space<hbm>>
    %dma_start3A_53 = arith.constant 0 : i32
    %dma_start3A_54 = tpu.memref_slice %arg2[%dma_start3A_53, %add3A_8] : memref<200x16384xi32, #tpu.memory_space<hbm>> -> memref<40x256xi32, #tpu.memory_space<hbm>>
    tpu.enqueue_dma source(%dma_start3A_54 : memref<40x256xi32, #tpu.memory_space<hbm>>) target(%arg7 : memref<40x256xi32, #tpu.memory_space<vmem>>) target_semaphore(%arg12 : memref<!tpu.dma_semaphore, #tpu.memory_space<semaphore_mem>>)
    %scan3A = arith.constant 0 : i32
    %scan3A_55 = arith.constant 0 : i32
    %scan3A_56 = arith.constant 80 : i32
    %scan3A_57 = arith.addi %scan3A_55, %scan3A_56 : i32
    %scan3A_58 = arith.constant 8 : i32
    scf.for %scan3A_322 = %scan3A_55 to %scan3A_57 step %scan3A_58  : i32 {
      %shift_right_arithmetic3A = arith.constant 1 : i32
      %shift_right_arithmetic3A_323 = arith.shrsi %scan3A_322, %shift_right_arithmetic3A : i32
      %and3A = arith.constant 1 : i32
      %and3A_324 = arith.andi %scan3A_322, %and3A : i32
      %mul3A_325 = arith.constant 128 : i32
      %mul3A_326 = arith.muli %and3A_324, %mul3A_325 : i32
      %dma_start3A_327 = tpu.memref_slice %arg8[%shift_right_arithmetic3A_323, %mul3A_326] : memref<40x256xf32, #tpu.memory_space<vmem>> -> memref<1x128xf32, #tpu.memory_space<vmem>>
      %dma_start3A_328 = tpu.memref_squeeze %dma_start3A_327 : memref<1x128xf32, #tpu.memory_space<vmem>> -> memref<128xf32, #tpu.memory_space<vmem>>
      %dma_start3A_329 = tpu.memref_slice %arg6[%shift_right_arithmetic3A_323, %mul3A_326] : memref<40x256xi32, #tpu.memory_space<vmem>> -> memref<1x128xi32, #tpu.memory_space<vmem>>
      %dma_start3A_330 = tpu.memref_squeeze %dma_start3A_329 : memref<1x128xi32, #tpu.memory_space<vmem>> -> memref<128xi32, #tpu.memory_space<vmem>>
      %dma_start3A_331 = arith.constant 0 : i32
      %dma_start3A_332 = tpu.memref_slice %arg5[%dma_start3A_331] : memref<1048576xf32, #tpu.memory_space<vmem_shared>> -> memref<1048576xf32, #tpu.memory_space<vmem_shared>>
      tpu.enqueue_indirect_dma source(%dma_start3A_332 : memref<1048576xf32, #tpu.memory_space<vmem_shared>>) target(%dma_start3A_328 : memref<128xf32, #tpu.memory_space<vmem>>) offsets(%dma_start3A_330 : memref<128xi32, #tpu.memory_space<vmem>>) semaphore(%arg13 : memref<!tpu.dma_semaphore, #tpu.memory_space<semaphore_mem>>)
      %scan3A_333 = arith.constant 1 : i32
      %scan3A_334 = arith.addi %scan3A_322, %scan3A_333 : i32
      %shift_right_arithmetic3A_335 = arith.constant 1 : i32
      %shift_right_arithmetic3A_336 = arith.shrsi %scan3A_334, %shift_right_arithmetic3A_335 : i32
      %and3A_337 = arith.constant 1 : i32
      %and3A_338 = arith.andi %scan3A_334, %and3A_337 : i32
      %mul3A_339 = arith.constant 128 : i32
      %mul3A_340 = arith.muli %and3A_338, %mul3A_339 : i32
      %dma_start3A_341 = tpu.memref_slice %arg8[%shift_right_arithmetic3A_336, %mul3A_340] : memref<40x256xf32, #tpu.memory_space<vmem>> -> memref<1x128xf32, #tpu.memory_space<vmem>>
      %dma_start3A_342 = tpu.memref_squeeze %dma_start3A_341 : memref<1x128xf32, #tpu.memory_space<vmem>> -> memref<128xf32, #tpu.memory_space<vmem>>
      %dma_start3A_343 = tpu.memref_slice %arg6[%shift_right_arithmetic3A_336, %mul3A_340] : memref<40x256xi32, #tpu.memory_space<vmem>> -> memref<1x128xi32, #tpu.memory_space<vmem>>
      %dma_start3A_344 = tpu.memref_squeeze %dma_start3A_343 : memref<1x128xi32, #tpu.memory_space<vmem>> -> memref<128xi32, #tpu.memory_space<vmem>>
      %dma_start3A_345 = arith.constant 0 : i32
      %dma_start3A_346 = tpu.memref_slice %arg5[%dma_start3A_345] : memref<1048576xf32, #tpu.memory_space<vmem_shared>> -> memref<1048576xf32, #tpu.memory_space<vmem_shared>>
      tpu.enqueue_indirect_dma source(%dma_start3A_346 : memref<1048576xf32, #tpu.memory_space<vmem_shared>>) target(%dma_start3A_342 : memref<128xf32, #tpu.memory_space<vmem>>) offsets(%dma_start3A_344 : memref<128xi32, #tpu.memory_space<vmem>>) semaphore(%arg13 : memref<!tpu.dma_semaphore, #tpu.memory_space<semaphore_mem>>)
      %scan3A_347 = arith.constant 2 : i32
      %scan3A_348 = arith.addi %scan3A_322, %scan3A_347 : i32
      %shift_right_arithmetic3A_349 = arith.constant 1 : i32
      %shift_right_arithmetic3A_350 = arith.shrsi %scan3A_348, %shift_right_arithmetic3A_349 : i32
      %and3A_351 = arith.constant 1 : i32
      %and3A_352 = arith.andi %scan3A_348, %and3A_351 : i32
      %mul3A_353 = arith.constant 128 : i32
      %mul3A_354 = arith.muli %and3A_352, %mul3A_353 : i32
      %dma_start3A_355 = tpu.memref_slice %arg8[%shift_right_arithmetic3A_350, %mul3A_354] : memref<40x256xf32, #tpu.memory_space<vmem>> -> memref<1x128xf32, #tpu.memory_space<vmem>>
      %dma_start3A_356 = tpu.memref_squeeze %dma_start3A_355 : memref<1x128xf32, #tpu.memory_space<vmem>> -> memref<128xf32, #tpu.memory_space<vmem>>
      %dma_start3A_357 = tpu.memref_slice %arg6[%shift_right_arithmetic3A_350, %mul3A_354] : memref<40x256xi32, #tpu.memory_space<vmem>> -> memref<1x128xi32, #tpu.memory_space<vmem>>
      %dma_start3A_358 = tpu.memref_squeeze %dma_start3A_357 : memref<1x128xi32, #tpu.memory_space<vmem>> -> memref<128xi32, #tpu.memory_space<vmem>>
      %dma_start3A_359 = arith.constant 0 : i32
      %dma_start3A_360 = tpu.memref_slice %arg5[%dma_start3A_359] : memref<1048576xf32, #tpu.memory_space<vmem_shared>> -> memref<1048576xf32, #tpu.memory_space<vmem_shared>>
      tpu.enqueue_indirect_dma source(%dma_start3A_360 : memref<1048576xf32, #tpu.memory_space<vmem_shared>>) target(%dma_start3A_356 : memref<128xf32, #tpu.memory_space<vmem>>) offsets(%dma_start3A_358 : memref<128xi32, #tpu.memory_space<vmem>>) semaphore(%arg13 : memref<!tpu.dma_semaphore, #tpu.memory_space<semaphore_mem>>)
      %scan3A_361 = arith.constant 3 : i32
      %scan3A_362 = arith.addi %scan3A_322, %scan3A_361 : i32
      %shift_right_arithmetic3A_363 = arith.constant 1 : i32
      %shift_right_arithmetic3A_364 = arith.shrsi %scan3A_362, %shift_right_arithmetic3A_363 : i32
      %and3A_365 = arith.constant 1 : i32
      %and3A_366 = arith.andi %scan3A_362, %and3A_365 : i32
      %mul3A_367 = arith.constant 128 : i32
      %mul3A_368 = arith.muli %and3A_366, %mul3A_367 : i32
      %dma_start3A_369 = tpu.memref_slice %arg8[%shift_right_arithmetic3A_364, %mul3A_368] : memref<40x256xf32, #tpu.memory_space<vmem>> -> memref<1x128xf32, #tpu.memory_space<vmem>>
      %dma_start3A_370 = tpu.memref_squeeze %dma_start3A_369 : memref<1x128xf32, #tpu.memory_space<vmem>> -> memref<128xf32, #tpu.memory_space<vmem>>
      %dma_start3A_371 = tpu.memref_slice %arg6[%shift_right_arithmetic3A_364, %mul3A_368] : memref<40x256xi32, #tpu.memory_space<vmem>> -> memref<1x128xi32, #tpu.memory_space<vmem>>
      %dma_start3A_372 = tpu.memref_squeeze %dma_start3A_371 : memref<1x128xi32, #tpu.memory_space<vmem>> -> memref<128xi32, #tpu.memory_space<vmem>>
      %dma_start3A_373 = arith.constant 0 : i32
      %dma_start3A_374 = tpu.memref_slice %arg5[%dma_start3A_373] : memref<1048576xf32, #tpu.memory_space<vmem_shared>> -> memref<1048576xf32, #tpu.memory_space<vmem_shared>>
      tpu.enqueue_indirect_dma source(%dma_start3A_374 : memref<1048576xf32, #tpu.memory_space<vmem_shared>>) target(%dma_start3A_370 : memref<128xf32, #tpu.memory_space<vmem>>) offsets(%dma_start3A_372 : memref<128xi32, #tpu.memory_space<vmem>>) semaphore(%arg13 : memref<!tpu.dma_semaphore, #tpu.memory_space<semaphore_mem>>)
      %scan3A_375 = arith.constant 4 : i32
      %scan3A_376 = arith.addi %scan3A_322, %scan3A_375 : i32
      %shift_right_arithmetic3A_377 = arith.constant 1 : i32
      %shift_right_arithmetic3A_378 = arith.shrsi %scan3A_376, %shift_right_arithmetic3A_377 : i32
      %and3A_379 = arith.constant 1 : i32
      %and3A_380 = arith.andi %scan3A_376, %and3A_379 : i32
      %mul3A_381 = arith.constant 128 : i32
      %mul3A_382 = arith.muli %and3A_380, %mul3A_381 : i32
      %dma_start3A_383 = tpu.memref_slice %arg8[%shift_right_arithmetic3A_378, %mul3A_382] : memref<40x256xf32, #tpu.memory_space<vmem>> -> memref<1x128xf32, #tpu.memory_space<vmem>>
      %dma_start3A_384 = tpu.memref_squeeze %dma_start3A_383 : memref<1x128xf32, #tpu.memory_space<vmem>> -> memref<128xf32, #tpu.memory_space<vmem>>
      %dma_start3A_385 = tpu.memref_slice %arg6[%shift_right_arithmetic3A_378, %mul3A_382] : memref<40x256xi32, #tpu.memory_space<vmem>> -> memref<1x128xi32, #tpu.memory_space<vmem>>
      %dma_start3A_386 = tpu.memref_squeeze %dma_start3A_385 : memref<1x128xi32, #tpu.memory_space<vmem>> -> memref<128xi32, #tpu.memory_space<vmem>>
      %dma_start3A_387 = arith.constant 0 : i32
      %dma_start3A_388 = tpu.memref_slice %arg5[%dma_start3A_387] : memref<1048576xf32, #tpu.memory_space<vmem_shared>> -> memref<1048576xf32, #tpu.memory_space<vmem_shared>>
      tpu.enqueue_indirect_dma source(%dma_start3A_388 : memref<1048576xf32, #tpu.memory_space<vmem_shared>>) target(%dma_start3A_384 : memref<128xf32, #tpu.memory_space<vmem>>) offsets(%dma_start3A_386 : memref<128xi32, #tpu.memory_space<vmem>>) semaphore(%arg13 : memref<!tpu.dma_semaphore, #tpu.memory_space<semaphore_mem>>)
      %scan3A_389 = arith.constant 5 : i32
      %scan3A_390 = arith.addi %scan3A_322, %scan3A_389 : i32
      %shift_right_arithmetic3A_391 = arith.constant 1 : i32
      %shift_right_arithmetic3A_392 = arith.shrsi %scan3A_390, %shift_right_arithmetic3A_391 : i32
      %and3A_393 = arith.constant 1 : i32
      %and3A_394 = arith.andi %scan3A_390, %and3A_393 : i32
      %mul3A_395 = arith.constant 128 : i32
      %mul3A_396 = arith.muli %and3A_394, %mul3A_395 : i32
      %dma_start3A_397 = tpu.memref_slice %arg8[%shift_right_arithmetic3A_392, %mul3A_396] : memref<40x256xf32, #tpu.memory_space<vmem>> -> memref<1x128xf32, #tpu.memory_space<vmem>>
      %dma_start3A_398 = tpu.memref_squeeze %dma_start3A_397 : memref<1x128xf32, #tpu.memory_space<vmem>> -> memref<128xf32, #tpu.memory_space<vmem>>
      %dma_start3A_399 = tpu.memref_slice %arg6[%shift_right_arithmetic3A_392, %mul3A_396] : memref<40x256xi32, #tpu.memory_space<vmem>> -> memref<1x128xi32, #tpu.memory_space<vmem>>
      %dma_start3A_400 = tpu.memref_squeeze %dma_start3A_399 : memref<1x128xi32, #tpu.memory_space<vmem>> -> memref<128xi32, #tpu.memory_space<vmem>>
      %dma_start3A_401 = arith.constant 0 : i32
      %dma_start3A_402 = tpu.memref_slice %arg5[%dma_start3A_401] : memref<1048576xf32, #tpu.memory_space<vmem_shared>> -> memref<1048576xf32, #tpu.memory_space<vmem_shared>>
      tpu.enqueue_indirect_dma source(%dma_start3A_402 : memref<1048576xf32, #tpu.memory_space<vmem_shared>>) target(%dma_start3A_398 : memref<128xf32, #tpu.memory_space<vmem>>) offsets(%dma_start3A_400 : memref<128xi32, #tpu.memory_space<vmem>>) semaphore(%arg13 : memref<!tpu.dma_semaphore, #tpu.memory_space<semaphore_mem>>)
      %scan3A_403 = arith.constant 6 : i32
      %scan3A_404 = arith.addi %scan3A_322, %scan3A_403 : i32
      %shift_right_arithmetic3A_405 = arith.constant 1 : i32
      %shift_right_arithmetic3A_406 = arith.shrsi %scan3A_404, %shift_right_arithmetic3A_405 : i32
      %and3A_407 = arith.constant 1 : i32
      %and3A_408 = arith.andi %scan3A_404, %and3A_407 : i32
      %mul3A_409 = arith.constant 128 : i32
      %mul3A_410 = arith.muli %and3A_408, %mul3A_409 : i32
      %dma_start3A_411 = tpu.memref_slice %arg8[%shift_right_arithmetic3A_406, %mul3A_410] : memref<40x256xf32, #tpu.memory_space<vmem>> -> memref<1x128xf32, #tpu.memory_space<vmem>>
      %dma_start3A_412 = tpu.memref_squeeze %dma_start3A_411 : memref<1x128xf32, #tpu.memory_space<vmem>> -> memref<128xf32, #tpu.memory_space<vmem>>
      %dma_start3A_413 = tpu.memref_slice %arg6[%shift_right_arithmetic3A_406, %mul3A_410] : memref<40x256xi32, #tpu.memory_space<vmem>> -> memref<1x128xi32, #tpu.memory_space<vmem>>
      %dma_start3A_414 = tpu.memref_squeeze %dma_start3A_413 : memref<1x128xi32, #tpu.memory_space<vmem>> -> memref<128xi32, #tpu.memory_space<vmem>>
      %dma_start3A_415 = arith.constant 0 : i32
      %dma_start3A_416 = tpu.memref_slice %arg5[%dma_start3A_415] : memref<1048576xf32, #tpu.memory_space<vmem_shared>> -> memref<1048576xf32, #tpu.memory_space<vmem_shared>>
      tpu.enqueue_indirect_dma source(%dma_start3A_416 : memref<1048576xf32, #tpu.memory_space<vmem_shared>>) target(%dma_start3A_412 : memref<128xf32, #tpu.memory_space<vmem>>) offsets(%dma_start3A_414 : memref<128xi32, #tpu.memory_space<vmem>>) semaphore(%arg13 : memref<!tpu.dma_semaphore, #tpu.memory_space<semaphore_mem>>)
      %scan3A_417 = arith.constant 7 : i32
      %scan3A_418 = arith.addi %scan3A_322, %scan3A_417 : i32
      %shift_right_arithmetic3A_419 = arith.constant 1 : i32
      %shift_right_arithmetic3A_420 = arith.shrsi %scan3A_418, %shift_right_arithmetic3A_419 : i32
      %and3A_421 = arith.constant 1 : i32
      %and3A_422 = arith.andi %scan3A_418, %and3A_421 : i32
      %mul3A_423 = arith.constant 128 : i32
      %mul3A_424 = arith.muli %and3A_422, %mul3A_423 : i32
      %dma_start3A_425 = tpu.memref_slice %arg8[%shift_right_arithmetic3A_420, %mul3A_424] : memref<40x256xf32, #tpu.memory_space<vmem>> -> memref<1x128xf32, #tpu.memory_space<vmem>>
      %dma_start3A_426 = tpu.memref_squeeze %dma_start3A_425 : memref<1x128xf32, #tpu.memory_space<vmem>> -> memref<128xf32, #tpu.memory_space<vmem>>
      %dma_start3A_427 = tpu.memref_slice %arg6[%shift_right_arithmetic3A_420, %mul3A_424] : memref<40x256xi32, #tpu.memory_space<vmem>> -> memref<1x128xi32, #tpu.memory_space<vmem>>
      %dma_start3A_428 = tpu.memref_squeeze %dma_start3A_427 : memref<1x128xi32, #tpu.memory_space<vmem>> -> memref<128xi32, #tpu.memory_space<vmem>>
      %dma_start3A_429 = arith.constant 0 : i32
      %dma_start3A_430 = tpu.memref_slice %arg5[%dma_start3A_429] : memref<1048576xf32, #tpu.memory_space<vmem_shared>> -> memref<1048576xf32, #tpu.memory_space<vmem_shared>>
      tpu.enqueue_indirect_dma source(%dma_start3A_430 : memref<1048576xf32, #tpu.memory_space<vmem_shared>>) target(%dma_start3A_426 : memref<128xf32, #tpu.memory_space<vmem>>) offsets(%dma_start3A_428 : memref<128xi32, #tpu.memory_space<vmem>>) semaphore(%arg13 : memref<!tpu.dma_semaphore, #tpu.memory_space<semaphore_mem>>)
    }
    %scan3A_59 = arith.constant 80 : i32
    %scan3A_60 = arith.constant 0 : i32
    %scan3A_61 = arith.constant 0 : i32
    %scan3A_62 = arith.constant 80 : i32
    %scan3A_63 = arith.addi %scan3A_61, %scan3A_62 : i32
    %scan3A_64 = arith.constant 8 : i32
    scf.for %scan3A_322 = %scan3A_61 to %scan3A_63 step %scan3A_64  : i32 {
      %dma_wait3A_323 = arith.constant 0 : i32
      %dma_wait3A_324 = arith.constant 0 : i32
      %dma_wait3A_325 = arith.constant 0 : i32
      %dma_wait3A_326 = tpu.memref_slice %arg8[%dma_wait3A_324, %dma_wait3A_325] : memref<40x256xf32, #tpu.memory_space<vmem>> -> memref<1x128xf32, #tpu.memory_space<vmem>>
      %dma_wait3A_327 = tpu.memref_squeeze %dma_wait3A_326 : memref<1x128xf32, #tpu.memory_space<vmem>> -> memref<128xf32, #tpu.memory_space<vmem>>
      %dma_wait3A_328 = arith.constant 0 : i32
      %dma_wait3A_329 = tpu.memref_slice %arg6[%dma_wait3A_323, %dma_wait3A_328] : memref<40x256xi32, #tpu.memory_space<vmem>> -> memref<1x128xi32, #tpu.memory_space<vmem>>
      %dma_wait3A_330 = tpu.memref_squeeze %dma_wait3A_329 : memref<1x128xi32, #tpu.memory_space<vmem>> -> memref<128xi32, #tpu.memory_space<vmem>>
      %dma_wait3A_331 = arith.constant 0 : i32
      %dma_wait3A_332 = tpu.memref_slice %arg5[%dma_wait3A_331] : memref<1048576xf32, #tpu.memory_space<vmem_shared>> -> memref<1048576xf32, #tpu.memory_space<vmem_shared>>
      tpu.wait_indirect_dma semaphore(%arg13 : memref<!tpu.dma_semaphore, #tpu.memory_space<semaphore_mem>>) src(%dma_wait3A_332 : memref<1048576xf32, #tpu.memory_space<vmem_shared>>) dst(%dma_wait3A_327 : memref<128xf32, #tpu.memory_space<vmem>>)
      %scan3A_333 = arith.constant 1 : i32
      %scan3A_334 = arith.addi %scan3A_322, %scan3A_333 : i32
      %dma_wait3A_335 = arith.constant 0 : i32
      %dma_wait3A_336 = arith.constant 0 : i32
      %dma_wait3A_337 = arith.constant 0 : i32
      %dma_wait3A_338 = tpu.memref_slice %arg8[%dma_wait3A_336, %dma_wait3A_337] : memref<40x256xf32, #tpu.memory_space<vmem>> -> memref<1x128xf32, #tpu.memory_space<vmem>>
      %dma_wait3A_339 = tpu.memref_squeeze %dma_wait3A_338 : memref<1x128xf32, #tpu.memory_space<vmem>> -> memref<128xf32, #tpu.memory_space<vmem>>
      %dma_wait3A_340 = arith.constant 0 : i32
      %dma_wait3A_341 = tpu.memref_slice %arg6[%dma_wait3A_335, %dma_wait3A_340] : memref<40x256xi32, #tpu.memory_space<vmem>> -> memref<1x128xi32, #tpu.memory_space<vmem>>
      %dma_wait3A_342 = tpu.memref_squeeze %dma_wait3A_341 : memref<1x128xi32, #tpu.memory_space<vmem>> -> memref<128xi32, #tpu.memory_space<vmem>>
      %dma_wait3A_343 = arith.constant 0 : i32
      %dma_wait3A_344 = tpu.memref_slice %arg5[%dma_wait3A_343] : memref<1048576xf32, #tpu.memory_space<vmem_shared>> -> memref<1048576xf32, #tpu.memory_space<vmem_shared>>
      tpu.wait_indirect_dma semaphore(%arg13 : memref<!tpu.dma_semaphore, #tpu.memory_space<semaphore_mem>>) src(%dma_wait3A_344 : memref<1048576xf32, #tpu.memory_space<vmem_shared>>) dst(%dma_wait3A_339 : memref<128xf32, #tpu.memory_space<vmem>>)
      %scan3A_345 = arith.constant 2 : i32
      %scan3A_346 = arith.addi %scan3A_322, %scan3A_345 : i32
      %dma_wait3A_347 = arith.constant 0 : i32
      %dma_wait3A_348 = arith.constant 0 : i32
      %dma_wait3A_349 = arith.constant 0 : i32
      %dma_wait3A_350 = tpu.memref_slice %arg8[%dma_wait3A_348, %dma_wait3A_349] : memref<40x256xf32, #tpu.memory_space<vmem>> -> memref<1x128xf32, #tpu.memory_space<vmem>>
      %dma_wait3A_351 = tpu.memref_squeeze %dma_wait3A_350 : memref<1x128xf32, #tpu.memory_space<vmem>> -> memref<128xf32, #tpu.memory_space<vmem>>
      %dma_wait3A_352 = arith.constant 0 : i32
      %dma_wait3A_353 = tpu.memref_slice %arg6[%dma_wait3A_347, %dma_wait3A_352] : memref<40x256xi32, #tpu.memory_space<vmem>> -> memref<1x128xi32, #tpu.memory_space<vmem>>
      %dma_wait3A_354 = tpu.memref_squeeze %dma_wait3A_353 : memref<1x128xi32, #tpu.memory_space<vmem>> -> memref<128xi32, #tpu.memory_space<vmem>>
      %dma_wait3A_355 = arith.constant 0 : i32
      %dma_wait3A_356 = tpu.memref_slice %arg5[%dma_wait3A_355] : memref<1048576xf32, #tpu.memory_space<vmem_shared>> -> memref<1048576xf32, #tpu.memory_space<vmem_shared>>
      tpu.wait_indirect_dma semaphore(%arg13 : memref<!tpu.dma_semaphore, #tpu.memory_space<semaphore_mem>>) src(%dma_wait3A_356 : memref<1048576xf32, #tpu.memory_space<vmem_shared>>) dst(%dma_wait3A_351 : memref<128xf32, #tpu.memory_space<vmem>>)
      %scan3A_357 = arith.constant 3 : i32
      %scan3A_358 = arith.addi %scan3A_322, %scan3A_357 : i32
      %dma_wait3A_359 = arith.constant 0 : i32
      %dma_wait3A_360 = arith.constant 0 : i32
      %dma_wait3A_361 = arith.constant 0 : i32
      %dma_wait3A_362 = tpu.memref_slice %arg8[%dma_wait3A_360, %dma_wait3A_361] : memref<40x256xf32, #tpu.memory_space<vmem>> -> memref<1x128xf32, #tpu.memory_space<vmem>>
      %dma_wait3A_363 = tpu.memref_squeeze %dma_wait3A_362 : memref<1x128xf32, #tpu.memory_space<vmem>> -> memref<128xf32, #tpu.memory_space<vmem>>
      %dma_wait3A_364 = arith.constant 0 : i32
      %dma_wait3A_365 = tpu.memref_slice %arg6[%dma_wait3A_359, %dma_wait3A_364] : memref<40x256xi32, #tpu.memory_space<vmem>> -> memref<1x128xi32, #tpu.memory_space<vmem>>
      %dma_wait3A_366 = tpu.memref_squeeze %dma_wait3A_365 : memref<1x128xi32, #tpu.memory_space<vmem>> -> memref<128xi32, #tpu.memory_space<vmem>>
      %dma_wait3A_367 = arith.constant 0 : i32
      %dma_wait3A_368 = tpu.memref_slice %arg5[%dma_wait3A_367] : memref<1048576xf32, #tpu.memory_space<vmem_shared>> -> memref<1048576xf32, #tpu.memory_space<vmem_shared>>
      tpu.wait_indirect_dma semaphore(%arg13 : memref<!tpu.dma_semaphore, #tpu.memory_space<semaphore_mem>>) src(%dma_wait3A_368 : memref<1048576xf32, #tpu.memory_space<vmem_shared>>) dst(%dma_wait3A_363 : memref<128xf32, #tpu.memory_space<vmem>>)
      %scan3A_369 = arith.constant 4 : i32
      %scan3A_370 = arith.addi %scan3A_322, %scan3A_369 : i32
      %dma_wait3A_371 = arith.constant 0 : i32
      %dma_wait3A_372 = arith.constant 0 : i32
      %dma_wait3A_373 = arith.constant 0 : i32
      %dma_wait3A_374 = tpu.memref_slice %arg8[%dma_wait3A_372, %dma_wait3A_373] : memref<40x256xf32, #tpu.memory_space<vmem>> -> memref<1x128xf32, #tpu.memory_space<vmem>>
      %dma_wait3A_375 = tpu.memref_squeeze %dma_wait3A_374 : memref<1x128xf32, #tpu.memory_space<vmem>> -> memref<128xf32, #tpu.memory_space<vmem>>
      %dma_wait3A_376 = arith.constant 0 : i32
      %dma_wait3A_377 = tpu.memref_slice %arg6[%dma_wait3A_371, %dma_wait3A_376] : memref<40x256xi32, #tpu.memory_space<vmem>> -> memref<1x128xi32, #tpu.memory_space<vmem>>
      %dma_wait3A_378 = tpu.memref_squeeze %dma_wait3A_377 : memref<1x128xi32, #tpu.memory_space<vmem>> -> memref<128xi32, #tpu.memory_space<vmem>>
      %dma_wait3A_379 = arith.constant 0 : i32
      %dma_wait3A_380 = tpu.memref_slice %arg5[%dma_wait3A_379] : memref<1048576xf32, #tpu.memory_space<vmem_shared>> -> memref<1048576xf32, #tpu.memory_space<vmem_shared>>
      tpu.wait_indirect_dma semaphore(%arg13 : memref<!tpu.dma_semaphore, #tpu.memory_space<semaphore_mem>>) src(%dma_wait3A_380 : memref<1048576xf32, #tpu.memory_space<vmem_shared>>) dst(%dma_wait3A_375 : memref<128xf32, #tpu.memory_space<vmem>>)
      %scan3A_381 = arith.constant 5 : i32
      %scan3A_382 = arith.addi %scan3A_322, %scan3A_381 : i32
      %dma_wait3A_383 = arith.constant 0 : i32
      %dma_wait3A_384 = arith.constant 0 : i32
      %dma_wait3A_385 = arith.constant 0 : i32
      %dma_wait3A_386 = tpu.memref_slice %arg8[%dma_wait3A_384, %dma_wait3A_385] : memref<40x256xf32, #tpu.memory_space<vmem>> -> memref<1x128xf32, #tpu.memory_space<vmem>>
      %dma_wait3A_387 = tpu.memref_squeeze %dma_wait3A_386 : memref<1x128xf32, #tpu.memory_space<vmem>> -> memref<128xf32, #tpu.memory_space<vmem>>
      %dma_wait3A_388 = arith.constant 0 : i32
      %dma_wait3A_389 = tpu.memref_slice %arg6[%dma_wait3A_383, %dma_wait3A_388] : memref<40x256xi32, #tpu.memory_space<vmem>> -> memref<1x128xi32, #tpu.memory_space<vmem>>
      %dma_wait3A_390 = tpu.memref_squeeze %dma_wait3A_389 : memref<1x128xi32, #tpu.memory_space<vmem>> -> memref<128xi32, #tpu.memory_space<vmem>>
      %dma_wait3A_391 = arith.constant 0 : i32
      %dma_wait3A_392 = tpu.memref_slice %arg5[%dma_wait3A_391] : memref<1048576xf32, #tpu.memory_space<vmem_shared>> -> memref<1048576xf32, #tpu.memory_space<vmem_shared>>
      tpu.wait_indirect_dma semaphore(%arg13 : memref<!tpu.dma_semaphore, #tpu.memory_space<semaphore_mem>>) src(%dma_wait3A_392 : memref<1048576xf32, #tpu.memory_space<vmem_shared>>) dst(%dma_wait3A_387 : memref<128xf32, #tpu.memory_space<vmem>>)
      %scan3A_393 = arith.constant 6 : i32
      %scan3A_394 = arith.addi %scan3A_322, %scan3A_393 : i32
      %dma_wait3A_395 = arith.constant 0 : i32
      %dma_wait3A_396 = arith.constant 0 : i32
      %dma_wait3A_397 = arith.constant 0 : i32
      %dma_wait3A_398 = tpu.memref_slice %arg8[%dma_wait3A_396, %dma_wait3A_397] : memref<40x256xf32, #tpu.memory_space<vmem>> -> memref<1x128xf32, #tpu.memory_space<vmem>>
      %dma_wait3A_399 = tpu.memref_squeeze %dma_wait3A_398 : memref<1x128xf32, #tpu.memory_space<vmem>> -> memref<128xf32, #tpu.memory_space<vmem>>
      %dma_wait3A_400 = arith.constant 0 : i32
      %dma_wait3A_401 = tpu.memref_slice %arg6[%dma_wait3A_395, %dma_wait3A_400] : memref<40x256xi32, #tpu.memory_space<vmem>> -> memref<1x128xi32, #tpu.memory_space<vmem>>
      %dma_wait3A_402 = tpu.memref_squeeze %dma_wait3A_401 : memref<1x128xi32, #tpu.memory_space<vmem>> -> memref<128xi32, #tpu.memory_space<vmem>>
      %dma_wait3A_403 = arith.constant 0 : i32
      %dma_wait3A_404 = tpu.memref_slice %arg5[%dma_wait3A_403] : memref<1048576xf32, #tpu.memory_space<vmem_shared>> -> memref<1048576xf32, #tpu.memory_space<vmem_shared>>
      tpu.wait_indirect_dma semaphore(%arg13 : memref<!tpu.dma_semaphore, #tpu.memory_space<semaphore_mem>>) src(%dma_wait3A_404 : memref<1048576xf32, #tpu.memory_space<vmem_shared>>) dst(%dma_wait3A_399 : memref<128xf32, #tpu.memory_space<vmem>>)
      %scan3A_405 = arith.constant 7 : i32
      %scan3A_406 = arith.addi %scan3A_322, %scan3A_405 : i32
      %dma_wait3A_407 = arith.constant 0 : i32
      %dma_wait3A_408 = arith.constant 0 : i32
      %dma_wait3A_409 = arith.constant 0 : i32
      %dma_wait3A_410 = tpu.memref_slice %arg8[%dma_wait3A_408, %dma_wait3A_409] : memref<40x256xf32, #tpu.memory_space<vmem>> -> memref<1x128xf32, #tpu.memory_space<vmem>>
      %dma_wait3A_411 = tpu.memref_squeeze %dma_wait3A_410 : memref<1x128xf32, #tpu.memory_space<vmem>> -> memref<128xf32, #tpu.memory_space<vmem>>
      %dma_wait3A_412 = arith.constant 0 : i32
      %dma_wait3A_413 = tpu.memref_slice %arg6[%dma_wait3A_407, %dma_wait3A_412] : memref<40x256xi32, #tpu.memory_space<vmem>> -> memref<1x128xi32, #tpu.memory_space<vmem>>
      %dma_wait3A_414 = tpu.memref_squeeze %dma_wait3A_413 : memref<1x128xi32, #tpu.memory_space<vmem>> -> memref<128xi32, #tpu.memory_space<vmem>>
      %dma_wait3A_415 = arith.constant 0 : i32
      %dma_wait3A_416 = tpu.memref_slice %arg5[%dma_wait3A_415] : memref<1048576xf32, #tpu.memory_space<vmem_shared>> -> memref<1048576xf32, #tpu.memory_space<vmem_shared>>
      tpu.wait_indirect_dma semaphore(%arg13 : memref<!tpu.dma_semaphore, #tpu.memory_space<semaphore_mem>>) src(%dma_wait3A_416 : memref<1048576xf32, #tpu.memory_space<vmem_shared>>) dst(%dma_wait3A_411 : memref<128xf32, #tpu.memory_space<vmem>>)
    }
    %scan3A_65 = arith.constant 80 : i32
    %dma_start3A_66 = arith.constant 0 : i32
    %dma_start3A_67 = tpu.memref_slice %arg4[%dma_start3A_66, %add3A_26] : memref<200x16384xf32, #tpu.memory_space<hbm>> -> memref<40x256xf32, #tpu.memory_space<hbm>>
    %dma_start3A_68 = arith.constant 0 : i32
    %dma_start3A_69 = tpu.memref_slice %arg4[%dma_start3A_68, %add3A_26] : memref<200x16384xf32, #tpu.memory_space<hbm>> -> memref<40x256xf32, #tpu.memory_space<hbm>>
    tpu.enqueue_dma source(%arg8 : memref<40x256xf32, #tpu.memory_space<vmem>>) target(%dma_start3A_69 : memref<40x256xf32, #tpu.memory_space<hbm>>) target_semaphore(%arg14 : memref<!tpu.dma_semaphore, #tpu.memory_space<semaphore_mem>>)
    %dma_wait3A_70 = arith.constant 0 : i32
    %dma_wait3A_71 = tpu.memref_slice %arg2[%dma_wait3A_70, %add3A_8] : memref<200x16384xi32, #tpu.memory_space<hbm>> -> memref<40x256xi32, #tpu.memory_space<hbm>>
    %dma_wait3A_72 = arith.constant 0 : i32
    %dma_wait3A_73 = tpu.memref_slice %arg2[%dma_wait3A_72, %add3A_8] : memref<200x16384xi32, #tpu.memory_space<hbm>> -> memref<40x256xi32, #tpu.memory_space<hbm>>
    tpu.wait_dma2 semaphore(%arg12 : memref<!tpu.dma_semaphore, #tpu.memory_space<semaphore_mem>>) src(%dma_wait3A_73 : memref<40x256xi32, #tpu.memory_space<hbm>>) dst(%arg7 : memref<40x256xi32, #tpu.memory_space<vmem>>)
    %dma_start3A_74 = arith.constant 40 : i32
    %dma_start3A_75 = tpu.memref_slice %arg2[%dma_start3A_74, %add3A_10] : memref<200x16384xi32, #tpu.memory_space<hbm>> -> memref<40x256xi32, #tpu.memory_space<hbm>>
    %dma_start3A_76 = arith.constant 40 : i32
    %dma_start3A_77 = tpu.memref_slice %arg2[%dma_start3A_76, %add3A_10] : memref<200x16384xi32, #tpu.memory_space<hbm>> -> memref<40x256xi32, #tpu.memory_space<hbm>>
    tpu.enqueue_dma source(%dma_start3A_77 : memref<40x256xi32, #tpu.memory_space<hbm>>) target(%arg6 : memref<40x256xi32, #tpu.memory_space<vmem>>) target_semaphore(%arg11 : memref<!tpu.dma_semaphore, #tpu.memory_space<semaphore_mem>>)
    %scan3A_78 = arith.constant 0 : i32
    %scan3A_79 = arith.constant 0 : i32
    %scan3A_80 = arith.constant 80 : i32
    %scan3A_81 = arith.addi %scan3A_79, %scan3A_80 : i32
    %scan3A_82 = arith.constant 8 : i32
    scf.for %scan3A_322 = %scan3A_79 to %scan3A_81 step %scan3A_82  : i32 {
      %shift_right_arithmetic3A = arith.constant 1 : i32
      %shift_right_arithmetic3A_323 = arith.shrsi %scan3A_322, %shift_right_arithmetic3A : i32
      %and3A = arith.constant 1 : i32
      %and3A_324 = arith.andi %scan3A_322, %and3A : i32
      %mul3A_325 = arith.constant 128 : i32
      %mul3A_326 = arith.muli %and3A_324, %mul3A_325 : i32
      %dma_start3A_327 = tpu.memref_slice %arg9[%shift_right_arithmetic3A_323, %mul3A_326] : memref<40x256xf32, #tpu.memory_space<vmem>> -> memref<1x128xf32, #tpu.memory_space<vmem>>
      %dma_start3A_328 = tpu.memref_squeeze %dma_start3A_327 : memref<1x128xf32, #tpu.memory_space<vmem>> -> memref<128xf32, #tpu.memory_space<vmem>>
      %dma_start3A_329 = tpu.memref_slice %arg7[%shift_right_arithmetic3A_323, %mul3A_326] : memref<40x256xi32, #tpu.memory_space<vmem>> -> memref<1x128xi32, #tpu.memory_space<vmem>>
      %dma_start3A_330 = tpu.memref_squeeze %dma_start3A_329 : memref<1x128xi32, #tpu.memory_space<vmem>> -> memref<128xi32, #tpu.memory_space<vmem>>
      %dma_start3A_331 = arith.constant 0 : i32
      %dma_start3A_332 = tpu.memref_slice %arg5[%dma_start3A_331] : memref<1048576xf32, #tpu.memory_space<vmem_shared>> -> memref<1048576xf32, #tpu.memory_space<vmem_shared>>
      tpu.enqueue_indirect_dma source(%dma_start3A_332 : memref<1048576xf32, #tpu.memory_space<vmem_shared>>) target(%dma_start3A_328 : memref<128xf32, #tpu.memory_space<vmem>>) offsets(%dma_start3A_330 : memref<128xi32, #tpu.memory_space<vmem>>) semaphore(%arg13 : memref<!tpu.dma_semaphore, #tpu.memory_space<semaphore_mem>>)
      %scan3A_333 = arith.constant 1 : i32
      %scan3A_334 = arith.addi %scan3A_322, %scan3A_333 : i32
      %shift_right_arithmetic3A_335 = arith.constant 1 : i32
      %shift_right_arithmetic3A_336 = arith.shrsi %scan3A_334, %shift_right_arithmetic3A_335 : i32
      %and3A_337 = arith.constant 1 : i32
      %and3A_338 = arith.andi %scan3A_334, %and3A_337 : i32
      %mul3A_339 = arith.constant 128 : i32
      %mul3A_340 = arith.muli %and3A_338, %mul3A_339 : i32
      %dma_start3A_341 = tpu.memref_slice %arg9[%shift_right_arithmetic3A_336, %mul3A_340] : memref<40x256xf32, #tpu.memory_space<vmem>> -> memref<1x128xf32, #tpu.memory_space<vmem>>
      %dma_start3A_342 = tpu.memref_squeeze %dma_start3A_341 : memref<1x128xf32, #tpu.memory_space<vmem>> -> memref<128xf32, #tpu.memory_space<vmem>>
      %dma_start3A_343 = tpu.memref_slice %arg7[%shift_right_arithmetic3A_336, %mul3A_340] : memref<40x256xi32, #tpu.memory_space<vmem>> -> memref<1x128xi32, #tpu.memory_space<vmem>>
      %dma_start3A_344 = tpu.memref_squeeze %dma_start3A_343 : memref<1x128xi32, #tpu.memory_space<vmem>> -> memref<128xi32, #tpu.memory_space<vmem>>
      %dma_start3A_345 = arith.constant 0 : i32
      %dma_start3A_346 = tpu.memref_slice %arg5[%dma_start3A_345] : memref<1048576xf32, #tpu.memory_space<vmem_shared>> -> memref<1048576xf32, #tpu.memory_space<vmem_shared>>
      tpu.enqueue_indirect_dma source(%dma_start3A_346 : memref<1048576xf32, #tpu.memory_space<vmem_shared>>) target(%dma_start3A_342 : memref<128xf32, #tpu.memory_space<vmem>>) offsets(%dma_start3A_344 : memref<128xi32, #tpu.memory_space<vmem>>) semaphore(%arg13 : memref<!tpu.dma_semaphore, #tpu.memory_space<semaphore_mem>>)
      %scan3A_347 = arith.constant 2 : i32
      %scan3A_348 = arith.addi %scan3A_322, %scan3A_347 : i32
      %shift_right_arithmetic3A_349 = arith.constant 1 : i32
      %shift_right_arithmetic3A_350 = arith.shrsi %scan3A_348, %shift_right_arithmetic3A_349 : i32
      %and3A_351 = arith.constant 1 : i32
      %and3A_352 = arith.andi %scan3A_348, %and3A_351 : i32
      %mul3A_353 = arith.constant 128 : i32
      %mul3A_354 = arith.muli %and3A_352, %mul3A_353 : i32
      %dma_start3A_355 = tpu.memref_slice %arg9[%shift_right_arithmetic3A_350, %mul3A_354] : memref<40x256xf32, #tpu.memory_space<vmem>> -> memref<1x128xf32, #tpu.memory_space<vmem>>
      %dma_start3A_356 = tpu.memref_squeeze %dma_start3A_355 : memref<1x128xf32, #tpu.memory_space<vmem>> -> memref<128xf32, #tpu.memory_space<vmem>>
      %dma_start3A_357 = tpu.memref_slice %arg7[%shift_right_arithmetic3A_350, %mul3A_354] : memref<40x256xi32, #tpu.memory_space<vmem>> -> memref<1x128xi32, #tpu.memory_space<vmem>>
      %dma_start3A_358 = tpu.memref_squeeze %dma_start3A_357 : memref<1x128xi32, #tpu.memory_space<vmem>> -> memref<128xi32, #tpu.memory_space<vmem>>
      %dma_start3A_359 = arith.constant 0 : i32
      %dma_start3A_360 = tpu.memref_slice %arg5[%dma_start3A_359] : memref<1048576xf32, #tpu.memory_space<vmem_shared>> -> memref<1048576xf32, #tpu.memory_space<vmem_shared>>
      tpu.enqueue_indirect_dma source(%dma_start3A_360 : memref<1048576xf32, #tpu.memory_space<vmem_shared>>) target(%dma_start3A_356 : memref<128xf32, #tpu.memory_space<vmem>>) offsets(%dma_start3A_358 : memref<128xi32, #tpu.memory_space<vmem>>) semaphore(%arg13 : memref<!tpu.dma_semaphore, #tpu.memory_space<semaphore_mem>>)
      %scan3A_361 = arith.constant 3 : i32
      %scan3A_362 = arith.addi %scan3A_322, %scan3A_361 : i32
      %shift_right_arithmetic3A_363 = arith.constant 1 : i32
      %shift_right_arithmetic3A_364 = arith.shrsi %scan3A_362, %shift_right_arithmetic3A_363 : i32
      %and3A_365 = arith.constant 1 : i32
      %and3A_366 = arith.andi %scan3A_362, %and3A_365 : i32
      %mul3A_367 = arith.constant 128 : i32
      %mul3A_368 = arith.muli %and3A_366, %mul3A_367 : i32
      %dma_start3A_369 = tpu.memref_slice %arg9[%shift_right_arithmetic3A_364, %mul3A_368] : memref<40x256xf32, #tpu.memory_space<vmem>> -> memref<1x128xf32, #tpu.memory_space<vmem>>
      %dma_start3A_370 = tpu.memref_squeeze %dma_start3A_369 : memref<1x128xf32, #tpu.memory_space<vmem>> -> memref<128xf32, #tpu.memory_space<vmem>>
      %dma_start3A_371 = tpu.memref_slice %arg7[%shift_right_arithmetic3A_364, %mul3A_368] : memref<40x256xi32, #tpu.memory_space<vmem>> -> memref<1x128xi32, #tpu.memory_space<vmem>>
      %dma_start3A_372 = tpu.memref_squeeze %dma_start3A_371 : memref<1x128xi32, #tpu.memory_space<vmem>> -> memref<128xi32, #tpu.memory_space<vmem>>
      %dma_start3A_373 = arith.constant 0 : i32
      %dma_start3A_374 = tpu.memref_slice %arg5[%dma_start3A_373] : memref<1048576xf32, #tpu.memory_space<vmem_shared>> -> memref<1048576xf32, #tpu.memory_space<vmem_shared>>
      tpu.enqueue_indirect_dma source(%dma_start3A_374 : memref<1048576xf32, #tpu.memory_space<vmem_shared>>) target(%dma_start3A_370 : memref<128xf32, #tpu.memory_space<vmem>>) offsets(%dma_start3A_372 : memref<128xi32, #tpu.memory_space<vmem>>) semaphore(%arg13 : memref<!tpu.dma_semaphore, #tpu.memory_space<semaphore_mem>>)
      %scan3A_375 = arith.constant 4 : i32
      %scan3A_376 = arith.addi %scan3A_322, %scan3A_375 : i32
      %shift_right_arithmetic3A_377 = arith.constant 1 : i32
      %shift_right_arithmetic3A_378 = arith.shrsi %scan3A_376, %shift_right_arithmetic3A_377 : i32
      %and3A_379 = arith.constant 1 : i32
      %and3A_380 = arith.andi %scan3A_376, %and3A_379 : i32
      %mul3A_381 = arith.constant 128 : i32
      %mul3A_382 = arith.muli %and3A_380, %mul3A_381 : i32
      %dma_start3A_383 = tpu.memref_slice %arg9[%shift_right_arithmetic3A_378, %mul3A_382] : memref<40x256xf32, #tpu.memory_space<vmem>> -> memref<1x128xf32, #tpu.memory_space<vmem>>
      %dma_start3A_384 = tpu.memref_squeeze %dma_start3A_383 : memref<1x128xf32, #tpu.memory_space<vmem>> -> memref<128xf32, #tpu.memory_space<vmem>>
      %dma_start3A_385 = tpu.memref_slice %arg7[%shift_right_arithmetic3A_378, %mul3A_382] : memref<40x256xi32, #tpu.memory_space<vmem>> -> memref<1x128xi32, #tpu.memory_space<vmem>>
      %dma_start3A_386 = tpu.memref_squeeze %dma_start3A_385 : memref<1x128xi32, #tpu.memory_space<vmem>> -> memref<128xi32, #tpu.memory_space<vmem>>
      %dma_start3A_387 = arith.constant 0 : i32
      %dma_start3A_388 = tpu.memref_slice %arg5[%dma_start3A_387] : memref<1048576xf32, #tpu.memory_space<vmem_shared>> -> memref<1048576xf32, #tpu.memory_space<vmem_shared>>
      tpu.enqueue_indirect_dma source(%dma_start3A_388 : memref<1048576xf32, #tpu.memory_space<vmem_shared>>) target(%dma_start3A_384 : memref<128xf32, #tpu.memory_space<vmem>>) offsets(%dma_start3A_386 : memref<128xi32, #tpu.memory_space<vmem>>) semaphore(%arg13 : memref<!tpu.dma_semaphore, #tpu.memory_space<semaphore_mem>>)
      %scan3A_389 = arith.constant 5 : i32
      %scan3A_390 = arith.addi %scan3A_322, %scan3A_389 : i32
      %shift_right_arithmetic3A_391 = arith.constant 1 : i32
      %shift_right_arithmetic3A_392 = arith.shrsi %scan3A_390, %shift_right_arithmetic3A_391 : i32
      %and3A_393 = arith.constant 1 : i32
      %and3A_394 = arith.andi %scan3A_390, %and3A_393 : i32
      %mul3A_395 = arith.constant 128 : i32
      %mul3A_396 = arith.muli %and3A_394, %mul3A_395 : i32
      %dma_start3A_397 = tpu.memref_slice %arg9[%shift_right_arithmetic3A_392, %mul3A_396] : memref<40x256xf32, #tpu.memory_space<vmem>> -> memref<1x128xf32, #tpu.memory_space<vmem>>
      %dma_start3A_398 = tpu.memref_squeeze %dma_start3A_397 : memref<1x128xf32, #tpu.memory_space<vmem>> -> memref<128xf32, #tpu.memory_space<vmem>>
      %dma_start3A_399 = tpu.memref_slice %arg7[%shift_right_arithmetic3A_392, %mul3A_396] : memref<40x256xi32, #tpu.memory_space<vmem>> -> memref<1x128xi32, #tpu.memory_space<vmem>>
      %dma_start3A_400 = tpu.memref_squeeze %dma_start3A_399 : memref<1x128xi32, #tpu.memory_space<vmem>> -> memref<128xi32, #tpu.memory_space<vmem>>
      %dma_start3A_401 = arith.constant 0 : i32
      %dma_start3A_402 = tpu.memref_slice %arg5[%dma_start3A_401] : memref<1048576xf32, #tpu.memory_space<vmem_shared>> -> memref<1048576xf32, #tpu.memory_space<vmem_shared>>
      tpu.enqueue_indirect_dma source(%dma_start3A_402 : memref<1048576xf32, #tpu.memory_space<vmem_shared>>) target(%dma_start3A_398 : memref<128xf32, #tpu.memory_space<vmem>>) offsets(%dma_start3A_400 : memref<128xi32, #tpu.memory_space<vmem>>) semaphore(%arg13 : memref<!tpu.dma_semaphore, #tpu.memory_space<semaphore_mem>>)
      %scan3A_403 = arith.constant 6 : i32
      %scan3A_404 = arith.addi %scan3A_322, %scan3A_403 : i32
      %shift_right_arithmetic3A_405 = arith.constant 1 : i32
      %shift_right_arithmetic3A_406 = arith.shrsi %scan3A_404, %shift_right_arithmetic3A_405 : i32
      %and3A_407 = arith.constant 1 : i32
      %and3A_408 = arith.andi %scan3A_404, %and3A_407 : i32
      %mul3A_409 = arith.constant 128 : i32
      %mul3A_410 = arith.muli %and3A_408, %mul3A_409 : i32
      %dma_start3A_411 = tpu.memref_slice %arg9[%shift_right_arithmetic3A_406, %mul3A_410] : memref<40x256xf32, #tpu.memory_space<vmem>> -> memref<1x128xf32, #tpu.memory_space<vmem>>
      %dma_start3A_412 = tpu.memref_squeeze %dma_start3A_411 : memref<1x128xf32, #tpu.memory_space<vmem>> -> memref<128xf32, #tpu.memory_space<vmem>>
      %dma_start3A_413 = tpu.memref_slice %arg7[%shift_right_arithmetic3A_406, %mul3A_410] : memref<40x256xi32, #tpu.memory_space<vmem>> -> memref<1x128xi32, #tpu.memory_space<vmem>>
      %dma_start3A_414 = tpu.memref_squeeze %dma_start3A_413 : memref<1x128xi32, #tpu.memory_space<vmem>> -> memref<128xi32, #tpu.memory_space<vmem>>
      %dma_start3A_415 = arith.constant 0 : i32
      %dma_start3A_416 = tpu.memref_slice %arg5[%dma_start3A_415] : memref<1048576xf32, #tpu.memory_space<vmem_shared>> -> memref<1048576xf32, #tpu.memory_space<vmem_shared>>
      tpu.enqueue_indirect_dma source(%dma_start3A_416 : memref<1048576xf32, #tpu.memory_space<vmem_shared>>) target(%dma_start3A_412 : memref<128xf32, #tpu.memory_space<vmem>>) offsets(%dma_start3A_414 : memref<128xi32, #tpu.memory_space<vmem>>) semaphore(%arg13 : memref<!tpu.dma_semaphore, #tpu.memory_space<semaphore_mem>>)
      %scan3A_417 = arith.constant 7 : i32
      %scan3A_418 = arith.addi %scan3A_322, %scan3A_417 : i32
      %shift_right_arithmetic3A_419 = arith.constant 1 : i32
      %shift_right_arithmetic3A_420 = arith.shrsi %scan3A_418, %shift_right_arithmetic3A_419 : i32
      %and3A_421 = arith.constant 1 : i32
      %and3A_422 = arith.andi %scan3A_418, %and3A_421 : i32
      %mul3A_423 = arith.constant 128 : i32
      %mul3A_424 = arith.muli %and3A_422, %mul3A_423 : i32
      %dma_start3A_425 = tpu.memref_slice %arg9[%shift_right_arithmetic3A_420, %mul3A_424] : memref<40x256xf32, #tpu.memory_space<vmem>> -> memref<1x128xf32, #tpu.memory_space<vmem>>
      %dma_start3A_426 = tpu.memref_squeeze %dma_start3A_425 : memref<1x128xf32, #tpu.memory_space<vmem>> -> memref<128xf32, #tpu.memory_space<vmem>>
      %dma_start3A_427 = tpu.memref_slice %arg7[%shift_right_arithmetic3A_420, %mul3A_424] : memref<40x256xi32, #tpu.memory_space<vmem>> -> memref<1x128xi32, #tpu.memory_space<vmem>>
      %dma_start3A_428 = tpu.memref_squeeze %dma_start3A_427 : memref<1x128xi32, #tpu.memory_space<vmem>> -> memref<128xi32, #tpu.memory_space<vmem>>
      %dma_start3A_429 = arith.constant 0 : i32
      %dma_start3A_430 = tpu.memref_slice %arg5[%dma_start3A_429] : memref<1048576xf32, #tpu.memory_space<vmem_shared>> -> memref<1048576xf32, #tpu.memory_space<vmem_shared>>
      tpu.enqueue_indirect_dma source(%dma_start3A_430 : memref<1048576xf32, #tpu.memory_space<vmem_shared>>) target(%dma_start3A_426 : memref<128xf32, #tpu.memory_space<vmem>>) offsets(%dma_start3A_428 : memref<128xi32, #tpu.memory_space<vmem>>) semaphore(%arg13 : memref<!tpu.dma_semaphore, #tpu.memory_space<semaphore_mem>>)
    }
    %scan3A_83 = arith.constant 80 : i32
    %scan3A_84 = arith.constant 0 : i32
    %scan3A_85 = arith.constant 0 : i32
    %scan3A_86 = arith.constant 80 : i32
    %scan3A_87 = arith.addi %scan3A_85, %scan3A_86 : i32
    %scan3A_88 = arith.constant 8 : i32
    scf.for %scan3A_322 = %scan3A_85 to %scan3A_87 step %scan3A_88  : i32 {
      %dma_wait3A_323 = arith.constant 0 : i32
      %dma_wait3A_324 = arith.constant 0 : i32
      %dma_wait3A_325 = arith.constant 0 : i32
      %dma_wait3A_326 = tpu.memref_slice %arg9[%dma_wait3A_324, %dma_wait3A_325] : memref<40x256xf32, #tpu.memory_space<vmem>> -> memref<1x128xf32, #tpu.memory_space<vmem>>
      %dma_wait3A_327 = tpu.memref_squeeze %dma_wait3A_326 : memref<1x128xf32, #tpu.memory_space<vmem>> -> memref<128xf32, #tpu.memory_space<vmem>>
      %dma_wait3A_328 = arith.constant 0 : i32
      %dma_wait3A_329 = tpu.memref_slice %arg7[%dma_wait3A_323, %dma_wait3A_328] : memref<40x256xi32, #tpu.memory_space<vmem>> -> memref<1x128xi32, #tpu.memory_space<vmem>>
      %dma_wait3A_330 = tpu.memref_squeeze %dma_wait3A_329 : memref<1x128xi32, #tpu.memory_space<vmem>> -> memref<128xi32, #tpu.memory_space<vmem>>
      %dma_wait3A_331 = arith.constant 0 : i32
      %dma_wait3A_332 = tpu.memref_slice %arg5[%dma_wait3A_331] : memref<1048576xf32, #tpu.memory_space<vmem_shared>> -> memref<1048576xf32, #tpu.memory_space<vmem_shared>>
      tpu.wait_indirect_dma semaphore(%arg13 : memref<!tpu.dma_semaphore, #tpu.memory_space<semaphore_mem>>) src(%dma_wait3A_332 : memref<1048576xf32, #tpu.memory_space<vmem_shared>>) dst(%dma_wait3A_327 : memref<128xf32, #tpu.memory_space<vmem>>)
      %scan3A_333 = arith.constant 1 : i32
      %scan3A_334 = arith.addi %scan3A_322, %scan3A_333 : i32
      %dma_wait3A_335 = arith.constant 0 : i32
      %dma_wait3A_336 = arith.constant 0 : i32
      %dma_wait3A_337 = arith.constant 0 : i32
      %dma_wait3A_338 = tpu.memref_slice %arg9[%dma_wait3A_336, %dma_wait3A_337] : memref<40x256xf32, #tpu.memory_space<vmem>> -> memref<1x128xf32, #tpu.memory_space<vmem>>
      %dma_wait3A_339 = tpu.memref_squeeze %dma_wait3A_338 : memref<1x128xf32, #tpu.memory_space<vmem>> -> memref<128xf32, #tpu.memory_space<vmem>>
      %dma_wait3A_340 = arith.constant 0 : i32
      %dma_wait3A_341 = tpu.memref_slice %arg7[%dma_wait3A_335, %dma_wait3A_340] : memref<40x256xi32, #tpu.memory_space<vmem>> -> memref<1x128xi32, #tpu.memory_space<vmem>>
      %dma_wait3A_342 = tpu.memref_squeeze %dma_wait3A_341 : memref<1x128xi32, #tpu.memory_space<vmem>> -> memref<128xi32, #tpu.memory_space<vmem>>
      %dma_wait3A_343 = arith.constant 0 : i32
      %dma_wait3A_344 = tpu.memref_slice %arg5[%dma_wait3A_343] : memref<1048576xf32, #tpu.memory_space<vmem_shared>> -> memref<1048576xf32, #tpu.memory_space<vmem_shared>>
      tpu.wait_indirect_dma semaphore(%arg13 : memref<!tpu.dma_semaphore, #tpu.memory_space<semaphore_mem>>) src(%dma_wait3A_344 : memref<1048576xf32, #tpu.memory_space<vmem_shared>>) dst(%dma_wait3A_339 : memref<128xf32, #tpu.memory_space<vmem>>)
      %scan3A_345 = arith.constant 2 : i32
      %scan3A_346 = arith.addi %scan3A_322, %scan3A_345 : i32
      %dma_wait3A_347 = arith.constant 0 : i32
      %dma_wait3A_348 = arith.constant 0 : i32
      %dma_wait3A_349 = arith.constant 0 : i32
      %dma_wait3A_350 = tpu.memref_slice %arg9[%dma_wait3A_348, %dma_wait3A_349] : memref<40x256xf32, #tpu.memory_space<vmem>> -> memref<1x128xf32, #tpu.memory_space<vmem>>
      %dma_wait3A_351 = tpu.memref_squeeze %dma_wait3A_350 : memref<1x128xf32, #tpu.memory_space<vmem>> -> memref<128xf32, #tpu.memory_space<vmem>>
      %dma_wait3A_352 = arith.constant 0 : i32
      %dma_wait3A_353 = tpu.memref_slice %arg7[%dma_wait3A_347, %dma_wait3A_352] : memref<40x256xi32, #tpu.memory_space<vmem>> -> memref<1x128xi32, #tpu.memory_space<vmem>>
      %dma_wait3A_354 = tpu.memref_squeeze %dma_wait3A_353 : memref<1x128xi32, #tpu.memory_space<vmem>> -> memref<128xi32, #tpu.memory_space<vmem>>
      %dma_wait3A_355 = arith.constant 0 : i32
      %dma_wait3A_356 = tpu.memref_slice %arg5[%dma_wait3A_355] : memref<1048576xf32, #tpu.memory_space<vmem_shared>> -> memref<1048576xf32, #tpu.memory_space<vmem_shared>>
      tpu.wait_indirect_dma semaphore(%arg13 : memref<!tpu.dma_semaphore, #tpu.memory_space<semaphore_mem>>) src(%dma_wait3A_356 : memref<1048576xf32, #tpu.memory_space<vmem_shared>>) dst(%dma_wait3A_351 : memref<128xf32, #tpu.memory_space<vmem>>)
      %scan3A_357 = arith.constant 3 : i32
      %scan3A_358 = arith.addi %scan3A_322, %scan3A_357 : i32
      %dma_wait3A_359 = arith.constant 0 : i32
      %dma_wait3A_360 = arith.constant 0 : i32
      %dma_wait3A_361 = arith.constant 0 : i32
      %dma_wait3A_362 = tpu.memref_slice %arg9[%dma_wait3A_360, %dma_wait3A_361] : memref<40x256xf32, #tpu.memory_space<vmem>> -> memref<1x128xf32, #tpu.memory_space<vmem>>
      %dma_wait3A_363 = tpu.memref_squeeze %dma_wait3A_362 : memref<1x128xf32, #tpu.memory_space<vmem>> -> memref<128xf32, #tpu.memory_space<vmem>>
      %dma_wait3A_364 = arith.constant 0 : i32
      %dma_wait3A_365 = tpu.memref_slice %arg7[%dma_wait3A_359, %dma_wait3A_364] : memref<40x256xi32, #tpu.memory_space<vmem>> -> memref<1x128xi32, #tpu.memory_space<vmem>>
      %dma_wait3A_366 = tpu.memref_squeeze %dma_wait3A_365 : memref<1x128xi32, #tpu.memory_space<vmem>> -> memref<128xi32, #tpu.memory_space<vmem>>
      %dma_wait3A_367 = arith.constant 0 : i32
      %dma_wait3A_368 = tpu.memref_slice %arg5[%dma_wait3A_367] : memref<1048576xf32, #tpu.memory_space<vmem_shared>> -> memref<1048576xf32, #tpu.memory_space<vmem_shared>>
      tpu.wait_indirect_dma semaphore(%arg13 : memref<!tpu.dma_semaphore, #tpu.memory_space<semaphore_mem>>) src(%dma_wait3A_368 : memref<1048576xf32, #tpu.memory_space<vmem_shared>>) dst(%dma_wait3A_363 : memref<128xf32, #tpu.memory_space<vmem>>)
      %scan3A_369 = arith.constant 4 : i32
      %scan3A_370 = arith.addi %scan3A_322, %scan3A_369 : i32
      %dma_wait3A_371 = arith.constant 0 : i32
      %dma_wait3A_372 = arith.constant 0 : i32
      %dma_wait3A_373 = arith.constant 0 : i32
      %dma_wait3A_374 = tpu.memref_slice %arg9[%dma_wait3A_372, %dma_wait3A_373] : memref<40x256xf32, #tpu.memory_space<vmem>> -> memref<1x128xf32, #tpu.memory_space<vmem>>
      %dma_wait3A_375 = tpu.memref_squeeze %dma_wait3A_374 : memref<1x128xf32, #tpu.memory_space<vmem>> -> memref<128xf32, #tpu.memory_space<vmem>>
      %dma_wait3A_376 = arith.constant 0 : i32
      %dma_wait3A_377 = tpu.memref_slice %arg7[%dma_wait3A_371, %dma_wait3A_376] : memref<40x256xi32, #tpu.memory_space<vmem>> -> memref<1x128xi32, #tpu.memory_space<vmem>>
      %dma_wait3A_378 = tpu.memref_squeeze %dma_wait3A_377 : memref<1x128xi32, #tpu.memory_space<vmem>> -> memref<128xi32, #tpu.memory_space<vmem>>
      %dma_wait3A_379 = arith.constant 0 : i32
      %dma_wait3A_380 = tpu.memref_slice %arg5[%dma_wait3A_379] : memref<1048576xf32, #tpu.memory_space<vmem_shared>> -> memref<1048576xf32, #tpu.memory_space<vmem_shared>>
      tpu.wait_indirect_dma semaphore(%arg13 : memref<!tpu.dma_semaphore, #tpu.memory_space<semaphore_mem>>) src(%dma_wait3A_380 : memref<1048576xf32, #tpu.memory_space<vmem_shared>>) dst(%dma_wait3A_375 : memref<128xf32, #tpu.memory_space<vmem>>)
      %scan3A_381 = arith.constant 5 : i32
      %scan3A_382 = arith.addi %scan3A_322, %scan3A_381 : i32
      %dma_wait3A_383 = arith.constant 0 : i32
      %dma_wait3A_384 = arith.constant 0 : i32
      %dma_wait3A_385 = arith.constant 0 : i32
      %dma_wait3A_386 = tpu.memref_slice %arg9[%dma_wait3A_384, %dma_wait3A_385] : memref<40x256xf32, #tpu.memory_space<vmem>> -> memref<1x128xf32, #tpu.memory_space<vmem>>
      %dma_wait3A_387 = tpu.memref_squeeze %dma_wait3A_386 : memref<1x128xf32, #tpu.memory_space<vmem>> -> memref<128xf32, #tpu.memory_space<vmem>>
      %dma_wait3A_388 = arith.constant 0 : i32
      %dma_wait3A_389 = tpu.memref_slice %arg7[%dma_wait3A_383, %dma_wait3A_388] : memref<40x256xi32, #tpu.memory_space<vmem>> -> memref<1x128xi32, #tpu.memory_space<vmem>>
      %dma_wait3A_390 = tpu.memref_squeeze %dma_wait3A_389 : memref<1x128xi32, #tpu.memory_space<vmem>> -> memref<128xi32, #tpu.memory_space<vmem>>
      %dma_wait3A_391 = arith.constant 0 : i32
      %dma_wait3A_392 = tpu.memref_slice %arg5[%dma_wait3A_391] : memref<1048576xf32, #tpu.memory_space<vmem_shared>> -> memref<1048576xf32, #tpu.memory_space<vmem_shared>>
      tpu.wait_indirect_dma semaphore(%arg13 : memref<!tpu.dma_semaphore, #tpu.memory_space<semaphore_mem>>) src(%dma_wait3A_392 : memref<1048576xf32, #tpu.memory_space<vmem_shared>>) dst(%dma_wait3A_387 : memref<128xf32, #tpu.memory_space<vmem>>)
      %scan3A_393 = arith.constant 6 : i32
      %scan3A_394 = arith.addi %scan3A_322, %scan3A_393 : i32
      %dma_wait3A_395 = arith.constant 0 : i32
      %dma_wait3A_396 = arith.constant 0 : i32
      %dma_wait3A_397 = arith.constant 0 : i32
      %dma_wait3A_398 = tpu.memref_slice %arg9[%dma_wait3A_396, %dma_wait3A_397] : memref<40x256xf32, #tpu.memory_space<vmem>> -> memref<1x128xf32, #tpu.memory_space<vmem>>
      %dma_wait3A_399 = tpu.memref_squeeze %dma_wait3A_398 : memref<1x128xf32, #tpu.memory_space<vmem>> -> memref<128xf32, #tpu.memory_space<vmem>>
      %dma_wait3A_400 = arith.constant 0 : i32
      %dma_wait3A_401 = tpu.memref_slice %arg7[%dma_wait3A_395, %dma_wait3A_400] : memref<40x256xi32, #tpu.memory_space<vmem>> -> memref<1x128xi32, #tpu.memory_space<vmem>>
      %dma_wait3A_402 = tpu.memref_squeeze %dma_wait3A_401 : memref<1x128xi32, #tpu.memory_space<vmem>> -> memref<128xi32, #tpu.memory_space<vmem>>
      %dma_wait3A_403 = arith.constant 0 : i32
      %dma_wait3A_404 = tpu.memref_slice %arg5[%dma_wait3A_403] : memref<1048576xf32, #tpu.memory_space<vmem_shared>> -> memref<1048576xf32, #tpu.memory_space<vmem_shared>>
      tpu.wait_indirect_dma semaphore(%arg13 : memref<!tpu.dma_semaphore, #tpu.memory_space<semaphore_mem>>) src(%dma_wait3A_404 : memref<1048576xf32, #tpu.memory_space<vmem_shared>>) dst(%dma_wait3A_399 : memref<128xf32, #tpu.memory_space<vmem>>)
      %scan3A_405 = arith.constant 7 : i32
      %scan3A_406 = arith.addi %scan3A_322, %scan3A_405 : i32
      %dma_wait3A_407 = arith.constant 0 : i32
      %dma_wait3A_408 = arith.constant 0 : i32
      %dma_wait3A_409 = arith.constant 0 : i32
      %dma_wait3A_410 = tpu.memref_slice %arg9[%dma_wait3A_408, %dma_wait3A_409] : memref<40x256xf32, #tpu.memory_space<vmem>> -> memref<1x128xf32, #tpu.memory_space<vmem>>
      %dma_wait3A_411 = tpu.memref_squeeze %dma_wait3A_410 : memref<1x128xf32, #tpu.memory_space<vmem>> -> memref<128xf32, #tpu.memory_space<vmem>>
      %dma_wait3A_412 = arith.constant 0 : i32
      %dma_wait3A_413 = tpu.memref_slice %arg7[%dma_wait3A_407, %dma_wait3A_412] : memref<40x256xi32, #tpu.memory_space<vmem>> -> memref<1x128xi32, #tpu.memory_space<vmem>>
      %dma_wait3A_414 = tpu.memref_squeeze %dma_wait3A_413 : memref<1x128xi32, #tpu.memory_space<vmem>> -> memref<128xi32, #tpu.memory_space<vmem>>
      %dma_wait3A_415 = arith.constant 0 : i32
      %dma_wait3A_416 = tpu.memref_slice %arg5[%dma_wait3A_415] : memref<1048576xf32, #tpu.memory_space<vmem_shared>> -> memref<1048576xf32, #tpu.memory_space<vmem_shared>>
      tpu.wait_indirect_dma semaphore(%arg13 : memref<!tpu.dma_semaphore, #tpu.memory_space<semaphore_mem>>) src(%dma_wait3A_416 : memref<1048576xf32, #tpu.memory_space<vmem_shared>>) dst(%dma_wait3A_411 : memref<128xf32, #tpu.memory_space<vmem>>)
    }
    %scan3A_89 = arith.constant 80 : i32
    %dma_start3A_90 = arith.constant 0 : i32
    %dma_start3A_91 = tpu.memref_slice %arg4[%dma_start3A_90, %add3A_28] : memref<200x16384xf32, #tpu.memory_space<hbm>> -> memref<40x256xf32, #tpu.memory_space<hbm>>
    %dma_start3A_92 = arith.constant 0 : i32
    %dma_start3A_93 = tpu.memref_slice %arg4[%dma_start3A_92, %add3A_28] : memref<200x16384xf32, #tpu.memory_space<hbm>> -> memref<40x256xf32, #tpu.memory_space<hbm>>
    tpu.enqueue_dma source(%arg9 : memref<40x256xf32, #tpu.memory_space<vmem>>) target(%dma_start3A_93 : memref<40x256xf32, #tpu.memory_space<hbm>>) target_semaphore(%arg15 : memref<!tpu.dma_semaphore, #tpu.memory_space<semaphore_mem>>)
    %dma_wait3A_94 = arith.constant 0 : i32
    %dma_wait3A_95 = tpu.memref_slice %arg4[%dma_wait3A_94, %add3A_26] : memref<200x16384xf32, #tpu.memory_space<hbm>> -> memref<40x256xf32, #tpu.memory_space<hbm>>
    %dma_wait3A_96 = arith.constant 0 : i32
    %dma_wait3A_97 = tpu.memref_slice %arg4[%dma_wait3A_96, %add3A_26] : memref<200x16384xf32, #tpu.memory_space<hbm>> -> memref<40x256xf32, #tpu.memory_space<hbm>>
    tpu.wait_dma2 semaphore(%arg14 : memref<!tpu.dma_semaphore, #tpu.memory_space<semaphore_mem>>) src(%arg8 : memref<40x256xf32, #tpu.memory_space<vmem>>) dst(%dma_wait3A_97 : memref<40x256xf32, #tpu.memory_space<hbm>>)
    %dma_wait3A_98 = arith.constant 40 : i32
    %dma_wait3A_99 = tpu.memref_slice %arg2[%dma_wait3A_98, %add3A_10] : memref<200x16384xi32, #tpu.memory_space<hbm>> -> memref<40x256xi32, #tpu.memory_space<hbm>>
    %dma_wait3A_100 = arith.constant 40 : i32
    %dma_wait3A_101 = tpu.memref_slice %arg2[%dma_wait3A_100, %add3A_10] : memref<200x16384xi32, #tpu.memory_space<hbm>> -> memref<40x256xi32, #tpu.memory_space<hbm>>
    tpu.wait_dma2 semaphore(%arg11 : memref<!tpu.dma_semaphore, #tpu.memory_space<semaphore_mem>>) src(%dma_wait3A_101 : memref<40x256xi32, #tpu.memory_space<hbm>>) dst(%arg6 : memref<40x256xi32, #tpu.memory_space<vmem>>)
    %dma_start3A_102 = arith.constant 40 : i32
    %dma_start3A_103 = tpu.memref_slice %arg2[%dma_start3A_102, %add3A_12] : memref<200x16384xi32, #tpu.memory_space<hbm>> -> memref<40x256xi32, #tpu.memory_space<hbm>>
    %dma_start3A_104 = arith.constant 40 : i32
    %dma_start3A_105 = tpu.memref_slice %arg2[%dma_start3A_104, %add3A_12] : memref<200x16384xi32, #tpu.memory_space<hbm>> -> memref<40x256xi32, #tpu.memory_space<hbm>>
    tpu.enqueue_dma source(%dma_start3A_105 : memref<40x256xi32, #tpu.memory_space<hbm>>) target(%arg7 : memref<40x256xi32, #tpu.memory_space<vmem>>) target_semaphore(%arg12 : memref<!tpu.dma_semaphore, #tpu.memory_space<semaphore_mem>>)
    %scan3A_106 = arith.constant 0 : i32
    %scan3A_107 = arith.constant 0 : i32
    %scan3A_108 = arith.constant 80 : i32
    %scan3A_109 = arith.addi %scan3A_107, %scan3A_108 : i32
    %scan3A_110 = arith.constant 8 : i32
    scf.for %scan3A_322 = %scan3A_107 to %scan3A_109 step %scan3A_110  : i32 {
      %shift_right_arithmetic3A = arith.constant 1 : i32
      %shift_right_arithmetic3A_323 = arith.shrsi %scan3A_322, %shift_right_arithmetic3A : i32
      %and3A = arith.constant 1 : i32
      %and3A_324 = arith.andi %scan3A_322, %and3A : i32
      %mul3A_325 = arith.constant 128 : i32
      %mul3A_326 = arith.muli %and3A_324, %mul3A_325 : i32
      %dma_start3A_327 = tpu.memref_slice %arg8[%shift_right_arithmetic3A_323, %mul3A_326] : memref<40x256xf32, #tpu.memory_space<vmem>> -> memref<1x128xf32, #tpu.memory_space<vmem>>
      %dma_start3A_328 = tpu.memref_squeeze %dma_start3A_327 : memref<1x128xf32, #tpu.memory_space<vmem>> -> memref<128xf32, #tpu.memory_space<vmem>>
      %dma_start3A_329 = tpu.memref_slice %arg6[%shift_right_arithmetic3A_323, %mul3A_326] : memref<40x256xi32, #tpu.memory_space<vmem>> -> memref<1x128xi32, #tpu.memory_space<vmem>>
      %dma_start3A_330 = tpu.memref_squeeze %dma_start3A_329 : memref<1x128xi32, #tpu.memory_space<vmem>> -> memref<128xi32, #tpu.memory_space<vmem>>
      %dma_start3A_331 = arith.constant 0 : i32
      %dma_start3A_332 = tpu.memref_slice %arg5[%dma_start3A_331] : memref<1048576xf32, #tpu.memory_space<vmem_shared>> -> memref<1048576xf32, #tpu.memory_space<vmem_shared>>
      tpu.enqueue_indirect_dma source(%dma_start3A_332 : memref<1048576xf32, #tpu.memory_space<vmem_shared>>) target(%dma_start3A_328 : memref<128xf32, #tpu.memory_space<vmem>>) offsets(%dma_start3A_330 : memref<128xi32, #tpu.memory_space<vmem>>) semaphore(%arg13 : memref<!tpu.dma_semaphore, #tpu.memory_space<semaphore_mem>>)
      %scan3A_333 = arith.constant 1 : i32
      %scan3A_334 = arith.addi %scan3A_322, %scan3A_333 : i32
      %shift_right_arithmetic3A_335 = arith.constant 1 : i32
      %shift_right_arithmetic3A_336 = arith.shrsi %scan3A_334, %shift_right_arithmetic3A_335 : i32
      %and3A_337 = arith.constant 1 : i32
      %and3A_338 = arith.andi %scan3A_334, %and3A_337 : i32
      %mul3A_339 = arith.constant 128 : i32
      %mul3A_340 = arith.muli %and3A_338, %mul3A_339 : i32
      %dma_start3A_341 = tpu.memref_slice %arg8[%shift_right_arithmetic3A_336, %mul3A_340] : memref<40x256xf32, #tpu.memory_space<vmem>> -> memref<1x128xf32, #tpu.memory_space<vmem>>
      %dma_start3A_342 = tpu.memref_squeeze %dma_start3A_341 : memref<1x128xf32, #tpu.memory_space<vmem>> -> memref<128xf32, #tpu.memory_space<vmem>>
      %dma_start3A_343 = tpu.memref_slice %arg6[%shift_right_arithmetic3A_336, %mul3A_340] : memref<40x256xi32, #tpu.memory_space<vmem>> -> memref<1x128xi32, #tpu.memory_space<vmem>>
      %dma_start3A_344 = tpu.memref_squeeze %dma_start3A_343 : memref<1x128xi32, #tpu.memory_space<vmem>> -> memref<128xi32, #tpu.memory_space<vmem>>
      %dma_start3A_345 = arith.constant 0 : i32
      %dma_start3A_346 = tpu.memref_slice %arg5[%dma_start3A_345] : memref<1048576xf32, #tpu.memory_space<vmem_shared>> -> memref<1048576xf32, #tpu.memory_space<vmem_shared>>
      tpu.enqueue_indirect_dma source(%dma_start3A_346 : memref<1048576xf32, #tpu.memory_space<vmem_shared>>) target(%dma_start3A_342 : memref<128xf32, #tpu.memory_space<vmem>>) offsets(%dma_start3A_344 : memref<128xi32, #tpu.memory_space<vmem>>) semaphore(%arg13 : memref<!tpu.dma_semaphore, #tpu.memory_space<semaphore_mem>>)
      %scan3A_347 = arith.constant 2 : i32
      %scan3A_348 = arith.addi %scan3A_322, %scan3A_347 : i32
      %shift_right_arithmetic3A_349 = arith.constant 1 : i32
      %shift_right_arithmetic3A_350 = arith.shrsi %scan3A_348, %shift_right_arithmetic3A_349 : i32
      %and3A_351 = arith.constant 1 : i32
      %and3A_352 = arith.andi %scan3A_348, %and3A_351 : i32
      %mul3A_353 = arith.constant 128 : i32
      %mul3A_354 = arith.muli %and3A_352, %mul3A_353 : i32
      %dma_start3A_355 = tpu.memref_slice %arg8[%shift_right_arithmetic3A_350, %mul3A_354] : memref<40x256xf32, #tpu.memory_space<vmem>> -> memref<1x128xf32, #tpu.memory_space<vmem>>
      %dma_start3A_356 = tpu.memref_squeeze %dma_start3A_355 : memref<1x128xf32, #tpu.memory_space<vmem>> -> memref<128xf32, #tpu.memory_space<vmem>>
      %dma_start3A_357 = tpu.memref_slice %arg6[%shift_right_arithmetic3A_350, %mul3A_354] : memref<40x256xi32, #tpu.memory_space<vmem>> -> memref<1x128xi32, #tpu.memory_space<vmem>>
      %dma_start3A_358 = tpu.memref_squeeze %dma_start3A_357 : memref<1x128xi32, #tpu.memory_space<vmem>> -> memref<128xi32, #tpu.memory_space<vmem>>
      %dma_start3A_359 = arith.constant 0 : i32
      %dma_start3A_360 = tpu.memref_slice %arg5[%dma_start3A_359] : memref<1048576xf32, #tpu.memory_space<vmem_shared>> -> memref<1048576xf32, #tpu.memory_space<vmem_shared>>
      tpu.enqueue_indirect_dma source(%dma_start3A_360 : memref<1048576xf32, #tpu.memory_space<vmem_shared>>) target(%dma_start3A_356 : memref<128xf32, #tpu.memory_space<vmem>>) offsets(%dma_start3A_358 : memref<128xi32, #tpu.memory_space<vmem>>) semaphore(%arg13 : memref<!tpu.dma_semaphore, #tpu.memory_space<semaphore_mem>>)
      %scan3A_361 = arith.constant 3 : i32
      %scan3A_362 = arith.addi %scan3A_322, %scan3A_361 : i32
      %shift_right_arithmetic3A_363 = arith.constant 1 : i32
      %shift_right_arithmetic3A_364 = arith.shrsi %scan3A_362, %shift_right_arithmetic3A_363 : i32
      %and3A_365 = arith.constant 1 : i32
      %and3A_366 = arith.andi %scan3A_362, %and3A_365 : i32
      %mul3A_367 = arith.constant 128 : i32
      %mul3A_368 = arith.muli %and3A_366, %mul3A_367 : i32
      %dma_start3A_369 = tpu.memref_slice %arg8[%shift_right_arithmetic3A_364, %mul3A_368] : memref<40x256xf32, #tpu.memory_space<vmem>> -> memref<1x128xf32, #tpu.memory_space<vmem>>
      %dma_start3A_370 = tpu.memref_squeeze %dma_start3A_369 : memref<1x128xf32, #tpu.memory_space<vmem>> -> memref<128xf32, #tpu.memory_space<vmem>>
      %dma_start3A_371 = tpu.memref_slice %arg6[%shift_right_arithmetic3A_364, %mul3A_368] : memref<40x256xi32, #tpu.memory_space<vmem>> -> memref<1x128xi32, #tpu.memory_space<vmem>>
      %dma_start3A_372 = tpu.memref_squeeze %dma_start3A_371 : memref<1x128xi32, #tpu.memory_space<vmem>> -> memref<128xi32, #tpu.memory_space<vmem>>
      %dma_start3A_373 = arith.constant 0 : i32
      %dma_start3A_374 = tpu.memref_slice %arg5[%dma_start3A_373] : memref<1048576xf32, #tpu.memory_space<vmem_shared>> -> memref<1048576xf32, #tpu.memory_space<vmem_shared>>
      tpu.enqueue_indirect_dma source(%dma_start3A_374 : memref<1048576xf32, #tpu.memory_space<vmem_shared>>) target(%dma_start3A_370 : memref<128xf32, #tpu.memory_space<vmem>>) offsets(%dma_start3A_372 : memref<128xi32, #tpu.memory_space<vmem>>) semaphore(%arg13 : memref<!tpu.dma_semaphore, #tpu.memory_space<semaphore_mem>>)
      %scan3A_375 = arith.constant 4 : i32
      %scan3A_376 = arith.addi %scan3A_322, %scan3A_375 : i32
      %shift_right_arithmetic3A_377 = arith.constant 1 : i32
      %shift_right_arithmetic3A_378 = arith.shrsi %scan3A_376, %shift_right_arithmetic3A_377 : i32
      %and3A_379 = arith.constant 1 : i32
      %and3A_380 = arith.andi %scan3A_376, %and3A_379 : i32
      %mul3A_381 = arith.constant 128 : i32
      %mul3A_382 = arith.muli %and3A_380, %mul3A_381 : i32
      %dma_start3A_383 = tpu.memref_slice %arg8[%shift_right_arithmetic3A_378, %mul3A_382] : memref<40x256xf32, #tpu.memory_space<vmem>> -> memref<1x128xf32, #tpu.memory_space<vmem>>
      %dma_start3A_384 = tpu.memref_squeeze %dma_start3A_383 : memref<1x128xf32, #tpu.memory_space<vmem>> -> memref<128xf32, #tpu.memory_space<vmem>>
      %dma_start3A_385 = tpu.memref_slice %arg6[%shift_right_arithmetic3A_378, %mul3A_382] : memref<40x256xi32, #tpu.memory_space<vmem>> -> memref<1x128xi32, #tpu.memory_space<vmem>>
      %dma_start3A_386 = tpu.memref_squeeze %dma_start3A_385 : memref<1x128xi32, #tpu.memory_space<vmem>> -> memref<128xi32, #tpu.memory_space<vmem>>
      %dma_start3A_387 = arith.constant 0 : i32
      %dma_start3A_388 = tpu.memref_slice %arg5[%dma_start3A_387] : memref<1048576xf32, #tpu.memory_space<vmem_shared>> -> memref<1048576xf32, #tpu.memory_space<vmem_shared>>
      tpu.enqueue_indirect_dma source(%dma_start3A_388 : memref<1048576xf32, #tpu.memory_space<vmem_shared>>) target(%dma_start3A_384 : memref<128xf32, #tpu.memory_space<vmem>>) offsets(%dma_start3A_386 : memref<128xi32, #tpu.memory_space<vmem>>) semaphore(%arg13 : memref<!tpu.dma_semaphore, #tpu.memory_space<semaphore_mem>>)
      %scan3A_389 = arith.constant 5 : i32
      %scan3A_390 = arith.addi %scan3A_322, %scan3A_389 : i32
      %shift_right_arithmetic3A_391 = arith.constant 1 : i32
      %shift_right_arithmetic3A_392 = arith.shrsi %scan3A_390, %shift_right_arithmetic3A_391 : i32
      %and3A_393 = arith.constant 1 : i32
      %and3A_394 = arith.andi %scan3A_390, %and3A_393 : i32
      %mul3A_395 = arith.constant 128 : i32
      %mul3A_396 = arith.muli %and3A_394, %mul3A_395 : i32
      %dma_start3A_397 = tpu.memref_slice %arg8[%shift_right_arithmetic3A_392, %mul3A_396] : memref<40x256xf32, #tpu.memory_space<vmem>> -> memref<1x128xf32, #tpu.memory_space<vmem>>
      %dma_start3A_398 = tpu.memref_squeeze %dma_start3A_397 : memref<1x128xf32, #tpu.memory_space<vmem>> -> memref<128xf32, #tpu.memory_space<vmem>>
      %dma_start3A_399 = tpu.memref_slice %arg6[%shift_right_arithmetic3A_392, %mul3A_396] : memref<40x256xi32, #tpu.memory_space<vmem>> -> memref<1x128xi32, #tpu.memory_space<vmem>>
      %dma_start3A_400 = tpu.memref_squeeze %dma_start3A_399 : memref<1x128xi32, #tpu.memory_space<vmem>> -> memref<128xi32, #tpu.memory_space<vmem>>
      %dma_start3A_401 = arith.constant 0 : i32
      %dma_start3A_402 = tpu.memref_slice %arg5[%dma_start3A_401] : memref<1048576xf32, #tpu.memory_space<vmem_shared>> -> memref<1048576xf32, #tpu.memory_space<vmem_shared>>
      tpu.enqueue_indirect_dma source(%dma_start3A_402 : memref<1048576xf32, #tpu.memory_space<vmem_shared>>) target(%dma_start3A_398 : memref<128xf32, #tpu.memory_space<vmem>>) offsets(%dma_start3A_400 : memref<128xi32, #tpu.memory_space<vmem>>) semaphore(%arg13 : memref<!tpu.dma_semaphore, #tpu.memory_space<semaphore_mem>>)
      %scan3A_403 = arith.constant 6 : i32
      %scan3A_404 = arith.addi %scan3A_322, %scan3A_403 : i32
      %shift_right_arithmetic3A_405 = arith.constant 1 : i32
      %shift_right_arithmetic3A_406 = arith.shrsi %scan3A_404, %shift_right_arithmetic3A_405 : i32
      %and3A_407 = arith.constant 1 : i32
      %and3A_408 = arith.andi %scan3A_404, %and3A_407 : i32
      %mul3A_409 = arith.constant 128 : i32
      %mul3A_410 = arith.muli %and3A_408, %mul3A_409 : i32
      %dma_start3A_411 = tpu.memref_slice %arg8[%shift_right_arithmetic3A_406, %mul3A_410] : memref<40x256xf32, #tpu.memory_space<vmem>> -> memref<1x128xf32, #tpu.memory_space<vmem>>
      %dma_start3A_412 = tpu.memref_squeeze %dma_start3A_411 : memref<1x128xf32, #tpu.memory_space<vmem>> -> memref<128xf32, #tpu.memory_space<vmem>>
      %dma_start3A_413 = tpu.memref_slice %arg6[%shift_right_arithmetic3A_406, %mul3A_410] : memref<40x256xi32, #tpu.memory_space<vmem>> -> memref<1x128xi32, #tpu.memory_space<vmem>>
      %dma_start3A_414 = tpu.memref_squeeze %dma_start3A_413 : memref<1x128xi32, #tpu.memory_space<vmem>> -> memref<128xi32, #tpu.memory_space<vmem>>
      %dma_start3A_415 = arith.constant 0 : i32
      %dma_start3A_416 = tpu.memref_slice %arg5[%dma_start3A_415] : memref<1048576xf32, #tpu.memory_space<vmem_shared>> -> memref<1048576xf32, #tpu.memory_space<vmem_shared>>
      tpu.enqueue_indirect_dma source(%dma_start3A_416 : memref<1048576xf32, #tpu.memory_space<vmem_shared>>) target(%dma_start3A_412 : memref<128xf32, #tpu.memory_space<vmem>>) offsets(%dma_start3A_414 : memref<128xi32, #tpu.memory_space<vmem>>) semaphore(%arg13 : memref<!tpu.dma_semaphore, #tpu.memory_space<semaphore_mem>>)
      %scan3A_417 = arith.constant 7 : i32
      %scan3A_418 = arith.addi %scan3A_322, %scan3A_417 : i32
      %shift_right_arithmetic3A_419 = arith.constant 1 : i32
      %shift_right_arithmetic3A_420 = arith.shrsi %scan3A_418, %shift_right_arithmetic3A_419 : i32
      %and3A_421 = arith.constant 1 : i32
      %and3A_422 = arith.andi %scan3A_418, %and3A_421 : i32
      %mul3A_423 = arith.constant 128 : i32
      %mul3A_424 = arith.muli %and3A_422, %mul3A_423 : i32
      %dma_start3A_425 = tpu.memref_slice %arg8[%shift_right_arithmetic3A_420, %mul3A_424] : memref<40x256xf32, #tpu.memory_space<vmem>> -> memref<1x128xf32, #tpu.memory_space<vmem>>
      %dma_start3A_426 = tpu.memref_squeeze %dma_start3A_425 : memref<1x128xf32, #tpu.memory_space<vmem>> -> memref<128xf32, #tpu.memory_space<vmem>>
      %dma_start3A_427 = tpu.memref_slice %arg6[%shift_right_arithmetic3A_420, %mul3A_424] : memref<40x256xi32, #tpu.memory_space<vmem>> -> memref<1x128xi32, #tpu.memory_space<vmem>>
      %dma_start3A_428 = tpu.memref_squeeze %dma_start3A_427 : memref<1x128xi32, #tpu.memory_space<vmem>> -> memref<128xi32, #tpu.memory_space<vmem>>
      %dma_start3A_429 = arith.constant 0 : i32
      %dma_start3A_430 = tpu.memref_slice %arg5[%dma_start3A_429] : memref<1048576xf32, #tpu.memory_space<vmem_shared>> -> memref<1048576xf32, #tpu.memory_space<vmem_shared>>
      tpu.enqueue_indirect_dma source(%dma_start3A_430 : memref<1048576xf32, #tpu.memory_space<vmem_shared>>) target(%dma_start3A_426 : memref<128xf32, #tpu.memory_space<vmem>>) offsets(%dma_start3A_428 : memref<128xi32, #tpu.memory_space<vmem>>) semaphore(%arg13 : memref<!tpu.dma_semaphore, #tpu.memory_space<semaphore_mem>>)
    }
    %scan3A_111 = arith.constant 80 : i32
    %scan3A_112 = arith.constant 0 : i32
    %scan3A_113 = arith.constant 0 : i32
    %scan3A_114 = arith.constant 80 : i32
    %scan3A_115 = arith.addi %scan3A_113, %scan3A_114 : i32
    %scan3A_116 = arith.constant 8 : i32
    scf.for %scan3A_322 = %scan3A_113 to %scan3A_115 step %scan3A_116  : i32 {
      %dma_wait3A_323 = arith.constant 0 : i32
      %dma_wait3A_324 = arith.constant 0 : i32
      %dma_wait3A_325 = arith.constant 0 : i32
      %dma_wait3A_326 = tpu.memref_slice %arg8[%dma_wait3A_324, %dma_wait3A_325] : memref<40x256xf32, #tpu.memory_space<vmem>> -> memref<1x128xf32, #tpu.memory_space<vmem>>
      %dma_wait3A_327 = tpu.memref_squeeze %dma_wait3A_326 : memref<1x128xf32, #tpu.memory_space<vmem>> -> memref<128xf32, #tpu.memory_space<vmem>>
      %dma_wait3A_328 = arith.constant 0 : i32
      %dma_wait3A_329 = tpu.memref_slice %arg6[%dma_wait3A_323, %dma_wait3A_328] : memref<40x256xi32, #tpu.memory_space<vmem>> -> memref<1x128xi32, #tpu.memory_space<vmem>>
      %dma_wait3A_330 = tpu.memref_squeeze %dma_wait3A_329 : memref<1x128xi32, #tpu.memory_space<vmem>> -> memref<128xi32, #tpu.memory_space<vmem>>
      %dma_wait3A_331 = arith.constant 0 : i32
      %dma_wait3A_332 = tpu.memref_slice %arg5[%dma_wait3A_331] : memref<1048576xf32, #tpu.memory_space<vmem_shared>> -> memref<1048576xf32, #tpu.memory_space<vmem_shared>>
      tpu.wait_indirect_dma semaphore(%arg13 : memref<!tpu.dma_semaphore, #tpu.memory_space<semaphore_mem>>) src(%dma_wait3A_332 : memref<1048576xf32, #tpu.memory_space<vmem_shared>>) dst(%dma_wait3A_327 : memref<128xf32, #tpu.memory_space<vmem>>)
      %scan3A_333 = arith.constant 1 : i32
      %scan3A_334 = arith.addi %scan3A_322, %scan3A_333 : i32
      %dma_wait3A_335 = arith.constant 0 : i32
      %dma_wait3A_336 = arith.constant 0 : i32
      %dma_wait3A_337 = arith.constant 0 : i32
      %dma_wait3A_338 = tpu.memref_slice %arg8[%dma_wait3A_336, %dma_wait3A_337] : memref<40x256xf32, #tpu.memory_space<vmem>> -> memref<1x128xf32, #tpu.memory_space<vmem>>
      %dma_wait3A_339 = tpu.memref_squeeze %dma_wait3A_338 : memref<1x128xf32, #tpu.memory_space<vmem>> -> memref<128xf32, #tpu.memory_space<vmem>>
      %dma_wait3A_340 = arith.constant 0 : i32
      %dma_wait3A_341 = tpu.memref_slice %arg6[%dma_wait3A_335, %dma_wait3A_340] : memref<40x256xi32, #tpu.memory_space<vmem>> -> memref<1x128xi32, #tpu.memory_space<vmem>>
      %dma_wait3A_342 = tpu.memref_squeeze %dma_wait3A_341 : memref<1x128xi32, #tpu.memory_space<vmem>> -> memref<128xi32, #tpu.memory_space<vmem>>
      %dma_wait3A_343 = arith.constant 0 : i32
      %dma_wait3A_344 = tpu.memref_slice %arg5[%dma_wait3A_343] : memref<1048576xf32, #tpu.memory_space<vmem_shared>> -> memref<1048576xf32, #tpu.memory_space<vmem_shared>>
      tpu.wait_indirect_dma semaphore(%arg13 : memref<!tpu.dma_semaphore, #tpu.memory_space<semaphore_mem>>) src(%dma_wait3A_344 : memref<1048576xf32, #tpu.memory_space<vmem_shared>>) dst(%dma_wait3A_339 : memref<128xf32, #tpu.memory_space<vmem>>)
      %scan3A_345 = arith.constant 2 : i32
      %scan3A_346 = arith.addi %scan3A_322, %scan3A_345 : i32
      %dma_wait3A_347 = arith.constant 0 : i32
      %dma_wait3A_348 = arith.constant 0 : i32
      %dma_wait3A_349 = arith.constant 0 : i32
      %dma_wait3A_350 = tpu.memref_slice %arg8[%dma_wait3A_348, %dma_wait3A_349] : memref<40x256xf32, #tpu.memory_space<vmem>> -> memref<1x128xf32, #tpu.memory_space<vmem>>
      %dma_wait3A_351 = tpu.memref_squeeze %dma_wait3A_350 : memref<1x128xf32, #tpu.memory_space<vmem>> -> memref<128xf32, #tpu.memory_space<vmem>>
      %dma_wait3A_352 = arith.constant 0 : i32
      %dma_wait3A_353 = tpu.memref_slice %arg6[%dma_wait3A_347, %dma_wait3A_352] : memref<40x256xi32, #tpu.memory_space<vmem>> -> memref<1x128xi32, #tpu.memory_space<vmem>>
      %dma_wait3A_354 = tpu.memref_squeeze %dma_wait3A_353 : memref<1x128xi32, #tpu.memory_space<vmem>> -> memref<128xi32, #tpu.memory_space<vmem>>
      %dma_wait3A_355 = arith.constant 0 : i32
      %dma_wait3A_356 = tpu.memref_slice %arg5[%dma_wait3A_355] : memref<1048576xf32, #tpu.memory_space<vmem_shared>> -> memref<1048576xf32, #tpu.memory_space<vmem_shared>>
      tpu.wait_indirect_dma semaphore(%arg13 : memref<!tpu.dma_semaphore, #tpu.memory_space<semaphore_mem>>) src(%dma_wait3A_356 : memref<1048576xf32, #tpu.memory_space<vmem_shared>>) dst(%dma_wait3A_351 : memref<128xf32, #tpu.memory_space<vmem>>)
      %scan3A_357 = arith.constant 3 : i32
      %scan3A_358 = arith.addi %scan3A_322, %scan3A_357 : i32
      %dma_wait3A_359 = arith.constant 0 : i32
      %dma_wait3A_360 = arith.constant 0 : i32
      %dma_wait3A_361 = arith.constant 0 : i32
      %dma_wait3A_362 = tpu.memref_slice %arg8[%dma_wait3A_360, %dma_wait3A_361] : memref<40x256xf32, #tpu.memory_space<vmem>> -> memref<1x128xf32, #tpu.memory_space<vmem>>
      %dma_wait3A_363 = tpu.memref_squeeze %dma_wait3A_362 : memref<1x128xf32, #tpu.memory_space<vmem>> -> memref<128xf32, #tpu.memory_space<vmem>>
      %dma_wait3A_364 = arith.constant 0 : i32
      %dma_wait3A_365 = tpu.memref_slice %arg6[%dma_wait3A_359, %dma_wait3A_364] : memref<40x256xi32, #tpu.memory_space<vmem>> -> memref<1x128xi32, #tpu.memory_space<vmem>>
      %dma_wait3A_366 = tpu.memref_squeeze %dma_wait3A_365 : memref<1x128xi32, #tpu.memory_space<vmem>> -> memref<128xi32, #tpu.memory_space<vmem>>
      %dma_wait3A_367 = arith.constant 0 : i32
      %dma_wait3A_368 = tpu.memref_slice %arg5[%dma_wait3A_367] : memref<1048576xf32, #tpu.memory_space<vmem_shared>> -> memref<1048576xf32, #tpu.memory_space<vmem_shared>>
      tpu.wait_indirect_dma semaphore(%arg13 : memref<!tpu.dma_semaphore, #tpu.memory_space<semaphore_mem>>) src(%dma_wait3A_368 : memref<1048576xf32, #tpu.memory_space<vmem_shared>>) dst(%dma_wait3A_363 : memref<128xf32, #tpu.memory_space<vmem>>)
      %scan3A_369 = arith.constant 4 : i32
      %scan3A_370 = arith.addi %scan3A_322, %scan3A_369 : i32
      %dma_wait3A_371 = arith.constant 0 : i32
      %dma_wait3A_372 = arith.constant 0 : i32
      %dma_wait3A_373 = arith.constant 0 : i32
      %dma_wait3A_374 = tpu.memref_slice %arg8[%dma_wait3A_372, %dma_wait3A_373] : memref<40x256xf32, #tpu.memory_space<vmem>> -> memref<1x128xf32, #tpu.memory_space<vmem>>
      %dma_wait3A_375 = tpu.memref_squeeze %dma_wait3A_374 : memref<1x128xf32, #tpu.memory_space<vmem>> -> memref<128xf32, #tpu.memory_space<vmem>>
      %dma_wait3A_376 = arith.constant 0 : i32
      %dma_wait3A_377 = tpu.memref_slice %arg6[%dma_wait3A_371, %dma_wait3A_376] : memref<40x256xi32, #tpu.memory_space<vmem>> -> memref<1x128xi32, #tpu.memory_space<vmem>>
      %dma_wait3A_378 = tpu.memref_squeeze %dma_wait3A_377 : memref<1x128xi32, #tpu.memory_space<vmem>> -> memref<128xi32, #tpu.memory_space<vmem>>
      %dma_wait3A_379 = arith.constant 0 : i32
      %dma_wait3A_380 = tpu.memref_slice %arg5[%dma_wait3A_379] : memref<1048576xf32, #tpu.memory_space<vmem_shared>> -> memref<1048576xf32, #tpu.memory_space<vmem_shared>>
      tpu.wait_indirect_dma semaphore(%arg13 : memref<!tpu.dma_semaphore, #tpu.memory_space<semaphore_mem>>) src(%dma_wait3A_380 : memref<1048576xf32, #tpu.memory_space<vmem_shared>>) dst(%dma_wait3A_375 : memref<128xf32, #tpu.memory_space<vmem>>)
      %scan3A_381 = arith.constant 5 : i32
      %scan3A_382 = arith.addi %scan3A_322, %scan3A_381 : i32
      %dma_wait3A_383 = arith.constant 0 : i32
      %dma_wait3A_384 = arith.constant 0 : i32
      %dma_wait3A_385 = arith.constant 0 : i32
      %dma_wait3A_386 = tpu.memref_slice %arg8[%dma_wait3A_384, %dma_wait3A_385] : memref<40x256xf32, #tpu.memory_space<vmem>> -> memref<1x128xf32, #tpu.memory_space<vmem>>
      %dma_wait3A_387 = tpu.memref_squeeze %dma_wait3A_386 : memref<1x128xf32, #tpu.memory_space<vmem>> -> memref<128xf32, #tpu.memory_space<vmem>>
      %dma_wait3A_388 = arith.constant 0 : i32
      %dma_wait3A_389 = tpu.memref_slice %arg6[%dma_wait3A_383, %dma_wait3A_388] : memref<40x256xi32, #tpu.memory_space<vmem>> -> memref<1x128xi32, #tpu.memory_space<vmem>>
      %dma_wait3A_390 = tpu.memref_squeeze %dma_wait3A_389 : memref<1x128xi32, #tpu.memory_space<vmem>> -> memref<128xi32, #tpu.memory_space<vmem>>
      %dma_wait3A_391 = arith.constant 0 : i32
      %dma_wait3A_392 = tpu.memref_slice %arg5[%dma_wait3A_391] : memref<1048576xf32, #tpu.memory_space<vmem_shared>> -> memref<1048576xf32, #tpu.memory_space<vmem_shared>>
      tpu.wait_indirect_dma semaphore(%arg13 : memref<!tpu.dma_semaphore, #tpu.memory_space<semaphore_mem>>) src(%dma_wait3A_392 : memref<1048576xf32, #tpu.memory_space<vmem_shared>>) dst(%dma_wait3A_387 : memref<128xf32, #tpu.memory_space<vmem>>)
      %scan3A_393 = arith.constant 6 : i32
      %scan3A_394 = arith.addi %scan3A_322, %scan3A_393 : i32
      %dma_wait3A_395 = arith.constant 0 : i32
      %dma_wait3A_396 = arith.constant 0 : i32
      %dma_wait3A_397 = arith.constant 0 : i32
      %dma_wait3A_398 = tpu.memref_slice %arg8[%dma_wait3A_396, %dma_wait3A_397] : memref<40x256xf32, #tpu.memory_space<vmem>> -> memref<1x128xf32, #tpu.memory_space<vmem>>
      %dma_wait3A_399 = tpu.memref_squeeze %dma_wait3A_398 : memref<1x128xf32, #tpu.memory_space<vmem>> -> memref<128xf32, #tpu.memory_space<vmem>>
      %dma_wait3A_400 = arith.constant 0 : i32
      %dma_wait3A_401 = tpu.memref_slice %arg6[%dma_wait3A_395, %dma_wait3A_400] : memref<40x256xi32, #tpu.memory_space<vmem>> -> memref<1x128xi32, #tpu.memory_space<vmem>>
      %dma_wait3A_402 = tpu.memref_squeeze %dma_wait3A_401 : memref<1x128xi32, #tpu.memory_space<vmem>> -> memref<128xi32, #tpu.memory_space<vmem>>
      %dma_wait3A_403 = arith.constant 0 : i32
      %dma_wait3A_404 = tpu.memref_slice %arg5[%dma_wait3A_403] : memref<1048576xf32, #tpu.memory_space<vmem_shared>> -> memref<1048576xf32, #tpu.memory_space<vmem_shared>>
      tpu.wait_indirect_dma semaphore(%arg13 : memref<!tpu.dma_semaphore, #tpu.memory_space<semaphore_mem>>) src(%dma_wait3A_404 : memref<1048576xf32, #tpu.memory_space<vmem_shared>>) dst(%dma_wait3A_399 : memref<128xf32, #tpu.memory_space<vmem>>)
      %scan3A_405 = arith.constant 7 : i32
      %scan3A_406 = arith.addi %scan3A_322, %scan3A_405 : i32
      %dma_wait3A_407 = arith.constant 0 : i32
      %dma_wait3A_408 = arith.constant 0 : i32
      %dma_wait3A_409 = arith.constant 0 : i32
      %dma_wait3A_410 = tpu.memref_slice %arg8[%dma_wait3A_408, %dma_wait3A_409] : memref<40x256xf32, #tpu.memory_space<vmem>> -> memref<1x128xf32, #tpu.memory_space<vmem>>
      %dma_wait3A_411 = tpu.memref_squeeze %dma_wait3A_410 : memref<1x128xf32, #tpu.memory_space<vmem>> -> memref<128xf32, #tpu.memory_space<vmem>>
      %dma_wait3A_412 = arith.constant 0 : i32
      %dma_wait3A_413 = tpu.memref_slice %arg6[%dma_wait3A_407, %dma_wait3A_412] : memref<40x256xi32, #tpu.memory_space<vmem>> -> memref<1x128xi32, #tpu.memory_space<vmem>>
      %dma_wait3A_414 = tpu.memref_squeeze %dma_wait3A_413 : memref<1x128xi32, #tpu.memory_space<vmem>> -> memref<128xi32, #tpu.memory_space<vmem>>
      %dma_wait3A_415 = arith.constant 0 : i32
      %dma_wait3A_416 = tpu.memref_slice %arg5[%dma_wait3A_415] : memref<1048576xf32, #tpu.memory_space<vmem_shared>> -> memref<1048576xf32, #tpu.memory_space<vmem_shared>>
      tpu.wait_indirect_dma semaphore(%arg13 : memref<!tpu.dma_semaphore, #tpu.memory_space<semaphore_mem>>) src(%dma_wait3A_416 : memref<1048576xf32, #tpu.memory_space<vmem_shared>>) dst(%dma_wait3A_411 : memref<128xf32, #tpu.memory_space<vmem>>)
    }
    %scan3A_117 = arith.constant 80 : i32
    %dma_start3A_118 = arith.constant 40 : i32
    %dma_start3A_119 = tpu.memref_slice %arg4[%dma_start3A_118, %add3A_30] : memref<200x16384xf32, #tpu.memory_space<hbm>> -> memref<40x256xf32, #tpu.memory_space<hbm>>
    %dma_start3A_120 = arith.constant 40 : i32
    %dma_start3A_121 = tpu.memref_slice %arg4[%dma_start3A_120, %add3A_30] : memref<200x16384xf32, #tpu.memory_space<hbm>> -> memref<40x256xf32, #tpu.memory_space<hbm>>
    tpu.enqueue_dma source(%arg8 : memref<40x256xf32, #tpu.memory_space<vmem>>) target(%dma_start3A_121 : memref<40x256xf32, #tpu.memory_space<hbm>>) target_semaphore(%arg14 : memref<!tpu.dma_semaphore, #tpu.memory_space<semaphore_mem>>)
    %dma_wait3A_122 = arith.constant 0 : i32
    %dma_wait3A_123 = tpu.memref_slice %arg4[%dma_wait3A_122, %add3A_28] : memref<200x16384xf32, #tpu.memory_space<hbm>> -> memref<40x256xf32, #tpu.memory_space<hbm>>
    %dma_wait3A_124 = arith.constant 0 : i32
    %dma_wait3A_125 = tpu.memref_slice %arg4[%dma_wait3A_124, %add3A_28] : memref<200x16384xf32, #tpu.memory_space<hbm>> -> memref<40x256xf32, #tpu.memory_space<hbm>>
    tpu.wait_dma2 semaphore(%arg15 : memref<!tpu.dma_semaphore, #tpu.memory_space<semaphore_mem>>) src(%arg9 : memref<40x256xf32, #tpu.memory_space<vmem>>) dst(%dma_wait3A_125 : memref<40x256xf32, #tpu.memory_space<hbm>>)
    %dma_wait3A_126 = arith.constant 40 : i32
    %dma_wait3A_127 = tpu.memref_slice %arg2[%dma_wait3A_126, %add3A_12] : memref<200x16384xi32, #tpu.memory_space<hbm>> -> memref<40x256xi32, #tpu.memory_space<hbm>>
    %dma_wait3A_128 = arith.constant 40 : i32
    %dma_wait3A_129 = tpu.memref_slice %arg2[%dma_wait3A_128, %add3A_12] : memref<200x16384xi32, #tpu.memory_space<hbm>> -> memref<40x256xi32, #tpu.memory_space<hbm>>
    tpu.wait_dma2 semaphore(%arg12 : memref<!tpu.dma_semaphore, #tpu.memory_space<semaphore_mem>>) src(%dma_wait3A_129 : memref<40x256xi32, #tpu.memory_space<hbm>>) dst(%arg7 : memref<40x256xi32, #tpu.memory_space<vmem>>)
    %dma_start3A_130 = arith.constant 80 : i32
    %dma_start3A_131 = tpu.memref_slice %arg2[%dma_start3A_130, %add3A_14] : memref<200x16384xi32, #tpu.memory_space<hbm>> -> memref<40x256xi32, #tpu.memory_space<hbm>>
    %dma_start3A_132 = arith.constant 80 : i32
    %dma_start3A_133 = tpu.memref_slice %arg2[%dma_start3A_132, %add3A_14] : memref<200x16384xi32, #tpu.memory_space<hbm>> -> memref<40x256xi32, #tpu.memory_space<hbm>>
    tpu.enqueue_dma source(%dma_start3A_133 : memref<40x256xi32, #tpu.memory_space<hbm>>) target(%arg6 : memref<40x256xi32, #tpu.memory_space<vmem>>) target_semaphore(%arg11 : memref<!tpu.dma_semaphore, #tpu.memory_space<semaphore_mem>>)
    %scan3A_134 = arith.constant 0 : i32
    %scan3A_135 = arith.constant 0 : i32
    %scan3A_136 = arith.constant 80 : i32
    %scan3A_137 = arith.addi %scan3A_135, %scan3A_136 : i32
    %scan3A_138 = arith.constant 8 : i32
    scf.for %scan3A_322 = %scan3A_135 to %scan3A_137 step %scan3A_138  : i32 {
      %shift_right_arithmetic3A = arith.constant 1 : i32
      %shift_right_arithmetic3A_323 = arith.shrsi %scan3A_322, %shift_right_arithmetic3A : i32
      %and3A = arith.constant 1 : i32
      %and3A_324 = arith.andi %scan3A_322, %and3A : i32
      %mul3A_325 = arith.constant 128 : i32
      %mul3A_326 = arith.muli %and3A_324, %mul3A_325 : i32
      %dma_start3A_327 = tpu.memref_slice %arg9[%shift_right_arithmetic3A_323, %mul3A_326] : memref<40x256xf32, #tpu.memory_space<vmem>> -> memref<1x128xf32, #tpu.memory_space<vmem>>
      %dma_start3A_328 = tpu.memref_squeeze %dma_start3A_327 : memref<1x128xf32, #tpu.memory_space<vmem>> -> memref<128xf32, #tpu.memory_space<vmem>>
      %dma_start3A_329 = tpu.memref_slice %arg7[%shift_right_arithmetic3A_323, %mul3A_326] : memref<40x256xi32, #tpu.memory_space<vmem>> -> memref<1x128xi32, #tpu.memory_space<vmem>>
      %dma_start3A_330 = tpu.memref_squeeze %dma_start3A_329 : memref<1x128xi32, #tpu.memory_space<vmem>> -> memref<128xi32, #tpu.memory_space<vmem>>
      %dma_start3A_331 = arith.constant 0 : i32
      %dma_start3A_332 = tpu.memref_slice %arg5[%dma_start3A_331] : memref<1048576xf32, #tpu.memory_space<vmem_shared>> -> memref<1048576xf32, #tpu.memory_space<vmem_shared>>
      tpu.enqueue_indirect_dma source(%dma_start3A_332 : memref<1048576xf32, #tpu.memory_space<vmem_shared>>) target(%dma_start3A_328 : memref<128xf32, #tpu.memory_space<vmem>>) offsets(%dma_start3A_330 : memref<128xi32, #tpu.memory_space<vmem>>) semaphore(%arg13 : memref<!tpu.dma_semaphore, #tpu.memory_space<semaphore_mem>>)
      %scan3A_333 = arith.constant 1 : i32
      %scan3A_334 = arith.addi %scan3A_322, %scan3A_333 : i32
      %shift_right_arithmetic3A_335 = arith.constant 1 : i32
      %shift_right_arithmetic3A_336 = arith.shrsi %scan3A_334, %shift_right_arithmetic3A_335 : i32
      %and3A_337 = arith.constant 1 : i32
      %and3A_338 = arith.andi %scan3A_334, %and3A_337 : i32
      %mul3A_339 = arith.constant 128 : i32
      %mul3A_340 = arith.muli %and3A_338, %mul3A_339 : i32
      %dma_start3A_341 = tpu.memref_slice %arg9[%shift_right_arithmetic3A_336, %mul3A_340] : memref<40x256xf32, #tpu.memory_space<vmem>> -> memref<1x128xf32, #tpu.memory_space<vmem>>
      %dma_start3A_342 = tpu.memref_squeeze %dma_start3A_341 : memref<1x128xf32, #tpu.memory_space<vmem>> -> memref<128xf32, #tpu.memory_space<vmem>>
      %dma_start3A_343 = tpu.memref_slice %arg7[%shift_right_arithmetic3A_336, %mul3A_340] : memref<40x256xi32, #tpu.memory_space<vmem>> -> memref<1x128xi32, #tpu.memory_space<vmem>>
      %dma_start3A_344 = tpu.memref_squeeze %dma_start3A_343 : memref<1x128xi32, #tpu.memory_space<vmem>> -> memref<128xi32, #tpu.memory_space<vmem>>
      %dma_start3A_345 = arith.constant 0 : i32
      %dma_start3A_346 = tpu.memref_slice %arg5[%dma_start3A_345] : memref<1048576xf32, #tpu.memory_space<vmem_shared>> -> memref<1048576xf32, #tpu.memory_space<vmem_shared>>
      tpu.enqueue_indirect_dma source(%dma_start3A_346 : memref<1048576xf32, #tpu.memory_space<vmem_shared>>) target(%dma_start3A_342 : memref<128xf32, #tpu.memory_space<vmem>>) offsets(%dma_start3A_344 : memref<128xi32, #tpu.memory_space<vmem>>) semaphore(%arg13 : memref<!tpu.dma_semaphore, #tpu.memory_space<semaphore_mem>>)
      %scan3A_347 = arith.constant 2 : i32
      %scan3A_348 = arith.addi %scan3A_322, %scan3A_347 : i32
      %shift_right_arithmetic3A_349 = arith.constant 1 : i32
      %shift_right_arithmetic3A_350 = arith.shrsi %scan3A_348, %shift_right_arithmetic3A_349 : i32
      %and3A_351 = arith.constant 1 : i32
      %and3A_352 = arith.andi %scan3A_348, %and3A_351 : i32
      %mul3A_353 = arith.constant 128 : i32
      %mul3A_354 = arith.muli %and3A_352, %mul3A_353 : i32
      %dma_start3A_355 = tpu.memref_slice %arg9[%shift_right_arithmetic3A_350, %mul3A_354] : memref<40x256xf32, #tpu.memory_space<vmem>> -> memref<1x128xf32, #tpu.memory_space<vmem>>
      %dma_start3A_356 = tpu.memref_squeeze %dma_start3A_355 : memref<1x128xf32, #tpu.memory_space<vmem>> -> memref<128xf32, #tpu.memory_space<vmem>>
      %dma_start3A_357 = tpu.memref_slice %arg7[%shift_right_arithmetic3A_350, %mul3A_354] : memref<40x256xi32, #tpu.memory_space<vmem>> -> memref<1x128xi32, #tpu.memory_space<vmem>>
      %dma_start3A_358 = tpu.memref_squeeze %dma_start3A_357 : memref<1x128xi32, #tpu.memory_space<vmem>> -> memref<128xi32, #tpu.memory_space<vmem>>
      %dma_start3A_359 = arith.constant 0 : i32
      %dma_start3A_360 = tpu.memref_slice %arg5[%dma_start3A_359] : memref<1048576xf32, #tpu.memory_space<vmem_shared>> -> memref<1048576xf32, #tpu.memory_space<vmem_shared>>
      tpu.enqueue_indirect_dma source(%dma_start3A_360 : memref<1048576xf32, #tpu.memory_space<vmem_shared>>) target(%dma_start3A_356 : memref<128xf32, #tpu.memory_space<vmem>>) offsets(%dma_start3A_358 : memref<128xi32, #tpu.memory_space<vmem>>) semaphore(%arg13 : memref<!tpu.dma_semaphore, #tpu.memory_space<semaphore_mem>>)
      %scan3A_361 = arith.constant 3 : i32
      %scan3A_362 = arith.addi %scan3A_322, %scan3A_361 : i32
      %shift_right_arithmetic3A_363 = arith.constant 1 : i32
      %shift_right_arithmetic3A_364 = arith.shrsi %scan3A_362, %shift_right_arithmetic3A_363 : i32
      %and3A_365 = arith.constant 1 : i32
      %and3A_366 = arith.andi %scan3A_362, %and3A_365 : i32
      %mul3A_367 = arith.constant 128 : i32
      %mul3A_368 = arith.muli %and3A_366, %mul3A_367 : i32
      %dma_start3A_369 = tpu.memref_slice %arg9[%shift_right_arithmetic3A_364, %mul3A_368] : memref<40x256xf32, #tpu.memory_space<vmem>> -> memref<1x128xf32, #tpu.memory_space<vmem>>
      %dma_start3A_370 = tpu.memref_squeeze %dma_start3A_369 : memref<1x128xf32, #tpu.memory_space<vmem>> -> memref<128xf32, #tpu.memory_space<vmem>>
      %dma_start3A_371 = tpu.memref_slice %arg7[%shift_right_arithmetic3A_364, %mul3A_368] : memref<40x256xi32, #tpu.memory_space<vmem>> -> memref<1x128xi32, #tpu.memory_space<vmem>>
      %dma_start3A_372 = tpu.memref_squeeze %dma_start3A_371 : memref<1x128xi32, #tpu.memory_space<vmem>> -> memref<128xi32, #tpu.memory_space<vmem>>
      %dma_start3A_373 = arith.constant 0 : i32
      %dma_start3A_374 = tpu.memref_slice %arg5[%dma_start3A_373] : memref<1048576xf32, #tpu.memory_space<vmem_shared>> -> memref<1048576xf32, #tpu.memory_space<vmem_shared>>
      tpu.enqueue_indirect_dma source(%dma_start3A_374 : memref<1048576xf32, #tpu.memory_space<vmem_shared>>) target(%dma_start3A_370 : memref<128xf32, #tpu.memory_space<vmem>>) offsets(%dma_start3A_372 : memref<128xi32, #tpu.memory_space<vmem>>) semaphore(%arg13 : memref<!tpu.dma_semaphore, #tpu.memory_space<semaphore_mem>>)
      %scan3A_375 = arith.constant 4 : i32
      %scan3A_376 = arith.addi %scan3A_322, %scan3A_375 : i32
      %shift_right_arithmetic3A_377 = arith.constant 1 : i32
      %shift_right_arithmetic3A_378 = arith.shrsi %scan3A_376, %shift_right_arithmetic3A_377 : i32
      %and3A_379 = arith.constant 1 : i32
      %and3A_380 = arith.andi %scan3A_376, %and3A_379 : i32
      %mul3A_381 = arith.constant 128 : i32
      %mul3A_382 = arith.muli %and3A_380, %mul3A_381 : i32
      %dma_start3A_383 = tpu.memref_slice %arg9[%shift_right_arithmetic3A_378, %mul3A_382] : memref<40x256xf32, #tpu.memory_space<vmem>> -> memref<1x128xf32, #tpu.memory_space<vmem>>
      %dma_start3A_384 = tpu.memref_squeeze %dma_start3A_383 : memref<1x128xf32, #tpu.memory_space<vmem>> -> memref<128xf32, #tpu.memory_space<vmem>>
      %dma_start3A_385 = tpu.memref_slice %arg7[%shift_right_arithmetic3A_378, %mul3A_382] : memref<40x256xi32, #tpu.memory_space<vmem>> -> memref<1x128xi32, #tpu.memory_space<vmem>>
      %dma_start3A_386 = tpu.memref_squeeze %dma_start3A_385 : memref<1x128xi32, #tpu.memory_space<vmem>> -> memref<128xi32, #tpu.memory_space<vmem>>
      %dma_start3A_387 = arith.constant 0 : i32
      %dma_start3A_388 = tpu.memref_slice %arg5[%dma_start3A_387] : memref<1048576xf32, #tpu.memory_space<vmem_shared>> -> memref<1048576xf32, #tpu.memory_space<vmem_shared>>
      tpu.enqueue_indirect_dma source(%dma_start3A_388 : memref<1048576xf32, #tpu.memory_space<vmem_shared>>) target(%dma_start3A_384 : memref<128xf32, #tpu.memory_space<vmem>>) offsets(%dma_start3A_386 : memref<128xi32, #tpu.memory_space<vmem>>) semaphore(%arg13 : memref<!tpu.dma_semaphore, #tpu.memory_space<semaphore_mem>>)
      %scan3A_389 = arith.constant 5 : i32
      %scan3A_390 = arith.addi %scan3A_322, %scan3A_389 : i32
      %shift_right_arithmetic3A_391 = arith.constant 1 : i32
      %shift_right_arithmetic3A_392 = arith.shrsi %scan3A_390, %shift_right_arithmetic3A_391 : i32
      %and3A_393 = arith.constant 1 : i32
      %and3A_394 = arith.andi %scan3A_390, %and3A_393 : i32
      %mul3A_395 = arith.constant 128 : i32
      %mul3A_396 = arith.muli %and3A_394, %mul3A_395 : i32
      %dma_start3A_397 = tpu.memref_slice %arg9[%shift_right_arithmetic3A_392, %mul3A_396] : memref<40x256xf32, #tpu.memory_space<vmem>> -> memref<1x128xf32, #tpu.memory_space<vmem>>
      %dma_start3A_398 = tpu.memref_squeeze %dma_start3A_397 : memref<1x128xf32, #tpu.memory_space<vmem>> -> memref<128xf32, #tpu.memory_space<vmem>>
      %dma_start3A_399 = tpu.memref_slice %arg7[%shift_right_arithmetic3A_392, %mul3A_396] : memref<40x256xi32, #tpu.memory_space<vmem>> -> memref<1x128xi32, #tpu.memory_space<vmem>>
      %dma_start3A_400 = tpu.memref_squeeze %dma_start3A_399 : memref<1x128xi32, #tpu.memory_space<vmem>> -> memref<128xi32, #tpu.memory_space<vmem>>
      %dma_start3A_401 = arith.constant 0 : i32
      %dma_start3A_402 = tpu.memref_slice %arg5[%dma_start3A_401] : memref<1048576xf32, #tpu.memory_space<vmem_shared>> -> memref<1048576xf32, #tpu.memory_space<vmem_shared>>
      tpu.enqueue_indirect_dma source(%dma_start3A_402 : memref<1048576xf32, #tpu.memory_space<vmem_shared>>) target(%dma_start3A_398 : memref<128xf32, #tpu.memory_space<vmem>>) offsets(%dma_start3A_400 : memref<128xi32, #tpu.memory_space<vmem>>) semaphore(%arg13 : memref<!tpu.dma_semaphore, #tpu.memory_space<semaphore_mem>>)
      %scan3A_403 = arith.constant 6 : i32
      %scan3A_404 = arith.addi %scan3A_322, %scan3A_403 : i32
      %shift_right_arithmetic3A_405 = arith.constant 1 : i32
      %shift_right_arithmetic3A_406 = arith.shrsi %scan3A_404, %shift_right_arithmetic3A_405 : i32
      %and3A_407 = arith.constant 1 : i32
      %and3A_408 = arith.andi %scan3A_404, %and3A_407 : i32
      %mul3A_409 = arith.constant 128 : i32
      %mul3A_410 = arith.muli %and3A_408, %mul3A_409 : i32
      %dma_start3A_411 = tpu.memref_slice %arg9[%shift_right_arithmetic3A_406, %mul3A_410] : memref<40x256xf32, #tpu.memory_space<vmem>> -> memref<1x128xf32, #tpu.memory_space<vmem>>
      %dma_start3A_412 = tpu.memref_squeeze %dma_start3A_411 : memref<1x128xf32, #tpu.memory_space<vmem>> -> memref<128xf32, #tpu.memory_space<vmem>>
      %dma_start3A_413 = tpu.memref_slice %arg7[%shift_right_arithmetic3A_406, %mul3A_410] : memref<40x256xi32, #tpu.memory_space<vmem>> -> memref<1x128xi32, #tpu.memory_space<vmem>>
      %dma_start3A_414 = tpu.memref_squeeze %dma_start3A_413 : memref<1x128xi32, #tpu.memory_space<vmem>> -> memref<128xi32, #tpu.memory_space<vmem>>
      %dma_start3A_415 = arith.constant 0 : i32
      %dma_start3A_416 = tpu.memref_slice %arg5[%dma_start3A_415] : memref<1048576xf32, #tpu.memory_space<vmem_shared>> -> memref<1048576xf32, #tpu.memory_space<vmem_shared>>
      tpu.enqueue_indirect_dma source(%dma_start3A_416 : memref<1048576xf32, #tpu.memory_space<vmem_shared>>) target(%dma_start3A_412 : memref<128xf32, #tpu.memory_space<vmem>>) offsets(%dma_start3A_414 : memref<128xi32, #tpu.memory_space<vmem>>) semaphore(%arg13 : memref<!tpu.dma_semaphore, #tpu.memory_space<semaphore_mem>>)
      %scan3A_417 = arith.constant 7 : i32
      %scan3A_418 = arith.addi %scan3A_322, %scan3A_417 : i32
      %shift_right_arithmetic3A_419 = arith.constant 1 : i32
      %shift_right_arithmetic3A_420 = arith.shrsi %scan3A_418, %shift_right_arithmetic3A_419 : i32
      %and3A_421 = arith.constant 1 : i32
      %and3A_422 = arith.andi %scan3A_418, %and3A_421 : i32
      %mul3A_423 = arith.constant 128 : i32
      %mul3A_424 = arith.muli %and3A_422, %mul3A_423 : i32
      %dma_start3A_425 = tpu.memref_slice %arg9[%shift_right_arithmetic3A_420, %mul3A_424] : memref<40x256xf32, #tpu.memory_space<vmem>> -> memref<1x128xf32, #tpu.memory_space<vmem>>
      %dma_start3A_426 = tpu.memref_squeeze %dma_start3A_425 : memref<1x128xf32, #tpu.memory_space<vmem>> -> memref<128xf32, #tpu.memory_space<vmem>>
      %dma_start3A_427 = tpu.memref_slice %arg7[%shift_right_arithmetic3A_420, %mul3A_424] : memref<40x256xi32, #tpu.memory_space<vmem>> -> memref<1x128xi32, #tpu.memory_space<vmem>>
      %dma_start3A_428 = tpu.memref_squeeze %dma_start3A_427 : memref<1x128xi32, #tpu.memory_space<vmem>> -> memref<128xi32, #tpu.memory_space<vmem>>
      %dma_start3A_429 = arith.constant 0 : i32
      %dma_start3A_430 = tpu.memref_slice %arg5[%dma_start3A_429] : memref<1048576xf32, #tpu.memory_space<vmem_shared>> -> memref<1048576xf32, #tpu.memory_space<vmem_shared>>
      tpu.enqueue_indirect_dma source(%dma_start3A_430 : memref<1048576xf32, #tpu.memory_space<vmem_shared>>) target(%dma_start3A_426 : memref<128xf32, #tpu.memory_space<vmem>>) offsets(%dma_start3A_428 : memref<128xi32, #tpu.memory_space<vmem>>) semaphore(%arg13 : memref<!tpu.dma_semaphore, #tpu.memory_space<semaphore_mem>>)
    }
    %scan3A_139 = arith.constant 80 : i32
    %scan3A_140 = arith.constant 0 : i32
    %scan3A_141 = arith.constant 0 : i32
    %scan3A_142 = arith.constant 80 : i32
    %scan3A_143 = arith.addi %scan3A_141, %scan3A_142 : i32
    %scan3A_144 = arith.constant 8 : i32
    scf.for %scan3A_322 = %scan3A_141 to %scan3A_143 step %scan3A_144  : i32 {
      %dma_wait3A_323 = arith.constant 0 : i32
      %dma_wait3A_324 = arith.constant 0 : i32
      %dma_wait3A_325 = arith.constant 0 : i32
      %dma_wait3A_326 = tpu.memref_slice %arg9[%dma_wait3A_324, %dma_wait3A_325] : memref<40x256xf32, #tpu.memory_space<vmem>> -> memref<1x128xf32, #tpu.memory_space<vmem>>
      %dma_wait3A_327 = tpu.memref_squeeze %dma_wait3A_326 : memref<1x128xf32, #tpu.memory_space<vmem>> -> memref<128xf32, #tpu.memory_space<vmem>>
      %dma_wait3A_328 = arith.constant 0 : i32
      %dma_wait3A_329 = tpu.memref_slice %arg7[%dma_wait3A_323, %dma_wait3A_328] : memref<40x256xi32, #tpu.memory_space<vmem>> -> memref<1x128xi32, #tpu.memory_space<vmem>>
      %dma_wait3A_330 = tpu.memref_squeeze %dma_wait3A_329 : memref<1x128xi32, #tpu.memory_space<vmem>> -> memref<128xi32, #tpu.memory_space<vmem>>
      %dma_wait3A_331 = arith.constant 0 : i32
      %dma_wait3A_332 = tpu.memref_slice %arg5[%dma_wait3A_331] : memref<1048576xf32, #tpu.memory_space<vmem_shared>> -> memref<1048576xf32, #tpu.memory_space<vmem_shared>>
      tpu.wait_indirect_dma semaphore(%arg13 : memref<!tpu.dma_semaphore, #tpu.memory_space<semaphore_mem>>) src(%dma_wait3A_332 : memref<1048576xf32, #tpu.memory_space<vmem_shared>>) dst(%dma_wait3A_327 : memref<128xf32, #tpu.memory_space<vmem>>)
      %scan3A_333 = arith.constant 1 : i32
      %scan3A_334 = arith.addi %scan3A_322, %scan3A_333 : i32
      %dma_wait3A_335 = arith.constant 0 : i32
      %dma_wait3A_336 = arith.constant 0 : i32
      %dma_wait3A_337 = arith.constant 0 : i32
      %dma_wait3A_338 = tpu.memref_slice %arg9[%dma_wait3A_336, %dma_wait3A_337] : memref<40x256xf32, #tpu.memory_space<vmem>> -> memref<1x128xf32, #tpu.memory_space<vmem>>
      %dma_wait3A_339 = tpu.memref_squeeze %dma_wait3A_338 : memref<1x128xf32, #tpu.memory_space<vmem>> -> memref<128xf32, #tpu.memory_space<vmem>>
      %dma_wait3A_340 = arith.constant 0 : i32
      %dma_wait3A_341 = tpu.memref_slice %arg7[%dma_wait3A_335, %dma_wait3A_340] : memref<40x256xi32, #tpu.memory_space<vmem>> -> memref<1x128xi32, #tpu.memory_space<vmem>>
      %dma_wait3A_342 = tpu.memref_squeeze %dma_wait3A_341 : memref<1x128xi32, #tpu.memory_space<vmem>> -> memref<128xi32, #tpu.memory_space<vmem>>
      %dma_wait3A_343 = arith.constant 0 : i32
      %dma_wait3A_344 = tpu.memref_slice %arg5[%dma_wait3A_343] : memref<1048576xf32, #tpu.memory_space<vmem_shared>> -> memref<1048576xf32, #tpu.memory_space<vmem_shared>>
      tpu.wait_indirect_dma semaphore(%arg13 : memref<!tpu.dma_semaphore, #tpu.memory_space<semaphore_mem>>) src(%dma_wait3A_344 : memref<1048576xf32, #tpu.memory_space<vmem_shared>>) dst(%dma_wait3A_339 : memref<128xf32, #tpu.memory_space<vmem>>)
      %scan3A_345 = arith.constant 2 : i32
      %scan3A_346 = arith.addi %scan3A_322, %scan3A_345 : i32
      %dma_wait3A_347 = arith.constant 0 : i32
      %dma_wait3A_348 = arith.constant 0 : i32
      %dma_wait3A_349 = arith.constant 0 : i32
      %dma_wait3A_350 = tpu.memref_slice %arg9[%dma_wait3A_348, %dma_wait3A_349] : memref<40x256xf32, #tpu.memory_space<vmem>> -> memref<1x128xf32, #tpu.memory_space<vmem>>
      %dma_wait3A_351 = tpu.memref_squeeze %dma_wait3A_350 : memref<1x128xf32, #tpu.memory_space<vmem>> -> memref<128xf32, #tpu.memory_space<vmem>>
      %dma_wait3A_352 = arith.constant 0 : i32
      %dma_wait3A_353 = tpu.memref_slice %arg7[%dma_wait3A_347, %dma_wait3A_352] : memref<40x256xi32, #tpu.memory_space<vmem>> -> memref<1x128xi32, #tpu.memory_space<vmem>>
      %dma_wait3A_354 = tpu.memref_squeeze %dma_wait3A_353 : memref<1x128xi32, #tpu.memory_space<vmem>> -> memref<128xi32, #tpu.memory_space<vmem>>
      %dma_wait3A_355 = arith.constant 0 : i32
      %dma_wait3A_356 = tpu.memref_slice %arg5[%dma_wait3A_355] : memref<1048576xf32, #tpu.memory_space<vmem_shared>> -> memref<1048576xf32, #tpu.memory_space<vmem_shared>>
      tpu.wait_indirect_dma semaphore(%arg13 : memref<!tpu.dma_semaphore, #tpu.memory_space<semaphore_mem>>) src(%dma_wait3A_356 : memref<1048576xf32, #tpu.memory_space<vmem_shared>>) dst(%dma_wait3A_351 : memref<128xf32, #tpu.memory_space<vmem>>)
      %scan3A_357 = arith.constant 3 : i32
      %scan3A_358 = arith.addi %scan3A_322, %scan3A_357 : i32
      %dma_wait3A_359 = arith.constant 0 : i32
      %dma_wait3A_360 = arith.constant 0 : i32
      %dma_wait3A_361 = arith.constant 0 : i32
      %dma_wait3A_362 = tpu.memref_slice %arg9[%dma_wait3A_360, %dma_wait3A_361] : memref<40x256xf32, #tpu.memory_space<vmem>> -> memref<1x128xf32, #tpu.memory_space<vmem>>
      %dma_wait3A_363 = tpu.memref_squeeze %dma_wait3A_362 : memref<1x128xf32, #tpu.memory_space<vmem>> -> memref<128xf32, #tpu.memory_space<vmem>>
      %dma_wait3A_364 = arith.constant 0 : i32
      %dma_wait3A_365 = tpu.memref_slice %arg7[%dma_wait3A_359, %dma_wait3A_364] : memref<40x256xi32, #tpu.memory_space<vmem>> -> memref<1x128xi32, #tpu.memory_space<vmem>>
      %dma_wait3A_366 = tpu.memref_squeeze %dma_wait3A_365 : memref<1x128xi32, #tpu.memory_space<vmem>> -> memref<128xi32, #tpu.memory_space<vmem>>
      %dma_wait3A_367 = arith.constant 0 : i32
      %dma_wait3A_368 = tpu.memref_slice %arg5[%dma_wait3A_367] : memref<1048576xf32, #tpu.memory_space<vmem_shared>> -> memref<1048576xf32, #tpu.memory_space<vmem_shared>>
      tpu.wait_indirect_dma semaphore(%arg13 : memref<!tpu.dma_semaphore, #tpu.memory_space<semaphore_mem>>) src(%dma_wait3A_368 : memref<1048576xf32, #tpu.memory_space<vmem_shared>>) dst(%dma_wait3A_363 : memref<128xf32, #tpu.memory_space<vmem>>)
      %scan3A_369 = arith.constant 4 : i32
      %scan3A_370 = arith.addi %scan3A_322, %scan3A_369 : i32
      %dma_wait3A_371 = arith.constant 0 : i32
      %dma_wait3A_372 = arith.constant 0 : i32
      %dma_wait3A_373 = arith.constant 0 : i32
      %dma_wait3A_374 = tpu.memref_slice %arg9[%dma_wait3A_372, %dma_wait3A_373] : memref<40x256xf32, #tpu.memory_space<vmem>> -> memref<1x128xf32, #tpu.memory_space<vmem>>
      %dma_wait3A_375 = tpu.memref_squeeze %dma_wait3A_374 : memref<1x128xf32, #tpu.memory_space<vmem>> -> memref<128xf32, #tpu.memory_space<vmem>>
      %dma_wait3A_376 = arith.constant 0 : i32
      %dma_wait3A_377 = tpu.memref_slice %arg7[%dma_wait3A_371, %dma_wait3A_376] : memref<40x256xi32, #tpu.memory_space<vmem>> -> memref<1x128xi32, #tpu.memory_space<vmem>>
      %dma_wait3A_378 = tpu.memref_squeeze %dma_wait3A_377 : memref<1x128xi32, #tpu.memory_space<vmem>> -> memref<128xi32, #tpu.memory_space<vmem>>
      %dma_wait3A_379 = arith.constant 0 : i32
      %dma_wait3A_380 = tpu.memref_slice %arg5[%dma_wait3A_379] : memref<1048576xf32, #tpu.memory_space<vmem_shared>> -> memref<1048576xf32, #tpu.memory_space<vmem_shared>>
      tpu.wait_indirect_dma semaphore(%arg13 : memref<!tpu.dma_semaphore, #tpu.memory_space<semaphore_mem>>) src(%dma_wait3A_380 : memref<1048576xf32, #tpu.memory_space<vmem_shared>>) dst(%dma_wait3A_375 : memref<128xf32, #tpu.memory_space<vmem>>)
      %scan3A_381 = arith.constant 5 : i32
      %scan3A_382 = arith.addi %scan3A_322, %scan3A_381 : i32
      %dma_wait3A_383 = arith.constant 0 : i32
      %dma_wait3A_384 = arith.constant 0 : i32
      %dma_wait3A_385 = arith.constant 0 : i32
      %dma_wait3A_386 = tpu.memref_slice %arg9[%dma_wait3A_384, %dma_wait3A_385] : memref<40x256xf32, #tpu.memory_space<vmem>> -> memref<1x128xf32, #tpu.memory_space<vmem>>
      %dma_wait3A_387 = tpu.memref_squeeze %dma_wait3A_386 : memref<1x128xf32, #tpu.memory_space<vmem>> -> memref<128xf32, #tpu.memory_space<vmem>>
      %dma_wait3A_388 = arith.constant 0 : i32
      %dma_wait3A_389 = tpu.memref_slice %arg7[%dma_wait3A_383, %dma_wait3A_388] : memref<40x256xi32, #tpu.memory_space<vmem>> -> memref<1x128xi32, #tpu.memory_space<vmem>>
      %dma_wait3A_390 = tpu.memref_squeeze %dma_wait3A_389 : memref<1x128xi32, #tpu.memory_space<vmem>> -> memref<128xi32, #tpu.memory_space<vmem>>
      %dma_wait3A_391 = arith.constant 0 : i32
      %dma_wait3A_392 = tpu.memref_slice %arg5[%dma_wait3A_391] : memref<1048576xf32, #tpu.memory_space<vmem_shared>> -> memref<1048576xf32, #tpu.memory_space<vmem_shared>>
      tpu.wait_indirect_dma semaphore(%arg13 : memref<!tpu.dma_semaphore, #tpu.memory_space<semaphore_mem>>) src(%dma_wait3A_392 : memref<1048576xf32, #tpu.memory_space<vmem_shared>>) dst(%dma_wait3A_387 : memref<128xf32, #tpu.memory_space<vmem>>)
      %scan3A_393 = arith.constant 6 : i32
      %scan3A_394 = arith.addi %scan3A_322, %scan3A_393 : i32
      %dma_wait3A_395 = arith.constant 0 : i32
      %dma_wait3A_396 = arith.constant 0 : i32
      %dma_wait3A_397 = arith.constant 0 : i32
      %dma_wait3A_398 = tpu.memref_slice %arg9[%dma_wait3A_396, %dma_wait3A_397] : memref<40x256xf32, #tpu.memory_space<vmem>> -> memref<1x128xf32, #tpu.memory_space<vmem>>
      %dma_wait3A_399 = tpu.memref_squeeze %dma_wait3A_398 : memref<1x128xf32, #tpu.memory_space<vmem>> -> memref<128xf32, #tpu.memory_space<vmem>>
      %dma_wait3A_400 = arith.constant 0 : i32
      %dma_wait3A_401 = tpu.memref_slice %arg7[%dma_wait3A_395, %dma_wait3A_400] : memref<40x256xi32, #tpu.memory_space<vmem>> -> memref<1x128xi32, #tpu.memory_space<vmem>>
      %dma_wait3A_402 = tpu.memref_squeeze %dma_wait3A_401 : memref<1x128xi32, #tpu.memory_space<vmem>> -> memref<128xi32, #tpu.memory_space<vmem>>
      %dma_wait3A_403 = arith.constant 0 : i32
      %dma_wait3A_404 = tpu.memref_slice %arg5[%dma_wait3A_403] : memref<1048576xf32, #tpu.memory_space<vmem_shared>> -> memref<1048576xf32, #tpu.memory_space<vmem_shared>>
      tpu.wait_indirect_dma semaphore(%arg13 : memref<!tpu.dma_semaphore, #tpu.memory_space<semaphore_mem>>) src(%dma_wait3A_404 : memref<1048576xf32, #tpu.memory_space<vmem_shared>>) dst(%dma_wait3A_399 : memref<128xf32, #tpu.memory_space<vmem>>)
      %scan3A_405 = arith.constant 7 : i32
      %scan3A_406 = arith.addi %scan3A_322, %scan3A_405 : i32
      %dma_wait3A_407 = arith.constant 0 : i32
      %dma_wait3A_408 = arith.constant 0 : i32
      %dma_wait3A_409 = arith.constant 0 : i32
      %dma_wait3A_410 = tpu.memref_slice %arg9[%dma_wait3A_408, %dma_wait3A_409] : memref<40x256xf32, #tpu.memory_space<vmem>> -> memref<1x128xf32, #tpu.memory_space<vmem>>
      %dma_wait3A_411 = tpu.memref_squeeze %dma_wait3A_410 : memref<1x128xf32, #tpu.memory_space<vmem>> -> memref<128xf32, #tpu.memory_space<vmem>>
      %dma_wait3A_412 = arith.constant 0 : i32
      %dma_wait3A_413 = tpu.memref_slice %arg7[%dma_wait3A_407, %dma_wait3A_412] : memref<40x256xi32, #tpu.memory_space<vmem>> -> memref<1x128xi32, #tpu.memory_space<vmem>>
      %dma_wait3A_414 = tpu.memref_squeeze %dma_wait3A_413 : memref<1x128xi32, #tpu.memory_space<vmem>> -> memref<128xi32, #tpu.memory_space<vmem>>
      %dma_wait3A_415 = arith.constant 0 : i32
      %dma_wait3A_416 = tpu.memref_slice %arg5[%dma_wait3A_415] : memref<1048576xf32, #tpu.memory_space<vmem_shared>> -> memref<1048576xf32, #tpu.memory_space<vmem_shared>>
      tpu.wait_indirect_dma semaphore(%arg13 : memref<!tpu.dma_semaphore, #tpu.memory_space<semaphore_mem>>) src(%dma_wait3A_416 : memref<1048576xf32, #tpu.memory_space<vmem_shared>>) dst(%dma_wait3A_411 : memref<128xf32, #tpu.memory_space<vmem>>)
    }
    %scan3A_145 = arith.constant 80 : i32
    %dma_start3A_146 = arith.constant 40 : i32
    %dma_start3A_147 = tpu.memref_slice %arg4[%dma_start3A_146, %add3A_32] : memref<200x16384xf32, #tpu.memory_space<hbm>> -> memref<40x256xf32, #tpu.memory_space<hbm>>
    %dma_start3A_148 = arith.constant 40 : i32
    %dma_start3A_149 = tpu.memref_slice %arg4[%dma_start3A_148, %add3A_32] : memref<200x16384xf32, #tpu.memory_space<hbm>> -> memref<40x256xf32, #tpu.memory_space<hbm>>
    tpu.enqueue_dma source(%arg9 : memref<40x256xf32, #tpu.memory_space<vmem>>) target(%dma_start3A_149 : memref<40x256xf32, #tpu.memory_space<hbm>>) target_semaphore(%arg15 : memref<!tpu.dma_semaphore, #tpu.memory_space<semaphore_mem>>)
    %dma_wait3A_150 = arith.constant 40 : i32
    %dma_wait3A_151 = tpu.memref_slice %arg4[%dma_wait3A_150, %add3A_30] : memref<200x16384xf32, #tpu.memory_space<hbm>> -> memref<40x256xf32, #tpu.memory_space<hbm>>
    %dma_wait3A_152 = arith.constant 40 : i32
    %dma_wait3A_153 = tpu.memref_slice %arg4[%dma_wait3A_152, %add3A_30] : memref<200x16384xf32, #tpu.memory_space<hbm>> -> memref<40x256xf32, #tpu.memory_space<hbm>>
    tpu.wait_dma2 semaphore(%arg14 : memref<!tpu.dma_semaphore, #tpu.memory_space<semaphore_mem>>) src(%arg8 : memref<40x256xf32, #tpu.memory_space<vmem>>) dst(%dma_wait3A_153 : memref<40x256xf32, #tpu.memory_space<hbm>>)
    %dma_wait3A_154 = arith.constant 80 : i32
    %dma_wait3A_155 = tpu.memref_slice %arg2[%dma_wait3A_154, %add3A_14] : memref<200x16384xi32, #tpu.memory_space<hbm>> -> memref<40x256xi32, #tpu.memory_space<hbm>>
    %dma_wait3A_156 = arith.constant 80 : i32
    %dma_wait3A_157 = tpu.memref_slice %arg2[%dma_wait3A_156, %add3A_14] : memref<200x16384xi32, #tpu.memory_space<hbm>> -> memref<40x256xi32, #tpu.memory_space<hbm>>
    tpu.wait_dma2 semaphore(%arg11 : memref<!tpu.dma_semaphore, #tpu.memory_space<semaphore_mem>>) src(%dma_wait3A_157 : memref<40x256xi32, #tpu.memory_space<hbm>>) dst(%arg6 : memref<40x256xi32, #tpu.memory_space<vmem>>)
    %dma_start3A_158 = arith.constant 80 : i32
    %dma_start3A_159 = tpu.memref_slice %arg2[%dma_start3A_158, %add3A_16] : memref<200x16384xi32, #tpu.memory_space<hbm>> -> memref<40x256xi32, #tpu.memory_space<hbm>>
    %dma_start3A_160 = arith.constant 80 : i32
    %dma_start3A_161 = tpu.memref_slice %arg2[%dma_start3A_160, %add3A_16] : memref<200x16384xi32, #tpu.memory_space<hbm>> -> memref<40x256xi32, #tpu.memory_space<hbm>>
    tpu.enqueue_dma source(%dma_start3A_161 : memref<40x256xi32, #tpu.memory_space<hbm>>) target(%arg7 : memref<40x256xi32, #tpu.memory_space<vmem>>) target_semaphore(%arg12 : memref<!tpu.dma_semaphore, #tpu.memory_space<semaphore_mem>>)
    %scan3A_162 = arith.constant 0 : i32
    %scan3A_163 = arith.constant 0 : i32
    %scan3A_164 = arith.constant 80 : i32
    %scan3A_165 = arith.addi %scan3A_163, %scan3A_164 : i32
    %scan3A_166 = arith.constant 8 : i32
    scf.for %scan3A_322 = %scan3A_163 to %scan3A_165 step %scan3A_166  : i32 {
      %shift_right_arithmetic3A = arith.constant 1 : i32
      %shift_right_arithmetic3A_323 = arith.shrsi %scan3A_322, %shift_right_arithmetic3A : i32
      %and3A = arith.constant 1 : i32
      %and3A_324 = arith.andi %scan3A_322, %and3A : i32
      %mul3A_325 = arith.constant 128 : i32
      %mul3A_326 = arith.muli %and3A_324, %mul3A_325 : i32
      %dma_start3A_327 = tpu.memref_slice %arg8[%shift_right_arithmetic3A_323, %mul3A_326] : memref<40x256xf32, #tpu.memory_space<vmem>> -> memref<1x128xf32, #tpu.memory_space<vmem>>
      %dma_start3A_328 = tpu.memref_squeeze %dma_start3A_327 : memref<1x128xf32, #tpu.memory_space<vmem>> -> memref<128xf32, #tpu.memory_space<vmem>>
      %dma_start3A_329 = tpu.memref_slice %arg6[%shift_right_arithmetic3A_323, %mul3A_326] : memref<40x256xi32, #tpu.memory_space<vmem>> -> memref<1x128xi32, #tpu.memory_space<vmem>>
      %dma_start3A_330 = tpu.memref_squeeze %dma_start3A_329 : memref<1x128xi32, #tpu.memory_space<vmem>> -> memref<128xi32, #tpu.memory_space<vmem>>
      %dma_start3A_331 = arith.constant 0 : i32
      %dma_start3A_332 = tpu.memref_slice %arg5[%dma_start3A_331] : memref<1048576xf32, #tpu.memory_space<vmem_shared>> -> memref<1048576xf32, #tpu.memory_space<vmem_shared>>
      tpu.enqueue_indirect_dma source(%dma_start3A_332 : memref<1048576xf32, #tpu.memory_space<vmem_shared>>) target(%dma_start3A_328 : memref<128xf32, #tpu.memory_space<vmem>>) offsets(%dma_start3A_330 : memref<128xi32, #tpu.memory_space<vmem>>) semaphore(%arg13 : memref<!tpu.dma_semaphore, #tpu.memory_space<semaphore_mem>>)
      %scan3A_333 = arith.constant 1 : i32
      %scan3A_334 = arith.addi %scan3A_322, %scan3A_333 : i32
      %shift_right_arithmetic3A_335 = arith.constant 1 : i32
      %shift_right_arithmetic3A_336 = arith.shrsi %scan3A_334, %shift_right_arithmetic3A_335 : i32
      %and3A_337 = arith.constant 1 : i32
      %and3A_338 = arith.andi %scan3A_334, %and3A_337 : i32
      %mul3A_339 = arith.constant 128 : i32
      %mul3A_340 = arith.muli %and3A_338, %mul3A_339 : i32
      %dma_start3A_341 = tpu.memref_slice %arg8[%shift_right_arithmetic3A_336, %mul3A_340] : memref<40x256xf32, #tpu.memory_space<vmem>> -> memref<1x128xf32, #tpu.memory_space<vmem>>
      %dma_start3A_342 = tpu.memref_squeeze %dma_start3A_341 : memref<1x128xf32, #tpu.memory_space<vmem>> -> memref<128xf32, #tpu.memory_space<vmem>>
      %dma_start3A_343 = tpu.memref_slice %arg6[%shift_right_arithmetic3A_336, %mul3A_340] : memref<40x256xi32, #tpu.memory_space<vmem>> -> memref<1x128xi32, #tpu.memory_space<vmem>>
      %dma_start3A_344 = tpu.memref_squeeze %dma_start3A_343 : memref<1x128xi32, #tpu.memory_space<vmem>> -> memref<128xi32, #tpu.memory_space<vmem>>
      %dma_start3A_345 = arith.constant 0 : i32
      %dma_start3A_346 = tpu.memref_slice %arg5[%dma_start3A_345] : memref<1048576xf32, #tpu.memory_space<vmem_shared>> -> memref<1048576xf32, #tpu.memory_space<vmem_shared>>
      tpu.enqueue_indirect_dma source(%dma_start3A_346 : memref<1048576xf32, #tpu.memory_space<vmem_shared>>) target(%dma_start3A_342 : memref<128xf32, #tpu.memory_space<vmem>>) offsets(%dma_start3A_344 : memref<128xi32, #tpu.memory_space<vmem>>) semaphore(%arg13 : memref<!tpu.dma_semaphore, #tpu.memory_space<semaphore_mem>>)
      %scan3A_347 = arith.constant 2 : i32
      %scan3A_348 = arith.addi %scan3A_322, %scan3A_347 : i32
      %shift_right_arithmetic3A_349 = arith.constant 1 : i32
      %shift_right_arithmetic3A_350 = arith.shrsi %scan3A_348, %shift_right_arithmetic3A_349 : i32
      %and3A_351 = arith.constant 1 : i32
      %and3A_352 = arith.andi %scan3A_348, %and3A_351 : i32
      %mul3A_353 = arith.constant 128 : i32
      %mul3A_354 = arith.muli %and3A_352, %mul3A_353 : i32
      %dma_start3A_355 = tpu.memref_slice %arg8[%shift_right_arithmetic3A_350, %mul3A_354] : memref<40x256xf32, #tpu.memory_space<vmem>> -> memref<1x128xf32, #tpu.memory_space<vmem>>
      %dma_start3A_356 = tpu.memref_squeeze %dma_start3A_355 : memref<1x128xf32, #tpu.memory_space<vmem>> -> memref<128xf32, #tpu.memory_space<vmem>>
      %dma_start3A_357 = tpu.memref_slice %arg6[%shift_right_arithmetic3A_350, %mul3A_354] : memref<40x256xi32, #tpu.memory_space<vmem>> -> memref<1x128xi32, #tpu.memory_space<vmem>>
      %dma_start3A_358 = tpu.memref_squeeze %dma_start3A_357 : memref<1x128xi32, #tpu.memory_space<vmem>> -> memref<128xi32, #tpu.memory_space<vmem>>
      %dma_start3A_359 = arith.constant 0 : i32
      %dma_start3A_360 = tpu.memref_slice %arg5[%dma_start3A_359] : memref<1048576xf32, #tpu.memory_space<vmem_shared>> -> memref<1048576xf32, #tpu.memory_space<vmem_shared>>
      tpu.enqueue_indirect_dma source(%dma_start3A_360 : memref<1048576xf32, #tpu.memory_space<vmem_shared>>) target(%dma_start3A_356 : memref<128xf32, #tpu.memory_space<vmem>>) offsets(%dma_start3A_358 : memref<128xi32, #tpu.memory_space<vmem>>) semaphore(%arg13 : memref<!tpu.dma_semaphore, #tpu.memory_space<semaphore_mem>>)
      %scan3A_361 = arith.constant 3 : i32
      %scan3A_362 = arith.addi %scan3A_322, %scan3A_361 : i32
      %shift_right_arithmetic3A_363 = arith.constant 1 : i32
      %shift_right_arithmetic3A_364 = arith.shrsi %scan3A_362, %shift_right_arithmetic3A_363 : i32
      %and3A_365 = arith.constant 1 : i32
      %and3A_366 = arith.andi %scan3A_362, %and3A_365 : i32
      %mul3A_367 = arith.constant 128 : i32
      %mul3A_368 = arith.muli %and3A_366, %mul3A_367 : i32
      %dma_start3A_369 = tpu.memref_slice %arg8[%shift_right_arithmetic3A_364, %mul3A_368] : memref<40x256xf32, #tpu.memory_space<vmem>> -> memref<1x128xf32, #tpu.memory_space<vmem>>
      %dma_start3A_370 = tpu.memref_squeeze %dma_start3A_369 : memref<1x128xf32, #tpu.memory_space<vmem>> -> memref<128xf32, #tpu.memory_space<vmem>>
      %dma_start3A_371 = tpu.memref_slice %arg6[%shift_right_arithmetic3A_364, %mul3A_368] : memref<40x256xi32, #tpu.memory_space<vmem>> -> memref<1x128xi32, #tpu.memory_space<vmem>>
      %dma_start3A_372 = tpu.memref_squeeze %dma_start3A_371 : memref<1x128xi32, #tpu.memory_space<vmem>> -> memref<128xi32, #tpu.memory_space<vmem>>
      %dma_start3A_373 = arith.constant 0 : i32
      %dma_start3A_374 = tpu.memref_slice %arg5[%dma_start3A_373] : memref<1048576xf32, #tpu.memory_space<vmem_shared>> -> memref<1048576xf32, #tpu.memory_space<vmem_shared>>
      tpu.enqueue_indirect_dma source(%dma_start3A_374 : memref<1048576xf32, #tpu.memory_space<vmem_shared>>) target(%dma_start3A_370 : memref<128xf32, #tpu.memory_space<vmem>>) offsets(%dma_start3A_372 : memref<128xi32, #tpu.memory_space<vmem>>) semaphore(%arg13 : memref<!tpu.dma_semaphore, #tpu.memory_space<semaphore_mem>>)
      %scan3A_375 = arith.constant 4 : i32
      %scan3A_376 = arith.addi %scan3A_322, %scan3A_375 : i32
      %shift_right_arithmetic3A_377 = arith.constant 1 : i32
      %shift_right_arithmetic3A_378 = arith.shrsi %scan3A_376, %shift_right_arithmetic3A_377 : i32
      %and3A_379 = arith.constant 1 : i32
      %and3A_380 = arith.andi %scan3A_376, %and3A_379 : i32
      %mul3A_381 = arith.constant 128 : i32
      %mul3A_382 = arith.muli %and3A_380, %mul3A_381 : i32
      %dma_start3A_383 = tpu.memref_slice %arg8[%shift_right_arithmetic3A_378, %mul3A_382] : memref<40x256xf32, #tpu.memory_space<vmem>> -> memref<1x128xf32, #tpu.memory_space<vmem>>
      %dma_start3A_384 = tpu.memref_squeeze %dma_start3A_383 : memref<1x128xf32, #tpu.memory_space<vmem>> -> memref<128xf32, #tpu.memory_space<vmem>>
      %dma_start3A_385 = tpu.memref_slice %arg6[%shift_right_arithmetic3A_378, %mul3A_382] : memref<40x256xi32, #tpu.memory_space<vmem>> -> memref<1x128xi32, #tpu.memory_space<vmem>>
      %dma_start3A_386 = tpu.memref_squeeze %dma_start3A_385 : memref<1x128xi32, #tpu.memory_space<vmem>> -> memref<128xi32, #tpu.memory_space<vmem>>
      %dma_start3A_387 = arith.constant 0 : i32
      %dma_start3A_388 = tpu.memref_slice %arg5[%dma_start3A_387] : memref<1048576xf32, #tpu.memory_space<vmem_shared>> -> memref<1048576xf32, #tpu.memory_space<vmem_shared>>
      tpu.enqueue_indirect_dma source(%dma_start3A_388 : memref<1048576xf32, #tpu.memory_space<vmem_shared>>) target(%dma_start3A_384 : memref<128xf32, #tpu.memory_space<vmem>>) offsets(%dma_start3A_386 : memref<128xi32, #tpu.memory_space<vmem>>) semaphore(%arg13 : memref<!tpu.dma_semaphore, #tpu.memory_space<semaphore_mem>>)
      %scan3A_389 = arith.constant 5 : i32
      %scan3A_390 = arith.addi %scan3A_322, %scan3A_389 : i32
      %shift_right_arithmetic3A_391 = arith.constant 1 : i32
      %shift_right_arithmetic3A_392 = arith.shrsi %scan3A_390, %shift_right_arithmetic3A_391 : i32
      %and3A_393 = arith.constant 1 : i32
      %and3A_394 = arith.andi %scan3A_390, %and3A_393 : i32
      %mul3A_395 = arith.constant 128 : i32
      %mul3A_396 = arith.muli %and3A_394, %mul3A_395 : i32
      %dma_start3A_397 = tpu.memref_slice %arg8[%shift_right_arithmetic3A_392, %mul3A_396] : memref<40x256xf32, #tpu.memory_space<vmem>> -> memref<1x128xf32, #tpu.memory_space<vmem>>
      %dma_start3A_398 = tpu.memref_squeeze %dma_start3A_397 : memref<1x128xf32, #tpu.memory_space<vmem>> -> memref<128xf32, #tpu.memory_space<vmem>>
      %dma_start3A_399 = tpu.memref_slice %arg6[%shift_right_arithmetic3A_392, %mul3A_396] : memref<40x256xi32, #tpu.memory_space<vmem>> -> memref<1x128xi32, #tpu.memory_space<vmem>>
      %dma_start3A_400 = tpu.memref_squeeze %dma_start3A_399 : memref<1x128xi32, #tpu.memory_space<vmem>> -> memref<128xi32, #tpu.memory_space<vmem>>
      %dma_start3A_401 = arith.constant 0 : i32
      %dma_start3A_402 = tpu.memref_slice %arg5[%dma_start3A_401] : memref<1048576xf32, #tpu.memory_space<vmem_shared>> -> memref<1048576xf32, #tpu.memory_space<vmem_shared>>
      tpu.enqueue_indirect_dma source(%dma_start3A_402 : memref<1048576xf32, #tpu.memory_space<vmem_shared>>) target(%dma_start3A_398 : memref<128xf32, #tpu.memory_space<vmem>>) offsets(%dma_start3A_400 : memref<128xi32, #tpu.memory_space<vmem>>) semaphore(%arg13 : memref<!tpu.dma_semaphore, #tpu.memory_space<semaphore_mem>>)
      %scan3A_403 = arith.constant 6 : i32
      %scan3A_404 = arith.addi %scan3A_322, %scan3A_403 : i32
      %shift_right_arithmetic3A_405 = arith.constant 1 : i32
      %shift_right_arithmetic3A_406 = arith.shrsi %scan3A_404, %shift_right_arithmetic3A_405 : i32
      %and3A_407 = arith.constant 1 : i32
      %and3A_408 = arith.andi %scan3A_404, %and3A_407 : i32
      %mul3A_409 = arith.constant 128 : i32
      %mul3A_410 = arith.muli %and3A_408, %mul3A_409 : i32
      %dma_start3A_411 = tpu.memref_slice %arg8[%shift_right_arithmetic3A_406, %mul3A_410] : memref<40x256xf32, #tpu.memory_space<vmem>> -> memref<1x128xf32, #tpu.memory_space<vmem>>
      %dma_start3A_412 = tpu.memref_squeeze %dma_start3A_411 : memref<1x128xf32, #tpu.memory_space<vmem>> -> memref<128xf32, #tpu.memory_space<vmem>>
      %dma_start3A_413 = tpu.memref_slice %arg6[%shift_right_arithmetic3A_406, %mul3A_410] : memref<40x256xi32, #tpu.memory_space<vmem>> -> memref<1x128xi32, #tpu.memory_space<vmem>>
      %dma_start3A_414 = tpu.memref_squeeze %dma_start3A_413 : memref<1x128xi32, #tpu.memory_space<vmem>> -> memref<128xi32, #tpu.memory_space<vmem>>
      %dma_start3A_415 = arith.constant 0 : i32
      %dma_start3A_416 = tpu.memref_slice %arg5[%dma_start3A_415] : memref<1048576xf32, #tpu.memory_space<vmem_shared>> -> memref<1048576xf32, #tpu.memory_space<vmem_shared>>
      tpu.enqueue_indirect_dma source(%dma_start3A_416 : memref<1048576xf32, #tpu.memory_space<vmem_shared>>) target(%dma_start3A_412 : memref<128xf32, #tpu.memory_space<vmem>>) offsets(%dma_start3A_414 : memref<128xi32, #tpu.memory_space<vmem>>) semaphore(%arg13 : memref<!tpu.dma_semaphore, #tpu.memory_space<semaphore_mem>>)
      %scan3A_417 = arith.constant 7 : i32
      %scan3A_418 = arith.addi %scan3A_322, %scan3A_417 : i32
      %shift_right_arithmetic3A_419 = arith.constant 1 : i32
      %shift_right_arithmetic3A_420 = arith.shrsi %scan3A_418, %shift_right_arithmetic3A_419 : i32
      %and3A_421 = arith.constant 1 : i32
      %and3A_422 = arith.andi %scan3A_418, %and3A_421 : i32
      %mul3A_423 = arith.constant 128 : i32
      %mul3A_424 = arith.muli %and3A_422, %mul3A_423 : i32
      %dma_start3A_425 = tpu.memref_slice %arg8[%shift_right_arithmetic3A_420, %mul3A_424] : memref<40x256xf32, #tpu.memory_space<vmem>> -> memref<1x128xf32, #tpu.memory_space<vmem>>
      %dma_start3A_426 = tpu.memref_squeeze %dma_start3A_425 : memref<1x128xf32, #tpu.memory_space<vmem>> -> memref<128xf32, #tpu.memory_space<vmem>>
      %dma_start3A_427 = tpu.memref_slice %arg6[%shift_right_arithmetic3A_420, %mul3A_424] : memref<40x256xi32, #tpu.memory_space<vmem>> -> memref<1x128xi32, #tpu.memory_space<vmem>>
      %dma_start3A_428 = tpu.memref_squeeze %dma_start3A_427 : memref<1x128xi32, #tpu.memory_space<vmem>> -> memref<128xi32, #tpu.memory_space<vmem>>
      %dma_start3A_429 = arith.constant 0 : i32
      %dma_start3A_430 = tpu.memref_slice %arg5[%dma_start3A_429] : memref<1048576xf32, #tpu.memory_space<vmem_shared>> -> memref<1048576xf32, #tpu.memory_space<vmem_shared>>
      tpu.enqueue_indirect_dma source(%dma_start3A_430 : memref<1048576xf32, #tpu.memory_space<vmem_shared>>) target(%dma_start3A_426 : memref<128xf32, #tpu.memory_space<vmem>>) offsets(%dma_start3A_428 : memref<128xi32, #tpu.memory_space<vmem>>) semaphore(%arg13 : memref<!tpu.dma_semaphore, #tpu.memory_space<semaphore_mem>>)
    }
    %scan3A_167 = arith.constant 80 : i32
    %scan3A_168 = arith.constant 0 : i32
    %scan3A_169 = arith.constant 0 : i32
    %scan3A_170 = arith.constant 80 : i32
    %scan3A_171 = arith.addi %scan3A_169, %scan3A_170 : i32
    %scan3A_172 = arith.constant 8 : i32
    scf.for %scan3A_322 = %scan3A_169 to %scan3A_171 step %scan3A_172  : i32 {
      %dma_wait3A_323 = arith.constant 0 : i32
      %dma_wait3A_324 = arith.constant 0 : i32
      %dma_wait3A_325 = arith.constant 0 : i32
      %dma_wait3A_326 = tpu.memref_slice %arg8[%dma_wait3A_324, %dma_wait3A_325] : memref<40x256xf32, #tpu.memory_space<vmem>> -> memref<1x128xf32, #tpu.memory_space<vmem>>
      %dma_wait3A_327 = tpu.memref_squeeze %dma_wait3A_326 : memref<1x128xf32, #tpu.memory_space<vmem>> -> memref<128xf32, #tpu.memory_space<vmem>>
      %dma_wait3A_328 = arith.constant 0 : i32
      %dma_wait3A_329 = tpu.memref_slice %arg6[%dma_wait3A_323, %dma_wait3A_328] : memref<40x256xi32, #tpu.memory_space<vmem>> -> memref<1x128xi32, #tpu.memory_space<vmem>>
      %dma_wait3A_330 = tpu.memref_squeeze %dma_wait3A_329 : memref<1x128xi32, #tpu.memory_space<vmem>> -> memref<128xi32, #tpu.memory_space<vmem>>
      %dma_wait3A_331 = arith.constant 0 : i32
      %dma_wait3A_332 = tpu.memref_slice %arg5[%dma_wait3A_331] : memref<1048576xf32, #tpu.memory_space<vmem_shared>> -> memref<1048576xf32, #tpu.memory_space<vmem_shared>>
      tpu.wait_indirect_dma semaphore(%arg13 : memref<!tpu.dma_semaphore, #tpu.memory_space<semaphore_mem>>) src(%dma_wait3A_332 : memref<1048576xf32, #tpu.memory_space<vmem_shared>>) dst(%dma_wait3A_327 : memref<128xf32, #tpu.memory_space<vmem>>)
      %scan3A_333 = arith.constant 1 : i32
      %scan3A_334 = arith.addi %scan3A_322, %scan3A_333 : i32
      %dma_wait3A_335 = arith.constant 0 : i32
      %dma_wait3A_336 = arith.constant 0 : i32
      %dma_wait3A_337 = arith.constant 0 : i32
      %dma_wait3A_338 = tpu.memref_slice %arg8[%dma_wait3A_336, %dma_wait3A_337] : memref<40x256xf32, #tpu.memory_space<vmem>> -> memref<1x128xf32, #tpu.memory_space<vmem>>
      %dma_wait3A_339 = tpu.memref_squeeze %dma_wait3A_338 : memref<1x128xf32, #tpu.memory_space<vmem>> -> memref<128xf32, #tpu.memory_space<vmem>>
      %dma_wait3A_340 = arith.constant 0 : i32
      %dma_wait3A_341 = tpu.memref_slice %arg6[%dma_wait3A_335, %dma_wait3A_340] : memref<40x256xi32, #tpu.memory_space<vmem>> -> memref<1x128xi32, #tpu.memory_space<vmem>>
      %dma_wait3A_342 = tpu.memref_squeeze %dma_wait3A_341 : memref<1x128xi32, #tpu.memory_space<vmem>> -> memref<128xi32, #tpu.memory_space<vmem>>
      %dma_wait3A_343 = arith.constant 0 : i32
      %dma_wait3A_344 = tpu.memref_slice %arg5[%dma_wait3A_343] : memref<1048576xf32, #tpu.memory_space<vmem_shared>> -> memref<1048576xf32, #tpu.memory_space<vmem_shared>>
      tpu.wait_indirect_dma semaphore(%arg13 : memref<!tpu.dma_semaphore, #tpu.memory_space<semaphore_mem>>) src(%dma_wait3A_344 : memref<1048576xf32, #tpu.memory_space<vmem_shared>>) dst(%dma_wait3A_339 : memref<128xf32, #tpu.memory_space<vmem>>)
      %scan3A_345 = arith.constant 2 : i32
      %scan3A_346 = arith.addi %scan3A_322, %scan3A_345 : i32
      %dma_wait3A_347 = arith.constant 0 : i32
      %dma_wait3A_348 = arith.constant 0 : i32
      %dma_wait3A_349 = arith.constant 0 : i32
      %dma_wait3A_350 = tpu.memref_slice %arg8[%dma_wait3A_348, %dma_wait3A_349] : memref<40x256xf32, #tpu.memory_space<vmem>> -> memref<1x128xf32, #tpu.memory_space<vmem>>
      %dma_wait3A_351 = tpu.memref_squeeze %dma_wait3A_350 : memref<1x128xf32, #tpu.memory_space<vmem>> -> memref<128xf32, #tpu.memory_space<vmem>>
      %dma_wait3A_352 = arith.constant 0 : i32
      %dma_wait3A_353 = tpu.memref_slice %arg6[%dma_wait3A_347, %dma_wait3A_352] : memref<40x256xi32, #tpu.memory_space<vmem>> -> memref<1x128xi32, #tpu.memory_space<vmem>>
      %dma_wait3A_354 = tpu.memref_squeeze %dma_wait3A_353 : memref<1x128xi32, #tpu.memory_space<vmem>> -> memref<128xi32, #tpu.memory_space<vmem>>
      %dma_wait3A_355 = arith.constant 0 : i32
      %dma_wait3A_356 = tpu.memref_slice %arg5[%dma_wait3A_355] : memref<1048576xf32, #tpu.memory_space<vmem_shared>> -> memref<1048576xf32, #tpu.memory_space<vmem_shared>>
      tpu.wait_indirect_dma semaphore(%arg13 : memref<!tpu.dma_semaphore, #tpu.memory_space<semaphore_mem>>) src(%dma_wait3A_356 : memref<1048576xf32, #tpu.memory_space<vmem_shared>>) dst(%dma_wait3A_351 : memref<128xf32, #tpu.memory_space<vmem>>)
      %scan3A_357 = arith.constant 3 : i32
      %scan3A_358 = arith.addi %scan3A_322, %scan3A_357 : i32
      %dma_wait3A_359 = arith.constant 0 : i32
      %dma_wait3A_360 = arith.constant 0 : i32
      %dma_wait3A_361 = arith.constant 0 : i32
      %dma_wait3A_362 = tpu.memref_slice %arg8[%dma_wait3A_360, %dma_wait3A_361] : memref<40x256xf32, #tpu.memory_space<vmem>> -> memref<1x128xf32, #tpu.memory_space<vmem>>
      %dma_wait3A_363 = tpu.memref_squeeze %dma_wait3A_362 : memref<1x128xf32, #tpu.memory_space<vmem>> -> memref<128xf32, #tpu.memory_space<vmem>>
      %dma_wait3A_364 = arith.constant 0 : i32
      %dma_wait3A_365 = tpu.memref_slice %arg6[%dma_wait3A_359, %dma_wait3A_364] : memref<40x256xi32, #tpu.memory_space<vmem>> -> memref<1x128xi32, #tpu.memory_space<vmem>>
      %dma_wait3A_366 = tpu.memref_squeeze %dma_wait3A_365 : memref<1x128xi32, #tpu.memory_space<vmem>> -> memref<128xi32, #tpu.memory_space<vmem>>
      %dma_wait3A_367 = arith.constant 0 : i32
      %dma_wait3A_368 = tpu.memref_slice %arg5[%dma_wait3A_367] : memref<1048576xf32, #tpu.memory_space<vmem_shared>> -> memref<1048576xf32, #tpu.memory_space<vmem_shared>>
      tpu.wait_indirect_dma semaphore(%arg13 : memref<!tpu.dma_semaphore, #tpu.memory_space<semaphore_mem>>) src(%dma_wait3A_368 : memref<1048576xf32, #tpu.memory_space<vmem_shared>>) dst(%dma_wait3A_363 : memref<128xf32, #tpu.memory_space<vmem>>)
      %scan3A_369 = arith.constant 4 : i32
      %scan3A_370 = arith.addi %scan3A_322, %scan3A_369 : i32
      %dma_wait3A_371 = arith.constant 0 : i32
      %dma_wait3A_372 = arith.constant 0 : i32
      %dma_wait3A_373 = arith.constant 0 : i32
      %dma_wait3A_374 = tpu.memref_slice %arg8[%dma_wait3A_372, %dma_wait3A_373] : memref<40x256xf32, #tpu.memory_space<vmem>> -> memref<1x128xf32, #tpu.memory_space<vmem>>
      %dma_wait3A_375 = tpu.memref_squeeze %dma_wait3A_374 : memref<1x128xf32, #tpu.memory_space<vmem>> -> memref<128xf32, #tpu.memory_space<vmem>>
      %dma_wait3A_376 = arith.constant 0 : i32
      %dma_wait3A_377 = tpu.memref_slice %arg6[%dma_wait3A_371, %dma_wait3A_376] : memref<40x256xi32, #tpu.memory_space<vmem>> -> memref<1x128xi32, #tpu.memory_space<vmem>>
      %dma_wait3A_378 = tpu.memref_squeeze %dma_wait3A_377 : memref<1x128xi32, #tpu.memory_space<vmem>> -> memref<128xi32, #tpu.memory_space<vmem>>
      %dma_wait3A_379 = arith.constant 0 : i32
      %dma_wait3A_380 = tpu.memref_slice %arg5[%dma_wait3A_379] : memref<1048576xf32, #tpu.memory_space<vmem_shared>> -> memref<1048576xf32, #tpu.memory_space<vmem_shared>>
      tpu.wait_indirect_dma semaphore(%arg13 : memref<!tpu.dma_semaphore, #tpu.memory_space<semaphore_mem>>) src(%dma_wait3A_380 : memref<1048576xf32, #tpu.memory_space<vmem_shared>>) dst(%dma_wait3A_375 : memref<128xf32, #tpu.memory_space<vmem>>)
      %scan3A_381 = arith.constant 5 : i32
      %scan3A_382 = arith.addi %scan3A_322, %scan3A_381 : i32
      %dma_wait3A_383 = arith.constant 0 : i32
      %dma_wait3A_384 = arith.constant 0 : i32
      %dma_wait3A_385 = arith.constant 0 : i32
      %dma_wait3A_386 = tpu.memref_slice %arg8[%dma_wait3A_384, %dma_wait3A_385] : memref<40x256xf32, #tpu.memory_space<vmem>> -> memref<1x128xf32, #tpu.memory_space<vmem>>
      %dma_wait3A_387 = tpu.memref_squeeze %dma_wait3A_386 : memref<1x128xf32, #tpu.memory_space<vmem>> -> memref<128xf32, #tpu.memory_space<vmem>>
      %dma_wait3A_388 = arith.constant 0 : i32
      %dma_wait3A_389 = tpu.memref_slice %arg6[%dma_wait3A_383, %dma_wait3A_388] : memref<40x256xi32, #tpu.memory_space<vmem>> -> memref<1x128xi32, #tpu.memory_space<vmem>>
      %dma_wait3A_390 = tpu.memref_squeeze %dma_wait3A_389 : memref<1x128xi32, #tpu.memory_space<vmem>> -> memref<128xi32, #tpu.memory_space<vmem>>
      %dma_wait3A_391 = arith.constant 0 : i32
      %dma_wait3A_392 = tpu.memref_slice %arg5[%dma_wait3A_391] : memref<1048576xf32, #tpu.memory_space<vmem_shared>> -> memref<1048576xf32, #tpu.memory_space<vmem_shared>>
      tpu.wait_indirect_dma semaphore(%arg13 : memref<!tpu.dma_semaphore, #tpu.memory_space<semaphore_mem>>) src(%dma_wait3A_392 : memref<1048576xf32, #tpu.memory_space<vmem_shared>>) dst(%dma_wait3A_387 : memref<128xf32, #tpu.memory_space<vmem>>)
      %scan3A_393 = arith.constant 6 : i32
      %scan3A_394 = arith.addi %scan3A_322, %scan3A_393 : i32
      %dma_wait3A_395 = arith.constant 0 : i32
      %dma_wait3A_396 = arith.constant 0 : i32
      %dma_wait3A_397 = arith.constant 0 : i32
      %dma_wait3A_398 = tpu.memref_slice %arg8[%dma_wait3A_396, %dma_wait3A_397] : memref<40x256xf32, #tpu.memory_space<vmem>> -> memref<1x128xf32, #tpu.memory_space<vmem>>
      %dma_wait3A_399 = tpu.memref_squeeze %dma_wait3A_398 : memref<1x128xf32, #tpu.memory_space<vmem>> -> memref<128xf32, #tpu.memory_space<vmem>>
      %dma_wait3A_400 = arith.constant 0 : i32
      %dma_wait3A_401 = tpu.memref_slice %arg6[%dma_wait3A_395, %dma_wait3A_400] : memref<40x256xi32, #tpu.memory_space<vmem>> -> memref<1x128xi32, #tpu.memory_space<vmem>>
      %dma_wait3A_402 = tpu.memref_squeeze %dma_wait3A_401 : memref<1x128xi32, #tpu.memory_space<vmem>> -> memref<128xi32, #tpu.memory_space<vmem>>
      %dma_wait3A_403 = arith.constant 0 : i32
      %dma_wait3A_404 = tpu.memref_slice %arg5[%dma_wait3A_403] : memref<1048576xf32, #tpu.memory_space<vmem_shared>> -> memref<1048576xf32, #tpu.memory_space<vmem_shared>>
      tpu.wait_indirect_dma semaphore(%arg13 : memref<!tpu.dma_semaphore, #tpu.memory_space<semaphore_mem>>) src(%dma_wait3A_404 : memref<1048576xf32, #tpu.memory_space<vmem_shared>>) dst(%dma_wait3A_399 : memref<128xf32, #tpu.memory_space<vmem>>)
      %scan3A_405 = arith.constant 7 : i32
      %scan3A_406 = arith.addi %scan3A_322, %scan3A_405 : i32
      %dma_wait3A_407 = arith.constant 0 : i32
      %dma_wait3A_408 = arith.constant 0 : i32
      %dma_wait3A_409 = arith.constant 0 : i32
      %dma_wait3A_410 = tpu.memref_slice %arg8[%dma_wait3A_408, %dma_wait3A_409] : memref<40x256xf32, #tpu.memory_space<vmem>> -> memref<1x128xf32, #tpu.memory_space<vmem>>
      %dma_wait3A_411 = tpu.memref_squeeze %dma_wait3A_410 : memref<1x128xf32, #tpu.memory_space<vmem>> -> memref<128xf32, #tpu.memory_space<vmem>>
      %dma_wait3A_412 = arith.constant 0 : i32
      %dma_wait3A_413 = tpu.memref_slice %arg6[%dma_wait3A_407, %dma_wait3A_412] : memref<40x256xi32, #tpu.memory_space<vmem>> -> memref<1x128xi32, #tpu.memory_space<vmem>>
      %dma_wait3A_414 = tpu.memref_squeeze %dma_wait3A_413 : memref<1x128xi32, #tpu.memory_space<vmem>> -> memref<128xi32, #tpu.memory_space<vmem>>
      %dma_wait3A_415 = arith.constant 0 : i32
      %dma_wait3A_416 = tpu.memref_slice %arg5[%dma_wait3A_415] : memref<1048576xf32, #tpu.memory_space<vmem_shared>> -> memref<1048576xf32, #tpu.memory_space<vmem_shared>>
      tpu.wait_indirect_dma semaphore(%arg13 : memref<!tpu.dma_semaphore, #tpu.memory_space<semaphore_mem>>) src(%dma_wait3A_416 : memref<1048576xf32, #tpu.memory_space<vmem_shared>>) dst(%dma_wait3A_411 : memref<128xf32, #tpu.memory_space<vmem>>)
    }
    %scan3A_173 = arith.constant 80 : i32
    %dma_start3A_174 = arith.constant 80 : i32
    %dma_start3A_175 = tpu.memref_slice %arg4[%dma_start3A_174, %add3A_34] : memref<200x16384xf32, #tpu.memory_space<hbm>> -> memref<40x256xf32, #tpu.memory_space<hbm>>
    %dma_start3A_176 = arith.constant 80 : i32
    %dma_start3A_177 = tpu.memref_slice %arg4[%dma_start3A_176, %add3A_34] : memref<200x16384xf32, #tpu.memory_space<hbm>> -> memref<40x256xf32, #tpu.memory_space<hbm>>
    tpu.enqueue_dma source(%arg8 : memref<40x256xf32, #tpu.memory_space<vmem>>) target(%dma_start3A_177 : memref<40x256xf32, #tpu.memory_space<hbm>>) target_semaphore(%arg14 : memref<!tpu.dma_semaphore, #tpu.memory_space<semaphore_mem>>)
    %dma_wait3A_178 = arith.constant 40 : i32
    %dma_wait3A_179 = tpu.memref_slice %arg4[%dma_wait3A_178, %add3A_32] : memref<200x16384xf32, #tpu.memory_space<hbm>> -> memref<40x256xf32, #tpu.memory_space<hbm>>
    %dma_wait3A_180 = arith.constant 40 : i32
    %dma_wait3A_181 = tpu.memref_slice %arg4[%dma_wait3A_180, %add3A_32] : memref<200x16384xf32, #tpu.memory_space<hbm>> -> memref<40x256xf32, #tpu.memory_space<hbm>>
    tpu.wait_dma2 semaphore(%arg15 : memref<!tpu.dma_semaphore, #tpu.memory_space<semaphore_mem>>) src(%arg9 : memref<40x256xf32, #tpu.memory_space<vmem>>) dst(%dma_wait3A_181 : memref<40x256xf32, #tpu.memory_space<hbm>>)
    %dma_wait3A_182 = arith.constant 80 : i32
    %dma_wait3A_183 = tpu.memref_slice %arg2[%dma_wait3A_182, %add3A_16] : memref<200x16384xi32, #tpu.memory_space<hbm>> -> memref<40x256xi32, #tpu.memory_space<hbm>>
    %dma_wait3A_184 = arith.constant 80 : i32
    %dma_wait3A_185 = tpu.memref_slice %arg2[%dma_wait3A_184, %add3A_16] : memref<200x16384xi32, #tpu.memory_space<hbm>> -> memref<40x256xi32, #tpu.memory_space<hbm>>
    tpu.wait_dma2 semaphore(%arg12 : memref<!tpu.dma_semaphore, #tpu.memory_space<semaphore_mem>>) src(%dma_wait3A_185 : memref<40x256xi32, #tpu.memory_space<hbm>>) dst(%arg7 : memref<40x256xi32, #tpu.memory_space<vmem>>)
    %dma_start3A_186 = arith.constant 120 : i32
    %dma_start3A_187 = tpu.memref_slice %arg2[%dma_start3A_186, %add3A_18] : memref<200x16384xi32, #tpu.memory_space<hbm>> -> memref<40x256xi32, #tpu.memory_space<hbm>>
    %dma_start3A_188 = arith.constant 120 : i32
    %dma_start3A_189 = tpu.memref_slice %arg2[%dma_start3A_188, %add3A_18] : memref<200x16384xi32, #tpu.memory_space<hbm>> -> memref<40x256xi32, #tpu.memory_space<hbm>>
    tpu.enqueue_dma source(%dma_start3A_189 : memref<40x256xi32, #tpu.memory_space<hbm>>) target(%arg6 : memref<40x256xi32, #tpu.memory_space<vmem>>) target_semaphore(%arg11 : memref<!tpu.dma_semaphore, #tpu.memory_space<semaphore_mem>>)
    %scan3A_190 = arith.constant 0 : i32
    %scan3A_191 = arith.constant 0 : i32
    %scan3A_192 = arith.constant 80 : i32
    %scan3A_193 = arith.addi %scan3A_191, %scan3A_192 : i32
    %scan3A_194 = arith.constant 8 : i32
    scf.for %scan3A_322 = %scan3A_191 to %scan3A_193 step %scan3A_194  : i32 {
      %shift_right_arithmetic3A = arith.constant 1 : i32
      %shift_right_arithmetic3A_323 = arith.shrsi %scan3A_322, %shift_right_arithmetic3A : i32
      %and3A = arith.constant 1 : i32
      %and3A_324 = arith.andi %scan3A_322, %and3A : i32
      %mul3A_325 = arith.constant 128 : i32
      %mul3A_326 = arith.muli %and3A_324, %mul3A_325 : i32
      %dma_start3A_327 = tpu.memref_slice %arg9[%shift_right_arithmetic3A_323, %mul3A_326] : memref<40x256xf32, #tpu.memory_space<vmem>> -> memref<1x128xf32, #tpu.memory_space<vmem>>
      %dma_start3A_328 = tpu.memref_squeeze %dma_start3A_327 : memref<1x128xf32, #tpu.memory_space<vmem>> -> memref<128xf32, #tpu.memory_space<vmem>>
      %dma_start3A_329 = tpu.memref_slice %arg7[%shift_right_arithmetic3A_323, %mul3A_326] : memref<40x256xi32, #tpu.memory_space<vmem>> -> memref<1x128xi32, #tpu.memory_space<vmem>>
      %dma_start3A_330 = tpu.memref_squeeze %dma_start3A_329 : memref<1x128xi32, #tpu.memory_space<vmem>> -> memref<128xi32, #tpu.memory_space<vmem>>
      %dma_start3A_331 = arith.constant 0 : i32
      %dma_start3A_332 = tpu.memref_slice %arg5[%dma_start3A_331] : memref<1048576xf32, #tpu.memory_space<vmem_shared>> -> memref<1048576xf32, #tpu.memory_space<vmem_shared>>
      tpu.enqueue_indirect_dma source(%dma_start3A_332 : memref<1048576xf32, #tpu.memory_space<vmem_shared>>) target(%dma_start3A_328 : memref<128xf32, #tpu.memory_space<vmem>>) offsets(%dma_start3A_330 : memref<128xi32, #tpu.memory_space<vmem>>) semaphore(%arg13 : memref<!tpu.dma_semaphore, #tpu.memory_space<semaphore_mem>>)
      %scan3A_333 = arith.constant 1 : i32
      %scan3A_334 = arith.addi %scan3A_322, %scan3A_333 : i32
      %shift_right_arithmetic3A_335 = arith.constant 1 : i32
      %shift_right_arithmetic3A_336 = arith.shrsi %scan3A_334, %shift_right_arithmetic3A_335 : i32
      %and3A_337 = arith.constant 1 : i32
      %and3A_338 = arith.andi %scan3A_334, %and3A_337 : i32
      %mul3A_339 = arith.constant 128 : i32
      %mul3A_340 = arith.muli %and3A_338, %mul3A_339 : i32
      %dma_start3A_341 = tpu.memref_slice %arg9[%shift_right_arithmetic3A_336, %mul3A_340] : memref<40x256xf32, #tpu.memory_space<vmem>> -> memref<1x128xf32, #tpu.memory_space<vmem>>
      %dma_start3A_342 = tpu.memref_squeeze %dma_start3A_341 : memref<1x128xf32, #tpu.memory_space<vmem>> -> memref<128xf32, #tpu.memory_space<vmem>>
      %dma_start3A_343 = tpu.memref_slice %arg7[%shift_right_arithmetic3A_336, %mul3A_340] : memref<40x256xi32, #tpu.memory_space<vmem>> -> memref<1x128xi32, #tpu.memory_space<vmem>>
      %dma_start3A_344 = tpu.memref_squeeze %dma_start3A_343 : memref<1x128xi32, #tpu.memory_space<vmem>> -> memref<128xi32, #tpu.memory_space<vmem>>
      %dma_start3A_345 = arith.constant 0 : i32
      %dma_start3A_346 = tpu.memref_slice %arg5[%dma_start3A_345] : memref<1048576xf32, #tpu.memory_space<vmem_shared>> -> memref<1048576xf32, #tpu.memory_space<vmem_shared>>
      tpu.enqueue_indirect_dma source(%dma_start3A_346 : memref<1048576xf32, #tpu.memory_space<vmem_shared>>) target(%dma_start3A_342 : memref<128xf32, #tpu.memory_space<vmem>>) offsets(%dma_start3A_344 : memref<128xi32, #tpu.memory_space<vmem>>) semaphore(%arg13 : memref<!tpu.dma_semaphore, #tpu.memory_space<semaphore_mem>>)
      %scan3A_347 = arith.constant 2 : i32
      %scan3A_348 = arith.addi %scan3A_322, %scan3A_347 : i32
      %shift_right_arithmetic3A_349 = arith.constant 1 : i32
      %shift_right_arithmetic3A_350 = arith.shrsi %scan3A_348, %shift_right_arithmetic3A_349 : i32
      %and3A_351 = arith.constant 1 : i32
      %and3A_352 = arith.andi %scan3A_348, %and3A_351 : i32
      %mul3A_353 = arith.constant 128 : i32
      %mul3A_354 = arith.muli %and3A_352, %mul3A_353 : i32
      %dma_start3A_355 = tpu.memref_slice %arg9[%shift_right_arithmetic3A_350, %mul3A_354] : memref<40x256xf32, #tpu.memory_space<vmem>> -> memref<1x128xf32, #tpu.memory_space<vmem>>
      %dma_start3A_356 = tpu.memref_squeeze %dma_start3A_355 : memref<1x128xf32, #tpu.memory_space<vmem>> -> memref<128xf32, #tpu.memory_space<vmem>>
      %dma_start3A_357 = tpu.memref_slice %arg7[%shift_right_arithmetic3A_350, %mul3A_354] : memref<40x256xi32, #tpu.memory_space<vmem>> -> memref<1x128xi32, #tpu.memory_space<vmem>>
      %dma_start3A_358 = tpu.memref_squeeze %dma_start3A_357 : memref<1x128xi32, #tpu.memory_space<vmem>> -> memref<128xi32, #tpu.memory_space<vmem>>
      %dma_start3A_359 = arith.constant 0 : i32
      %dma_start3A_360 = tpu.memref_slice %arg5[%dma_start3A_359] : memref<1048576xf32, #tpu.memory_space<vmem_shared>> -> memref<1048576xf32, #tpu.memory_space<vmem_shared>>
      tpu.enqueue_indirect_dma source(%dma_start3A_360 : memref<1048576xf32, #tpu.memory_space<vmem_shared>>) target(%dma_start3A_356 : memref<128xf32, #tpu.memory_space<vmem>>) offsets(%dma_start3A_358 : memref<128xi32, #tpu.memory_space<vmem>>) semaphore(%arg13 : memref<!tpu.dma_semaphore, #tpu.memory_space<semaphore_mem>>)
      %scan3A_361 = arith.constant 3 : i32
      %scan3A_362 = arith.addi %scan3A_322, %scan3A_361 : i32
      %shift_right_arithmetic3A_363 = arith.constant 1 : i32
      %shift_right_arithmetic3A_364 = arith.shrsi %scan3A_362, %shift_right_arithmetic3A_363 : i32
      %and3A_365 = arith.constant 1 : i32
      %and3A_366 = arith.andi %scan3A_362, %and3A_365 : i32
      %mul3A_367 = arith.constant 128 : i32
      %mul3A_368 = arith.muli %and3A_366, %mul3A_367 : i32
      %dma_start3A_369 = tpu.memref_slice %arg9[%shift_right_arithmetic3A_364, %mul3A_368] : memref<40x256xf32, #tpu.memory_space<vmem>> -> memref<1x128xf32, #tpu.memory_space<vmem>>
      %dma_start3A_370 = tpu.memref_squeeze %dma_start3A_369 : memref<1x128xf32, #tpu.memory_space<vmem>> -> memref<128xf32, #tpu.memory_space<vmem>>
      %dma_start3A_371 = tpu.memref_slice %arg7[%shift_right_arithmetic3A_364, %mul3A_368] : memref<40x256xi32, #tpu.memory_space<vmem>> -> memref<1x128xi32, #tpu.memory_space<vmem>>
      %dma_start3A_372 = tpu.memref_squeeze %dma_start3A_371 : memref<1x128xi32, #tpu.memory_space<vmem>> -> memref<128xi32, #tpu.memory_space<vmem>>
      %dma_start3A_373 = arith.constant 0 : i32
      %dma_start3A_374 = tpu.memref_slice %arg5[%dma_start3A_373] : memref<1048576xf32, #tpu.memory_space<vmem_shared>> -> memref<1048576xf32, #tpu.memory_space<vmem_shared>>
      tpu.enqueue_indirect_dma source(%dma_start3A_374 : memref<1048576xf32, #tpu.memory_space<vmem_shared>>) target(%dma_start3A_370 : memref<128xf32, #tpu.memory_space<vmem>>) offsets(%dma_start3A_372 : memref<128xi32, #tpu.memory_space<vmem>>) semaphore(%arg13 : memref<!tpu.dma_semaphore, #tpu.memory_space<semaphore_mem>>)
      %scan3A_375 = arith.constant 4 : i32
      %scan3A_376 = arith.addi %scan3A_322, %scan3A_375 : i32
      %shift_right_arithmetic3A_377 = arith.constant 1 : i32
      %shift_right_arithmetic3A_378 = arith.shrsi %scan3A_376, %shift_right_arithmetic3A_377 : i32
      %and3A_379 = arith.constant 1 : i32
      %and3A_380 = arith.andi %scan3A_376, %and3A_379 : i32
      %mul3A_381 = arith.constant 128 : i32
      %mul3A_382 = arith.muli %and3A_380, %mul3A_381 : i32
      %dma_start3A_383 = tpu.memref_slice %arg9[%shift_right_arithmetic3A_378, %mul3A_382] : memref<40x256xf32, #tpu.memory_space<vmem>> -> memref<1x128xf32, #tpu.memory_space<vmem>>
      %dma_start3A_384 = tpu.memref_squeeze %dma_start3A_383 : memref<1x128xf32, #tpu.memory_space<vmem>> -> memref<128xf32, #tpu.memory_space<vmem>>
      %dma_start3A_385 = tpu.memref_slice %arg7[%shift_right_arithmetic3A_378, %mul3A_382] : memref<40x256xi32, #tpu.memory_space<vmem>> -> memref<1x128xi32, #tpu.memory_space<vmem>>
      %dma_start3A_386 = tpu.memref_squeeze %dma_start3A_385 : memref<1x128xi32, #tpu.memory_space<vmem>> -> memref<128xi32, #tpu.memory_space<vmem>>
      %dma_start3A_387 = arith.constant 0 : i32
      %dma_start3A_388 = tpu.memref_slice %arg5[%dma_start3A_387] : memref<1048576xf32, #tpu.memory_space<vmem_shared>> -> memref<1048576xf32, #tpu.memory_space<vmem_shared>>
      tpu.enqueue_indirect_dma source(%dma_start3A_388 : memref<1048576xf32, #tpu.memory_space<vmem_shared>>) target(%dma_start3A_384 : memref<128xf32, #tpu.memory_space<vmem>>) offsets(%dma_start3A_386 : memref<128xi32, #tpu.memory_space<vmem>>) semaphore(%arg13 : memref<!tpu.dma_semaphore, #tpu.memory_space<semaphore_mem>>)
      %scan3A_389 = arith.constant 5 : i32
      %scan3A_390 = arith.addi %scan3A_322, %scan3A_389 : i32
      %shift_right_arithmetic3A_391 = arith.constant 1 : i32
      %shift_right_arithmetic3A_392 = arith.shrsi %scan3A_390, %shift_right_arithmetic3A_391 : i32
      %and3A_393 = arith.constant 1 : i32
      %and3A_394 = arith.andi %scan3A_390, %and3A_393 : i32
      %mul3A_395 = arith.constant 128 : i32
      %mul3A_396 = arith.muli %and3A_394, %mul3A_395 : i32
      %dma_start3A_397 = tpu.memref_slice %arg9[%shift_right_arithmetic3A_392, %mul3A_396] : memref<40x256xf32, #tpu.memory_space<vmem>> -> memref<1x128xf32, #tpu.memory_space<vmem>>
      %dma_start3A_398 = tpu.memref_squeeze %dma_start3A_397 : memref<1x128xf32, #tpu.memory_space<vmem>> -> memref<128xf32, #tpu.memory_space<vmem>>
      %dma_start3A_399 = tpu.memref_slice %arg7[%shift_right_arithmetic3A_392, %mul3A_396] : memref<40x256xi32, #tpu.memory_space<vmem>> -> memref<1x128xi32, #tpu.memory_space<vmem>>
      %dma_start3A_400 = tpu.memref_squeeze %dma_start3A_399 : memref<1x128xi32, #tpu.memory_space<vmem>> -> memref<128xi32, #tpu.memory_space<vmem>>
      %dma_start3A_401 = arith.constant 0 : i32
      %dma_start3A_402 = tpu.memref_slice %arg5[%dma_start3A_401] : memref<1048576xf32, #tpu.memory_space<vmem_shared>> -> memref<1048576xf32, #tpu.memory_space<vmem_shared>>
      tpu.enqueue_indirect_dma source(%dma_start3A_402 : memref<1048576xf32, #tpu.memory_space<vmem_shared>>) target(%dma_start3A_398 : memref<128xf32, #tpu.memory_space<vmem>>) offsets(%dma_start3A_400 : memref<128xi32, #tpu.memory_space<vmem>>) semaphore(%arg13 : memref<!tpu.dma_semaphore, #tpu.memory_space<semaphore_mem>>)
      %scan3A_403 = arith.constant 6 : i32
      %scan3A_404 = arith.addi %scan3A_322, %scan3A_403 : i32
      %shift_right_arithmetic3A_405 = arith.constant 1 : i32
      %shift_right_arithmetic3A_406 = arith.shrsi %scan3A_404, %shift_right_arithmetic3A_405 : i32
      %and3A_407 = arith.constant 1 : i32
      %and3A_408 = arith.andi %scan3A_404, %and3A_407 : i32
      %mul3A_409 = arith.constant 128 : i32
      %mul3A_410 = arith.muli %and3A_408, %mul3A_409 : i32
      %dma_start3A_411 = tpu.memref_slice %arg9[%shift_right_arithmetic3A_406, %mul3A_410] : memref<40x256xf32, #tpu.memory_space<vmem>> -> memref<1x128xf32, #tpu.memory_space<vmem>>
      %dma_start3A_412 = tpu.memref_squeeze %dma_start3A_411 : memref<1x128xf32, #tpu.memory_space<vmem>> -> memref<128xf32, #tpu.memory_space<vmem>>
      %dma_start3A_413 = tpu.memref_slice %arg7[%shift_right_arithmetic3A_406, %mul3A_410] : memref<40x256xi32, #tpu.memory_space<vmem>> -> memref<1x128xi32, #tpu.memory_space<vmem>>
      %dma_start3A_414 = tpu.memref_squeeze %dma_start3A_413 : memref<1x128xi32, #tpu.memory_space<vmem>> -> memref<128xi32, #tpu.memory_space<vmem>>
      %dma_start3A_415 = arith.constant 0 : i32
      %dma_start3A_416 = tpu.memref_slice %arg5[%dma_start3A_415] : memref<1048576xf32, #tpu.memory_space<vmem_shared>> -> memref<1048576xf32, #tpu.memory_space<vmem_shared>>
      tpu.enqueue_indirect_dma source(%dma_start3A_416 : memref<1048576xf32, #tpu.memory_space<vmem_shared>>) target(%dma_start3A_412 : memref<128xf32, #tpu.memory_space<vmem>>) offsets(%dma_start3A_414 : memref<128xi32, #tpu.memory_space<vmem>>) semaphore(%arg13 : memref<!tpu.dma_semaphore, #tpu.memory_space<semaphore_mem>>)
      %scan3A_417 = arith.constant 7 : i32
      %scan3A_418 = arith.addi %scan3A_322, %scan3A_417 : i32
      %shift_right_arithmetic3A_419 = arith.constant 1 : i32
      %shift_right_arithmetic3A_420 = arith.shrsi %scan3A_418, %shift_right_arithmetic3A_419 : i32
      %and3A_421 = arith.constant 1 : i32
      %and3A_422 = arith.andi %scan3A_418, %and3A_421 : i32
      %mul3A_423 = arith.constant 128 : i32
      %mul3A_424 = arith.muli %and3A_422, %mul3A_423 : i32
      %dma_start3A_425 = tpu.memref_slice %arg9[%shift_right_arithmetic3A_420, %mul3A_424] : memref<40x256xf32, #tpu.memory_space<vmem>> -> memref<1x128xf32, #tpu.memory_space<vmem>>
      %dma_start3A_426 = tpu.memref_squeeze %dma_start3A_425 : memref<1x128xf32, #tpu.memory_space<vmem>> -> memref<128xf32, #tpu.memory_space<vmem>>
      %dma_start3A_427 = tpu.memref_slice %arg7[%shift_right_arithmetic3A_420, %mul3A_424] : memref<40x256xi32, #tpu.memory_space<vmem>> -> memref<1x128xi32, #tpu.memory_space<vmem>>
      %dma_start3A_428 = tpu.memref_squeeze %dma_start3A_427 : memref<1x128xi32, #tpu.memory_space<vmem>> -> memref<128xi32, #tpu.memory_space<vmem>>
      %dma_start3A_429 = arith.constant 0 : i32
      %dma_start3A_430 = tpu.memref_slice %arg5[%dma_start3A_429] : memref<1048576xf32, #tpu.memory_space<vmem_shared>> -> memref<1048576xf32, #tpu.memory_space<vmem_shared>>
      tpu.enqueue_indirect_dma source(%dma_start3A_430 : memref<1048576xf32, #tpu.memory_space<vmem_shared>>) target(%dma_start3A_426 : memref<128xf32, #tpu.memory_space<vmem>>) offsets(%dma_start3A_428 : memref<128xi32, #tpu.memory_space<vmem>>) semaphore(%arg13 : memref<!tpu.dma_semaphore, #tpu.memory_space<semaphore_mem>>)
    }
    %scan3A_195 = arith.constant 80 : i32
    %scan3A_196 = arith.constant 0 : i32
    %scan3A_197 = arith.constant 0 : i32
    %scan3A_198 = arith.constant 80 : i32
    %scan3A_199 = arith.addi %scan3A_197, %scan3A_198 : i32
    %scan3A_200 = arith.constant 8 : i32
    scf.for %scan3A_322 = %scan3A_197 to %scan3A_199 step %scan3A_200  : i32 {
      %dma_wait3A_323 = arith.constant 0 : i32
      %dma_wait3A_324 = arith.constant 0 : i32
      %dma_wait3A_325 = arith.constant 0 : i32
      %dma_wait3A_326 = tpu.memref_slice %arg9[%dma_wait3A_324, %dma_wait3A_325] : memref<40x256xf32, #tpu.memory_space<vmem>> -> memref<1x128xf32, #tpu.memory_space<vmem>>
      %dma_wait3A_327 = tpu.memref_squeeze %dma_wait3A_326 : memref<1x128xf32, #tpu.memory_space<vmem>> -> memref<128xf32, #tpu.memory_space<vmem>>
      %dma_wait3A_328 = arith.constant 0 : i32
      %dma_wait3A_329 = tpu.memref_slice %arg7[%dma_wait3A_323, %dma_wait3A_328] : memref<40x256xi32, #tpu.memory_space<vmem>> -> memref<1x128xi32, #tpu.memory_space<vmem>>
      %dma_wait3A_330 = tpu.memref_squeeze %dma_wait3A_329 : memref<1x128xi32, #tpu.memory_space<vmem>> -> memref<128xi32, #tpu.memory_space<vmem>>
      %dma_wait3A_331 = arith.constant 0 : i32
      %dma_wait3A_332 = tpu.memref_slice %arg5[%dma_wait3A_331] : memref<1048576xf32, #tpu.memory_space<vmem_shared>> -> memref<1048576xf32, #tpu.memory_space<vmem_shared>>
      tpu.wait_indirect_dma semaphore(%arg13 : memref<!tpu.dma_semaphore, #tpu.memory_space<semaphore_mem>>) src(%dma_wait3A_332 : memref<1048576xf32, #tpu.memory_space<vmem_shared>>) dst(%dma_wait3A_327 : memref<128xf32, #tpu.memory_space<vmem>>)
      %scan3A_333 = arith.constant 1 : i32
      %scan3A_334 = arith.addi %scan3A_322, %scan3A_333 : i32
      %dma_wait3A_335 = arith.constant 0 : i32
      %dma_wait3A_336 = arith.constant 0 : i32
      %dma_wait3A_337 = arith.constant 0 : i32
      %dma_wait3A_338 = tpu.memref_slice %arg9[%dma_wait3A_336, %dma_wait3A_337] : memref<40x256xf32, #tpu.memory_space<vmem>> -> memref<1x128xf32, #tpu.memory_space<vmem>>
      %dma_wait3A_339 = tpu.memref_squeeze %dma_wait3A_338 : memref<1x128xf32, #tpu.memory_space<vmem>> -> memref<128xf32, #tpu.memory_space<vmem>>
      %dma_wait3A_340 = arith.constant 0 : i32
      %dma_wait3A_341 = tpu.memref_slice %arg7[%dma_wait3A_335, %dma_wait3A_340] : memref<40x256xi32, #tpu.memory_space<vmem>> -> memref<1x128xi32, #tpu.memory_space<vmem>>
      %dma_wait3A_342 = tpu.memref_squeeze %dma_wait3A_341 : memref<1x128xi32, #tpu.memory_space<vmem>> -> memref<128xi32, #tpu.memory_space<vmem>>
      %dma_wait3A_343 = arith.constant 0 : i32
      %dma_wait3A_344 = tpu.memref_slice %arg5[%dma_wait3A_343] : memref<1048576xf32, #tpu.memory_space<vmem_shared>> -> memref<1048576xf32, #tpu.memory_space<vmem_shared>>
      tpu.wait_indirect_dma semaphore(%arg13 : memref<!tpu.dma_semaphore, #tpu.memory_space<semaphore_mem>>) src(%dma_wait3A_344 : memref<1048576xf32, #tpu.memory_space<vmem_shared>>) dst(%dma_wait3A_339 : memref<128xf32, #tpu.memory_space<vmem>>)
      %scan3A_345 = arith.constant 2 : i32
      %scan3A_346 = arith.addi %scan3A_322, %scan3A_345 : i32
      %dma_wait3A_347 = arith.constant 0 : i32
      %dma_wait3A_348 = arith.constant 0 : i32
      %dma_wait3A_349 = arith.constant 0 : i32
      %dma_wait3A_350 = tpu.memref_slice %arg9[%dma_wait3A_348, %dma_wait3A_349] : memref<40x256xf32, #tpu.memory_space<vmem>> -> memref<1x128xf32, #tpu.memory_space<vmem>>
      %dma_wait3A_351 = tpu.memref_squeeze %dma_wait3A_350 : memref<1x128xf32, #tpu.memory_space<vmem>> -> memref<128xf32, #tpu.memory_space<vmem>>
      %dma_wait3A_352 = arith.constant 0 : i32
      %dma_wait3A_353 = tpu.memref_slice %arg7[%dma_wait3A_347, %dma_wait3A_352] : memref<40x256xi32, #tpu.memory_space<vmem>> -> memref<1x128xi32, #tpu.memory_space<vmem>>
      %dma_wait3A_354 = tpu.memref_squeeze %dma_wait3A_353 : memref<1x128xi32, #tpu.memory_space<vmem>> -> memref<128xi32, #tpu.memory_space<vmem>>
      %dma_wait3A_355 = arith.constant 0 : i32
      %dma_wait3A_356 = tpu.memref_slice %arg5[%dma_wait3A_355] : memref<1048576xf32, #tpu.memory_space<vmem_shared>> -> memref<1048576xf32, #tpu.memory_space<vmem_shared>>
      tpu.wait_indirect_dma semaphore(%arg13 : memref<!tpu.dma_semaphore, #tpu.memory_space<semaphore_mem>>) src(%dma_wait3A_356 : memref<1048576xf32, #tpu.memory_space<vmem_shared>>) dst(%dma_wait3A_351 : memref<128xf32, #tpu.memory_space<vmem>>)
      %scan3A_357 = arith.constant 3 : i32
      %scan3A_358 = arith.addi %scan3A_322, %scan3A_357 : i32
      %dma_wait3A_359 = arith.constant 0 : i32
      %dma_wait3A_360 = arith.constant 0 : i32
      %dma_wait3A_361 = arith.constant 0 : i32
      %dma_wait3A_362 = tpu.memref_slice %arg9[%dma_wait3A_360, %dma_wait3A_361] : memref<40x256xf32, #tpu.memory_space<vmem>> -> memref<1x128xf32, #tpu.memory_space<vmem>>
      %dma_wait3A_363 = tpu.memref_squeeze %dma_wait3A_362 : memref<1x128xf32, #tpu.memory_space<vmem>> -> memref<128xf32, #tpu.memory_space<vmem>>
      %dma_wait3A_364 = arith.constant 0 : i32
      %dma_wait3A_365 = tpu.memref_slice %arg7[%dma_wait3A_359, %dma_wait3A_364] : memref<40x256xi32, #tpu.memory_space<vmem>> -> memref<1x128xi32, #tpu.memory_space<vmem>>
      %dma_wait3A_366 = tpu.memref_squeeze %dma_wait3A_365 : memref<1x128xi32, #tpu.memory_space<vmem>> -> memref<128xi32, #tpu.memory_space<vmem>>
      %dma_wait3A_367 = arith.constant 0 : i32
      %dma_wait3A_368 = tpu.memref_slice %arg5[%dma_wait3A_367] : memref<1048576xf32, #tpu.memory_space<vmem_shared>> -> memref<1048576xf32, #tpu.memory_space<vmem_shared>>
      tpu.wait_indirect_dma semaphore(%arg13 : memref<!tpu.dma_semaphore, #tpu.memory_space<semaphore_mem>>) src(%dma_wait3A_368 : memref<1048576xf32, #tpu.memory_space<vmem_shared>>) dst(%dma_wait3A_363 : memref<128xf32, #tpu.memory_space<vmem>>)
      %scan3A_369 = arith.constant 4 : i32
      %scan3A_370 = arith.addi %scan3A_322, %scan3A_369 : i32
      %dma_wait3A_371 = arith.constant 0 : i32
      %dma_wait3A_372 = arith.constant 0 : i32
      %dma_wait3A_373 = arith.constant 0 : i32
      %dma_wait3A_374 = tpu.memref_slice %arg9[%dma_wait3A_372, %dma_wait3A_373] : memref<40x256xf32, #tpu.memory_space<vmem>> -> memref<1x128xf32, #tpu.memory_space<vmem>>
      %dma_wait3A_375 = tpu.memref_squeeze %dma_wait3A_374 : memref<1x128xf32, #tpu.memory_space<vmem>> -> memref<128xf32, #tpu.memory_space<vmem>>
      %dma_wait3A_376 = arith.constant 0 : i32
      %dma_wait3A_377 = tpu.memref_slice %arg7[%dma_wait3A_371, %dma_wait3A_376] : memref<40x256xi32, #tpu.memory_space<vmem>> -> memref<1x128xi32, #tpu.memory_space<vmem>>
      %dma_wait3A_378 = tpu.memref_squeeze %dma_wait3A_377 : memref<1x128xi32, #tpu.memory_space<vmem>> -> memref<128xi32, #tpu.memory_space<vmem>>
      %dma_wait3A_379 = arith.constant 0 : i32
      %dma_wait3A_380 = tpu.memref_slice %arg5[%dma_wait3A_379] : memref<1048576xf32, #tpu.memory_space<vmem_shared>> -> memref<1048576xf32, #tpu.memory_space<vmem_shared>>
      tpu.wait_indirect_dma semaphore(%arg13 : memref<!tpu.dma_semaphore, #tpu.memory_space<semaphore_mem>>) src(%dma_wait3A_380 : memref<1048576xf32, #tpu.memory_space<vmem_shared>>) dst(%dma_wait3A_375 : memref<128xf32, #tpu.memory_space<vmem>>)
      %scan3A_381 = arith.constant 5 : i32
      %scan3A_382 = arith.addi %scan3A_322, %scan3A_381 : i32
      %dma_wait3A_383 = arith.constant 0 : i32
      %dma_wait3A_384 = arith.constant 0 : i32
      %dma_wait3A_385 = arith.constant 0 : i32
      %dma_wait3A_386 = tpu.memref_slice %arg9[%dma_wait3A_384, %dma_wait3A_385] : memref<40x256xf32, #tpu.memory_space<vmem>> -> memref<1x128xf32, #tpu.memory_space<vmem>>
      %dma_wait3A_387 = tpu.memref_squeeze %dma_wait3A_386 : memref<1x128xf32, #tpu.memory_space<vmem>> -> memref<128xf32, #tpu.memory_space<vmem>>
      %dma_wait3A_388 = arith.constant 0 : i32
      %dma_wait3A_389 = tpu.memref_slice %arg7[%dma_wait3A_383, %dma_wait3A_388] : memref<40x256xi32, #tpu.memory_space<vmem>> -> memref<1x128xi32, #tpu.memory_space<vmem>>
      %dma_wait3A_390 = tpu.memref_squeeze %dma_wait3A_389 : memref<1x128xi32, #tpu.memory_space<vmem>> -> memref<128xi32, #tpu.memory_space<vmem>>
      %dma_wait3A_391 = arith.constant 0 : i32
      %dma_wait3A_392 = tpu.memref_slice %arg5[%dma_wait3A_391] : memref<1048576xf32, #tpu.memory_space<vmem_shared>> -> memref<1048576xf32, #tpu.memory_space<vmem_shared>>
      tpu.wait_indirect_dma semaphore(%arg13 : memref<!tpu.dma_semaphore, #tpu.memory_space<semaphore_mem>>) src(%dma_wait3A_392 : memref<1048576xf32, #tpu.memory_space<vmem_shared>>) dst(%dma_wait3A_387 : memref<128xf32, #tpu.memory_space<vmem>>)
      %scan3A_393 = arith.constant 6 : i32
      %scan3A_394 = arith.addi %scan3A_322, %scan3A_393 : i32
      %dma_wait3A_395 = arith.constant 0 : i32
      %dma_wait3A_396 = arith.constant 0 : i32
      %dma_wait3A_397 = arith.constant 0 : i32
      %dma_wait3A_398 = tpu.memref_slice %arg9[%dma_wait3A_396, %dma_wait3A_397] : memref<40x256xf32, #tpu.memory_space<vmem>> -> memref<1x128xf32, #tpu.memory_space<vmem>>
      %dma_wait3A_399 = tpu.memref_squeeze %dma_wait3A_398 : memref<1x128xf32, #tpu.memory_space<vmem>> -> memref<128xf32, #tpu.memory_space<vmem>>
      %dma_wait3A_400 = arith.constant 0 : i32
      %dma_wait3A_401 = tpu.memref_slice %arg7[%dma_wait3A_395, %dma_wait3A_400] : memref<40x256xi32, #tpu.memory_space<vmem>> -> memref<1x128xi32, #tpu.memory_space<vmem>>
      %dma_wait3A_402 = tpu.memref_squeeze %dma_wait3A_401 : memref<1x128xi32, #tpu.memory_space<vmem>> -> memref<128xi32, #tpu.memory_space<vmem>>
      %dma_wait3A_403 = arith.constant 0 : i32
      %dma_wait3A_404 = tpu.memref_slice %arg5[%dma_wait3A_403] : memref<1048576xf32, #tpu.memory_space<vmem_shared>> -> memref<1048576xf32, #tpu.memory_space<vmem_shared>>
      tpu.wait_indirect_dma semaphore(%arg13 : memref<!tpu.dma_semaphore, #tpu.memory_space<semaphore_mem>>) src(%dma_wait3A_404 : memref<1048576xf32, #tpu.memory_space<vmem_shared>>) dst(%dma_wait3A_399 : memref<128xf32, #tpu.memory_space<vmem>>)
      %scan3A_405 = arith.constant 7 : i32
      %scan3A_406 = arith.addi %scan3A_322, %scan3A_405 : i32
      %dma_wait3A_407 = arith.constant 0 : i32
      %dma_wait3A_408 = arith.constant 0 : i32
      %dma_wait3A_409 = arith.constant 0 : i32
      %dma_wait3A_410 = tpu.memref_slice %arg9[%dma_wait3A_408, %dma_wait3A_409] : memref<40x256xf32, #tpu.memory_space<vmem>> -> memref<1x128xf32, #tpu.memory_space<vmem>>
      %dma_wait3A_411 = tpu.memref_squeeze %dma_wait3A_410 : memref<1x128xf32, #tpu.memory_space<vmem>> -> memref<128xf32, #tpu.memory_space<vmem>>
      %dma_wait3A_412 = arith.constant 0 : i32
      %dma_wait3A_413 = tpu.memref_slice %arg7[%dma_wait3A_407, %dma_wait3A_412] : memref<40x256xi32, #tpu.memory_space<vmem>> -> memref<1x128xi32, #tpu.memory_space<vmem>>
      %dma_wait3A_414 = tpu.memref_squeeze %dma_wait3A_413 : memref<1x128xi32, #tpu.memory_space<vmem>> -> memref<128xi32, #tpu.memory_space<vmem>>
      %dma_wait3A_415 = arith.constant 0 : i32
      %dma_wait3A_416 = tpu.memref_slice %arg5[%dma_wait3A_415] : memref<1048576xf32, #tpu.memory_space<vmem_shared>> -> memref<1048576xf32, #tpu.memory_space<vmem_shared>>
      tpu.wait_indirect_dma semaphore(%arg13 : memref<!tpu.dma_semaphore, #tpu.memory_space<semaphore_mem>>) src(%dma_wait3A_416 : memref<1048576xf32, #tpu.memory_space<vmem_shared>>) dst(%dma_wait3A_411 : memref<128xf32, #tpu.memory_space<vmem>>)
    }
    %scan3A_201 = arith.constant 80 : i32
    %dma_start3A_202 = arith.constant 80 : i32
    %dma_start3A_203 = tpu.memref_slice %arg4[%dma_start3A_202, %add3A_36] : memref<200x16384xf32, #tpu.memory_space<hbm>> -> memref<40x256xf32, #tpu.memory_space<hbm>>
    %dma_start3A_204 = arith.constant 80 : i32
    %dma_start3A_205 = tpu.memref_slice %arg4[%dma_start3A_204, %add3A_36] : memref<200x16384xf32, #tpu.memory_space<hbm>> -> memref<40x256xf32, #tpu.memory_space<hbm>>
    tpu.enqueue_dma source(%arg9 : memref<40x256xf32, #tpu.memory_space<vmem>>) target(%dma_start3A_205 : memref<40x256xf32, #tpu.memory_space<hbm>>) target_semaphore(%arg15 : memref<!tpu.dma_semaphore, #tpu.memory_space<semaphore_mem>>)
    %dma_wait3A_206 = arith.constant 80 : i32
    %dma_wait3A_207 = tpu.memref_slice %arg4[%dma_wait3A_206, %add3A_34] : memref<200x16384xf32, #tpu.memory_space<hbm>> -> memref<40x256xf32, #tpu.memory_space<hbm>>
    %dma_wait3A_208 = arith.constant 80 : i32
    %dma_wait3A_209 = tpu.memref_slice %arg4[%dma_wait3A_208, %add3A_34] : memref<200x16384xf32, #tpu.memory_space<hbm>> -> memref<40x256xf32, #tpu.memory_space<hbm>>
    tpu.wait_dma2 semaphore(%arg14 : memref<!tpu.dma_semaphore, #tpu.memory_space<semaphore_mem>>) src(%arg8 : memref<40x256xf32, #tpu.memory_space<vmem>>) dst(%dma_wait3A_209 : memref<40x256xf32, #tpu.memory_space<hbm>>)
    %dma_wait3A_210 = arith.constant 120 : i32
    %dma_wait3A_211 = tpu.memref_slice %arg2[%dma_wait3A_210, %add3A_18] : memref<200x16384xi32, #tpu.memory_space<hbm>> -> memref<40x256xi32, #tpu.memory_space<hbm>>
    %dma_wait3A_212 = arith.constant 120 : i32
    %dma_wait3A_213 = tpu.memref_slice %arg2[%dma_wait3A_212, %add3A_18] : memref<200x16384xi32, #tpu.memory_space<hbm>> -> memref<40x256xi32, #tpu.memory_space<hbm>>
    tpu.wait_dma2 semaphore(%arg11 : memref<!tpu.dma_semaphore, #tpu.memory_space<semaphore_mem>>) src(%dma_wait3A_213 : memref<40x256xi32, #tpu.memory_space<hbm>>) dst(%arg6 : memref<40x256xi32, #tpu.memory_space<vmem>>)
    %dma_start3A_214 = arith.constant 120 : i32
    %dma_start3A_215 = tpu.memref_slice %arg2[%dma_start3A_214, %add3A_20] : memref<200x16384xi32, #tpu.memory_space<hbm>> -> memref<40x256xi32, #tpu.memory_space<hbm>>
    %dma_start3A_216 = arith.constant 120 : i32
    %dma_start3A_217 = tpu.memref_slice %arg2[%dma_start3A_216, %add3A_20] : memref<200x16384xi32, #tpu.memory_space<hbm>> -> memref<40x256xi32, #tpu.memory_space<hbm>>
    tpu.enqueue_dma source(%dma_start3A_217 : memref<40x256xi32, #tpu.memory_space<hbm>>) target(%arg7 : memref<40x256xi32, #tpu.memory_space<vmem>>) target_semaphore(%arg12 : memref<!tpu.dma_semaphore, #tpu.memory_space<semaphore_mem>>)
    %scan3A_218 = arith.constant 0 : i32
    %scan3A_219 = arith.constant 0 : i32
    %scan3A_220 = arith.constant 80 : i32
    %scan3A_221 = arith.addi %scan3A_219, %scan3A_220 : i32
    %scan3A_222 = arith.constant 8 : i32
    scf.for %scan3A_322 = %scan3A_219 to %scan3A_221 step %scan3A_222  : i32 {
      %shift_right_arithmetic3A = arith.constant 1 : i32
      %shift_right_arithmetic3A_323 = arith.shrsi %scan3A_322, %shift_right_arithmetic3A : i32
      %and3A = arith.constant 1 : i32
      %and3A_324 = arith.andi %scan3A_322, %and3A : i32
      %mul3A_325 = arith.constant 128 : i32
      %mul3A_326 = arith.muli %and3A_324, %mul3A_325 : i32
      %dma_start3A_327 = tpu.memref_slice %arg8[%shift_right_arithmetic3A_323, %mul3A_326] : memref<40x256xf32, #tpu.memory_space<vmem>> -> memref<1x128xf32, #tpu.memory_space<vmem>>
      %dma_start3A_328 = tpu.memref_squeeze %dma_start3A_327 : memref<1x128xf32, #tpu.memory_space<vmem>> -> memref<128xf32, #tpu.memory_space<vmem>>
      %dma_start3A_329 = tpu.memref_slice %arg6[%shift_right_arithmetic3A_323, %mul3A_326] : memref<40x256xi32, #tpu.memory_space<vmem>> -> memref<1x128xi32, #tpu.memory_space<vmem>>
      %dma_start3A_330 = tpu.memref_squeeze %dma_start3A_329 : memref<1x128xi32, #tpu.memory_space<vmem>> -> memref<128xi32, #tpu.memory_space<vmem>>
      %dma_start3A_331 = arith.constant 0 : i32
      %dma_start3A_332 = tpu.memref_slice %arg5[%dma_start3A_331] : memref<1048576xf32, #tpu.memory_space<vmem_shared>> -> memref<1048576xf32, #tpu.memory_space<vmem_shared>>
      tpu.enqueue_indirect_dma source(%dma_start3A_332 : memref<1048576xf32, #tpu.memory_space<vmem_shared>>) target(%dma_start3A_328 : memref<128xf32, #tpu.memory_space<vmem>>) offsets(%dma_start3A_330 : memref<128xi32, #tpu.memory_space<vmem>>) semaphore(%arg13 : memref<!tpu.dma_semaphore, #tpu.memory_space<semaphore_mem>>)
      %scan3A_333 = arith.constant 1 : i32
      %scan3A_334 = arith.addi %scan3A_322, %scan3A_333 : i32
      %shift_right_arithmetic3A_335 = arith.constant 1 : i32
      %shift_right_arithmetic3A_336 = arith.shrsi %scan3A_334, %shift_right_arithmetic3A_335 : i32
      %and3A_337 = arith.constant 1 : i32
      %and3A_338 = arith.andi %scan3A_334, %and3A_337 : i32
      %mul3A_339 = arith.constant 128 : i32
      %mul3A_340 = arith.muli %and3A_338, %mul3A_339 : i32
      %dma_start3A_341 = tpu.memref_slice %arg8[%shift_right_arithmetic3A_336, %mul3A_340] : memref<40x256xf32, #tpu.memory_space<vmem>> -> memref<1x128xf32, #tpu.memory_space<vmem>>
      %dma_start3A_342 = tpu.memref_squeeze %dma_start3A_341 : memref<1x128xf32, #tpu.memory_space<vmem>> -> memref<128xf32, #tpu.memory_space<vmem>>
      %dma_start3A_343 = tpu.memref_slice %arg6[%shift_right_arithmetic3A_336, %mul3A_340] : memref<40x256xi32, #tpu.memory_space<vmem>> -> memref<1x128xi32, #tpu.memory_space<vmem>>
      %dma_start3A_344 = tpu.memref_squeeze %dma_start3A_343 : memref<1x128xi32, #tpu.memory_space<vmem>> -> memref<128xi32, #tpu.memory_space<vmem>>
      %dma_start3A_345 = arith.constant 0 : i32
      %dma_start3A_346 = tpu.memref_slice %arg5[%dma_start3A_345] : memref<1048576xf32, #tpu.memory_space<vmem_shared>> -> memref<1048576xf32, #tpu.memory_space<vmem_shared>>
      tpu.enqueue_indirect_dma source(%dma_start3A_346 : memref<1048576xf32, #tpu.memory_space<vmem_shared>>) target(%dma_start3A_342 : memref<128xf32, #tpu.memory_space<vmem>>) offsets(%dma_start3A_344 : memref<128xi32, #tpu.memory_space<vmem>>) semaphore(%arg13 : memref<!tpu.dma_semaphore, #tpu.memory_space<semaphore_mem>>)
      %scan3A_347 = arith.constant 2 : i32
      %scan3A_348 = arith.addi %scan3A_322, %scan3A_347 : i32
      %shift_right_arithmetic3A_349 = arith.constant 1 : i32
      %shift_right_arithmetic3A_350 = arith.shrsi %scan3A_348, %shift_right_arithmetic3A_349 : i32
      %and3A_351 = arith.constant 1 : i32
      %and3A_352 = arith.andi %scan3A_348, %and3A_351 : i32
      %mul3A_353 = arith.constant 128 : i32
      %mul3A_354 = arith.muli %and3A_352, %mul3A_353 : i32
      %dma_start3A_355 = tpu.memref_slice %arg8[%shift_right_arithmetic3A_350, %mul3A_354] : memref<40x256xf32, #tpu.memory_space<vmem>> -> memref<1x128xf32, #tpu.memory_space<vmem>>
      %dma_start3A_356 = tpu.memref_squeeze %dma_start3A_355 : memref<1x128xf32, #tpu.memory_space<vmem>> -> memref<128xf32, #tpu.memory_space<vmem>>
      %dma_start3A_357 = tpu.memref_slice %arg6[%shift_right_arithmetic3A_350, %mul3A_354] : memref<40x256xi32, #tpu.memory_space<vmem>> -> memref<1x128xi32, #tpu.memory_space<vmem>>
      %dma_start3A_358 = tpu.memref_squeeze %dma_start3A_357 : memref<1x128xi32, #tpu.memory_space<vmem>> -> memref<128xi32, #tpu.memory_space<vmem>>
      %dma_start3A_359 = arith.constant 0 : i32
      %dma_start3A_360 = tpu.memref_slice %arg5[%dma_start3A_359] : memref<1048576xf32, #tpu.memory_space<vmem_shared>> -> memref<1048576xf32, #tpu.memory_space<vmem_shared>>
      tpu.enqueue_indirect_dma source(%dma_start3A_360 : memref<1048576xf32, #tpu.memory_space<vmem_shared>>) target(%dma_start3A_356 : memref<128xf32, #tpu.memory_space<vmem>>) offsets(%dma_start3A_358 : memref<128xi32, #tpu.memory_space<vmem>>) semaphore(%arg13 : memref<!tpu.dma_semaphore, #tpu.memory_space<semaphore_mem>>)
      %scan3A_361 = arith.constant 3 : i32
      %scan3A_362 = arith.addi %scan3A_322, %scan3A_361 : i32
      %shift_right_arithmetic3A_363 = arith.constant 1 : i32
      %shift_right_arithmetic3A_364 = arith.shrsi %scan3A_362, %shift_right_arithmetic3A_363 : i32
      %and3A_365 = arith.constant 1 : i32
      %and3A_366 = arith.andi %scan3A_362, %and3A_365 : i32
      %mul3A_367 = arith.constant 128 : i32
      %mul3A_368 = arith.muli %and3A_366, %mul3A_367 : i32
      %dma_start3A_369 = tpu.memref_slice %arg8[%shift_right_arithmetic3A_364, %mul3A_368] : memref<40x256xf32, #tpu.memory_space<vmem>> -> memref<1x128xf32, #tpu.memory_space<vmem>>
      %dma_start3A_370 = tpu.memref_squeeze %dma_start3A_369 : memref<1x128xf32, #tpu.memory_space<vmem>> -> memref<128xf32, #tpu.memory_space<vmem>>
      %dma_start3A_371 = tpu.memref_slice %arg6[%shift_right_arithmetic3A_364, %mul3A_368] : memref<40x256xi32, #tpu.memory_space<vmem>> -> memref<1x128xi32, #tpu.memory_space<vmem>>
      %dma_start3A_372 = tpu.memref_squeeze %dma_start3A_371 : memref<1x128xi32, #tpu.memory_space<vmem>> -> memref<128xi32, #tpu.memory_space<vmem>>
      %dma_start3A_373 = arith.constant 0 : i32
      %dma_start3A_374 = tpu.memref_slice %arg5[%dma_start3A_373] : memref<1048576xf32, #tpu.memory_space<vmem_shared>> -> memref<1048576xf32, #tpu.memory_space<vmem_shared>>
      tpu.enqueue_indirect_dma source(%dma_start3A_374 : memref<1048576xf32, #tpu.memory_space<vmem_shared>>) target(%dma_start3A_370 : memref<128xf32, #tpu.memory_space<vmem>>) offsets(%dma_start3A_372 : memref<128xi32, #tpu.memory_space<vmem>>) semaphore(%arg13 : memref<!tpu.dma_semaphore, #tpu.memory_space<semaphore_mem>>)
      %scan3A_375 = arith.constant 4 : i32
      %scan3A_376 = arith.addi %scan3A_322, %scan3A_375 : i32
      %shift_right_arithmetic3A_377 = arith.constant 1 : i32
      %shift_right_arithmetic3A_378 = arith.shrsi %scan3A_376, %shift_right_arithmetic3A_377 : i32
      %and3A_379 = arith.constant 1 : i32
      %and3A_380 = arith.andi %scan3A_376, %and3A_379 : i32
      %mul3A_381 = arith.constant 128 : i32
      %mul3A_382 = arith.muli %and3A_380, %mul3A_381 : i32
      %dma_start3A_383 = tpu.memref_slice %arg8[%shift_right_arithmetic3A_378, %mul3A_382] : memref<40x256xf32, #tpu.memory_space<vmem>> -> memref<1x128xf32, #tpu.memory_space<vmem>>
      %dma_start3A_384 = tpu.memref_squeeze %dma_start3A_383 : memref<1x128xf32, #tpu.memory_space<vmem>> -> memref<128xf32, #tpu.memory_space<vmem>>
      %dma_start3A_385 = tpu.memref_slice %arg6[%shift_right_arithmetic3A_378, %mul3A_382] : memref<40x256xi32, #tpu.memory_space<vmem>> -> memref<1x128xi32, #tpu.memory_space<vmem>>
      %dma_start3A_386 = tpu.memref_squeeze %dma_start3A_385 : memref<1x128xi32, #tpu.memory_space<vmem>> -> memref<128xi32, #tpu.memory_space<vmem>>
      %dma_start3A_387 = arith.constant 0 : i32
      %dma_start3A_388 = tpu.memref_slice %arg5[%dma_start3A_387] : memref<1048576xf32, #tpu.memory_space<vmem_shared>> -> memref<1048576xf32, #tpu.memory_space<vmem_shared>>
      tpu.enqueue_indirect_dma source(%dma_start3A_388 : memref<1048576xf32, #tpu.memory_space<vmem_shared>>) target(%dma_start3A_384 : memref<128xf32, #tpu.memory_space<vmem>>) offsets(%dma_start3A_386 : memref<128xi32, #tpu.memory_space<vmem>>) semaphore(%arg13 : memref<!tpu.dma_semaphore, #tpu.memory_space<semaphore_mem>>)
      %scan3A_389 = arith.constant 5 : i32
      %scan3A_390 = arith.addi %scan3A_322, %scan3A_389 : i32
      %shift_right_arithmetic3A_391 = arith.constant 1 : i32
      %shift_right_arithmetic3A_392 = arith.shrsi %scan3A_390, %shift_right_arithmetic3A_391 : i32
      %and3A_393 = arith.constant 1 : i32
      %and3A_394 = arith.andi %scan3A_390, %and3A_393 : i32
      %mul3A_395 = arith.constant 128 : i32
      %mul3A_396 = arith.muli %and3A_394, %mul3A_395 : i32
      %dma_start3A_397 = tpu.memref_slice %arg8[%shift_right_arithmetic3A_392, %mul3A_396] : memref<40x256xf32, #tpu.memory_space<vmem>> -> memref<1x128xf32, #tpu.memory_space<vmem>>
      %dma_start3A_398 = tpu.memref_squeeze %dma_start3A_397 : memref<1x128xf32, #tpu.memory_space<vmem>> -> memref<128xf32, #tpu.memory_space<vmem>>
      %dma_start3A_399 = tpu.memref_slice %arg6[%shift_right_arithmetic3A_392, %mul3A_396] : memref<40x256xi32, #tpu.memory_space<vmem>> -> memref<1x128xi32, #tpu.memory_space<vmem>>
      %dma_start3A_400 = tpu.memref_squeeze %dma_start3A_399 : memref<1x128xi32, #tpu.memory_space<vmem>> -> memref<128xi32, #tpu.memory_space<vmem>>
      %dma_start3A_401 = arith.constant 0 : i32
      %dma_start3A_402 = tpu.memref_slice %arg5[%dma_start3A_401] : memref<1048576xf32, #tpu.memory_space<vmem_shared>> -> memref<1048576xf32, #tpu.memory_space<vmem_shared>>
      tpu.enqueue_indirect_dma source(%dma_start3A_402 : memref<1048576xf32, #tpu.memory_space<vmem_shared>>) target(%dma_start3A_398 : memref<128xf32, #tpu.memory_space<vmem>>) offsets(%dma_start3A_400 : memref<128xi32, #tpu.memory_space<vmem>>) semaphore(%arg13 : memref<!tpu.dma_semaphore, #tpu.memory_space<semaphore_mem>>)
      %scan3A_403 = arith.constant 6 : i32
      %scan3A_404 = arith.addi %scan3A_322, %scan3A_403 : i32
      %shift_right_arithmetic3A_405 = arith.constant 1 : i32
      %shift_right_arithmetic3A_406 = arith.shrsi %scan3A_404, %shift_right_arithmetic3A_405 : i32
      %and3A_407 = arith.constant 1 : i32
      %and3A_408 = arith.andi %scan3A_404, %and3A_407 : i32
      %mul3A_409 = arith.constant 128 : i32
      %mul3A_410 = arith.muli %and3A_408, %mul3A_409 : i32
      %dma_start3A_411 = tpu.memref_slice %arg8[%shift_right_arithmetic3A_406, %mul3A_410] : memref<40x256xf32, #tpu.memory_space<vmem>> -> memref<1x128xf32, #tpu.memory_space<vmem>>
      %dma_start3A_412 = tpu.memref_squeeze %dma_start3A_411 : memref<1x128xf32, #tpu.memory_space<vmem>> -> memref<128xf32, #tpu.memory_space<vmem>>
      %dma_start3A_413 = tpu.memref_slice %arg6[%shift_right_arithmetic3A_406, %mul3A_410] : memref<40x256xi32, #tpu.memory_space<vmem>> -> memref<1x128xi32, #tpu.memory_space<vmem>>
      %dma_start3A_414 = tpu.memref_squeeze %dma_start3A_413 : memref<1x128xi32, #tpu.memory_space<vmem>> -> memref<128xi32, #tpu.memory_space<vmem>>
      %dma_start3A_415 = arith.constant 0 : i32
      %dma_start3A_416 = tpu.memref_slice %arg5[%dma_start3A_415] : memref<1048576xf32, #tpu.memory_space<vmem_shared>> -> memref<1048576xf32, #tpu.memory_space<vmem_shared>>
      tpu.enqueue_indirect_dma source(%dma_start3A_416 : memref<1048576xf32, #tpu.memory_space<vmem_shared>>) target(%dma_start3A_412 : memref<128xf32, #tpu.memory_space<vmem>>) offsets(%dma_start3A_414 : memref<128xi32, #tpu.memory_space<vmem>>) semaphore(%arg13 : memref<!tpu.dma_semaphore, #tpu.memory_space<semaphore_mem>>)
      %scan3A_417 = arith.constant 7 : i32
      %scan3A_418 = arith.addi %scan3A_322, %scan3A_417 : i32
      %shift_right_arithmetic3A_419 = arith.constant 1 : i32
      %shift_right_arithmetic3A_420 = arith.shrsi %scan3A_418, %shift_right_arithmetic3A_419 : i32
      %and3A_421 = arith.constant 1 : i32
      %and3A_422 = arith.andi %scan3A_418, %and3A_421 : i32
      %mul3A_423 = arith.constant 128 : i32
      %mul3A_424 = arith.muli %and3A_422, %mul3A_423 : i32
      %dma_start3A_425 = tpu.memref_slice %arg8[%shift_right_arithmetic3A_420, %mul3A_424] : memref<40x256xf32, #tpu.memory_space<vmem>> -> memref<1x128xf32, #tpu.memory_space<vmem>>
      %dma_start3A_426 = tpu.memref_squeeze %dma_start3A_425 : memref<1x128xf32, #tpu.memory_space<vmem>> -> memref<128xf32, #tpu.memory_space<vmem>>
      %dma_start3A_427 = tpu.memref_slice %arg6[%shift_right_arithmetic3A_420, %mul3A_424] : memref<40x256xi32, #tpu.memory_space<vmem>> -> memref<1x128xi32, #tpu.memory_space<vmem>>
      %dma_start3A_428 = tpu.memref_squeeze %dma_start3A_427 : memref<1x128xi32, #tpu.memory_space<vmem>> -> memref<128xi32, #tpu.memory_space<vmem>>
      %dma_start3A_429 = arith.constant 0 : i32
      %dma_start3A_430 = tpu.memref_slice %arg5[%dma_start3A_429] : memref<1048576xf32, #tpu.memory_space<vmem_shared>> -> memref<1048576xf32, #tpu.memory_space<vmem_shared>>
      tpu.enqueue_indirect_dma source(%dma_start3A_430 : memref<1048576xf32, #tpu.memory_space<vmem_shared>>) target(%dma_start3A_426 : memref<128xf32, #tpu.memory_space<vmem>>) offsets(%dma_start3A_428 : memref<128xi32, #tpu.memory_space<vmem>>) semaphore(%arg13 : memref<!tpu.dma_semaphore, #tpu.memory_space<semaphore_mem>>)
    }
    %scan3A_223 = arith.constant 80 : i32
    %scan3A_224 = arith.constant 0 : i32
    %scan3A_225 = arith.constant 0 : i32
    %scan3A_226 = arith.constant 80 : i32
    %scan3A_227 = arith.addi %scan3A_225, %scan3A_226 : i32
    %scan3A_228 = arith.constant 8 : i32
    scf.for %scan3A_322 = %scan3A_225 to %scan3A_227 step %scan3A_228  : i32 {
      %dma_wait3A_323 = arith.constant 0 : i32
      %dma_wait3A_324 = arith.constant 0 : i32
      %dma_wait3A_325 = arith.constant 0 : i32
      %dma_wait3A_326 = tpu.memref_slice %arg8[%dma_wait3A_324, %dma_wait3A_325] : memref<40x256xf32, #tpu.memory_space<vmem>> -> memref<1x128xf32, #tpu.memory_space<vmem>>
      %dma_wait3A_327 = tpu.memref_squeeze %dma_wait3A_326 : memref<1x128xf32, #tpu.memory_space<vmem>> -> memref<128xf32, #tpu.memory_space<vmem>>
      %dma_wait3A_328 = arith.constant 0 : i32
      %dma_wait3A_329 = tpu.memref_slice %arg6[%dma_wait3A_323, %dma_wait3A_328] : memref<40x256xi32, #tpu.memory_space<vmem>> -> memref<1x128xi32, #tpu.memory_space<vmem>>
      %dma_wait3A_330 = tpu.memref_squeeze %dma_wait3A_329 : memref<1x128xi32, #tpu.memory_space<vmem>> -> memref<128xi32, #tpu.memory_space<vmem>>
      %dma_wait3A_331 = arith.constant 0 : i32
      %dma_wait3A_332 = tpu.memref_slice %arg5[%dma_wait3A_331] : memref<1048576xf32, #tpu.memory_space<vmem_shared>> -> memref<1048576xf32, #tpu.memory_space<vmem_shared>>
      tpu.wait_indirect_dma semaphore(%arg13 : memref<!tpu.dma_semaphore, #tpu.memory_space<semaphore_mem>>) src(%dma_wait3A_332 : memref<1048576xf32, #tpu.memory_space<vmem_shared>>) dst(%dma_wait3A_327 : memref<128xf32, #tpu.memory_space<vmem>>)
      %scan3A_333 = arith.constant 1 : i32
      %scan3A_334 = arith.addi %scan3A_322, %scan3A_333 : i32
      %dma_wait3A_335 = arith.constant 0 : i32
      %dma_wait3A_336 = arith.constant 0 : i32
      %dma_wait3A_337 = arith.constant 0 : i32
      %dma_wait3A_338 = tpu.memref_slice %arg8[%dma_wait3A_336, %dma_wait3A_337] : memref<40x256xf32, #tpu.memory_space<vmem>> -> memref<1x128xf32, #tpu.memory_space<vmem>>
      %dma_wait3A_339 = tpu.memref_squeeze %dma_wait3A_338 : memref<1x128xf32, #tpu.memory_space<vmem>> -> memref<128xf32, #tpu.memory_space<vmem>>
      %dma_wait3A_340 = arith.constant 0 : i32
      %dma_wait3A_341 = tpu.memref_slice %arg6[%dma_wait3A_335, %dma_wait3A_340] : memref<40x256xi32, #tpu.memory_space<vmem>> -> memref<1x128xi32, #tpu.memory_space<vmem>>
      %dma_wait3A_342 = tpu.memref_squeeze %dma_wait3A_341 : memref<1x128xi32, #tpu.memory_space<vmem>> -> memref<128xi32, #tpu.memory_space<vmem>>
      %dma_wait3A_343 = arith.constant 0 : i32
      %dma_wait3A_344 = tpu.memref_slice %arg5[%dma_wait3A_343] : memref<1048576xf32, #tpu.memory_space<vmem_shared>> -> memref<1048576xf32, #tpu.memory_space<vmem_shared>>
      tpu.wait_indirect_dma semaphore(%arg13 : memref<!tpu.dma_semaphore, #tpu.memory_space<semaphore_mem>>) src(%dma_wait3A_344 : memref<1048576xf32, #tpu.memory_space<vmem_shared>>) dst(%dma_wait3A_339 : memref<128xf32, #tpu.memory_space<vmem>>)
      %scan3A_345 = arith.constant 2 : i32
      %scan3A_346 = arith.addi %scan3A_322, %scan3A_345 : i32
      %dma_wait3A_347 = arith.constant 0 : i32
      %dma_wait3A_348 = arith.constant 0 : i32
      %dma_wait3A_349 = arith.constant 0 : i32
      %dma_wait3A_350 = tpu.memref_slice %arg8[%dma_wait3A_348, %dma_wait3A_349] : memref<40x256xf32, #tpu.memory_space<vmem>> -> memref<1x128xf32, #tpu.memory_space<vmem>>
      %dma_wait3A_351 = tpu.memref_squeeze %dma_wait3A_350 : memref<1x128xf32, #tpu.memory_space<vmem>> -> memref<128xf32, #tpu.memory_space<vmem>>
      %dma_wait3A_352 = arith.constant 0 : i32
      %dma_wait3A_353 = tpu.memref_slice %arg6[%dma_wait3A_347, %dma_wait3A_352] : memref<40x256xi32, #tpu.memory_space<vmem>> -> memref<1x128xi32, #tpu.memory_space<vmem>>
      %dma_wait3A_354 = tpu.memref_squeeze %dma_wait3A_353 : memref<1x128xi32, #tpu.memory_space<vmem>> -> memref<128xi32, #tpu.memory_space<vmem>>
      %dma_wait3A_355 = arith.constant 0 : i32
      %dma_wait3A_356 = tpu.memref_slice %arg5[%dma_wait3A_355] : memref<1048576xf32, #tpu.memory_space<vmem_shared>> -> memref<1048576xf32, #tpu.memory_space<vmem_shared>>
      tpu.wait_indirect_dma semaphore(%arg13 : memref<!tpu.dma_semaphore, #tpu.memory_space<semaphore_mem>>) src(%dma_wait3A_356 : memref<1048576xf32, #tpu.memory_space<vmem_shared>>) dst(%dma_wait3A_351 : memref<128xf32, #tpu.memory_space<vmem>>)
      %scan3A_357 = arith.constant 3 : i32
      %scan3A_358 = arith.addi %scan3A_322, %scan3A_357 : i32
      %dma_wait3A_359 = arith.constant 0 : i32
      %dma_wait3A_360 = arith.constant 0 : i32
      %dma_wait3A_361 = arith.constant 0 : i32
      %dma_wait3A_362 = tpu.memref_slice %arg8[%dma_wait3A_360, %dma_wait3A_361] : memref<40x256xf32, #tpu.memory_space<vmem>> -> memref<1x128xf32, #tpu.memory_space<vmem>>
      %dma_wait3A_363 = tpu.memref_squeeze %dma_wait3A_362 : memref<1x128xf32, #tpu.memory_space<vmem>> -> memref<128xf32, #tpu.memory_space<vmem>>
      %dma_wait3A_364 = arith.constant 0 : i32
      %dma_wait3A_365 = tpu.memref_slice %arg6[%dma_wait3A_359, %dma_wait3A_364] : memref<40x256xi32, #tpu.memory_space<vmem>> -> memref<1x128xi32, #tpu.memory_space<vmem>>
      %dma_wait3A_366 = tpu.memref_squeeze %dma_wait3A_365 : memref<1x128xi32, #tpu.memory_space<vmem>> -> memref<128xi32, #tpu.memory_space<vmem>>
      %dma_wait3A_367 = arith.constant 0 : i32
      %dma_wait3A_368 = tpu.memref_slice %arg5[%dma_wait3A_367] : memref<1048576xf32, #tpu.memory_space<vmem_shared>> -> memref<1048576xf32, #tpu.memory_space<vmem_shared>>
      tpu.wait_indirect_dma semaphore(%arg13 : memref<!tpu.dma_semaphore, #tpu.memory_space<semaphore_mem>>) src(%dma_wait3A_368 : memref<1048576xf32, #tpu.memory_space<vmem_shared>>) dst(%dma_wait3A_363 : memref<128xf32, #tpu.memory_space<vmem>>)
      %scan3A_369 = arith.constant 4 : i32
      %scan3A_370 = arith.addi %scan3A_322, %scan3A_369 : i32
      %dma_wait3A_371 = arith.constant 0 : i32
      %dma_wait3A_372 = arith.constant 0 : i32
      %dma_wait3A_373 = arith.constant 0 : i32
      %dma_wait3A_374 = tpu.memref_slice %arg8[%dma_wait3A_372, %dma_wait3A_373] : memref<40x256xf32, #tpu.memory_space<vmem>> -> memref<1x128xf32, #tpu.memory_space<vmem>>
      %dma_wait3A_375 = tpu.memref_squeeze %dma_wait3A_374 : memref<1x128xf32, #tpu.memory_space<vmem>> -> memref<128xf32, #tpu.memory_space<vmem>>
      %dma_wait3A_376 = arith.constant 0 : i32
      %dma_wait3A_377 = tpu.memref_slice %arg6[%dma_wait3A_371, %dma_wait3A_376] : memref<40x256xi32, #tpu.memory_space<vmem>> -> memref<1x128xi32, #tpu.memory_space<vmem>>
      %dma_wait3A_378 = tpu.memref_squeeze %dma_wait3A_377 : memref<1x128xi32, #tpu.memory_space<vmem>> -> memref<128xi32, #tpu.memory_space<vmem>>
      %dma_wait3A_379 = arith.constant 0 : i32
      %dma_wait3A_380 = tpu.memref_slice %arg5[%dma_wait3A_379] : memref<1048576xf32, #tpu.memory_space<vmem_shared>> -> memref<1048576xf32, #tpu.memory_space<vmem_shared>>
      tpu.wait_indirect_dma semaphore(%arg13 : memref<!tpu.dma_semaphore, #tpu.memory_space<semaphore_mem>>) src(%dma_wait3A_380 : memref<1048576xf32, #tpu.memory_space<vmem_shared>>) dst(%dma_wait3A_375 : memref<128xf32, #tpu.memory_space<vmem>>)
      %scan3A_381 = arith.constant 5 : i32
      %scan3A_382 = arith.addi %scan3A_322, %scan3A_381 : i32
      %dma_wait3A_383 = arith.constant 0 : i32
      %dma_wait3A_384 = arith.constant 0 : i32
      %dma_wait3A_385 = arith.constant 0 : i32
      %dma_wait3A_386 = tpu.memref_slice %arg8[%dma_wait3A_384, %dma_wait3A_385] : memref<40x256xf32, #tpu.memory_space<vmem>> -> memref<1x128xf32, #tpu.memory_space<vmem>>
      %dma_wait3A_387 = tpu.memref_squeeze %dma_wait3A_386 : memref<1x128xf32, #tpu.memory_space<vmem>> -> memref<128xf32, #tpu.memory_space<vmem>>
      %dma_wait3A_388 = arith.constant 0 : i32
      %dma_wait3A_389 = tpu.memref_slice %arg6[%dma_wait3A_383, %dma_wait3A_388] : memref<40x256xi32, #tpu.memory_space<vmem>> -> memref<1x128xi32, #tpu.memory_space<vmem>>
      %dma_wait3A_390 = tpu.memref_squeeze %dma_wait3A_389 : memref<1x128xi32, #tpu.memory_space<vmem>> -> memref<128xi32, #tpu.memory_space<vmem>>
      %dma_wait3A_391 = arith.constant 0 : i32
      %dma_wait3A_392 = tpu.memref_slice %arg5[%dma_wait3A_391] : memref<1048576xf32, #tpu.memory_space<vmem_shared>> -> memref<1048576xf32, #tpu.memory_space<vmem_shared>>
      tpu.wait_indirect_dma semaphore(%arg13 : memref<!tpu.dma_semaphore, #tpu.memory_space<semaphore_mem>>) src(%dma_wait3A_392 : memref<1048576xf32, #tpu.memory_space<vmem_shared>>) dst(%dma_wait3A_387 : memref<128xf32, #tpu.memory_space<vmem>>)
      %scan3A_393 = arith.constant 6 : i32
      %scan3A_394 = arith.addi %scan3A_322, %scan3A_393 : i32
      %dma_wait3A_395 = arith.constant 0 : i32
      %dma_wait3A_396 = arith.constant 0 : i32
      %dma_wait3A_397 = arith.constant 0 : i32
      %dma_wait3A_398 = tpu.memref_slice %arg8[%dma_wait3A_396, %dma_wait3A_397] : memref<40x256xf32, #tpu.memory_space<vmem>> -> memref<1x128xf32, #tpu.memory_space<vmem>>
      %dma_wait3A_399 = tpu.memref_squeeze %dma_wait3A_398 : memref<1x128xf32, #tpu.memory_space<vmem>> -> memref<128xf32, #tpu.memory_space<vmem>>
      %dma_wait3A_400 = arith.constant 0 : i32
      %dma_wait3A_401 = tpu.memref_slice %arg6[%dma_wait3A_395, %dma_wait3A_400] : memref<40x256xi32, #tpu.memory_space<vmem>> -> memref<1x128xi32, #tpu.memory_space<vmem>>
      %dma_wait3A_402 = tpu.memref_squeeze %dma_wait3A_401 : memref<1x128xi32, #tpu.memory_space<vmem>> -> memref<128xi32, #tpu.memory_space<vmem>>
      %dma_wait3A_403 = arith.constant 0 : i32
      %dma_wait3A_404 = tpu.memref_slice %arg5[%dma_wait3A_403] : memref<1048576xf32, #tpu.memory_space<vmem_shared>> -> memref<1048576xf32, #tpu.memory_space<vmem_shared>>
      tpu.wait_indirect_dma semaphore(%arg13 : memref<!tpu.dma_semaphore, #tpu.memory_space<semaphore_mem>>) src(%dma_wait3A_404 : memref<1048576xf32, #tpu.memory_space<vmem_shared>>) dst(%dma_wait3A_399 : memref<128xf32, #tpu.memory_space<vmem>>)
      %scan3A_405 = arith.constant 7 : i32
      %scan3A_406 = arith.addi %scan3A_322, %scan3A_405 : i32
      %dma_wait3A_407 = arith.constant 0 : i32
      %dma_wait3A_408 = arith.constant 0 : i32
      %dma_wait3A_409 = arith.constant 0 : i32
      %dma_wait3A_410 = tpu.memref_slice %arg8[%dma_wait3A_408, %dma_wait3A_409] : memref<40x256xf32, #tpu.memory_space<vmem>> -> memref<1x128xf32, #tpu.memory_space<vmem>>
      %dma_wait3A_411 = tpu.memref_squeeze %dma_wait3A_410 : memref<1x128xf32, #tpu.memory_space<vmem>> -> memref<128xf32, #tpu.memory_space<vmem>>
      %dma_wait3A_412 = arith.constant 0 : i32
      %dma_wait3A_413 = tpu.memref_slice %arg6[%dma_wait3A_407, %dma_wait3A_412] : memref<40x256xi32, #tpu.memory_space<vmem>> -> memref<1x128xi32, #tpu.memory_space<vmem>>
      %dma_wait3A_414 = tpu.memref_squeeze %dma_wait3A_413 : memref<1x128xi32, #tpu.memory_space<vmem>> -> memref<128xi32, #tpu.memory_space<vmem>>
      %dma_wait3A_415 = arith.constant 0 : i32
      %dma_wait3A_416 = tpu.memref_slice %arg5[%dma_wait3A_415] : memref<1048576xf32, #tpu.memory_space<vmem_shared>> -> memref<1048576xf32, #tpu.memory_space<vmem_shared>>
      tpu.wait_indirect_dma semaphore(%arg13 : memref<!tpu.dma_semaphore, #tpu.memory_space<semaphore_mem>>) src(%dma_wait3A_416 : memref<1048576xf32, #tpu.memory_space<vmem_shared>>) dst(%dma_wait3A_411 : memref<128xf32, #tpu.memory_space<vmem>>)
    }
    %scan3A_229 = arith.constant 80 : i32
    %dma_start3A_230 = arith.constant 120 : i32
    %dma_start3A_231 = tpu.memref_slice %arg4[%dma_start3A_230, %add3A_38] : memref<200x16384xf32, #tpu.memory_space<hbm>> -> memref<40x256xf32, #tpu.memory_space<hbm>>
    %dma_start3A_232 = arith.constant 120 : i32
    %dma_start3A_233 = tpu.memref_slice %arg4[%dma_start3A_232, %add3A_38] : memref<200x16384xf32, #tpu.memory_space<hbm>> -> memref<40x256xf32, #tpu.memory_space<hbm>>
    tpu.enqueue_dma source(%arg8 : memref<40x256xf32, #tpu.memory_space<vmem>>) target(%dma_start3A_233 : memref<40x256xf32, #tpu.memory_space<hbm>>) target_semaphore(%arg14 : memref<!tpu.dma_semaphore, #tpu.memory_space<semaphore_mem>>)
    %dma_wait3A_234 = arith.constant 80 : i32
    %dma_wait3A_235 = tpu.memref_slice %arg4[%dma_wait3A_234, %add3A_36] : memref<200x16384xf32, #tpu.memory_space<hbm>> -> memref<40x256xf32, #tpu.memory_space<hbm>>
    %dma_wait3A_236 = arith.constant 80 : i32
    %dma_wait3A_237 = tpu.memref_slice %arg4[%dma_wait3A_236, %add3A_36] : memref<200x16384xf32, #tpu.memory_space<hbm>> -> memref<40x256xf32, #tpu.memory_space<hbm>>
    tpu.wait_dma2 semaphore(%arg15 : memref<!tpu.dma_semaphore, #tpu.memory_space<semaphore_mem>>) src(%arg9 : memref<40x256xf32, #tpu.memory_space<vmem>>) dst(%dma_wait3A_237 : memref<40x256xf32, #tpu.memory_space<hbm>>)
    %dma_wait3A_238 = arith.constant 120 : i32
    %dma_wait3A_239 = tpu.memref_slice %arg2[%dma_wait3A_238, %add3A_20] : memref<200x16384xi32, #tpu.memory_space<hbm>> -> memref<40x256xi32, #tpu.memory_space<hbm>>
    %dma_wait3A_240 = arith.constant 120 : i32
    %dma_wait3A_241 = tpu.memref_slice %arg2[%dma_wait3A_240, %add3A_20] : memref<200x16384xi32, #tpu.memory_space<hbm>> -> memref<40x256xi32, #tpu.memory_space<hbm>>
    tpu.wait_dma2 semaphore(%arg12 : memref<!tpu.dma_semaphore, #tpu.memory_space<semaphore_mem>>) src(%dma_wait3A_241 : memref<40x256xi32, #tpu.memory_space<hbm>>) dst(%arg7 : memref<40x256xi32, #tpu.memory_space<vmem>>)
    %dma_start3A_242 = arith.constant 160 : i32
    %dma_start3A_243 = tpu.memref_slice %arg2[%dma_start3A_242, %add3A_22] : memref<200x16384xi32, #tpu.memory_space<hbm>> -> memref<40x256xi32, #tpu.memory_space<hbm>>
    %dma_start3A_244 = arith.constant 160 : i32
    %dma_start3A_245 = tpu.memref_slice %arg2[%dma_start3A_244, %add3A_22] : memref<200x16384xi32, #tpu.memory_space<hbm>> -> memref<40x256xi32, #tpu.memory_space<hbm>>
    tpu.enqueue_dma source(%dma_start3A_245 : memref<40x256xi32, #tpu.memory_space<hbm>>) target(%arg6 : memref<40x256xi32, #tpu.memory_space<vmem>>) target_semaphore(%arg11 : memref<!tpu.dma_semaphore, #tpu.memory_space<semaphore_mem>>)
    %scan3A_246 = arith.constant 0 : i32
    %scan3A_247 = arith.constant 0 : i32
    %scan3A_248 = arith.constant 80 : i32
    %scan3A_249 = arith.addi %scan3A_247, %scan3A_248 : i32
    %scan3A_250 = arith.constant 8 : i32
    scf.for %scan3A_322 = %scan3A_247 to %scan3A_249 step %scan3A_250  : i32 {
      %shift_right_arithmetic3A = arith.constant 1 : i32
      %shift_right_arithmetic3A_323 = arith.shrsi %scan3A_322, %shift_right_arithmetic3A : i32
      %and3A = arith.constant 1 : i32
      %and3A_324 = arith.andi %scan3A_322, %and3A : i32
      %mul3A_325 = arith.constant 128 : i32
      %mul3A_326 = arith.muli %and3A_324, %mul3A_325 : i32
      %dma_start3A_327 = tpu.memref_slice %arg9[%shift_right_arithmetic3A_323, %mul3A_326] : memref<40x256xf32, #tpu.memory_space<vmem>> -> memref<1x128xf32, #tpu.memory_space<vmem>>
      %dma_start3A_328 = tpu.memref_squeeze %dma_start3A_327 : memref<1x128xf32, #tpu.memory_space<vmem>> -> memref<128xf32, #tpu.memory_space<vmem>>
      %dma_start3A_329 = tpu.memref_slice %arg7[%shift_right_arithmetic3A_323, %mul3A_326] : memref<40x256xi32, #tpu.memory_space<vmem>> -> memref<1x128xi32, #tpu.memory_space<vmem>>
      %dma_start3A_330 = tpu.memref_squeeze %dma_start3A_329 : memref<1x128xi32, #tpu.memory_space<vmem>> -> memref<128xi32, #tpu.memory_space<vmem>>
      %dma_start3A_331 = arith.constant 0 : i32
      %dma_start3A_332 = tpu.memref_slice %arg5[%dma_start3A_331] : memref<1048576xf32, #tpu.memory_space<vmem_shared>> -> memref<1048576xf32, #tpu.memory_space<vmem_shared>>
      tpu.enqueue_indirect_dma source(%dma_start3A_332 : memref<1048576xf32, #tpu.memory_space<vmem_shared>>) target(%dma_start3A_328 : memref<128xf32, #tpu.memory_space<vmem>>) offsets(%dma_start3A_330 : memref<128xi32, #tpu.memory_space<vmem>>) semaphore(%arg13 : memref<!tpu.dma_semaphore, #tpu.memory_space<semaphore_mem>>)
      %scan3A_333 = arith.constant 1 : i32
      %scan3A_334 = arith.addi %scan3A_322, %scan3A_333 : i32
      %shift_right_arithmetic3A_335 = arith.constant 1 : i32
      %shift_right_arithmetic3A_336 = arith.shrsi %scan3A_334, %shift_right_arithmetic3A_335 : i32
      %and3A_337 = arith.constant 1 : i32
      %and3A_338 = arith.andi %scan3A_334, %and3A_337 : i32
      %mul3A_339 = arith.constant 128 : i32
      %mul3A_340 = arith.muli %and3A_338, %mul3A_339 : i32
      %dma_start3A_341 = tpu.memref_slice %arg9[%shift_right_arithmetic3A_336, %mul3A_340] : memref<40x256xf32, #tpu.memory_space<vmem>> -> memref<1x128xf32, #tpu.memory_space<vmem>>
      %dma_start3A_342 = tpu.memref_squeeze %dma_start3A_341 : memref<1x128xf32, #tpu.memory_space<vmem>> -> memref<128xf32, #tpu.memory_space<vmem>>
      %dma_start3A_343 = tpu.memref_slice %arg7[%shift_right_arithmetic3A_336, %mul3A_340] : memref<40x256xi32, #tpu.memory_space<vmem>> -> memref<1x128xi32, #tpu.memory_space<vmem>>
      %dma_start3A_344 = tpu.memref_squeeze %dma_start3A_343 : memref<1x128xi32, #tpu.memory_space<vmem>> -> memref<128xi32, #tpu.memory_space<vmem>>
      %dma_start3A_345 = arith.constant 0 : i32
      %dma_start3A_346 = tpu.memref_slice %arg5[%dma_start3A_345] : memref<1048576xf32, #tpu.memory_space<vmem_shared>> -> memref<1048576xf32, #tpu.memory_space<vmem_shared>>
      tpu.enqueue_indirect_dma source(%dma_start3A_346 : memref<1048576xf32, #tpu.memory_space<vmem_shared>>) target(%dma_start3A_342 : memref<128xf32, #tpu.memory_space<vmem>>) offsets(%dma_start3A_344 : memref<128xi32, #tpu.memory_space<vmem>>) semaphore(%arg13 : memref<!tpu.dma_semaphore, #tpu.memory_space<semaphore_mem>>)
      %scan3A_347 = arith.constant 2 : i32
      %scan3A_348 = arith.addi %scan3A_322, %scan3A_347 : i32
      %shift_right_arithmetic3A_349 = arith.constant 1 : i32
      %shift_right_arithmetic3A_350 = arith.shrsi %scan3A_348, %shift_right_arithmetic3A_349 : i32
      %and3A_351 = arith.constant 1 : i32
      %and3A_352 = arith.andi %scan3A_348, %and3A_351 : i32
      %mul3A_353 = arith.constant 128 : i32
      %mul3A_354 = arith.muli %and3A_352, %mul3A_353 : i32
      %dma_start3A_355 = tpu.memref_slice %arg9[%shift_right_arithmetic3A_350, %mul3A_354] : memref<40x256xf32, #tpu.memory_space<vmem>> -> memref<1x128xf32, #tpu.memory_space<vmem>>
      %dma_start3A_356 = tpu.memref_squeeze %dma_start3A_355 : memref<1x128xf32, #tpu.memory_space<vmem>> -> memref<128xf32, #tpu.memory_space<vmem>>
      %dma_start3A_357 = tpu.memref_slice %arg7[%shift_right_arithmetic3A_350, %mul3A_354] : memref<40x256xi32, #tpu.memory_space<vmem>> -> memref<1x128xi32, #tpu.memory_space<vmem>>
      %dma_start3A_358 = tpu.memref_squeeze %dma_start3A_357 : memref<1x128xi32, #tpu.memory_space<vmem>> -> memref<128xi32, #tpu.memory_space<vmem>>
      %dma_start3A_359 = arith.constant 0 : i32
      %dma_start3A_360 = tpu.memref_slice %arg5[%dma_start3A_359] : memref<1048576xf32, #tpu.memory_space<vmem_shared>> -> memref<1048576xf32, #tpu.memory_space<vmem_shared>>
      tpu.enqueue_indirect_dma source(%dma_start3A_360 : memref<1048576xf32, #tpu.memory_space<vmem_shared>>) target(%dma_start3A_356 : memref<128xf32, #tpu.memory_space<vmem>>) offsets(%dma_start3A_358 : memref<128xi32, #tpu.memory_space<vmem>>) semaphore(%arg13 : memref<!tpu.dma_semaphore, #tpu.memory_space<semaphore_mem>>)
      %scan3A_361 = arith.constant 3 : i32
      %scan3A_362 = arith.addi %scan3A_322, %scan3A_361 : i32
      %shift_right_arithmetic3A_363 = arith.constant 1 : i32
      %shift_right_arithmetic3A_364 = arith.shrsi %scan3A_362, %shift_right_arithmetic3A_363 : i32
      %and3A_365 = arith.constant 1 : i32
      %and3A_366 = arith.andi %scan3A_362, %and3A_365 : i32
      %mul3A_367 = arith.constant 128 : i32
      %mul3A_368 = arith.muli %and3A_366, %mul3A_367 : i32
      %dma_start3A_369 = tpu.memref_slice %arg9[%shift_right_arithmetic3A_364, %mul3A_368] : memref<40x256xf32, #tpu.memory_space<vmem>> -> memref<1x128xf32, #tpu.memory_space<vmem>>
      %dma_start3A_370 = tpu.memref_squeeze %dma_start3A_369 : memref<1x128xf32, #tpu.memory_space<vmem>> -> memref<128xf32, #tpu.memory_space<vmem>>
      %dma_start3A_371 = tpu.memref_slice %arg7[%shift_right_arithmetic3A_364, %mul3A_368] : memref<40x256xi32, #tpu.memory_space<vmem>> -> memref<1x128xi32, #tpu.memory_space<vmem>>
      %dma_start3A_372 = tpu.memref_squeeze %dma_start3A_371 : memref<1x128xi32, #tpu.memory_space<vmem>> -> memref<128xi32, #tpu.memory_space<vmem>>
      %dma_start3A_373 = arith.constant 0 : i32
      %dma_start3A_374 = tpu.memref_slice %arg5[%dma_start3A_373] : memref<1048576xf32, #tpu.memory_space<vmem_shared>> -> memref<1048576xf32, #tpu.memory_space<vmem_shared>>
      tpu.enqueue_indirect_dma source(%dma_start3A_374 : memref<1048576xf32, #tpu.memory_space<vmem_shared>>) target(%dma_start3A_370 : memref<128xf32, #tpu.memory_space<vmem>>) offsets(%dma_start3A_372 : memref<128xi32, #tpu.memory_space<vmem>>) semaphore(%arg13 : memref<!tpu.dma_semaphore, #tpu.memory_space<semaphore_mem>>)
      %scan3A_375 = arith.constant 4 : i32
      %scan3A_376 = arith.addi %scan3A_322, %scan3A_375 : i32
      %shift_right_arithmetic3A_377 = arith.constant 1 : i32
      %shift_right_arithmetic3A_378 = arith.shrsi %scan3A_376, %shift_right_arithmetic3A_377 : i32
      %and3A_379 = arith.constant 1 : i32
      %and3A_380 = arith.andi %scan3A_376, %and3A_379 : i32
      %mul3A_381 = arith.constant 128 : i32
      %mul3A_382 = arith.muli %and3A_380, %mul3A_381 : i32
      %dma_start3A_383 = tpu.memref_slice %arg9[%shift_right_arithmetic3A_378, %mul3A_382] : memref<40x256xf32, #tpu.memory_space<vmem>> -> memref<1x128xf32, #tpu.memory_space<vmem>>
      %dma_start3A_384 = tpu.memref_squeeze %dma_start3A_383 : memref<1x128xf32, #tpu.memory_space<vmem>> -> memref<128xf32, #tpu.memory_space<vmem>>
      %dma_start3A_385 = tpu.memref_slice %arg7[%shift_right_arithmetic3A_378, %mul3A_382] : memref<40x256xi32, #tpu.memory_space<vmem>> -> memref<1x128xi32, #tpu.memory_space<vmem>>
      %dma_start3A_386 = tpu.memref_squeeze %dma_start3A_385 : memref<1x128xi32, #tpu.memory_space<vmem>> -> memref<128xi32, #tpu.memory_space<vmem>>
      %dma_start3A_387 = arith.constant 0 : i32
      %dma_start3A_388 = tpu.memref_slice %arg5[%dma_start3A_387] : memref<1048576xf32, #tpu.memory_space<vmem_shared>> -> memref<1048576xf32, #tpu.memory_space<vmem_shared>>
      tpu.enqueue_indirect_dma source(%dma_start3A_388 : memref<1048576xf32, #tpu.memory_space<vmem_shared>>) target(%dma_start3A_384 : memref<128xf32, #tpu.memory_space<vmem>>) offsets(%dma_start3A_386 : memref<128xi32, #tpu.memory_space<vmem>>) semaphore(%arg13 : memref<!tpu.dma_semaphore, #tpu.memory_space<semaphore_mem>>)
      %scan3A_389 = arith.constant 5 : i32
      %scan3A_390 = arith.addi %scan3A_322, %scan3A_389 : i32
      %shift_right_arithmetic3A_391 = arith.constant 1 : i32
      %shift_right_arithmetic3A_392 = arith.shrsi %scan3A_390, %shift_right_arithmetic3A_391 : i32
      %and3A_393 = arith.constant 1 : i32
      %and3A_394 = arith.andi %scan3A_390, %and3A_393 : i32
      %mul3A_395 = arith.constant 128 : i32
      %mul3A_396 = arith.muli %and3A_394, %mul3A_395 : i32
      %dma_start3A_397 = tpu.memref_slice %arg9[%shift_right_arithmetic3A_392, %mul3A_396] : memref<40x256xf32, #tpu.memory_space<vmem>> -> memref<1x128xf32, #tpu.memory_space<vmem>>
      %dma_start3A_398 = tpu.memref_squeeze %dma_start3A_397 : memref<1x128xf32, #tpu.memory_space<vmem>> -> memref<128xf32, #tpu.memory_space<vmem>>
      %dma_start3A_399 = tpu.memref_slice %arg7[%shift_right_arithmetic3A_392, %mul3A_396] : memref<40x256xi32, #tpu.memory_space<vmem>> -> memref<1x128xi32, #tpu.memory_space<vmem>>
      %dma_start3A_400 = tpu.memref_squeeze %dma_start3A_399 : memref<1x128xi32, #tpu.memory_space<vmem>> -> memref<128xi32, #tpu.memory_space<vmem>>
      %dma_start3A_401 = arith.constant 0 : i32
      %dma_start3A_402 = tpu.memref_slice %arg5[%dma_start3A_401] : memref<1048576xf32, #tpu.memory_space<vmem_shared>> -> memref<1048576xf32, #tpu.memory_space<vmem_shared>>
      tpu.enqueue_indirect_dma source(%dma_start3A_402 : memref<1048576xf32, #tpu.memory_space<vmem_shared>>) target(%dma_start3A_398 : memref<128xf32, #tpu.memory_space<vmem>>) offsets(%dma_start3A_400 : memref<128xi32, #tpu.memory_space<vmem>>) semaphore(%arg13 : memref<!tpu.dma_semaphore, #tpu.memory_space<semaphore_mem>>)
      %scan3A_403 = arith.constant 6 : i32
      %scan3A_404 = arith.addi %scan3A_322, %scan3A_403 : i32
      %shift_right_arithmetic3A_405 = arith.constant 1 : i32
      %shift_right_arithmetic3A_406 = arith.shrsi %scan3A_404, %shift_right_arithmetic3A_405 : i32
      %and3A_407 = arith.constant 1 : i32
      %and3A_408 = arith.andi %scan3A_404, %and3A_407 : i32
      %mul3A_409 = arith.constant 128 : i32
      %mul3A_410 = arith.muli %and3A_408, %mul3A_409 : i32
      %dma_start3A_411 = tpu.memref_slice %arg9[%shift_right_arithmetic3A_406, %mul3A_410] : memref<40x256xf32, #tpu.memory_space<vmem>> -> memref<1x128xf32, #tpu.memory_space<vmem>>
      %dma_start3A_412 = tpu.memref_squeeze %dma_start3A_411 : memref<1x128xf32, #tpu.memory_space<vmem>> -> memref<128xf32, #tpu.memory_space<vmem>>
      %dma_start3A_413 = tpu.memref_slice %arg7[%shift_right_arithmetic3A_406, %mul3A_410] : memref<40x256xi32, #tpu.memory_space<vmem>> -> memref<1x128xi32, #tpu.memory_space<vmem>>
      %dma_start3A_414 = tpu.memref_squeeze %dma_start3A_413 : memref<1x128xi32, #tpu.memory_space<vmem>> -> memref<128xi32, #tpu.memory_space<vmem>>
      %dma_start3A_415 = arith.constant 0 : i32
      %dma_start3A_416 = tpu.memref_slice %arg5[%dma_start3A_415] : memref<1048576xf32, #tpu.memory_space<vmem_shared>> -> memref<1048576xf32, #tpu.memory_space<vmem_shared>>
      tpu.enqueue_indirect_dma source(%dma_start3A_416 : memref<1048576xf32, #tpu.memory_space<vmem_shared>>) target(%dma_start3A_412 : memref<128xf32, #tpu.memory_space<vmem>>) offsets(%dma_start3A_414 : memref<128xi32, #tpu.memory_space<vmem>>) semaphore(%arg13 : memref<!tpu.dma_semaphore, #tpu.memory_space<semaphore_mem>>)
      %scan3A_417 = arith.constant 7 : i32
      %scan3A_418 = arith.addi %scan3A_322, %scan3A_417 : i32
      %shift_right_arithmetic3A_419 = arith.constant 1 : i32
      %shift_right_arithmetic3A_420 = arith.shrsi %scan3A_418, %shift_right_arithmetic3A_419 : i32
      %and3A_421 = arith.constant 1 : i32
      %and3A_422 = arith.andi %scan3A_418, %and3A_421 : i32
      %mul3A_423 = arith.constant 128 : i32
      %mul3A_424 = arith.muli %and3A_422, %mul3A_423 : i32
      %dma_start3A_425 = tpu.memref_slice %arg9[%shift_right_arithmetic3A_420, %mul3A_424] : memref<40x256xf32, #tpu.memory_space<vmem>> -> memref<1x128xf32, #tpu.memory_space<vmem>>
      %dma_start3A_426 = tpu.memref_squeeze %dma_start3A_425 : memref<1x128xf32, #tpu.memory_space<vmem>> -> memref<128xf32, #tpu.memory_space<vmem>>
      %dma_start3A_427 = tpu.memref_slice %arg7[%shift_right_arithmetic3A_420, %mul3A_424] : memref<40x256xi32, #tpu.memory_space<vmem>> -> memref<1x128xi32, #tpu.memory_space<vmem>>
      %dma_start3A_428 = tpu.memref_squeeze %dma_start3A_427 : memref<1x128xi32, #tpu.memory_space<vmem>> -> memref<128xi32, #tpu.memory_space<vmem>>
      %dma_start3A_429 = arith.constant 0 : i32
      %dma_start3A_430 = tpu.memref_slice %arg5[%dma_start3A_429] : memref<1048576xf32, #tpu.memory_space<vmem_shared>> -> memref<1048576xf32, #tpu.memory_space<vmem_shared>>
      tpu.enqueue_indirect_dma source(%dma_start3A_430 : memref<1048576xf32, #tpu.memory_space<vmem_shared>>) target(%dma_start3A_426 : memref<128xf32, #tpu.memory_space<vmem>>) offsets(%dma_start3A_428 : memref<128xi32, #tpu.memory_space<vmem>>) semaphore(%arg13 : memref<!tpu.dma_semaphore, #tpu.memory_space<semaphore_mem>>)
    }
    %scan3A_251 = arith.constant 80 : i32
    %scan3A_252 = arith.constant 0 : i32
    %scan3A_253 = arith.constant 0 : i32
    %scan3A_254 = arith.constant 80 : i32
    %scan3A_255 = arith.addi %scan3A_253, %scan3A_254 : i32
    %scan3A_256 = arith.constant 8 : i32
    scf.for %scan3A_322 = %scan3A_253 to %scan3A_255 step %scan3A_256  : i32 {
      %dma_wait3A_323 = arith.constant 0 : i32
      %dma_wait3A_324 = arith.constant 0 : i32
      %dma_wait3A_325 = arith.constant 0 : i32
      %dma_wait3A_326 = tpu.memref_slice %arg9[%dma_wait3A_324, %dma_wait3A_325] : memref<40x256xf32, #tpu.memory_space<vmem>> -> memref<1x128xf32, #tpu.memory_space<vmem>>
      %dma_wait3A_327 = tpu.memref_squeeze %dma_wait3A_326 : memref<1x128xf32, #tpu.memory_space<vmem>> -> memref<128xf32, #tpu.memory_space<vmem>>
      %dma_wait3A_328 = arith.constant 0 : i32
      %dma_wait3A_329 = tpu.memref_slice %arg7[%dma_wait3A_323, %dma_wait3A_328] : memref<40x256xi32, #tpu.memory_space<vmem>> -> memref<1x128xi32, #tpu.memory_space<vmem>>
      %dma_wait3A_330 = tpu.memref_squeeze %dma_wait3A_329 : memref<1x128xi32, #tpu.memory_space<vmem>> -> memref<128xi32, #tpu.memory_space<vmem>>
      %dma_wait3A_331 = arith.constant 0 : i32
      %dma_wait3A_332 = tpu.memref_slice %arg5[%dma_wait3A_331] : memref<1048576xf32, #tpu.memory_space<vmem_shared>> -> memref<1048576xf32, #tpu.memory_space<vmem_shared>>
      tpu.wait_indirect_dma semaphore(%arg13 : memref<!tpu.dma_semaphore, #tpu.memory_space<semaphore_mem>>) src(%dma_wait3A_332 : memref<1048576xf32, #tpu.memory_space<vmem_shared>>) dst(%dma_wait3A_327 : memref<128xf32, #tpu.memory_space<vmem>>)
      %scan3A_333 = arith.constant 1 : i32
      %scan3A_334 = arith.addi %scan3A_322, %scan3A_333 : i32
      %dma_wait3A_335 = arith.constant 0 : i32
      %dma_wait3A_336 = arith.constant 0 : i32
      %dma_wait3A_337 = arith.constant 0 : i32
      %dma_wait3A_338 = tpu.memref_slice %arg9[%dma_wait3A_336, %dma_wait3A_337] : memref<40x256xf32, #tpu.memory_space<vmem>> -> memref<1x128xf32, #tpu.memory_space<vmem>>
      %dma_wait3A_339 = tpu.memref_squeeze %dma_wait3A_338 : memref<1x128xf32, #tpu.memory_space<vmem>> -> memref<128xf32, #tpu.memory_space<vmem>>
      %dma_wait3A_340 = arith.constant 0 : i32
      %dma_wait3A_341 = tpu.memref_slice %arg7[%dma_wait3A_335, %dma_wait3A_340] : memref<40x256xi32, #tpu.memory_space<vmem>> -> memref<1x128xi32, #tpu.memory_space<vmem>>
      %dma_wait3A_342 = tpu.memref_squeeze %dma_wait3A_341 : memref<1x128xi32, #tpu.memory_space<vmem>> -> memref<128xi32, #tpu.memory_space<vmem>>
      %dma_wait3A_343 = arith.constant 0 : i32
      %dma_wait3A_344 = tpu.memref_slice %arg5[%dma_wait3A_343] : memref<1048576xf32, #tpu.memory_space<vmem_shared>> -> memref<1048576xf32, #tpu.memory_space<vmem_shared>>
      tpu.wait_indirect_dma semaphore(%arg13 : memref<!tpu.dma_semaphore, #tpu.memory_space<semaphore_mem>>) src(%dma_wait3A_344 : memref<1048576xf32, #tpu.memory_space<vmem_shared>>) dst(%dma_wait3A_339 : memref<128xf32, #tpu.memory_space<vmem>>)
      %scan3A_345 = arith.constant 2 : i32
      %scan3A_346 = arith.addi %scan3A_322, %scan3A_345 : i32
      %dma_wait3A_347 = arith.constant 0 : i32
      %dma_wait3A_348 = arith.constant 0 : i32
      %dma_wait3A_349 = arith.constant 0 : i32
      %dma_wait3A_350 = tpu.memref_slice %arg9[%dma_wait3A_348, %dma_wait3A_349] : memref<40x256xf32, #tpu.memory_space<vmem>> -> memref<1x128xf32, #tpu.memory_space<vmem>>
      %dma_wait3A_351 = tpu.memref_squeeze %dma_wait3A_350 : memref<1x128xf32, #tpu.memory_space<vmem>> -> memref<128xf32, #tpu.memory_space<vmem>>
      %dma_wait3A_352 = arith.constant 0 : i32
      %dma_wait3A_353 = tpu.memref_slice %arg7[%dma_wait3A_347, %dma_wait3A_352] : memref<40x256xi32, #tpu.memory_space<vmem>> -> memref<1x128xi32, #tpu.memory_space<vmem>>
      %dma_wait3A_354 = tpu.memref_squeeze %dma_wait3A_353 : memref<1x128xi32, #tpu.memory_space<vmem>> -> memref<128xi32, #tpu.memory_space<vmem>>
      %dma_wait3A_355 = arith.constant 0 : i32
      %dma_wait3A_356 = tpu.memref_slice %arg5[%dma_wait3A_355] : memref<1048576xf32, #tpu.memory_space<vmem_shared>> -> memref<1048576xf32, #tpu.memory_space<vmem_shared>>
      tpu.wait_indirect_dma semaphore(%arg13 : memref<!tpu.dma_semaphore, #tpu.memory_space<semaphore_mem>>) src(%dma_wait3A_356 : memref<1048576xf32, #tpu.memory_space<vmem_shared>>) dst(%dma_wait3A_351 : memref<128xf32, #tpu.memory_space<vmem>>)
      %scan3A_357 = arith.constant 3 : i32
      %scan3A_358 = arith.addi %scan3A_322, %scan3A_357 : i32
      %dma_wait3A_359 = arith.constant 0 : i32
      %dma_wait3A_360 = arith.constant 0 : i32
      %dma_wait3A_361 = arith.constant 0 : i32
      %dma_wait3A_362 = tpu.memref_slice %arg9[%dma_wait3A_360, %dma_wait3A_361] : memref<40x256xf32, #tpu.memory_space<vmem>> -> memref<1x128xf32, #tpu.memory_space<vmem>>
      %dma_wait3A_363 = tpu.memref_squeeze %dma_wait3A_362 : memref<1x128xf32, #tpu.memory_space<vmem>> -> memref<128xf32, #tpu.memory_space<vmem>>
      %dma_wait3A_364 = arith.constant 0 : i32
      %dma_wait3A_365 = tpu.memref_slice %arg7[%dma_wait3A_359, %dma_wait3A_364] : memref<40x256xi32, #tpu.memory_space<vmem>> -> memref<1x128xi32, #tpu.memory_space<vmem>>
      %dma_wait3A_366 = tpu.memref_squeeze %dma_wait3A_365 : memref<1x128xi32, #tpu.memory_space<vmem>> -> memref<128xi32, #tpu.memory_space<vmem>>
      %dma_wait3A_367 = arith.constant 0 : i32
      %dma_wait3A_368 = tpu.memref_slice %arg5[%dma_wait3A_367] : memref<1048576xf32, #tpu.memory_space<vmem_shared>> -> memref<1048576xf32, #tpu.memory_space<vmem_shared>>
      tpu.wait_indirect_dma semaphore(%arg13 : memref<!tpu.dma_semaphore, #tpu.memory_space<semaphore_mem>>) src(%dma_wait3A_368 : memref<1048576xf32, #tpu.memory_space<vmem_shared>>) dst(%dma_wait3A_363 : memref<128xf32, #tpu.memory_space<vmem>>)
      %scan3A_369 = arith.constant 4 : i32
      %scan3A_370 = arith.addi %scan3A_322, %scan3A_369 : i32
      %dma_wait3A_371 = arith.constant 0 : i32
      %dma_wait3A_372 = arith.constant 0 : i32
      %dma_wait3A_373 = arith.constant 0 : i32
      %dma_wait3A_374 = tpu.memref_slice %arg9[%dma_wait3A_372, %dma_wait3A_373] : memref<40x256xf32, #tpu.memory_space<vmem>> -> memref<1x128xf32, #tpu.memory_space<vmem>>
      %dma_wait3A_375 = tpu.memref_squeeze %dma_wait3A_374 : memref<1x128xf32, #tpu.memory_space<vmem>> -> memref<128xf32, #tpu.memory_space<vmem>>
      %dma_wait3A_376 = arith.constant 0 : i32
      %dma_wait3A_377 = tpu.memref_slice %arg7[%dma_wait3A_371, %dma_wait3A_376] : memref<40x256xi32, #tpu.memory_space<vmem>> -> memref<1x128xi32, #tpu.memory_space<vmem>>
      %dma_wait3A_378 = tpu.memref_squeeze %dma_wait3A_377 : memref<1x128xi32, #tpu.memory_space<vmem>> -> memref<128xi32, #tpu.memory_space<vmem>>
      %dma_wait3A_379 = arith.constant 0 : i32
      %dma_wait3A_380 = tpu.memref_slice %arg5[%dma_wait3A_379] : memref<1048576xf32, #tpu.memory_space<vmem_shared>> -> memref<1048576xf32, #tpu.memory_space<vmem_shared>>
      tpu.wait_indirect_dma semaphore(%arg13 : memref<!tpu.dma_semaphore, #tpu.memory_space<semaphore_mem>>) src(%dma_wait3A_380 : memref<1048576xf32, #tpu.memory_space<vmem_shared>>) dst(%dma_wait3A_375 : memref<128xf32, #tpu.memory_space<vmem>>)
      %scan3A_381 = arith.constant 5 : i32
      %scan3A_382 = arith.addi %scan3A_322, %scan3A_381 : i32
      %dma_wait3A_383 = arith.constant 0 : i32
      %dma_wait3A_384 = arith.constant 0 : i32
      %dma_wait3A_385 = arith.constant 0 : i32
      %dma_wait3A_386 = tpu.memref_slice %arg9[%dma_wait3A_384, %dma_wait3A_385] : memref<40x256xf32, #tpu.memory_space<vmem>> -> memref<1x128xf32, #tpu.memory_space<vmem>>
      %dma_wait3A_387 = tpu.memref_squeeze %dma_wait3A_386 : memref<1x128xf32, #tpu.memory_space<vmem>> -> memref<128xf32, #tpu.memory_space<vmem>>
      %dma_wait3A_388 = arith.constant 0 : i32
      %dma_wait3A_389 = tpu.memref_slice %arg7[%dma_wait3A_383, %dma_wait3A_388] : memref<40x256xi32, #tpu.memory_space<vmem>> -> memref<1x128xi32, #tpu.memory_space<vmem>>
      %dma_wait3A_390 = tpu.memref_squeeze %dma_wait3A_389 : memref<1x128xi32, #tpu.memory_space<vmem>> -> memref<128xi32, #tpu.memory_space<vmem>>
      %dma_wait3A_391 = arith.constant 0 : i32
      %dma_wait3A_392 = tpu.memref_slice %arg5[%dma_wait3A_391] : memref<1048576xf32, #tpu.memory_space<vmem_shared>> -> memref<1048576xf32, #tpu.memory_space<vmem_shared>>
      tpu.wait_indirect_dma semaphore(%arg13 : memref<!tpu.dma_semaphore, #tpu.memory_space<semaphore_mem>>) src(%dma_wait3A_392 : memref<1048576xf32, #tpu.memory_space<vmem_shared>>) dst(%dma_wait3A_387 : memref<128xf32, #tpu.memory_space<vmem>>)
      %scan3A_393 = arith.constant 6 : i32
      %scan3A_394 = arith.addi %scan3A_322, %scan3A_393 : i32
      %dma_wait3A_395 = arith.constant 0 : i32
      %dma_wait3A_396 = arith.constant 0 : i32
      %dma_wait3A_397 = arith.constant 0 : i32
      %dma_wait3A_398 = tpu.memref_slice %arg9[%dma_wait3A_396, %dma_wait3A_397] : memref<40x256xf32, #tpu.memory_space<vmem>> -> memref<1x128xf32, #tpu.memory_space<vmem>>
      %dma_wait3A_399 = tpu.memref_squeeze %dma_wait3A_398 : memref<1x128xf32, #tpu.memory_space<vmem>> -> memref<128xf32, #tpu.memory_space<vmem>>
      %dma_wait3A_400 = arith.constant 0 : i32
      %dma_wait3A_401 = tpu.memref_slice %arg7[%dma_wait3A_395, %dma_wait3A_400] : memref<40x256xi32, #tpu.memory_space<vmem>> -> memref<1x128xi32, #tpu.memory_space<vmem>>
      %dma_wait3A_402 = tpu.memref_squeeze %dma_wait3A_401 : memref<1x128xi32, #tpu.memory_space<vmem>> -> memref<128xi32, #tpu.memory_space<vmem>>
      %dma_wait3A_403 = arith.constant 0 : i32
      %dma_wait3A_404 = tpu.memref_slice %arg5[%dma_wait3A_403] : memref<1048576xf32, #tpu.memory_space<vmem_shared>> -> memref<1048576xf32, #tpu.memory_space<vmem_shared>>
      tpu.wait_indirect_dma semaphore(%arg13 : memref<!tpu.dma_semaphore, #tpu.memory_space<semaphore_mem>>) src(%dma_wait3A_404 : memref<1048576xf32, #tpu.memory_space<vmem_shared>>) dst(%dma_wait3A_399 : memref<128xf32, #tpu.memory_space<vmem>>)
      %scan3A_405 = arith.constant 7 : i32
      %scan3A_406 = arith.addi %scan3A_322, %scan3A_405 : i32
      %dma_wait3A_407 = arith.constant 0 : i32
      %dma_wait3A_408 = arith.constant 0 : i32
      %dma_wait3A_409 = arith.constant 0 : i32
      %dma_wait3A_410 = tpu.memref_slice %arg9[%dma_wait3A_408, %dma_wait3A_409] : memref<40x256xf32, #tpu.memory_space<vmem>> -> memref<1x128xf32, #tpu.memory_space<vmem>>
      %dma_wait3A_411 = tpu.memref_squeeze %dma_wait3A_410 : memref<1x128xf32, #tpu.memory_space<vmem>> -> memref<128xf32, #tpu.memory_space<vmem>>
      %dma_wait3A_412 = arith.constant 0 : i32
      %dma_wait3A_413 = tpu.memref_slice %arg7[%dma_wait3A_407, %dma_wait3A_412] : memref<40x256xi32, #tpu.memory_space<vmem>> -> memref<1x128xi32, #tpu.memory_space<vmem>>
      %dma_wait3A_414 = tpu.memref_squeeze %dma_wait3A_413 : memref<1x128xi32, #tpu.memory_space<vmem>> -> memref<128xi32, #tpu.memory_space<vmem>>
      %dma_wait3A_415 = arith.constant 0 : i32
      %dma_wait3A_416 = tpu.memref_slice %arg5[%dma_wait3A_415] : memref<1048576xf32, #tpu.memory_space<vmem_shared>> -> memref<1048576xf32, #tpu.memory_space<vmem_shared>>
      tpu.wait_indirect_dma semaphore(%arg13 : memref<!tpu.dma_semaphore, #tpu.memory_space<semaphore_mem>>) src(%dma_wait3A_416 : memref<1048576xf32, #tpu.memory_space<vmem_shared>>) dst(%dma_wait3A_411 : memref<128xf32, #tpu.memory_space<vmem>>)
    }
    %scan3A_257 = arith.constant 80 : i32
    %dma_start3A_258 = arith.constant 120 : i32
    %dma_start3A_259 = tpu.memref_slice %arg4[%dma_start3A_258, %add3A_40] : memref<200x16384xf32, #tpu.memory_space<hbm>> -> memref<40x256xf32, #tpu.memory_space<hbm>>
    %dma_start3A_260 = arith.constant 120 : i32
    %dma_start3A_261 = tpu.memref_slice %arg4[%dma_start3A_260, %add3A_40] : memref<200x16384xf32, #tpu.memory_space<hbm>> -> memref<40x256xf32, #tpu.memory_space<hbm>>
    tpu.enqueue_dma source(%arg9 : memref<40x256xf32, #tpu.memory_space<vmem>>) target(%dma_start3A_261 : memref<40x256xf32, #tpu.memory_space<hbm>>) target_semaphore(%arg15 : memref<!tpu.dma_semaphore, #tpu.memory_space<semaphore_mem>>)
    %dma_wait3A_262 = arith.constant 120 : i32
    %dma_wait3A_263 = tpu.memref_slice %arg4[%dma_wait3A_262, %add3A_38] : memref<200x16384xf32, #tpu.memory_space<hbm>> -> memref<40x256xf32, #tpu.memory_space<hbm>>
    %dma_wait3A_264 = arith.constant 120 : i32
    %dma_wait3A_265 = tpu.memref_slice %arg4[%dma_wait3A_264, %add3A_38] : memref<200x16384xf32, #tpu.memory_space<hbm>> -> memref<40x256xf32, #tpu.memory_space<hbm>>
    tpu.wait_dma2 semaphore(%arg14 : memref<!tpu.dma_semaphore, #tpu.memory_space<semaphore_mem>>) src(%arg8 : memref<40x256xf32, #tpu.memory_space<vmem>>) dst(%dma_wait3A_265 : memref<40x256xf32, #tpu.memory_space<hbm>>)
    %dma_wait3A_266 = arith.constant 160 : i32
    %dma_wait3A_267 = tpu.memref_slice %arg2[%dma_wait3A_266, %add3A_22] : memref<200x16384xi32, #tpu.memory_space<hbm>> -> memref<40x256xi32, #tpu.memory_space<hbm>>
    %dma_wait3A_268 = arith.constant 160 : i32
    %dma_wait3A_269 = tpu.memref_slice %arg2[%dma_wait3A_268, %add3A_22] : memref<200x16384xi32, #tpu.memory_space<hbm>> -> memref<40x256xi32, #tpu.memory_space<hbm>>
    tpu.wait_dma2 semaphore(%arg11 : memref<!tpu.dma_semaphore, #tpu.memory_space<semaphore_mem>>) src(%dma_wait3A_269 : memref<40x256xi32, #tpu.memory_space<hbm>>) dst(%arg6 : memref<40x256xi32, #tpu.memory_space<vmem>>)
    %dma_start3A_270 = arith.constant 160 : i32
    %dma_start3A_271 = tpu.memref_slice %arg2[%dma_start3A_270, %add3A_24] : memref<200x16384xi32, #tpu.memory_space<hbm>> -> memref<40x256xi32, #tpu.memory_space<hbm>>
    %dma_start3A_272 = arith.constant 160 : i32
    %dma_start3A_273 = tpu.memref_slice %arg2[%dma_start3A_272, %add3A_24] : memref<200x16384xi32, #tpu.memory_space<hbm>> -> memref<40x256xi32, #tpu.memory_space<hbm>>
    tpu.enqueue_dma source(%dma_start3A_273 : memref<40x256xi32, #tpu.memory_space<hbm>>) target(%arg7 : memref<40x256xi32, #tpu.memory_space<vmem>>) target_semaphore(%arg12 : memref<!tpu.dma_semaphore, #tpu.memory_space<semaphore_mem>>)
    %scan3A_274 = arith.constant 0 : i32
    %scan3A_275 = arith.constant 0 : i32
    %scan3A_276 = arith.constant 80 : i32
    %scan3A_277 = arith.addi %scan3A_275, %scan3A_276 : i32
    %scan3A_278 = arith.constant 8 : i32
    scf.for %scan3A_322 = %scan3A_275 to %scan3A_277 step %scan3A_278  : i32 {
      %shift_right_arithmetic3A = arith.constant 1 : i32
      %shift_right_arithmetic3A_323 = arith.shrsi %scan3A_322, %shift_right_arithmetic3A : i32
      %and3A = arith.constant 1 : i32
      %and3A_324 = arith.andi %scan3A_322, %and3A : i32
      %mul3A_325 = arith.constant 128 : i32
      %mul3A_326 = arith.muli %and3A_324, %mul3A_325 : i32
      %dma_start3A_327 = tpu.memref_slice %arg8[%shift_right_arithmetic3A_323, %mul3A_326] : memref<40x256xf32, #tpu.memory_space<vmem>> -> memref<1x128xf32, #tpu.memory_space<vmem>>
      %dma_start3A_328 = tpu.memref_squeeze %dma_start3A_327 : memref<1x128xf32, #tpu.memory_space<vmem>> -> memref<128xf32, #tpu.memory_space<vmem>>
      %dma_start3A_329 = tpu.memref_slice %arg6[%shift_right_arithmetic3A_323, %mul3A_326] : memref<40x256xi32, #tpu.memory_space<vmem>> -> memref<1x128xi32, #tpu.memory_space<vmem>>
      %dma_start3A_330 = tpu.memref_squeeze %dma_start3A_329 : memref<1x128xi32, #tpu.memory_space<vmem>> -> memref<128xi32, #tpu.memory_space<vmem>>
      %dma_start3A_331 = arith.constant 0 : i32
      %dma_start3A_332 = tpu.memref_slice %arg5[%dma_start3A_331] : memref<1048576xf32, #tpu.memory_space<vmem_shared>> -> memref<1048576xf32, #tpu.memory_space<vmem_shared>>
      tpu.enqueue_indirect_dma source(%dma_start3A_332 : memref<1048576xf32, #tpu.memory_space<vmem_shared>>) target(%dma_start3A_328 : memref<128xf32, #tpu.memory_space<vmem>>) offsets(%dma_start3A_330 : memref<128xi32, #tpu.memory_space<vmem>>) semaphore(%arg13 : memref<!tpu.dma_semaphore, #tpu.memory_space<semaphore_mem>>)
      %scan3A_333 = arith.constant 1 : i32
      %scan3A_334 = arith.addi %scan3A_322, %scan3A_333 : i32
      %shift_right_arithmetic3A_335 = arith.constant 1 : i32
      %shift_right_arithmetic3A_336 = arith.shrsi %scan3A_334, %shift_right_arithmetic3A_335 : i32
      %and3A_337 = arith.constant 1 : i32
      %and3A_338 = arith.andi %scan3A_334, %and3A_337 : i32
      %mul3A_339 = arith.constant 128 : i32
      %mul3A_340 = arith.muli %and3A_338, %mul3A_339 : i32
      %dma_start3A_341 = tpu.memref_slice %arg8[%shift_right_arithmetic3A_336, %mul3A_340] : memref<40x256xf32, #tpu.memory_space<vmem>> -> memref<1x128xf32, #tpu.memory_space<vmem>>
      %dma_start3A_342 = tpu.memref_squeeze %dma_start3A_341 : memref<1x128xf32, #tpu.memory_space<vmem>> -> memref<128xf32, #tpu.memory_space<vmem>>
      %dma_start3A_343 = tpu.memref_slice %arg6[%shift_right_arithmetic3A_336, %mul3A_340] : memref<40x256xi32, #tpu.memory_space<vmem>> -> memref<1x128xi32, #tpu.memory_space<vmem>>
      %dma_start3A_344 = tpu.memref_squeeze %dma_start3A_343 : memref<1x128xi32, #tpu.memory_space<vmem>> -> memref<128xi32, #tpu.memory_space<vmem>>
      %dma_start3A_345 = arith.constant 0 : i32
      %dma_start3A_346 = tpu.memref_slice %arg5[%dma_start3A_345] : memref<1048576xf32, #tpu.memory_space<vmem_shared>> -> memref<1048576xf32, #tpu.memory_space<vmem_shared>>
      tpu.enqueue_indirect_dma source(%dma_start3A_346 : memref<1048576xf32, #tpu.memory_space<vmem_shared>>) target(%dma_start3A_342 : memref<128xf32, #tpu.memory_space<vmem>>) offsets(%dma_start3A_344 : memref<128xi32, #tpu.memory_space<vmem>>) semaphore(%arg13 : memref<!tpu.dma_semaphore, #tpu.memory_space<semaphore_mem>>)
      %scan3A_347 = arith.constant 2 : i32
      %scan3A_348 = arith.addi %scan3A_322, %scan3A_347 : i32
      %shift_right_arithmetic3A_349 = arith.constant 1 : i32
      %shift_right_arithmetic3A_350 = arith.shrsi %scan3A_348, %shift_right_arithmetic3A_349 : i32
      %and3A_351 = arith.constant 1 : i32
      %and3A_352 = arith.andi %scan3A_348, %and3A_351 : i32
      %mul3A_353 = arith.constant 128 : i32
      %mul3A_354 = arith.muli %and3A_352, %mul3A_353 : i32
      %dma_start3A_355 = tpu.memref_slice %arg8[%shift_right_arithmetic3A_350, %mul3A_354] : memref<40x256xf32, #tpu.memory_space<vmem>> -> memref<1x128xf32, #tpu.memory_space<vmem>>
      %dma_start3A_356 = tpu.memref_squeeze %dma_start3A_355 : memref<1x128xf32, #tpu.memory_space<vmem>> -> memref<128xf32, #tpu.memory_space<vmem>>
      %dma_start3A_357 = tpu.memref_slice %arg6[%shift_right_arithmetic3A_350, %mul3A_354] : memref<40x256xi32, #tpu.memory_space<vmem>> -> memref<1x128xi32, #tpu.memory_space<vmem>>
      %dma_start3A_358 = tpu.memref_squeeze %dma_start3A_357 : memref<1x128xi32, #tpu.memory_space<vmem>> -> memref<128xi32, #tpu.memory_space<vmem>>
      %dma_start3A_359 = arith.constant 0 : i32
      %dma_start3A_360 = tpu.memref_slice %arg5[%dma_start3A_359] : memref<1048576xf32, #tpu.memory_space<vmem_shared>> -> memref<1048576xf32, #tpu.memory_space<vmem_shared>>
      tpu.enqueue_indirect_dma source(%dma_start3A_360 : memref<1048576xf32, #tpu.memory_space<vmem_shared>>) target(%dma_start3A_356 : memref<128xf32, #tpu.memory_space<vmem>>) offsets(%dma_start3A_358 : memref<128xi32, #tpu.memory_space<vmem>>) semaphore(%arg13 : memref<!tpu.dma_semaphore, #tpu.memory_space<semaphore_mem>>)
      %scan3A_361 = arith.constant 3 : i32
      %scan3A_362 = arith.addi %scan3A_322, %scan3A_361 : i32
      %shift_right_arithmetic3A_363 = arith.constant 1 : i32
      %shift_right_arithmetic3A_364 = arith.shrsi %scan3A_362, %shift_right_arithmetic3A_363 : i32
      %and3A_365 = arith.constant 1 : i32
      %and3A_366 = arith.andi %scan3A_362, %and3A_365 : i32
      %mul3A_367 = arith.constant 128 : i32
      %mul3A_368 = arith.muli %and3A_366, %mul3A_367 : i32
      %dma_start3A_369 = tpu.memref_slice %arg8[%shift_right_arithmetic3A_364, %mul3A_368] : memref<40x256xf32, #tpu.memory_space<vmem>> -> memref<1x128xf32, #tpu.memory_space<vmem>>
      %dma_start3A_370 = tpu.memref_squeeze %dma_start3A_369 : memref<1x128xf32, #tpu.memory_space<vmem>> -> memref<128xf32, #tpu.memory_space<vmem>>
      %dma_start3A_371 = tpu.memref_slice %arg6[%shift_right_arithmetic3A_364, %mul3A_368] : memref<40x256xi32, #tpu.memory_space<vmem>> -> memref<1x128xi32, #tpu.memory_space<vmem>>
      %dma_start3A_372 = tpu.memref_squeeze %dma_start3A_371 : memref<1x128xi32, #tpu.memory_space<vmem>> -> memref<128xi32, #tpu.memory_space<vmem>>
      %dma_start3A_373 = arith.constant 0 : i32
      %dma_start3A_374 = tpu.memref_slice %arg5[%dma_start3A_373] : memref<1048576xf32, #tpu.memory_space<vmem_shared>> -> memref<1048576xf32, #tpu.memory_space<vmem_shared>>
      tpu.enqueue_indirect_dma source(%dma_start3A_374 : memref<1048576xf32, #tpu.memory_space<vmem_shared>>) target(%dma_start3A_370 : memref<128xf32, #tpu.memory_space<vmem>>) offsets(%dma_start3A_372 : memref<128xi32, #tpu.memory_space<vmem>>) semaphore(%arg13 : memref<!tpu.dma_semaphore, #tpu.memory_space<semaphore_mem>>)
      %scan3A_375 = arith.constant 4 : i32
      %scan3A_376 = arith.addi %scan3A_322, %scan3A_375 : i32
      %shift_right_arithmetic3A_377 = arith.constant 1 : i32
      %shift_right_arithmetic3A_378 = arith.shrsi %scan3A_376, %shift_right_arithmetic3A_377 : i32
      %and3A_379 = arith.constant 1 : i32
      %and3A_380 = arith.andi %scan3A_376, %and3A_379 : i32
      %mul3A_381 = arith.constant 128 : i32
      %mul3A_382 = arith.muli %and3A_380, %mul3A_381 : i32
      %dma_start3A_383 = tpu.memref_slice %arg8[%shift_right_arithmetic3A_378, %mul3A_382] : memref<40x256xf32, #tpu.memory_space<vmem>> -> memref<1x128xf32, #tpu.memory_space<vmem>>
      %dma_start3A_384 = tpu.memref_squeeze %dma_start3A_383 : memref<1x128xf32, #tpu.memory_space<vmem>> -> memref<128xf32, #tpu.memory_space<vmem>>
      %dma_start3A_385 = tpu.memref_slice %arg6[%shift_right_arithmetic3A_378, %mul3A_382] : memref<40x256xi32, #tpu.memory_space<vmem>> -> memref<1x128xi32, #tpu.memory_space<vmem>>
      %dma_start3A_386 = tpu.memref_squeeze %dma_start3A_385 : memref<1x128xi32, #tpu.memory_space<vmem>> -> memref<128xi32, #tpu.memory_space<vmem>>
      %dma_start3A_387 = arith.constant 0 : i32
      %dma_start3A_388 = tpu.memref_slice %arg5[%dma_start3A_387] : memref<1048576xf32, #tpu.memory_space<vmem_shared>> -> memref<1048576xf32, #tpu.memory_space<vmem_shared>>
      tpu.enqueue_indirect_dma source(%dma_start3A_388 : memref<1048576xf32, #tpu.memory_space<vmem_shared>>) target(%dma_start3A_384 : memref<128xf32, #tpu.memory_space<vmem>>) offsets(%dma_start3A_386 : memref<128xi32, #tpu.memory_space<vmem>>) semaphore(%arg13 : memref<!tpu.dma_semaphore, #tpu.memory_space<semaphore_mem>>)
      %scan3A_389 = arith.constant 5 : i32
      %scan3A_390 = arith.addi %scan3A_322, %scan3A_389 : i32
      %shift_right_arithmetic3A_391 = arith.constant 1 : i32
      %shift_right_arithmetic3A_392 = arith.shrsi %scan3A_390, %shift_right_arithmetic3A_391 : i32
      %and3A_393 = arith.constant 1 : i32
      %and3A_394 = arith.andi %scan3A_390, %and3A_393 : i32
      %mul3A_395 = arith.constant 128 : i32
      %mul3A_396 = arith.muli %and3A_394, %mul3A_395 : i32
      %dma_start3A_397 = tpu.memref_slice %arg8[%shift_right_arithmetic3A_392, %mul3A_396] : memref<40x256xf32, #tpu.memory_space<vmem>> -> memref<1x128xf32, #tpu.memory_space<vmem>>
      %dma_start3A_398 = tpu.memref_squeeze %dma_start3A_397 : memref<1x128xf32, #tpu.memory_space<vmem>> -> memref<128xf32, #tpu.memory_space<vmem>>
      %dma_start3A_399 = tpu.memref_slice %arg6[%shift_right_arithmetic3A_392, %mul3A_396] : memref<40x256xi32, #tpu.memory_space<vmem>> -> memref<1x128xi32, #tpu.memory_space<vmem>>
      %dma_start3A_400 = tpu.memref_squeeze %dma_start3A_399 : memref<1x128xi32, #tpu.memory_space<vmem>> -> memref<128xi32, #tpu.memory_space<vmem>>
      %dma_start3A_401 = arith.constant 0 : i32
      %dma_start3A_402 = tpu.memref_slice %arg5[%dma_start3A_401] : memref<1048576xf32, #tpu.memory_space<vmem_shared>> -> memref<1048576xf32, #tpu.memory_space<vmem_shared>>
      tpu.enqueue_indirect_dma source(%dma_start3A_402 : memref<1048576xf32, #tpu.memory_space<vmem_shared>>) target(%dma_start3A_398 : memref<128xf32, #tpu.memory_space<vmem>>) offsets(%dma_start3A_400 : memref<128xi32, #tpu.memory_space<vmem>>) semaphore(%arg13 : memref<!tpu.dma_semaphore, #tpu.memory_space<semaphore_mem>>)
      %scan3A_403 = arith.constant 6 : i32
      %scan3A_404 = arith.addi %scan3A_322, %scan3A_403 : i32
      %shift_right_arithmetic3A_405 = arith.constant 1 : i32
      %shift_right_arithmetic3A_406 = arith.shrsi %scan3A_404, %shift_right_arithmetic3A_405 : i32
      %and3A_407 = arith.constant 1 : i32
      %and3A_408 = arith.andi %scan3A_404, %and3A_407 : i32
      %mul3A_409 = arith.constant 128 : i32
      %mul3A_410 = arith.muli %and3A_408, %mul3A_409 : i32
      %dma_start3A_411 = tpu.memref_slice %arg8[%shift_right_arithmetic3A_406, %mul3A_410] : memref<40x256xf32, #tpu.memory_space<vmem>> -> memref<1x128xf32, #tpu.memory_space<vmem>>
      %dma_start3A_412 = tpu.memref_squeeze %dma_start3A_411 : memref<1x128xf32, #tpu.memory_space<vmem>> -> memref<128xf32, #tpu.memory_space<vmem>>
      %dma_start3A_413 = tpu.memref_slice %arg6[%shift_right_arithmetic3A_406, %mul3A_410] : memref<40x256xi32, #tpu.memory_space<vmem>> -> memref<1x128xi32, #tpu.memory_space<vmem>>
      %dma_start3A_414 = tpu.memref_squeeze %dma_start3A_413 : memref<1x128xi32, #tpu.memory_space<vmem>> -> memref<128xi32, #tpu.memory_space<vmem>>
      %dma_start3A_415 = arith.constant 0 : i32
      %dma_start3A_416 = tpu.memref_slice %arg5[%dma_start3A_415] : memref<1048576xf32, #tpu.memory_space<vmem_shared>> -> memref<1048576xf32, #tpu.memory_space<vmem_shared>>
      tpu.enqueue_indirect_dma source(%dma_start3A_416 : memref<1048576xf32, #tpu.memory_space<vmem_shared>>) target(%dma_start3A_412 : memref<128xf32, #tpu.memory_space<vmem>>) offsets(%dma_start3A_414 : memref<128xi32, #tpu.memory_space<vmem>>) semaphore(%arg13 : memref<!tpu.dma_semaphore, #tpu.memory_space<semaphore_mem>>)
      %scan3A_417 = arith.constant 7 : i32
      %scan3A_418 = arith.addi %scan3A_322, %scan3A_417 : i32
      %shift_right_arithmetic3A_419 = arith.constant 1 : i32
      %shift_right_arithmetic3A_420 = arith.shrsi %scan3A_418, %shift_right_arithmetic3A_419 : i32
      %and3A_421 = arith.constant 1 : i32
      %and3A_422 = arith.andi %scan3A_418, %and3A_421 : i32
      %mul3A_423 = arith.constant 128 : i32
      %mul3A_424 = arith.muli %and3A_422, %mul3A_423 : i32
      %dma_start3A_425 = tpu.memref_slice %arg8[%shift_right_arithmetic3A_420, %mul3A_424] : memref<40x256xf32, #tpu.memory_space<vmem>> -> memref<1x128xf32, #tpu.memory_space<vmem>>
      %dma_start3A_426 = tpu.memref_squeeze %dma_start3A_425 : memref<1x128xf32, #tpu.memory_space<vmem>> -> memref<128xf32, #tpu.memory_space<vmem>>
      %dma_start3A_427 = tpu.memref_slice %arg6[%shift_right_arithmetic3A_420, %mul3A_424] : memref<40x256xi32, #tpu.memory_space<vmem>> -> memref<1x128xi32, #tpu.memory_space<vmem>>
      %dma_start3A_428 = tpu.memref_squeeze %dma_start3A_427 : memref<1x128xi32, #tpu.memory_space<vmem>> -> memref<128xi32, #tpu.memory_space<vmem>>
      %dma_start3A_429 = arith.constant 0 : i32
      %dma_start3A_430 = tpu.memref_slice %arg5[%dma_start3A_429] : memref<1048576xf32, #tpu.memory_space<vmem_shared>> -> memref<1048576xf32, #tpu.memory_space<vmem_shared>>
      tpu.enqueue_indirect_dma source(%dma_start3A_430 : memref<1048576xf32, #tpu.memory_space<vmem_shared>>) target(%dma_start3A_426 : memref<128xf32, #tpu.memory_space<vmem>>) offsets(%dma_start3A_428 : memref<128xi32, #tpu.memory_space<vmem>>) semaphore(%arg13 : memref<!tpu.dma_semaphore, #tpu.memory_space<semaphore_mem>>)
    }
    %scan3A_279 = arith.constant 80 : i32
    %scan3A_280 = arith.constant 0 : i32
    %scan3A_281 = arith.constant 0 : i32
    %scan3A_282 = arith.constant 80 : i32
    %scan3A_283 = arith.addi %scan3A_281, %scan3A_282 : i32
    %scan3A_284 = arith.constant 8 : i32
    scf.for %scan3A_322 = %scan3A_281 to %scan3A_283 step %scan3A_284  : i32 {
      %dma_wait3A_323 = arith.constant 0 : i32
      %dma_wait3A_324 = arith.constant 0 : i32
      %dma_wait3A_325 = arith.constant 0 : i32
      %dma_wait3A_326 = tpu.memref_slice %arg8[%dma_wait3A_324, %dma_wait3A_325] : memref<40x256xf32, #tpu.memory_space<vmem>> -> memref<1x128xf32, #tpu.memory_space<vmem>>
      %dma_wait3A_327 = tpu.memref_squeeze %dma_wait3A_326 : memref<1x128xf32, #tpu.memory_space<vmem>> -> memref<128xf32, #tpu.memory_space<vmem>>
      %dma_wait3A_328 = arith.constant 0 : i32
      %dma_wait3A_329 = tpu.memref_slice %arg6[%dma_wait3A_323, %dma_wait3A_328] : memref<40x256xi32, #tpu.memory_space<vmem>> -> memref<1x128xi32, #tpu.memory_space<vmem>>
      %dma_wait3A_330 = tpu.memref_squeeze %dma_wait3A_329 : memref<1x128xi32, #tpu.memory_space<vmem>> -> memref<128xi32, #tpu.memory_space<vmem>>
      %dma_wait3A_331 = arith.constant 0 : i32
      %dma_wait3A_332 = tpu.memref_slice %arg5[%dma_wait3A_331] : memref<1048576xf32, #tpu.memory_space<vmem_shared>> -> memref<1048576xf32, #tpu.memory_space<vmem_shared>>
      tpu.wait_indirect_dma semaphore(%arg13 : memref<!tpu.dma_semaphore, #tpu.memory_space<semaphore_mem>>) src(%dma_wait3A_332 : memref<1048576xf32, #tpu.memory_space<vmem_shared>>) dst(%dma_wait3A_327 : memref<128xf32, #tpu.memory_space<vmem>>)
      %scan3A_333 = arith.constant 1 : i32
      %scan3A_334 = arith.addi %scan3A_322, %scan3A_333 : i32
      %dma_wait3A_335 = arith.constant 0 : i32
      %dma_wait3A_336 = arith.constant 0 : i32
      %dma_wait3A_337 = arith.constant 0 : i32
      %dma_wait3A_338 = tpu.memref_slice %arg8[%dma_wait3A_336, %dma_wait3A_337] : memref<40x256xf32, #tpu.memory_space<vmem>> -> memref<1x128xf32, #tpu.memory_space<vmem>>
      %dma_wait3A_339 = tpu.memref_squeeze %dma_wait3A_338 : memref<1x128xf32, #tpu.memory_space<vmem>> -> memref<128xf32, #tpu.memory_space<vmem>>
      %dma_wait3A_340 = arith.constant 0 : i32
      %dma_wait3A_341 = tpu.memref_slice %arg6[%dma_wait3A_335, %dma_wait3A_340] : memref<40x256xi32, #tpu.memory_space<vmem>> -> memref<1x128xi32, #tpu.memory_space<vmem>>
      %dma_wait3A_342 = tpu.memref_squeeze %dma_wait3A_341 : memref<1x128xi32, #tpu.memory_space<vmem>> -> memref<128xi32, #tpu.memory_space<vmem>>
      %dma_wait3A_343 = arith.constant 0 : i32
      %dma_wait3A_344 = tpu.memref_slice %arg5[%dma_wait3A_343] : memref<1048576xf32, #tpu.memory_space<vmem_shared>> -> memref<1048576xf32, #tpu.memory_space<vmem_shared>>
      tpu.wait_indirect_dma semaphore(%arg13 : memref<!tpu.dma_semaphore, #tpu.memory_space<semaphore_mem>>) src(%dma_wait3A_344 : memref<1048576xf32, #tpu.memory_space<vmem_shared>>) dst(%dma_wait3A_339 : memref<128xf32, #tpu.memory_space<vmem>>)
      %scan3A_345 = arith.constant 2 : i32
      %scan3A_346 = arith.addi %scan3A_322, %scan3A_345 : i32
      %dma_wait3A_347 = arith.constant 0 : i32
      %dma_wait3A_348 = arith.constant 0 : i32
      %dma_wait3A_349 = arith.constant 0 : i32
      %dma_wait3A_350 = tpu.memref_slice %arg8[%dma_wait3A_348, %dma_wait3A_349] : memref<40x256xf32, #tpu.memory_space<vmem>> -> memref<1x128xf32, #tpu.memory_space<vmem>>
      %dma_wait3A_351 = tpu.memref_squeeze %dma_wait3A_350 : memref<1x128xf32, #tpu.memory_space<vmem>> -> memref<128xf32, #tpu.memory_space<vmem>>
      %dma_wait3A_352 = arith.constant 0 : i32
      %dma_wait3A_353 = tpu.memref_slice %arg6[%dma_wait3A_347, %dma_wait3A_352] : memref<40x256xi32, #tpu.memory_space<vmem>> -> memref<1x128xi32, #tpu.memory_space<vmem>>
      %dma_wait3A_354 = tpu.memref_squeeze %dma_wait3A_353 : memref<1x128xi32, #tpu.memory_space<vmem>> -> memref<128xi32, #tpu.memory_space<vmem>>
      %dma_wait3A_355 = arith.constant 0 : i32
      %dma_wait3A_356 = tpu.memref_slice %arg5[%dma_wait3A_355] : memref<1048576xf32, #tpu.memory_space<vmem_shared>> -> memref<1048576xf32, #tpu.memory_space<vmem_shared>>
      tpu.wait_indirect_dma semaphore(%arg13 : memref<!tpu.dma_semaphore, #tpu.memory_space<semaphore_mem>>) src(%dma_wait3A_356 : memref<1048576xf32, #tpu.memory_space<vmem_shared>>) dst(%dma_wait3A_351 : memref<128xf32, #tpu.memory_space<vmem>>)
      %scan3A_357 = arith.constant 3 : i32
      %scan3A_358 = arith.addi %scan3A_322, %scan3A_357 : i32
      %dma_wait3A_359 = arith.constant 0 : i32
      %dma_wait3A_360 = arith.constant 0 : i32
      %dma_wait3A_361 = arith.constant 0 : i32
      %dma_wait3A_362 = tpu.memref_slice %arg8[%dma_wait3A_360, %dma_wait3A_361] : memref<40x256xf32, #tpu.memory_space<vmem>> -> memref<1x128xf32, #tpu.memory_space<vmem>>
      %dma_wait3A_363 = tpu.memref_squeeze %dma_wait3A_362 : memref<1x128xf32, #tpu.memory_space<vmem>> -> memref<128xf32, #tpu.memory_space<vmem>>
      %dma_wait3A_364 = arith.constant 0 : i32
      %dma_wait3A_365 = tpu.memref_slice %arg6[%dma_wait3A_359, %dma_wait3A_364] : memref<40x256xi32, #tpu.memory_space<vmem>> -> memref<1x128xi32, #tpu.memory_space<vmem>>
      %dma_wait3A_366 = tpu.memref_squeeze %dma_wait3A_365 : memref<1x128xi32, #tpu.memory_space<vmem>> -> memref<128xi32, #tpu.memory_space<vmem>>
      %dma_wait3A_367 = arith.constant 0 : i32
      %dma_wait3A_368 = tpu.memref_slice %arg5[%dma_wait3A_367] : memref<1048576xf32, #tpu.memory_space<vmem_shared>> -> memref<1048576xf32, #tpu.memory_space<vmem_shared>>
      tpu.wait_indirect_dma semaphore(%arg13 : memref<!tpu.dma_semaphore, #tpu.memory_space<semaphore_mem>>) src(%dma_wait3A_368 : memref<1048576xf32, #tpu.memory_space<vmem_shared>>) dst(%dma_wait3A_363 : memref<128xf32, #tpu.memory_space<vmem>>)
      %scan3A_369 = arith.constant 4 : i32
      %scan3A_370 = arith.addi %scan3A_322, %scan3A_369 : i32
      %dma_wait3A_371 = arith.constant 0 : i32
      %dma_wait3A_372 = arith.constant 0 : i32
      %dma_wait3A_373 = arith.constant 0 : i32
      %dma_wait3A_374 = tpu.memref_slice %arg8[%dma_wait3A_372, %dma_wait3A_373] : memref<40x256xf32, #tpu.memory_space<vmem>> -> memref<1x128xf32, #tpu.memory_space<vmem>>
      %dma_wait3A_375 = tpu.memref_squeeze %dma_wait3A_374 : memref<1x128xf32, #tpu.memory_space<vmem>> -> memref<128xf32, #tpu.memory_space<vmem>>
      %dma_wait3A_376 = arith.constant 0 : i32
      %dma_wait3A_377 = tpu.memref_slice %arg6[%dma_wait3A_371, %dma_wait3A_376] : memref<40x256xi32, #tpu.memory_space<vmem>> -> memref<1x128xi32, #tpu.memory_space<vmem>>
      %dma_wait3A_378 = tpu.memref_squeeze %dma_wait3A_377 : memref<1x128xi32, #tpu.memory_space<vmem>> -> memref<128xi32, #tpu.memory_space<vmem>>
      %dma_wait3A_379 = arith.constant 0 : i32
      %dma_wait3A_380 = tpu.memref_slice %arg5[%dma_wait3A_379] : memref<1048576xf32, #tpu.memory_space<vmem_shared>> -> memref<1048576xf32, #tpu.memory_space<vmem_shared>>
      tpu.wait_indirect_dma semaphore(%arg13 : memref<!tpu.dma_semaphore, #tpu.memory_space<semaphore_mem>>) src(%dma_wait3A_380 : memref<1048576xf32, #tpu.memory_space<vmem_shared>>) dst(%dma_wait3A_375 : memref<128xf32, #tpu.memory_space<vmem>>)
      %scan3A_381 = arith.constant 5 : i32
      %scan3A_382 = arith.addi %scan3A_322, %scan3A_381 : i32
      %dma_wait3A_383 = arith.constant 0 : i32
      %dma_wait3A_384 = arith.constant 0 : i32
      %dma_wait3A_385 = arith.constant 0 : i32
      %dma_wait3A_386 = tpu.memref_slice %arg8[%dma_wait3A_384, %dma_wait3A_385] : memref<40x256xf32, #tpu.memory_space<vmem>> -> memref<1x128xf32, #tpu.memory_space<vmem>>
      %dma_wait3A_387 = tpu.memref_squeeze %dma_wait3A_386 : memref<1x128xf32, #tpu.memory_space<vmem>> -> memref<128xf32, #tpu.memory_space<vmem>>
      %dma_wait3A_388 = arith.constant 0 : i32
      %dma_wait3A_389 = tpu.memref_slice %arg6[%dma_wait3A_383, %dma_wait3A_388] : memref<40x256xi32, #tpu.memory_space<vmem>> -> memref<1x128xi32, #tpu.memory_space<vmem>>
      %dma_wait3A_390 = tpu.memref_squeeze %dma_wait3A_389 : memref<1x128xi32, #tpu.memory_space<vmem>> -> memref<128xi32, #tpu.memory_space<vmem>>
      %dma_wait3A_391 = arith.constant 0 : i32
      %dma_wait3A_392 = tpu.memref_slice %arg5[%dma_wait3A_391] : memref<1048576xf32, #tpu.memory_space<vmem_shared>> -> memref<1048576xf32, #tpu.memory_space<vmem_shared>>
      tpu.wait_indirect_dma semaphore(%arg13 : memref<!tpu.dma_semaphore, #tpu.memory_space<semaphore_mem>>) src(%dma_wait3A_392 : memref<1048576xf32, #tpu.memory_space<vmem_shared>>) dst(%dma_wait3A_387 : memref<128xf32, #tpu.memory_space<vmem>>)
      %scan3A_393 = arith.constant 6 : i32
      %scan3A_394 = arith.addi %scan3A_322, %scan3A_393 : i32
      %dma_wait3A_395 = arith.constant 0 : i32
      %dma_wait3A_396 = arith.constant 0 : i32
      %dma_wait3A_397 = arith.constant 0 : i32
      %dma_wait3A_398 = tpu.memref_slice %arg8[%dma_wait3A_396, %dma_wait3A_397] : memref<40x256xf32, #tpu.memory_space<vmem>> -> memref<1x128xf32, #tpu.memory_space<vmem>>
      %dma_wait3A_399 = tpu.memref_squeeze %dma_wait3A_398 : memref<1x128xf32, #tpu.memory_space<vmem>> -> memref<128xf32, #tpu.memory_space<vmem>>
      %dma_wait3A_400 = arith.constant 0 : i32
      %dma_wait3A_401 = tpu.memref_slice %arg6[%dma_wait3A_395, %dma_wait3A_400] : memref<40x256xi32, #tpu.memory_space<vmem>> -> memref<1x128xi32, #tpu.memory_space<vmem>>
      %dma_wait3A_402 = tpu.memref_squeeze %dma_wait3A_401 : memref<1x128xi32, #tpu.memory_space<vmem>> -> memref<128xi32, #tpu.memory_space<vmem>>
      %dma_wait3A_403 = arith.constant 0 : i32
      %dma_wait3A_404 = tpu.memref_slice %arg5[%dma_wait3A_403] : memref<1048576xf32, #tpu.memory_space<vmem_shared>> -> memref<1048576xf32, #tpu.memory_space<vmem_shared>>
      tpu.wait_indirect_dma semaphore(%arg13 : memref<!tpu.dma_semaphore, #tpu.memory_space<semaphore_mem>>) src(%dma_wait3A_404 : memref<1048576xf32, #tpu.memory_space<vmem_shared>>) dst(%dma_wait3A_399 : memref<128xf32, #tpu.memory_space<vmem>>)
      %scan3A_405 = arith.constant 7 : i32
      %scan3A_406 = arith.addi %scan3A_322, %scan3A_405 : i32
      %dma_wait3A_407 = arith.constant 0 : i32
      %dma_wait3A_408 = arith.constant 0 : i32
      %dma_wait3A_409 = arith.constant 0 : i32
      %dma_wait3A_410 = tpu.memref_slice %arg8[%dma_wait3A_408, %dma_wait3A_409] : memref<40x256xf32, #tpu.memory_space<vmem>> -> memref<1x128xf32, #tpu.memory_space<vmem>>
      %dma_wait3A_411 = tpu.memref_squeeze %dma_wait3A_410 : memref<1x128xf32, #tpu.memory_space<vmem>> -> memref<128xf32, #tpu.memory_space<vmem>>
      %dma_wait3A_412 = arith.constant 0 : i32
      %dma_wait3A_413 = tpu.memref_slice %arg6[%dma_wait3A_407, %dma_wait3A_412] : memref<40x256xi32, #tpu.memory_space<vmem>> -> memref<1x128xi32, #tpu.memory_space<vmem>>
      %dma_wait3A_414 = tpu.memref_squeeze %dma_wait3A_413 : memref<1x128xi32, #tpu.memory_space<vmem>> -> memref<128xi32, #tpu.memory_space<vmem>>
      %dma_wait3A_415 = arith.constant 0 : i32
      %dma_wait3A_416 = tpu.memref_slice %arg5[%dma_wait3A_415] : memref<1048576xf32, #tpu.memory_space<vmem_shared>> -> memref<1048576xf32, #tpu.memory_space<vmem_shared>>
      tpu.wait_indirect_dma semaphore(%arg13 : memref<!tpu.dma_semaphore, #tpu.memory_space<semaphore_mem>>) src(%dma_wait3A_416 : memref<1048576xf32, #tpu.memory_space<vmem_shared>>) dst(%dma_wait3A_411 : memref<128xf32, #tpu.memory_space<vmem>>)
    }
    %scan3A_285 = arith.constant 80 : i32
    %dma_start3A_286 = arith.constant 160 : i32
    %dma_start3A_287 = tpu.memref_slice %arg4[%dma_start3A_286, %add3A_42] : memref<200x16384xf32, #tpu.memory_space<hbm>> -> memref<40x256xf32, #tpu.memory_space<hbm>>
    %dma_start3A_288 = arith.constant 160 : i32
    %dma_start3A_289 = tpu.memref_slice %arg4[%dma_start3A_288, %add3A_42] : memref<200x16384xf32, #tpu.memory_space<hbm>> -> memref<40x256xf32, #tpu.memory_space<hbm>>
    tpu.enqueue_dma source(%arg8 : memref<40x256xf32, #tpu.memory_space<vmem>>) target(%dma_start3A_289 : memref<40x256xf32, #tpu.memory_space<hbm>>) target_semaphore(%arg14 : memref<!tpu.dma_semaphore, #tpu.memory_space<semaphore_mem>>)
    %dma_wait3A_290 = arith.constant 120 : i32
    %dma_wait3A_291 = tpu.memref_slice %arg4[%dma_wait3A_290, %add3A_40] : memref<200x16384xf32, #tpu.memory_space<hbm>> -> memref<40x256xf32, #tpu.memory_space<hbm>>
    %dma_wait3A_292 = arith.constant 120 : i32
    %dma_wait3A_293 = tpu.memref_slice %arg4[%dma_wait3A_292, %add3A_40] : memref<200x16384xf32, #tpu.memory_space<hbm>> -> memref<40x256xf32, #tpu.memory_space<hbm>>
    tpu.wait_dma2 semaphore(%arg15 : memref<!tpu.dma_semaphore, #tpu.memory_space<semaphore_mem>>) src(%arg9 : memref<40x256xf32, #tpu.memory_space<vmem>>) dst(%dma_wait3A_293 : memref<40x256xf32, #tpu.memory_space<hbm>>)
    %dma_wait3A_294 = arith.constant 160 : i32
    %dma_wait3A_295 = tpu.memref_slice %arg2[%dma_wait3A_294, %add3A_24] : memref<200x16384xi32, #tpu.memory_space<hbm>> -> memref<40x256xi32, #tpu.memory_space<hbm>>
    %dma_wait3A_296 = arith.constant 160 : i32
    %dma_wait3A_297 = tpu.memref_slice %arg2[%dma_wait3A_296, %add3A_24] : memref<200x16384xi32, #tpu.memory_space<hbm>> -> memref<40x256xi32, #tpu.memory_space<hbm>>
    tpu.wait_dma2 semaphore(%arg12 : memref<!tpu.dma_semaphore, #tpu.memory_space<semaphore_mem>>) src(%dma_wait3A_297 : memref<40x256xi32, #tpu.memory_space<hbm>>) dst(%arg7 : memref<40x256xi32, #tpu.memory_space<vmem>>)
    %scan3A_298 = arith.constant 0 : i32
    %scan3A_299 = arith.constant 0 : i32
    %scan3A_300 = arith.constant 80 : i32
    %scan3A_301 = arith.addi %scan3A_299, %scan3A_300 : i32
    %scan3A_302 = arith.constant 8 : i32
    scf.for %scan3A_322 = %scan3A_299 to %scan3A_301 step %scan3A_302  : i32 {
      %shift_right_arithmetic3A = arith.constant 1 : i32
      %shift_right_arithmetic3A_323 = arith.shrsi %scan3A_322, %shift_right_arithmetic3A : i32
      %and3A = arith.constant 1 : i32
      %and3A_324 = arith.andi %scan3A_322, %and3A : i32
      %mul3A_325 = arith.constant 128 : i32
      %mul3A_326 = arith.muli %and3A_324, %mul3A_325 : i32
      %dma_start3A_327 = tpu.memref_slice %arg9[%shift_right_arithmetic3A_323, %mul3A_326] : memref<40x256xf32, #tpu.memory_space<vmem>> -> memref<1x128xf32, #tpu.memory_space<vmem>>
      %dma_start3A_328 = tpu.memref_squeeze %dma_start3A_327 : memref<1x128xf32, #tpu.memory_space<vmem>> -> memref<128xf32, #tpu.memory_space<vmem>>
      %dma_start3A_329 = tpu.memref_slice %arg7[%shift_right_arithmetic3A_323, %mul3A_326] : memref<40x256xi32, #tpu.memory_space<vmem>> -> memref<1x128xi32, #tpu.memory_space<vmem>>
      %dma_start3A_330 = tpu.memref_squeeze %dma_start3A_329 : memref<1x128xi32, #tpu.memory_space<vmem>> -> memref<128xi32, #tpu.memory_space<vmem>>
      %dma_start3A_331 = arith.constant 0 : i32
      %dma_start3A_332 = tpu.memref_slice %arg5[%dma_start3A_331] : memref<1048576xf32, #tpu.memory_space<vmem_shared>> -> memref<1048576xf32, #tpu.memory_space<vmem_shared>>
      tpu.enqueue_indirect_dma source(%dma_start3A_332 : memref<1048576xf32, #tpu.memory_space<vmem_shared>>) target(%dma_start3A_328 : memref<128xf32, #tpu.memory_space<vmem>>) offsets(%dma_start3A_330 : memref<128xi32, #tpu.memory_space<vmem>>) semaphore(%arg13 : memref<!tpu.dma_semaphore, #tpu.memory_space<semaphore_mem>>)
      %scan3A_333 = arith.constant 1 : i32
      %scan3A_334 = arith.addi %scan3A_322, %scan3A_333 : i32
      %shift_right_arithmetic3A_335 = arith.constant 1 : i32
      %shift_right_arithmetic3A_336 = arith.shrsi %scan3A_334, %shift_right_arithmetic3A_335 : i32
      %and3A_337 = arith.constant 1 : i32
      %and3A_338 = arith.andi %scan3A_334, %and3A_337 : i32
      %mul3A_339 = arith.constant 128 : i32
      %mul3A_340 = arith.muli %and3A_338, %mul3A_339 : i32
      %dma_start3A_341 = tpu.memref_slice %arg9[%shift_right_arithmetic3A_336, %mul3A_340] : memref<40x256xf32, #tpu.memory_space<vmem>> -> memref<1x128xf32, #tpu.memory_space<vmem>>
      %dma_start3A_342 = tpu.memref_squeeze %dma_start3A_341 : memref<1x128xf32, #tpu.memory_space<vmem>> -> memref<128xf32, #tpu.memory_space<vmem>>
      %dma_start3A_343 = tpu.memref_slice %arg7[%shift_right_arithmetic3A_336, %mul3A_340] : memref<40x256xi32, #tpu.memory_space<vmem>> -> memref<1x128xi32, #tpu.memory_space<vmem>>
      %dma_start3A_344 = tpu.memref_squeeze %dma_start3A_343 : memref<1x128xi32, #tpu.memory_space<vmem>> -> memref<128xi32, #tpu.memory_space<vmem>>
      %dma_start3A_345 = arith.constant 0 : i32
      %dma_start3A_346 = tpu.memref_slice %arg5[%dma_start3A_345] : memref<1048576xf32, #tpu.memory_space<vmem_shared>> -> memref<1048576xf32, #tpu.memory_space<vmem_shared>>
      tpu.enqueue_indirect_dma source(%dma_start3A_346 : memref<1048576xf32, #tpu.memory_space<vmem_shared>>) target(%dma_start3A_342 : memref<128xf32, #tpu.memory_space<vmem>>) offsets(%dma_start3A_344 : memref<128xi32, #tpu.memory_space<vmem>>) semaphore(%arg13 : memref<!tpu.dma_semaphore, #tpu.memory_space<semaphore_mem>>)
      %scan3A_347 = arith.constant 2 : i32
      %scan3A_348 = arith.addi %scan3A_322, %scan3A_347 : i32
      %shift_right_arithmetic3A_349 = arith.constant 1 : i32
      %shift_right_arithmetic3A_350 = arith.shrsi %scan3A_348, %shift_right_arithmetic3A_349 : i32
      %and3A_351 = arith.constant 1 : i32
      %and3A_352 = arith.andi %scan3A_348, %and3A_351 : i32
      %mul3A_353 = arith.constant 128 : i32
      %mul3A_354 = arith.muli %and3A_352, %mul3A_353 : i32
      %dma_start3A_355 = tpu.memref_slice %arg9[%shift_right_arithmetic3A_350, %mul3A_354] : memref<40x256xf32, #tpu.memory_space<vmem>> -> memref<1x128xf32, #tpu.memory_space<vmem>>
      %dma_start3A_356 = tpu.memref_squeeze %dma_start3A_355 : memref<1x128xf32, #tpu.memory_space<vmem>> -> memref<128xf32, #tpu.memory_space<vmem>>
      %dma_start3A_357 = tpu.memref_slice %arg7[%shift_right_arithmetic3A_350, %mul3A_354] : memref<40x256xi32, #tpu.memory_space<vmem>> -> memref<1x128xi32, #tpu.memory_space<vmem>>
      %dma_start3A_358 = tpu.memref_squeeze %dma_start3A_357 : memref<1x128xi32, #tpu.memory_space<vmem>> -> memref<128xi32, #tpu.memory_space<vmem>>
      %dma_start3A_359 = arith.constant 0 : i32
      %dma_start3A_360 = tpu.memref_slice %arg5[%dma_start3A_359] : memref<1048576xf32, #tpu.memory_space<vmem_shared>> -> memref<1048576xf32, #tpu.memory_space<vmem_shared>>
      tpu.enqueue_indirect_dma source(%dma_start3A_360 : memref<1048576xf32, #tpu.memory_space<vmem_shared>>) target(%dma_start3A_356 : memref<128xf32, #tpu.memory_space<vmem>>) offsets(%dma_start3A_358 : memref<128xi32, #tpu.memory_space<vmem>>) semaphore(%arg13 : memref<!tpu.dma_semaphore, #tpu.memory_space<semaphore_mem>>)
      %scan3A_361 = arith.constant 3 : i32
      %scan3A_362 = arith.addi %scan3A_322, %scan3A_361 : i32
      %shift_right_arithmetic3A_363 = arith.constant 1 : i32
      %shift_right_arithmetic3A_364 = arith.shrsi %scan3A_362, %shift_right_arithmetic3A_363 : i32
      %and3A_365 = arith.constant 1 : i32
      %and3A_366 = arith.andi %scan3A_362, %and3A_365 : i32
      %mul3A_367 = arith.constant 128 : i32
      %mul3A_368 = arith.muli %and3A_366, %mul3A_367 : i32
      %dma_start3A_369 = tpu.memref_slice %arg9[%shift_right_arithmetic3A_364, %mul3A_368] : memref<40x256xf32, #tpu.memory_space<vmem>> -> memref<1x128xf32, #tpu.memory_space<vmem>>
      %dma_start3A_370 = tpu.memref_squeeze %dma_start3A_369 : memref<1x128xf32, #tpu.memory_space<vmem>> -> memref<128xf32, #tpu.memory_space<vmem>>
      %dma_start3A_371 = tpu.memref_slice %arg7[%shift_right_arithmetic3A_364, %mul3A_368] : memref<40x256xi32, #tpu.memory_space<vmem>> -> memref<1x128xi32, #tpu.memory_space<vmem>>
      %dma_start3A_372 = tpu.memref_squeeze %dma_start3A_371 : memref<1x128xi32, #tpu.memory_space<vmem>> -> memref<128xi32, #tpu.memory_space<vmem>>
      %dma_start3A_373 = arith.constant 0 : i32
      %dma_start3A_374 = tpu.memref_slice %arg5[%dma_start3A_373] : memref<1048576xf32, #tpu.memory_space<vmem_shared>> -> memref<1048576xf32, #tpu.memory_space<vmem_shared>>
      tpu.enqueue_indirect_dma source(%dma_start3A_374 : memref<1048576xf32, #tpu.memory_space<vmem_shared>>) target(%dma_start3A_370 : memref<128xf32, #tpu.memory_space<vmem>>) offsets(%dma_start3A_372 : memref<128xi32, #tpu.memory_space<vmem>>) semaphore(%arg13 : memref<!tpu.dma_semaphore, #tpu.memory_space<semaphore_mem>>)
      %scan3A_375 = arith.constant 4 : i32
      %scan3A_376 = arith.addi %scan3A_322, %scan3A_375 : i32
      %shift_right_arithmetic3A_377 = arith.constant 1 : i32
      %shift_right_arithmetic3A_378 = arith.shrsi %scan3A_376, %shift_right_arithmetic3A_377 : i32
      %and3A_379 = arith.constant 1 : i32
      %and3A_380 = arith.andi %scan3A_376, %and3A_379 : i32
      %mul3A_381 = arith.constant 128 : i32
      %mul3A_382 = arith.muli %and3A_380, %mul3A_381 : i32
      %dma_start3A_383 = tpu.memref_slice %arg9[%shift_right_arithmetic3A_378, %mul3A_382] : memref<40x256xf32, #tpu.memory_space<vmem>> -> memref<1x128xf32, #tpu.memory_space<vmem>>
      %dma_start3A_384 = tpu.memref_squeeze %dma_start3A_383 : memref<1x128xf32, #tpu.memory_space<vmem>> -> memref<128xf32, #tpu.memory_space<vmem>>
      %dma_start3A_385 = tpu.memref_slice %arg7[%shift_right_arithmetic3A_378, %mul3A_382] : memref<40x256xi32, #tpu.memory_space<vmem>> -> memref<1x128xi32, #tpu.memory_space<vmem>>
      %dma_start3A_386 = tpu.memref_squeeze %dma_start3A_385 : memref<1x128xi32, #tpu.memory_space<vmem>> -> memref<128xi32, #tpu.memory_space<vmem>>
      %dma_start3A_387 = arith.constant 0 : i32
      %dma_start3A_388 = tpu.memref_slice %arg5[%dma_start3A_387] : memref<1048576xf32, #tpu.memory_space<vmem_shared>> -> memref<1048576xf32, #tpu.memory_space<vmem_shared>>
      tpu.enqueue_indirect_dma source(%dma_start3A_388 : memref<1048576xf32, #tpu.memory_space<vmem_shared>>) target(%dma_start3A_384 : memref<128xf32, #tpu.memory_space<vmem>>) offsets(%dma_start3A_386 : memref<128xi32, #tpu.memory_space<vmem>>) semaphore(%arg13 : memref<!tpu.dma_semaphore, #tpu.memory_space<semaphore_mem>>)
      %scan3A_389 = arith.constant 5 : i32
      %scan3A_390 = arith.addi %scan3A_322, %scan3A_389 : i32
      %shift_right_arithmetic3A_391 = arith.constant 1 : i32
      %shift_right_arithmetic3A_392 = arith.shrsi %scan3A_390, %shift_right_arithmetic3A_391 : i32
      %and3A_393 = arith.constant 1 : i32
      %and3A_394 = arith.andi %scan3A_390, %and3A_393 : i32
      %mul3A_395 = arith.constant 128 : i32
      %mul3A_396 = arith.muli %and3A_394, %mul3A_395 : i32
      %dma_start3A_397 = tpu.memref_slice %arg9[%shift_right_arithmetic3A_392, %mul3A_396] : memref<40x256xf32, #tpu.memory_space<vmem>> -> memref<1x128xf32, #tpu.memory_space<vmem>>
      %dma_start3A_398 = tpu.memref_squeeze %dma_start3A_397 : memref<1x128xf32, #tpu.memory_space<vmem>> -> memref<128xf32, #tpu.memory_space<vmem>>
      %dma_start3A_399 = tpu.memref_slice %arg7[%shift_right_arithmetic3A_392, %mul3A_396] : memref<40x256xi32, #tpu.memory_space<vmem>> -> memref<1x128xi32, #tpu.memory_space<vmem>>
      %dma_start3A_400 = tpu.memref_squeeze %dma_start3A_399 : memref<1x128xi32, #tpu.memory_space<vmem>> -> memref<128xi32, #tpu.memory_space<vmem>>
      %dma_start3A_401 = arith.constant 0 : i32
      %dma_start3A_402 = tpu.memref_slice %arg5[%dma_start3A_401] : memref<1048576xf32, #tpu.memory_space<vmem_shared>> -> memref<1048576xf32, #tpu.memory_space<vmem_shared>>
      tpu.enqueue_indirect_dma source(%dma_start3A_402 : memref<1048576xf32, #tpu.memory_space<vmem_shared>>) target(%dma_start3A_398 : memref<128xf32, #tpu.memory_space<vmem>>) offsets(%dma_start3A_400 : memref<128xi32, #tpu.memory_space<vmem>>) semaphore(%arg13 : memref<!tpu.dma_semaphore, #tpu.memory_space<semaphore_mem>>)
      %scan3A_403 = arith.constant 6 : i32
      %scan3A_404 = arith.addi %scan3A_322, %scan3A_403 : i32
      %shift_right_arithmetic3A_405 = arith.constant 1 : i32
      %shift_right_arithmetic3A_406 = arith.shrsi %scan3A_404, %shift_right_arithmetic3A_405 : i32
      %and3A_407 = arith.constant 1 : i32
      %and3A_408 = arith.andi %scan3A_404, %and3A_407 : i32
      %mul3A_409 = arith.constant 128 : i32
      %mul3A_410 = arith.muli %and3A_408, %mul3A_409 : i32
      %dma_start3A_411 = tpu.memref_slice %arg9[%shift_right_arithmetic3A_406, %mul3A_410] : memref<40x256xf32, #tpu.memory_space<vmem>> -> memref<1x128xf32, #tpu.memory_space<vmem>>
      %dma_start3A_412 = tpu.memref_squeeze %dma_start3A_411 : memref<1x128xf32, #tpu.memory_space<vmem>> -> memref<128xf32, #tpu.memory_space<vmem>>
      %dma_start3A_413 = tpu.memref_slice %arg7[%shift_right_arithmetic3A_406, %mul3A_410] : memref<40x256xi32, #tpu.memory_space<vmem>> -> memref<1x128xi32, #tpu.memory_space<vmem>>
      %dma_start3A_414 = tpu.memref_squeeze %dma_start3A_413 : memref<1x128xi32, #tpu.memory_space<vmem>> -> memref<128xi32, #tpu.memory_space<vmem>>
      %dma_start3A_415 = arith.constant 0 : i32
      %dma_start3A_416 = tpu.memref_slice %arg5[%dma_start3A_415] : memref<1048576xf32, #tpu.memory_space<vmem_shared>> -> memref<1048576xf32, #tpu.memory_space<vmem_shared>>
      tpu.enqueue_indirect_dma source(%dma_start3A_416 : memref<1048576xf32, #tpu.memory_space<vmem_shared>>) target(%dma_start3A_412 : memref<128xf32, #tpu.memory_space<vmem>>) offsets(%dma_start3A_414 : memref<128xi32, #tpu.memory_space<vmem>>) semaphore(%arg13 : memref<!tpu.dma_semaphore, #tpu.memory_space<semaphore_mem>>)
      %scan3A_417 = arith.constant 7 : i32
      %scan3A_418 = arith.addi %scan3A_322, %scan3A_417 : i32
      %shift_right_arithmetic3A_419 = arith.constant 1 : i32
      %shift_right_arithmetic3A_420 = arith.shrsi %scan3A_418, %shift_right_arithmetic3A_419 : i32
      %and3A_421 = arith.constant 1 : i32
      %and3A_422 = arith.andi %scan3A_418, %and3A_421 : i32
      %mul3A_423 = arith.constant 128 : i32
      %mul3A_424 = arith.muli %and3A_422, %mul3A_423 : i32
      %dma_start3A_425 = tpu.memref_slice %arg9[%shift_right_arithmetic3A_420, %mul3A_424] : memref<40x256xf32, #tpu.memory_space<vmem>> -> memref<1x128xf32, #tpu.memory_space<vmem>>
      %dma_start3A_426 = tpu.memref_squeeze %dma_start3A_425 : memref<1x128xf32, #tpu.memory_space<vmem>> -> memref<128xf32, #tpu.memory_space<vmem>>
      %dma_start3A_427 = tpu.memref_slice %arg7[%shift_right_arithmetic3A_420, %mul3A_424] : memref<40x256xi32, #tpu.memory_space<vmem>> -> memref<1x128xi32, #tpu.memory_space<vmem>>
      %dma_start3A_428 = tpu.memref_squeeze %dma_start3A_427 : memref<1x128xi32, #tpu.memory_space<vmem>> -> memref<128xi32, #tpu.memory_space<vmem>>
      %dma_start3A_429 = arith.constant 0 : i32
      %dma_start3A_430 = tpu.memref_slice %arg5[%dma_start3A_429] : memref<1048576xf32, #tpu.memory_space<vmem_shared>> -> memref<1048576xf32, #tpu.memory_space<vmem_shared>>
      tpu.enqueue_indirect_dma source(%dma_start3A_430 : memref<1048576xf32, #tpu.memory_space<vmem_shared>>) target(%dma_start3A_426 : memref<128xf32, #tpu.memory_space<vmem>>) offsets(%dma_start3A_428 : memref<128xi32, #tpu.memory_space<vmem>>) semaphore(%arg13 : memref<!tpu.dma_semaphore, #tpu.memory_space<semaphore_mem>>)
    }
    %scan3A_303 = arith.constant 80 : i32
    %scan3A_304 = arith.constant 0 : i32
    %scan3A_305 = arith.constant 0 : i32
    %scan3A_306 = arith.constant 80 : i32
    %scan3A_307 = arith.addi %scan3A_305, %scan3A_306 : i32
    %scan3A_308 = arith.constant 8 : i32
    scf.for %scan3A_322 = %scan3A_305 to %scan3A_307 step %scan3A_308  : i32 {
      %dma_wait3A_323 = arith.constant 0 : i32
      %dma_wait3A_324 = arith.constant 0 : i32
      %dma_wait3A_325 = arith.constant 0 : i32
      %dma_wait3A_326 = tpu.memref_slice %arg9[%dma_wait3A_324, %dma_wait3A_325] : memref<40x256xf32, #tpu.memory_space<vmem>> -> memref<1x128xf32, #tpu.memory_space<vmem>>
      %dma_wait3A_327 = tpu.memref_squeeze %dma_wait3A_326 : memref<1x128xf32, #tpu.memory_space<vmem>> -> memref<128xf32, #tpu.memory_space<vmem>>
      %dma_wait3A_328 = arith.constant 0 : i32
      %dma_wait3A_329 = tpu.memref_slice %arg7[%dma_wait3A_323, %dma_wait3A_328] : memref<40x256xi32, #tpu.memory_space<vmem>> -> memref<1x128xi32, #tpu.memory_space<vmem>>
      %dma_wait3A_330 = tpu.memref_squeeze %dma_wait3A_329 : memref<1x128xi32, #tpu.memory_space<vmem>> -> memref<128xi32, #tpu.memory_space<vmem>>
      %dma_wait3A_331 = arith.constant 0 : i32
      %dma_wait3A_332 = tpu.memref_slice %arg5[%dma_wait3A_331] : memref<1048576xf32, #tpu.memory_space<vmem_shared>> -> memref<1048576xf32, #tpu.memory_space<vmem_shared>>
      tpu.wait_indirect_dma semaphore(%arg13 : memref<!tpu.dma_semaphore, #tpu.memory_space<semaphore_mem>>) src(%dma_wait3A_332 : memref<1048576xf32, #tpu.memory_space<vmem_shared>>) dst(%dma_wait3A_327 : memref<128xf32, #tpu.memory_space<vmem>>)
      %scan3A_333 = arith.constant 1 : i32
      %scan3A_334 = arith.addi %scan3A_322, %scan3A_333 : i32
      %dma_wait3A_335 = arith.constant 0 : i32
      %dma_wait3A_336 = arith.constant 0 : i32
      %dma_wait3A_337 = arith.constant 0 : i32
      %dma_wait3A_338 = tpu.memref_slice %arg9[%dma_wait3A_336, %dma_wait3A_337] : memref<40x256xf32, #tpu.memory_space<vmem>> -> memref<1x128xf32, #tpu.memory_space<vmem>>
      %dma_wait3A_339 = tpu.memref_squeeze %dma_wait3A_338 : memref<1x128xf32, #tpu.memory_space<vmem>> -> memref<128xf32, #tpu.memory_space<vmem>>
      %dma_wait3A_340 = arith.constant 0 : i32
      %dma_wait3A_341 = tpu.memref_slice %arg7[%dma_wait3A_335, %dma_wait3A_340] : memref<40x256xi32, #tpu.memory_space<vmem>> -> memref<1x128xi32, #tpu.memory_space<vmem>>
      %dma_wait3A_342 = tpu.memref_squeeze %dma_wait3A_341 : memref<1x128xi32, #tpu.memory_space<vmem>> -> memref<128xi32, #tpu.memory_space<vmem>>
      %dma_wait3A_343 = arith.constant 0 : i32
      %dma_wait3A_344 = tpu.memref_slice %arg5[%dma_wait3A_343] : memref<1048576xf32, #tpu.memory_space<vmem_shared>> -> memref<1048576xf32, #tpu.memory_space<vmem_shared>>
      tpu.wait_indirect_dma semaphore(%arg13 : memref<!tpu.dma_semaphore, #tpu.memory_space<semaphore_mem>>) src(%dma_wait3A_344 : memref<1048576xf32, #tpu.memory_space<vmem_shared>>) dst(%dma_wait3A_339 : memref<128xf32, #tpu.memory_space<vmem>>)
      %scan3A_345 = arith.constant 2 : i32
      %scan3A_346 = arith.addi %scan3A_322, %scan3A_345 : i32
      %dma_wait3A_347 = arith.constant 0 : i32
      %dma_wait3A_348 = arith.constant 0 : i32
      %dma_wait3A_349 = arith.constant 0 : i32
      %dma_wait3A_350 = tpu.memref_slice %arg9[%dma_wait3A_348, %dma_wait3A_349] : memref<40x256xf32, #tpu.memory_space<vmem>> -> memref<1x128xf32, #tpu.memory_space<vmem>>
      %dma_wait3A_351 = tpu.memref_squeeze %dma_wait3A_350 : memref<1x128xf32, #tpu.memory_space<vmem>> -> memref<128xf32, #tpu.memory_space<vmem>>
      %dma_wait3A_352 = arith.constant 0 : i32
      %dma_wait3A_353 = tpu.memref_slice %arg7[%dma_wait3A_347, %dma_wait3A_352] : memref<40x256xi32, #tpu.memory_space<vmem>> -> memref<1x128xi32, #tpu.memory_space<vmem>>
      %dma_wait3A_354 = tpu.memref_squeeze %dma_wait3A_353 : memref<1x128xi32, #tpu.memory_space<vmem>> -> memref<128xi32, #tpu.memory_space<vmem>>
      %dma_wait3A_355 = arith.constant 0 : i32
      %dma_wait3A_356 = tpu.memref_slice %arg5[%dma_wait3A_355] : memref<1048576xf32, #tpu.memory_space<vmem_shared>> -> memref<1048576xf32, #tpu.memory_space<vmem_shared>>
      tpu.wait_indirect_dma semaphore(%arg13 : memref<!tpu.dma_semaphore, #tpu.memory_space<semaphore_mem>>) src(%dma_wait3A_356 : memref<1048576xf32, #tpu.memory_space<vmem_shared>>) dst(%dma_wait3A_351 : memref<128xf32, #tpu.memory_space<vmem>>)
      %scan3A_357 = arith.constant 3 : i32
      %scan3A_358 = arith.addi %scan3A_322, %scan3A_357 : i32
      %dma_wait3A_359 = arith.constant 0 : i32
      %dma_wait3A_360 = arith.constant 0 : i32
      %dma_wait3A_361 = arith.constant 0 : i32
      %dma_wait3A_362 = tpu.memref_slice %arg9[%dma_wait3A_360, %dma_wait3A_361] : memref<40x256xf32, #tpu.memory_space<vmem>> -> memref<1x128xf32, #tpu.memory_space<vmem>>
      %dma_wait3A_363 = tpu.memref_squeeze %dma_wait3A_362 : memref<1x128xf32, #tpu.memory_space<vmem>> -> memref<128xf32, #tpu.memory_space<vmem>>
      %dma_wait3A_364 = arith.constant 0 : i32
      %dma_wait3A_365 = tpu.memref_slice %arg7[%dma_wait3A_359, %dma_wait3A_364] : memref<40x256xi32, #tpu.memory_space<vmem>> -> memref<1x128xi32, #tpu.memory_space<vmem>>
      %dma_wait3A_366 = tpu.memref_squeeze %dma_wait3A_365 : memref<1x128xi32, #tpu.memory_space<vmem>> -> memref<128xi32, #tpu.memory_space<vmem>>
      %dma_wait3A_367 = arith.constant 0 : i32
      %dma_wait3A_368 = tpu.memref_slice %arg5[%dma_wait3A_367] : memref<1048576xf32, #tpu.memory_space<vmem_shared>> -> memref<1048576xf32, #tpu.memory_space<vmem_shared>>
      tpu.wait_indirect_dma semaphore(%arg13 : memref<!tpu.dma_semaphore, #tpu.memory_space<semaphore_mem>>) src(%dma_wait3A_368 : memref<1048576xf32, #tpu.memory_space<vmem_shared>>) dst(%dma_wait3A_363 : memref<128xf32, #tpu.memory_space<vmem>>)
      %scan3A_369 = arith.constant 4 : i32
      %scan3A_370 = arith.addi %scan3A_322, %scan3A_369 : i32
      %dma_wait3A_371 = arith.constant 0 : i32
      %dma_wait3A_372 = arith.constant 0 : i32
      %dma_wait3A_373 = arith.constant 0 : i32
      %dma_wait3A_374 = tpu.memref_slice %arg9[%dma_wait3A_372, %dma_wait3A_373] : memref<40x256xf32, #tpu.memory_space<vmem>> -> memref<1x128xf32, #tpu.memory_space<vmem>>
      %dma_wait3A_375 = tpu.memref_squeeze %dma_wait3A_374 : memref<1x128xf32, #tpu.memory_space<vmem>> -> memref<128xf32, #tpu.memory_space<vmem>>
      %dma_wait3A_376 = arith.constant 0 : i32
      %dma_wait3A_377 = tpu.memref_slice %arg7[%dma_wait3A_371, %dma_wait3A_376] : memref<40x256xi32, #tpu.memory_space<vmem>> -> memref<1x128xi32, #tpu.memory_space<vmem>>
      %dma_wait3A_378 = tpu.memref_squeeze %dma_wait3A_377 : memref<1x128xi32, #tpu.memory_space<vmem>> -> memref<128xi32, #tpu.memory_space<vmem>>
      %dma_wait3A_379 = arith.constant 0 : i32
      %dma_wait3A_380 = tpu.memref_slice %arg5[%dma_wait3A_379] : memref<1048576xf32, #tpu.memory_space<vmem_shared>> -> memref<1048576xf32, #tpu.memory_space<vmem_shared>>
      tpu.wait_indirect_dma semaphore(%arg13 : memref<!tpu.dma_semaphore, #tpu.memory_space<semaphore_mem>>) src(%dma_wait3A_380 : memref<1048576xf32, #tpu.memory_space<vmem_shared>>) dst(%dma_wait3A_375 : memref<128xf32, #tpu.memory_space<vmem>>)
      %scan3A_381 = arith.constant 5 : i32
      %scan3A_382 = arith.addi %scan3A_322, %scan3A_381 : i32
      %dma_wait3A_383 = arith.constant 0 : i32
      %dma_wait3A_384 = arith.constant 0 : i32
      %dma_wait3A_385 = arith.constant 0 : i32
      %dma_wait3A_386 = tpu.memref_slice %arg9[%dma_wait3A_384, %dma_wait3A_385] : memref<40x256xf32, #tpu.memory_space<vmem>> -> memref<1x128xf32, #tpu.memory_space<vmem>>
      %dma_wait3A_387 = tpu.memref_squeeze %dma_wait3A_386 : memref<1x128xf32, #tpu.memory_space<vmem>> -> memref<128xf32, #tpu.memory_space<vmem>>
      %dma_wait3A_388 = arith.constant 0 : i32
      %dma_wait3A_389 = tpu.memref_slice %arg7[%dma_wait3A_383, %dma_wait3A_388] : memref<40x256xi32, #tpu.memory_space<vmem>> -> memref<1x128xi32, #tpu.memory_space<vmem>>
      %dma_wait3A_390 = tpu.memref_squeeze %dma_wait3A_389 : memref<1x128xi32, #tpu.memory_space<vmem>> -> memref<128xi32, #tpu.memory_space<vmem>>
      %dma_wait3A_391 = arith.constant 0 : i32
      %dma_wait3A_392 = tpu.memref_slice %arg5[%dma_wait3A_391] : memref<1048576xf32, #tpu.memory_space<vmem_shared>> -> memref<1048576xf32, #tpu.memory_space<vmem_shared>>
      tpu.wait_indirect_dma semaphore(%arg13 : memref<!tpu.dma_semaphore, #tpu.memory_space<semaphore_mem>>) src(%dma_wait3A_392 : memref<1048576xf32, #tpu.memory_space<vmem_shared>>) dst(%dma_wait3A_387 : memref<128xf32, #tpu.memory_space<vmem>>)
      %scan3A_393 = arith.constant 6 : i32
      %scan3A_394 = arith.addi %scan3A_322, %scan3A_393 : i32
      %dma_wait3A_395 = arith.constant 0 : i32
      %dma_wait3A_396 = arith.constant 0 : i32
      %dma_wait3A_397 = arith.constant 0 : i32
      %dma_wait3A_398 = tpu.memref_slice %arg9[%dma_wait3A_396, %dma_wait3A_397] : memref<40x256xf32, #tpu.memory_space<vmem>> -> memref<1x128xf32, #tpu.memory_space<vmem>>
      %dma_wait3A_399 = tpu.memref_squeeze %dma_wait3A_398 : memref<1x128xf32, #tpu.memory_space<vmem>> -> memref<128xf32, #tpu.memory_space<vmem>>
      %dma_wait3A_400 = arith.constant 0 : i32
      %dma_wait3A_401 = tpu.memref_slice %arg7[%dma_wait3A_395, %dma_wait3A_400] : memref<40x256xi32, #tpu.memory_space<vmem>> -> memref<1x128xi32, #tpu.memory_space<vmem>>
      %dma_wait3A_402 = tpu.memref_squeeze %dma_wait3A_401 : memref<1x128xi32, #tpu.memory_space<vmem>> -> memref<128xi32, #tpu.memory_space<vmem>>
      %dma_wait3A_403 = arith.constant 0 : i32
      %dma_wait3A_404 = tpu.memref_slice %arg5[%dma_wait3A_403] : memref<1048576xf32, #tpu.memory_space<vmem_shared>> -> memref<1048576xf32, #tpu.memory_space<vmem_shared>>
      tpu.wait_indirect_dma semaphore(%arg13 : memref<!tpu.dma_semaphore, #tpu.memory_space<semaphore_mem>>) src(%dma_wait3A_404 : memref<1048576xf32, #tpu.memory_space<vmem_shared>>) dst(%dma_wait3A_399 : memref<128xf32, #tpu.memory_space<vmem>>)
      %scan3A_405 = arith.constant 7 : i32
      %scan3A_406 = arith.addi %scan3A_322, %scan3A_405 : i32
      %dma_wait3A_407 = arith.constant 0 : i32
      %dma_wait3A_408 = arith.constant 0 : i32
      %dma_wait3A_409 = arith.constant 0 : i32
      %dma_wait3A_410 = tpu.memref_slice %arg9[%dma_wait3A_408, %dma_wait3A_409] : memref<40x256xf32, #tpu.memory_space<vmem>> -> memref<1x128xf32, #tpu.memory_space<vmem>>
      %dma_wait3A_411 = tpu.memref_squeeze %dma_wait3A_410 : memref<1x128xf32, #tpu.memory_space<vmem>> -> memref<128xf32, #tpu.memory_space<vmem>>
      %dma_wait3A_412 = arith.constant 0 : i32
      %dma_wait3A_413 = tpu.memref_slice %arg7[%dma_wait3A_407, %dma_wait3A_412] : memref<40x256xi32, #tpu.memory_space<vmem>> -> memref<1x128xi32, #tpu.memory_space<vmem>>
      %dma_wait3A_414 = tpu.memref_squeeze %dma_wait3A_413 : memref<1x128xi32, #tpu.memory_space<vmem>> -> memref<128xi32, #tpu.memory_space<vmem>>
      %dma_wait3A_415 = arith.constant 0 : i32
      %dma_wait3A_416 = tpu.memref_slice %arg5[%dma_wait3A_415] : memref<1048576xf32, #tpu.memory_space<vmem_shared>> -> memref<1048576xf32, #tpu.memory_space<vmem_shared>>
      tpu.wait_indirect_dma semaphore(%arg13 : memref<!tpu.dma_semaphore, #tpu.memory_space<semaphore_mem>>) src(%dma_wait3A_416 : memref<1048576xf32, #tpu.memory_space<vmem_shared>>) dst(%dma_wait3A_411 : memref<128xf32, #tpu.memory_space<vmem>>)
    }
    %scan3A_309 = arith.constant 80 : i32
    %dma_start3A_310 = arith.constant 160 : i32
    %dma_start3A_311 = tpu.memref_slice %arg4[%dma_start3A_310, %add3A_44] : memref<200x16384xf32, #tpu.memory_space<hbm>> -> memref<40x256xf32, #tpu.memory_space<hbm>>
    %dma_start3A_312 = arith.constant 160 : i32
    %dma_start3A_313 = tpu.memref_slice %arg4[%dma_start3A_312, %add3A_44] : memref<200x16384xf32, #tpu.memory_space<hbm>> -> memref<40x256xf32, #tpu.memory_space<hbm>>
    tpu.enqueue_dma source(%arg9 : memref<40x256xf32, #tpu.memory_space<vmem>>) target(%dma_start3A_313 : memref<40x256xf32, #tpu.memory_space<hbm>>) target_semaphore(%arg15 : memref<!tpu.dma_semaphore, #tpu.memory_space<semaphore_mem>>)
    %dma_wait3A_314 = arith.constant 160 : i32
    %dma_wait3A_315 = tpu.memref_slice %arg4[%dma_wait3A_314, %add3A_42] : memref<200x16384xf32, #tpu.memory_space<hbm>> -> memref<40x256xf32, #tpu.memory_space<hbm>>
    %dma_wait3A_316 = arith.constant 160 : i32
    %dma_wait3A_317 = tpu.memref_slice %arg4[%dma_wait3A_316, %add3A_42] : memref<200x16384xf32, #tpu.memory_space<hbm>> -> memref<40x256xf32, #tpu.memory_space<hbm>>
    tpu.wait_dma2 semaphore(%arg14 : memref<!tpu.dma_semaphore, #tpu.memory_space<semaphore_mem>>) src(%arg8 : memref<40x256xf32, #tpu.memory_space<vmem>>) dst(%dma_wait3A_317 : memref<40x256xf32, #tpu.memory_space<hbm>>)
    %dma_wait3A_318 = arith.constant 160 : i32
    %dma_wait3A_319 = tpu.memref_slice %arg4[%dma_wait3A_318, %add3A_44] : memref<200x16384xf32, #tpu.memory_space<hbm>> -> memref<40x256xf32, #tpu.memory_space<hbm>>
    %dma_wait3A_320 = arith.constant 160 : i32
    %dma_wait3A_321 = tpu.memref_slice %arg4[%dma_wait3A_320, %add3A_44] : memref<200x16384xf32, #tpu.memory_space<hbm>> -> memref<40x256xf32, #tpu.memory_space<hbm>>
    tpu.wait_dma2 semaphore(%arg15 : memref<!tpu.dma_semaphore, #tpu.memory_space<semaphore_mem>>) src(%arg9 : memref<40x256xf32, #tpu.memory_space<vmem>>) dst(%dma_wait3A_321 : memref<40x256xf32, #tpu.memory_space<hbm>>)
    return
  }
}

module attributes {stable_mosaic.version = 14 : i64} {
  func.func @_table_body(%arg0: i32, %arg1: memref<1x1xf32, #tpu.memory_space<smem>>, %arg2: memref<1024x128xf32, #tpu.memory_space<vmem>>, %arg3: memref<1024x128xf32, #tpu.memory_space<vmem>>) attributes {dimension_semantics = [#tpu.dimension_semantics<arbitrary>], iteration_bounds = array<i64: 8>, scalar_prefetch = 0 : i64, scratch_operands = 0 : i64, tpu.core_type = #tpu.core_type<tc>, window_params = [{transform_indices = @transform_0, window_bounds = array<i64: 1, 1>}, {transform_indices = @transform_1, window_bounds = array<i64: 1024, 128>}, {transform_indices = @transform_2, window_bounds = array<i64: 1024, 128>}]} {
    %get3A = arith.constant 0 : index
    %get3A_0 = arith.constant 0 : index
    %get3A_1 = memref.load %arg1[%get3A, %get3A_0] : memref<1x1xf32, #tpu.memory_space<smem>>
    %get3A_2 = arith.constant 0 : index
    %get3A_3 = arith.constant 0 : index
    %get3A_4 = vector.load %arg2[%get3A_2, %get3A_3] : memref<1024x128xf32, #tpu.memory_space<vmem>>, vector<1024x128xf32>
    %div3A = vector.broadcast %get3A_1 : f32 to vector<1024x128xf32>
    %div3A_5 = arith.divf %get3A_4, %div3A : vector<1024x128xf32>
    %add3A = arith.constant 9.99999971E-10 : f32
    %add3A_6 = vector.broadcast %add3A : f32 to vector<1024x128xf32>
    %add3A_7 = arith.addf %div3A_5, %add3A_6 : vector<1024x128xf32>
    %mul3A = arith.constant 148.413162 : f32
    %mul3A_8 = vector.broadcast %mul3A : f32 to vector<1024x128xf32>
    %mul3A_9 = arith.mulf %add3A_7, %mul3A_8 : vector<1024x128xf32>
    %add3A_10 = arith.constant 1.000000e+00 : f32
    %add3A_11 = vector.broadcast %add3A_10 : f32 to vector<1024x128xf32>
    %add3A_12 = arith.addf %add3A_11, %mul3A_9 : vector<1024x128xf32>
    %div3A_13 = arith.constant 1.000000e+00 : f32
    %div3A_14 = vector.broadcast %div3A_13 : f32 to vector<1024x128xf32>
    %div3A_15 = arith.divf %div3A_14, %add3A_12 : vector<1024x128xf32>
    %swap3A = arith.constant 0 : index
    %swap3A_16 = arith.constant 0 : index
    %swap3A_17 = vector.load %arg3[%swap3A, %swap3A_16] : memref<1024x128xf32, #tpu.memory_space<vmem>>, vector<1024x128xf32>
    tpu.vector_store %arg3[%swap3A, %swap3A_16], %div3A_15 {strides = array<i32>} : memref<1024x128xf32, #tpu.memory_space<vmem>>, vector<1024x128xf32>,
    return
  }
  func.func @transform_0(%arg0: i32) -> (i32, i32) {
    %c0_i32 = arith.constant 0 : i32
    %c0_i32_0 = arith.constant 0 : i32
    %c0_i32_1 = arith.constant 0 : i32
    return %c0_i32, %c0_i32_0 : i32, i32
  }
  func.func @transform_1(%arg0: i32) -> (i32, i32) {
    %c0_i32 = arith.constant 0 : i32
    %c0_i32_0 = arith.constant 0 : i32
    return %arg0, %c0_i32 : i32, i32
  }
  func.func @transform_2(%arg0: i32) -> (i32, i32) {
    %c0_i32 = arith.constant 0 : i32
    %c0_i32_0 = arith.constant 0 : i32
    return %arg0, %c0_i32 : i32, i32
  }
}

</mosaic_0001>

<sc_bundles>
// kernel: kernel.4.cloned.1.call-start
scs
__scs_entry_jumppad:
0x0: {  	(pc) =	sbr.rel $0x88, $3  }
0x1: {  	(tag) =	ssettag $0x0;
	lr =	simm.s32 $0x1  }
0x2: {  	[smem:$0x3F9E] =	sst lr;
	_ =	strace $0xD0000000  }
0x3: {  	_ = 	snop  }
0x4: {  	_ = 	snop  }
0x5: {  	_ = 	snop  }
0x6: {  	_ = 	snop  }
0x7: {  	_ = 	snop  }
__scs_overlays_trampoline_lowered:
0x8: {  	[smem:$0x3FAD] =	sst s0  }
0x9: {  	[smem:$0x3FAE] =	sst s1  }
0xa: {  	[smem:$0x3FAF] =	sst s2  }
0xb: {  	[smem:$0x3FB0] =	sst s3  }
0xc: {  	[smem:$0x3FB1] =	sst s4  }
0xd: {  	[smem:$0x3FB2] =	sst s5  }
0xe: {  	[smem:$0x3FB3] =	sst s6  }
0xf: {  	[smem:$0x3FB4] =	sst s7  }
0x10: {  	[smem:$0x3FB5] =	sst s8  }
0x11: {  	[smem:$0x3FB6] =	sst s9;
	s0 =	simm.s32 @!p0 $0x0  }
0x12: {  	s1 =	sld [smem:$0x3F9C];
	s0 =	simm.s32 @p0 $0x1  }
0x13: {  	[smem:$0x3FB7] =	sst s0;
	s0 =	simm.s32 @!p1 $0x0  }
0x14: {  	s2 =	sld [smem:$0x3F9B];
	s0 =	simm.s32 @p1 $0x1  }
0x15: {  	[smem:$0x3FB8] =	sst s0;
	s0 =	simm.s32 @!p2 $0x0  }
0x16: {  	s3 =	sld [smem:$0x3FDB];
	s0 =	simm.s32 @p2 $0x1  }
0x17: {  	s4 =	simm.s32 $0x1BF5;
	[smem:$0x3FBA] =	sst s0  }
0x18: {  	s0 =	sld [smem:$0x3F9D];
	_ =	swait.ge [sflag:s4], $0x0  }
0x19: {  	s7 =	sld [smem:$0x3F9E]  }
0x1a: {  	s8 =	sadd.s32 $0xFFFFE003, lr  }
0x1b: {  	s9 =	sadd.s32 $0xFFFFFEF7, lr;
	s5 =	simm.s32 $0xFFFFFFFF;
	p2 =	slt.u32 s8, $0xFFFFF086  }
0x1c: {  	p1 =	slt.u32 s9, $0xF7A;
	s5 =	simm.s32 @!p2 $0x0  }
0x1d: {  	s5 =	simm.s32 @p1 $0x1;
	p0 =	seq.s32 s7, s2  }
0x1e: {  	s7 =	smul.u32 @!p0 $0xF7A, s2;
	p2 =	seq.s32 @!p0 s5, $0x0  }
0x1f: {  	s9 =	smul.u32 $0xF7A, s1;
	s8 =	simm.s32 @!p0 $0x1BF5;
	p2 =	por !p2, p0  }
0x20: {  	[sflag:s8] =	ssyncset.s32 @!p0 $0xFFFFF086;
	s6 =	sadd.s32 @!p0 s3, s7;
	s7 =	simm.s32 @!p0 $0x108  }
0x21: {  	s3 =	sadd.s32 s3, s9;
	s6 =	sadd.s32 @!p0 $0x88, s6;
	s7 =	simm.s32 @p2 $0x1082  }
0x22: {  	[simem:s7], [sflag:s8] =	dma.local @!p0 [hbm:s6], $0xF7A  }
0x23: {  	s9 =	sor.u32 $0xD0000000, s2;
	s6 =	simm.s32 $0x108;
	_ =	swait.ge @!p0 [sflag:s8], $0x0  }
0x24: {  	s3 =	sadd.s32 $0x88, s3;
	s6 =	simm.s32 @!p1 $0x1082;
	[sflag:s4] =	ssyncset.s32 $0xFFFFF086  }
0x25: {  	[simem:s6], [sflag:s4] =	dma.local [hbm:s3], $0xF7A  }
0x26: {  	[smem:$0x3F9E] =	sst s1;
	(tag) =	ssettag s2;
	_ =	strace s9  }
0x27: {  	s1 =	sld [smem:$0x3FAE]  }
0x28: {  	s2 =	sld [smem:$0x3FAF]  }
0x29: {  	s4 =	sld [smem:$0x3FB1]  }
0x2a: {  	p0 =	seq.s32 s5, $0x0;
	s5 =	sld [smem:$0x3FB2]  }
0x2b: {  	s6 =	sld [smem:$0x3FB3]  }
0x2c: {  	s7 =	sld [smem:$0x3FB4]  }
0x2d: {  	s3 =	simm.s32 $0x108;
	s8 =	sld [smem:$0x3FB5]  }
0x2e: {  	s3 =	simm.s32 @!p0 $0x1082;
	s9 =	sld [smem:$0x3FB6]  }
0x2f: {  	lr =	sadd.s32 s0, s3;
	s0 =	sld [smem:$0x3FAD]  }
0x30: {  	s3 =	sld [smem:$0x3FB0]  }
0x31: {  	[smem:$0x3FB9] =	sst s10  }
0x32: {  	s10 =	sld [smem:$0x3FB7];
	_ =	sdelay $0x3  }
0x33: {  	p0 =	seq.s32 s10, $0x1;
	s10 =	sld [smem:$0x3FB9];
	_ =	sdelay $0x3  }
0x34: {  	[smem:$0x3FB9] =	sst s10  }
0x35: {  	s10 =	sld [smem:$0x3FB8];
	_ =	sdelay $0x3  }
0x36: {  	p1 =	seq.s32 s10, $0x1;
	s10 =	sld [smem:$0x3FB9];
	_ =	sdelay $0x3  }
0x37: {  	[smem:$0x3FB9] =	sst s10  }
0x38: {  	s10 =	sld [smem:$0x3FBA]  }
0x39: {  	_ = 	snop;
	(pc) =	sbr.ind lr, $3  }
0x3a: {  	_ = 	snop  }
0x3b: {  	_ = 	snop  }
0x3c: {  	p2 =	seq.s32 s10, $0x1;
	s10 =	sld [smem:$0x3FB9]  }
0x3d: {  	_ =	shalt  }
0x3e: {  	_ =	shalt  }
0x3f: {  	_ =	shalt  }
0x40: {  	_ =	shalt  }
0x41: {  	_ =	shalt  }
0x42: {  	_ =	shalt  }
0x43: {  	_ =	shalt  }
0x44: {  	_ =	shalt  }
0x45: {  	_ =	shalt  }
0x46: {  	_ =	shalt  }
0x47: {  	_ =	shalt  }
0x48: {  	_ =	shalt  }
0x49: {  	_ =	shalt  }
0x4a: {  	_ =	shalt  }
0x4b: {  	_ =	shalt  }
0x4c: {  	_ =	shalt  }
0x4d: {  	_ =	shalt  }
0x4e: {  	_ =	shalt  }
0x4f: {  	_ =	shalt  }
0x50: {  	_ =	shalt  }
0x51: {  	_ =	shalt  }
0x52: {  	_ =	shalt  }
0x53: {  	_ =	shalt  }
0x54: {  	_ =	shalt  }
0x55: {  	_ =	shalt  }
0x56: {  	_ =	shalt  }
0x57: {  	_ =	shalt  }
0x58: {  	_ =	shalt  }
0x59: {  	_ =	shalt  }
0x5a: {  	_ =	shalt  }
0x5b: {  	_ =	shalt  }
0x5c: {  	_ =	shalt  }
0x5d: {  	_ =	shalt  }
0x5e: {  	_ =	shalt  }
0x5f: {  	_ =	shalt  }
0x60: {  	_ =	shalt  }
0x61: {  	_ =	shalt  }
0x62: {  	_ =	shalt  }
0x63: {  	_ =	shalt  }
0x64: {  	_ =	shalt  }
0x65: {  	_ =	shalt  }
0x66: {  	_ =	shalt  }
0x67: {  	_ =	shalt  }
0x68: {  	_ =	shalt  }
0x69: {  	_ =	shalt  }
0x6a: {  	_ =	shalt  }
0x6b: {  	_ =	shalt  }
0x6c: {  	_ =	shalt  }
0x6d: {  	_ =	shalt  }
0x6e: {  	_ =	shalt  }
0x6f: {  	_ =	shalt  }
0x70: {  	_ =	shalt  }
0x71: {  	_ =	shalt  }
0x72: {  	_ =	shalt  }
0x73: {  	_ =	shalt  }
0x74: {  	_ =	shalt  }
0x75: {  	_ =	shalt  }
0x76: {  	_ =	shalt  }
0x77: {  	_ =	shalt  }
0x78: {  	_ =	shalt  }
0x79: {  	_ =	shalt  }
0x7a: {  	_ =	shalt  }
0x7b: {  	_ =	shalt  }
0x7c: {  	_ =	shalt  }
0x7d: {  	_ =	shalt  }
0x7e: {  	_ =	shalt  }
0x7f: {  	_ =	shalt  }
0x80: {  	_ =	shalt  }
0x81: {  	_ =	shalt  }
0x82: {  	_ =	shalt  }
0x83: {  	_ =	shalt  }
0x84: {  	_ =	shalt  }
0x85: {  	_ =	shalt  }
0x86: {  	_ =	shalt  }
0x87: {  	_ =	shalt  }
.Lfunc_end0:
.L_simem_size_0:
called_computation_lowered:
.L_overlay_start_0:
0x88: {  	s2 =	sld [smem:$0x3FD9]  }
0x89: {  	s3 =	sld [smem:$0x3FFE];
	_ =	sdelay $0x1  }
0x8a: {  	s1 =	srdreg.scid  }
0x8b: {  	s0 =	sand.u32 $0x1, s1  }
0x8c: {  	s17 =	sshll.u32 s0, $0xA;
	s2 =	sadd.s32 s3, s2  }
0x8d: {  	s2 =	sadd.s32 s2, s17  }
0x8e: {  	[smem:$0x3FC5] =	sst s2  }
0x8f: {  	_ = 	snop  }
0x90: {  	s2 =	sld [smem:$0x3FC9]  }
0x91: {  	s18 =	sld [smem:$0x3FD0];
	(tm) =	ssettm $0x1  }
0x92: {  	s4 =	sld [smem:$0x3FFB];
	_ =	sdelay $0x3  }
0x93: {  	_ =	strace s4  }
0x94: {  	s4 =	sld [smem:$0x3FFC];
	_ =	sdelay $0x3  }
0x95: {  	_ =	strace s4  }
0x96: {  	s4 =	sld [smem:$0x3FFD];
	_ =	sdelay $0x3  }
0x97: {  	_ =	strace s4  }
0x98: {  	_ =	strace $0x8FFFFFFF  }
0x99: {  	s19 =	sld [smem:$0x3FDB];
	_ =	sdelay $0x1  }
0x9a: {  	s5 =	simm.s32 $_scs_section_size  }
0x9b: {  	s6 =	simm.s32 $_size__tile_overlayer_lowered;
	s7 =	simm.s32 $_tile_overlayer_lowered  }
0x9c: {  	s22 =	simm.s32 $0x1BFF;
	s21 =	sshll.u32 s7, $0x1;
	s4 =	sadd.s32 s5, s19  }
0x9d: {  	s8 =	simm.s32 $0x0;
	s20 =	sshll.u32 s6, $0x1;
	s6 =	sadd.s32 s21, s4  }
0x9e: {  	[timem:s8], [sflag:s22] =	dma.local [hbm:s6], s20  }
0x9f: {  	_ =	swait.ge [sflag:s22], s20  }
0xa0: {  	s5 =	ssub.s32 $0x0, s20;
	[sflag:s22] =	ssyncset.done $0x0  }
0xa1: {  	[sflag:s22] =	ssyncadd.s32 s5;
	_ =	sdelay $0x1  }
0xa2: {  	s23 =	simm.s32 $0x1B8B  }
0xa3: {  	_ =	swait.ge [sflag:s23], $0x1  }
0xa4: {  	[sflag:s23] =	ssyncset.done $0x0  }
0xa5: {  	s25 =	simm.s32 $0x1B8E;
	s24 =	sld [smem:$0x3FFE];
	[sflag:s23] =	ssyncadd.s32 $0xFFFFFFFF  }
0xa6: {  	s26 =	simm.s32 $execute0_lowered;
	[smem:$0x3FD2] =	sst s25  }
0xa7: {  	s6 =	sshll.u32 s26, $0x1;
	_ =	strace $0x80000046;
	[dreg:$0x1] =	wrdreg $0xFFFFFFFF  }
0xa8: {  	s28 =	simm.s32 $_size_execute0_lowered;
	s4 =	sadd.s32 s4, s6;
	[dreg:$0x0] =	wrdreg $0x0  }
0xa9: {  	s6 =	sshll.u32 s28, $0x1;
	[dreg:$0x2] =	wrdreg s4  }
0xaa: {  	[dreg:$0x3] =	wrdreg s6  }
0xab: {  	[dreg:$0x4] =	wrdreg $0xC0  }
0xac: {  	_ =	task [dreg:s8], $0x5FFFF  }
0xad: {  	[dreg:$0x1] =	wrdreg $0xFFFFFFFF  }
0xae: {  	[dreg:$0x0] =	wrdreg $0x60  }
0xaf: {  	[dreg:$0x2] =	wrdreg s2  }
0xb0: {  	[dreg:$0x3] =	wrdreg s24  }
0xb1: {  	[dreg:$0x4] =	wrdreg s18  }
0xb2: {  	[dreg:$0x5] =	wrdreg $0x0  }
0xb3: {  	[dreg:$0x6] =	wrdreg $0x9  }
0xb4: {  	_ =	task.clear_ibuf [dreg:s8], $0x7FFFF;
	_ =	strace $0x90000046  }
0xb5: {  	s29 =	simm.s32 $0x9;
	_ =	strace $0x80000048  }
0xb6: {  	_ =	swait.ge [sflag:s29], $0x1  }
0xb7: {  	[sflag:s29] =	ssyncadd.s32 $0xFFFFFFFF  }
0xb8: {  	_ =	strace $0x90000048  }
0xb9: {  	_ =	sfence  }
0xba: {  	s30 =	sld [smem:$0x0];
	_ =	sdelay $0x2  }
0xbb: {  	s31 =	sshll.u32 s1, $0xD;
	s1 =	sshrl.u32 s1, $0x2  }
0xbc: {  	s3 =	sand.u32 $0x4000, s31;
	s1 =	sadd.s32 s1, s30  }
0xbd: {  	s0 =	sor.u32 s3, s0;
	s1 =	sshll.u32 s1, $0x11  }
0xbe: {  	s0 =	sor.u32 s1, s0  }
0xbf: {  	s0 =	sadd.s32 $0x8F2B, s0  }
0xc0: {  	[sflag:s0] =	ssyncadd.remote.s32 $0x1  }
0xc1: {  	_ =	sfence.sel $0xFFFF  }
0xc2: {  	[dreg:$0x0] =	wrdreg $0xFFFFFFFF;
	(pc) =	sbr.abs _section_cstart, $3  }
0xc3: {  	[dreg:$0x1] =	wrdreg $0xFFFFFFFF  }
0xc4: {  	_ =	task.clear_ibuf [dreg:s8], $0x2FFFF;
	_ =	strace $0x9FFFFFFF  }
0xc5: {  	(tm) =	ssettm $0x7FFFFFFF  }
tec
execute0_lowered:
.L_overlay_start_1:
0x0: {  	(tag) =	ssettag $0x1  }
0x1: {  	s2 =	rddreg [dreg:$0x0]  }
0x2: {  	s3 =	rddreg [dreg:$0x1]  }
0x3: {  	s4 =	rddreg [dreg:$0x2]  }
0x4: {  	s0 =	rddreg [dreg:$0x3];
	s5 =	srdreg.scid  }
0x5: {  	s1 =	simm.s32 $0x0;
	s6 =	stileid.u32;
	s28 =	simm.s32 $0x10000  }
0x6: {  	s29 =	simm.s32 $0x2;
	s30 =	simm.s32 $0x12800;
	s31 =	simm.s32 $0x80  }
0x7: {  	s5 =	sand.u32 $0x1, s5;
	s8 =	sshll.u32 s6, $0xA;
	[smem:$0x7FF] =	sst s1  }
0x8: {  	p0 =	sne.s32 s6, $0x0;
	s7 =	ssub.s32 $0x2, s5;
	s5 =	sshll.u32 s5, $0x9  }
0x9: {  	s6 =	simm.s32 $0x4;
	s9 =	sshrl.u32 s7, $0x1;
	s5 =	sor.u32 s5, s8  }
0xa: {  	s7 =	ssub.s32 s7, s9;
	s8 =	sadd.s32 s2, s5;
	s23 =	sor.u32 $0x100, s5  }
0xb: {  	s25 =	sadd.s32 s4, s5;
	s26 =	sor.u32 $0x14000, s5;
	[dreg:$0x5] =	wrdreg s8  }
0xc: {  	s11 =	sor.u32 $0x14100, s5;
	s24 =	sadd.s32 s2, s23;
	[dreg:$0x7] =	wrdreg s25  }
0xd: {  	s13 =	sor.u32 $0x28000, s5;
	s10 =	sadd.s32 s2, s26;
	[dreg:$0x6] =	wrdreg s24  }
0xe: {  	s15 =	sor.u32 $0x28100, s5;
	s8 =	sadd.s32 s4, s23;
	[dreg:$0x8] =	wrdreg s10  }
0xf: {  	s17 =	sor.u32 $0x3C000, s5;
	s12 =	sadd.s32 s2, s11;
	[dreg:$0x9] =	wrdreg s8  }
0x10: {  	s19 =	sor.u32 $0x3C100, s5;
	s9 =	sadd.s32 s4, s26;
	[dreg:$0xa] =	wrdreg s12  }
0x11: {  	s21 =	sor.u32 $0x50000, s5;
	s14 =	sadd.s32 s2, s13;
	[dreg:$0xb] =	wrdreg s9  }
0x12: {  	s5 =	sor.u32 $0x50100, s5;
	s16 =	sadd.s32 s2, s15;
	[dreg:$0xc] =	wrdreg s14  }
0x13: {  	s18 =	sadd.s32 s2, s17;
	s20 =	sadd.s32 s2, s19;
	[dreg:$0xe] =	wrdreg s16  }
0x14: {  	s22 =	sadd.s32 s2, s21;
	s2 =	sadd.s32 s2, s5;
	[dreg:$0x10] =	wrdreg s18  }
0x15: {  	s23 =	sadd.s32 s4, s21;
	s25 =	sadd.s32 $0x600, s3;
	[dreg:$0x12] =	wrdreg s20  }
0x16: {  	s26 =	smax.u32 s7, $0x1;
	s7 =	simm.s32 $0x3;
	[dreg:$0x14] =	wrdreg s22  }
0x17: {  	s3 =	simm.s32 $0x19E80;
	s8 =	sadd.s32 s4, s11;
	[dreg:$0x16] =	wrdreg s2  }
0x18: {  	s9 =	sadd.s32 s4, s13;
	[dreg:$0x17] =	wrdreg s23;
	s24 =	sadd.s32 s4, s5  }
0x19: {  	s22 =	simm.s32 $0x19E00;
	s23 =	simm.s32 $0x14A80;
	s2 =	simm.s32 $0x14E80  }
0x1a: {  	s5 =	simm.s32 $0x19B00;
	s10 =	simm.s32 $0x19F00;
	s11 =	simm.s32 $0x14B80  }
0x1b: {  	s12 =	simm.s32 $0x19B80;
	s13 =	simm.s32 $0x14F80;
	[dreg:$0xd] =	wrdreg s8  }
0x1c: {  	s14 =	simm.s32 $0x19F80;
	s16 =	simm.s32 $0x6;
	[dreg:$0xf] =	wrdreg s9  }
0x1d: {  	s8 =	sadd.s32 s4, s15;
	s9 =	sadd.s32 s4, s17;
	[dreg:$0x18] =	wrdreg s24  }
0x1e: {  	s17 =	simm.s32 $0x15000;
	s24 =	simm.s32 $0x19A80;
	[dreg:$0x11] =	wrdreg s8  }
0x1f: {  	s15 =	simm.s32 $0x5;
	[dreg:$0x13] =	wrdreg s9;
	s8 =	sadd.s32 s4, s19  }
0x20: {  	s4 =	simm.s32 $0x14B00;
	s9 =	simm.s32 $0x14F00;
	[dreg:$0x15] =	wrdreg s8  }
0x21: {  	s8 =	simm.s32 $0x17800;
	_ =	strace $0x80000047;
	[dreg:$0x19] =	wrdreg s25  }
0x22: {  	[dreg:$0x1a] =	wrdreg s26;
	s25 =	simm.s32 $0x800;
	s26 =	simm.s32 $0x20000  }
.LBB2_1:
0x23: {  	s18 =	sshrl.u32 @!p0 s0, $0x3;
	s19 =	simm.s32 @!p0 $0x1C01;
	s20 =	rddreg [dreg:$0x19]  }
0x24: {  	[spmem:s18], [sflag:s19] =	dma.local @!p0 [hbm:s20], $0x20000  }
0x25: {  	s18 =	simm.s32 @!p0 $0x1  }
0x26: {  	_ =	swait.ge @!p0 [sflag:s18], $0x20000  }
0x27: {  	[sflag:s18] =	ssyncset.done @!p0 $0x0  }
0x28: {  	s21 =	rddreg [dreg:$0x5];
	[sflag:s18] =	ssyncadd.s32 @!p0 $0xFFFE0000  }
0x29: {  	[tilespmem:s28], [sflag:$0x2] =	stream.strided.gather [hbm4b:s21+s25], $0x2800, s26, s25, $0x38;
	[tilespmem:$0x1A000] =	vst v63  }
0x2a: {  	[bflag:$0x0] =	sbarrier.arrive $0xFFFF  }
0x2b: {  	_ =	swait.ge [sflag:s29], $0x2800  }
0x2c: {  	[sflag:s29] =	ssyncset.done $0x0  }
0x2d: {  	s21 =	rddreg [dreg:$0x6];
	[sflag:s29] =	ssyncadd.s32 $0xFFFFD800  }
0x2e: {  	[tilespmem:s30], [sflag:$0x3] =	stream.strided.gather [hbm4b:s21+s25], $0x2800, s26, s25, $0x38;
	[tilespmem:$0x1A000] =	vst v63  }
0x2f: {  	_ = 	snop  }
0x30: {  	[tilespmem:s17], [sflag:$0x4] =	stream.indirect.gather [spmem:s0], $0x1, s28, s31, $0xb8;
	[tilespmem:$0x1A000] =	vst v63  }
0x31: {  	s20 =	simm.s32 $0x15400;
	s19 =	simm.s32 $0x10400  }
0x32: {  	[tilespmem:s20], [sflag:$0x4] =	stream.indirect.gather [spmem:s0], $0x1, s19, s31, $0xb8;
	[tilespmem:$0x1A000] =	vst v63  }
0x33: {  	s18 =	simm.s32 $0x10080;
	s21 =	simm.s32 $0x15080  }
0x34: {  	[tilespmem:s21], [sflag:$0x4] =	stream.indirect.gather [spmem:s0], $0x1, s18, s31, $0xb8;
	[tilespmem:$0x1A000] =	vst v63  }
0x35: {  	s18 =	simm.s32 $0x10480;
	s21 =	simm.s32 $0x15480  }
0x36: {  	[tilespmem:s21], [sflag:$0x4] =	stream.indirect.gather [spmem:s0], $0x1, s18, s31, $0xb8;
	[tilespmem:$0x1A000] =	vst v63  }
0x37: {  	s18 =	simm.s32 $0x10100;
	s21 =	simm.s32 $0x15100  }
0x38: {  	[tilespmem:s21], [sflag:$0x4] =	stream.indirect.gather [spmem:s0], $0x1, s18, s31, $0xb8;
	[tilespmem:$0x1A000] =	vst v63  }
0x39: {  	s18 =	simm.s32 $0x10500;
	s21 =	simm.s32 $0x15500  }
0x3a: {  	[tilespmem:s21], [sflag:$0x4] =	stream.indirect.gather [spmem:s0], $0x1, s18, s31, $0xb8;
	[tilespmem:$0x1A000] =	vst v63  }
0x3b: {  	s18 =	simm.s32 $0x10180;
	s21 =	simm.s32 $0x15180  }
0x3c: {  	[tilespmem:s21], [sflag:$0x4] =	stream.indirect.gather [spmem:s0], $0x1, s18, s31, $0xb8;
	[tilespmem:$0x1A000] =	vst v63  }
0x3d: {  	s18 =	simm.s32 $0x10580;
	s21 =	simm.s32 $0x15580  }
0x3e: {  	[tilespmem:s21], [sflag:$0x4] =	stream.indirect.gather [spmem:s0], $0x1, s18, s31, $0xb8;
	[tilespmem:$0x1A000] =	vst v63  }
0x3f: {  	s18 =	simm.s32 $0x10200;
	s21 =	simm.s32 $0x15200  }
0x40: {  	[tilespmem:s21], [sflag:$0x4] =	stream.indirect.gather [spmem:s0], $0x1, s18, s31, $0xb8;
	[tilespmem:$0x1A000] =	vst v63  }
0x41: {  	s18 =	simm.s32 $0x10600;
	s21 =	simm.s32 $0x15600  }
0x42: {  	[tilespmem:s21], [sflag:$0x4] =	stream.indirect.gather [spmem:s0], $0x1, s18, s31, $0xb8;
	[tilespmem:$0x1A000] =	vst v63  }
0x43: {  	s18 =	simm.s32 $0x10280;
	s21 =	simm.s32 $0x15280  }
0x44: {  	[tilespmem:s21], [sflag:$0x4] =	stream.indirect.gather [spmem:s0], $0x1, s18, s31, $0xb8;
	[tilespmem:$0x1A000] =	vst v63  }
0x45: {  	s18 =	simm.s32 $0x10680;
	s21 =	simm.s32 $0x15680  }
0x46: {  	[tilespmem:s21], [sflag:$0x4] =	stream.indirect.gather [spmem:s0], $0x1, s18, s31, $0xb8;
	[tilespmem:$0x1A000] =	vst v63  }
0x47: {  	s18 =	simm.s32 $0x10300;
	s21 =	simm.s32 $0x15300  }
0x48: {  	[tilespmem:s21], [sflag:$0x4] =	stream.indirect.gather [spmem:s0], $0x1, s18, s31, $0xb8;
	[tilespmem:$0x1A000] =	vst v63  }
0x49: {  	s18 =	simm.s32 $0x10700;
	s21 =	simm.s32 $0x15700  }
0x4a: {  	[tilespmem:s21], [sflag:$0x4] =	stream.indirect.gather [spmem:s0], $0x1, s18, s31, $0xb8;
	[tilespmem:$0x1A000] =	vst v63  }
0x4b: {  	s18 =	simm.s32 $0x10380;
	s21 =	simm.s32 $0x15380  }
0x4c: {  	[tilespmem:s21], [sflag:$0x4] =	stream.indirect.gather [spmem:s0], $0x1, s18, s31, $0xb8;
	[tilespmem:$0x1A000] =	vst v63  }
0x4d: {  	s18 =	simm.s32 $0x10780;
	s21 =	simm.s32 $0x15780  }
0x4e: {  	[tilespmem:s21], [sflag:$0x4] =	stream.indirect.gather [spmem:s0], $0x1, s18, s31, $0xb8;
	[tilespmem:$0x1A000] =	vst v63  }
0x4f: {  	s18 =	simm.s32 $0x10800;
	s21 =	simm.s32 $0x15800  }
0x50: {  	[tilespmem:s21], [sflag:$0x4] =	stream.indirect.gather [spmem:s0], $0x1, s18, s31, $0xb8;
	[tilespmem:$0x1A000] =	vst v63  }
0x51: {  	s18 =	simm.s32 $0x10C00;
	s21 =	simm.s32 $0x15C00  }
0x52: {  	[tilespmem:s21], [sflag:$0x4] =	stream.indirect.gather [spmem:s0], $0x1, s18, s31, $0xb8;
	[tilespmem:$0x1A000] =	vst v63  }
0x53: {  	s18 =	simm.s32 $0x10880;
	s21 =	simm.s32 $0x15880  }
0x54: {  	[tilespmem:s21], [sflag:$0x4] =	stream.indirect.gather [spmem:s0], $0x1, s18, s31, $0xb8;
	[tilespmem:$0x1A000] =	vst v63  }
0x55: {  	s18 =	simm.s32 $0x10C80;
	s21 =	simm.s32 $0x15C80  }
0x56: {  	[tilespmem:s21], [sflag:$0x4] =	stream.indirect.gather [spmem:s0], $0x1, s18, s31, $0xb8;
	[tilespmem:$0x1A000] =	vst v63  }
0x57: {  	s18 =	simm.s32 $0x10900;
	s21 =	simm.s32 $0x15900  }
0x58: {  	[tilespmem:s21], [sflag:$0x4] =	stream.indirect.gather [spmem:s0], $0x1, s18, s31, $0xb8;
	[tilespmem:$0x1A000] =	vst v63  }
0x59: {  	s18 =	simm.s32 $0x10D00;
	s21 =	simm.s32 $0x15D00  }
0x5a: {  	[tilespmem:s21], [sflag:$0x4] =	stream.indirect.gather [spmem:s0], $0x1, s18, s31, $0xb8;
	[tilespmem:$0x1A000] =	vst v63  }
0x5b: {  	s18 =	simm.s32 $0x10980;
	s21 =	simm.s32 $0x15980  }
0x5c: {  	[tilespmem:s21], [sflag:$0x4] =	stream.indirect.gather [spmem:s0], $0x1, s18, s31, $0xb8;
	[tilespmem:$0x1A000] =	vst v63  }
0x5d: {  	s18 =	simm.s32 $0x10D80;
	s21 =	simm.s32 $0x15D80  }
0x5e: {  	[tilespmem:s21], [sflag:$0x4] =	stream.indirect.gather [spmem:s0], $0x1, s18, s31, $0xb8;
	[tilespmem:$0x1A000] =	vst v63  }
0x5f: {  	s18 =	simm.s32 $0x10A00;
	s21 =	simm.s32 $0x15A00  }
0x60: {  	[tilespmem:s21], [sflag:$0x4] =	stream.indirect.gather [spmem:s0], $0x1, s18, s31, $0xb8;
	[tilespmem:$0x1A000] =	vst v63  }
0x61: {  	s18 =	simm.s32 $0x10E00;
	s21 =	simm.s32 $0x15E00  }
0x62: {  	[tilespmem:s21], [sflag:$0x4] =	stream.indirect.gather [spmem:s0], $0x1, s18, s31, $0xb8;
	[tilespmem:$0x1A000] =	vst v63  }
0x63: {  	s18 =	simm.s32 $0x10A80;
	s21 =	simm.s32 $0x15A80  }
0x64: {  	[tilespmem:s21], [sflag:$0x4] =	stream.indirect.gather [spmem:s0], $0x1, s18, s31, $0xb8;
	[tilespmem:$0x1A000] =	vst v63  }
0x65: {  	s18 =	simm.s32 $0x10E80;
	s21 =	simm.s32 $0x15E80  }
0x66: {  	[tilespmem:s21], [sflag:$0x4] =	stream.indirect.gather [spmem:s0], $0x1, s18, s31, $0xb8;
	[tilespmem:$0x1A000] =	vst v63  }
0x67: {  	s18 =	simm.s32 $0x10B00;
	s21 =	simm.s32 $0x15B00  }
0x68: {  	[tilespmem:s21], [sflag:$0x4] =	stream.indirect.gather [spmem:s0], $0x1, s18, s31, $0xb8;
	[tilespmem:$0x1A000] =	vst v63  }
0x69: {  	s18 =	simm.s32 $0x10F00;
	s21 =	simm.s32 $0x15F00  }
0x6a: {  	[tilespmem:s21], [sflag:$0x4] =	stream.indirect.gather [spmem:s0], $0x1, s18, s31, $0xb8;
	[tilespmem:$0x1A000] =	vst v63  }
0x6b: {  	s18 =	simm.s32 $0x10B80;
	s21 =	simm.s32 $0x15B80  }
0x6c: {  	[tilespmem:s21], [sflag:$0x4] =	stream.indirect.gather [spmem:s0], $0x1, s18, s31, $0xb8;
	[tilespmem:$0x1A000] =	vst v63  }
0x6d: {  	s18 =	simm.s32 $0x10F80;
	s21 =	simm.s32 $0x15F80  }
0x6e: {  	[tilespmem:s21], [sflag:$0x4] =	stream.indirect.gather [spmem:s0], $0x1, s18, s31, $0xb8;
	[tilespmem:$0x1A000] =	vst v63  }
0x6f: {  	s18 =	simm.s32 $0x11000;
	s21 =	simm.s32 $0x16000  }
0x70: {  	[tilespmem:s21], [sflag:$0x4] =	stream.indirect.gather [spmem:s0], $0x1, s18, s31, $0xb8;
	[tilespmem:$0x1A000] =	vst v63  }
0x71: {  	s18 =	simm.s32 $0x11400;
	s21 =	simm.s32 $0x16400  }
0x72: {  	[tilespmem:s21], [sflag:$0x4] =	stream.indirect.gather [spmem:s0], $0x1, s18, s31, $0xb8;
	[tilespmem:$0x1A000] =	vst v63  }
0x73: {  	s18 =	simm.s32 $0x11080;
	s21 =	simm.s32 $0x16080  }
0x74: {  	[tilespmem:s21], [sflag:$0x4] =	stream.indirect.gather [spmem:s0], $0x1, s18, s31, $0xb8;
	[tilespmem:$0x1A000] =	vst v63  }
0x75: {  	s18 =	simm.s32 $0x11480;
	s21 =	simm.s32 $0x16480  }
0x76: {  	[tilespmem:s21], [sflag:$0x4] =	stream.indirect.gather [spmem:s0], $0x1, s18, s31, $0xb8;
	[tilespmem:$0x1A000] =	vst v63  }
0x77: {  	s18 =	simm.s32 $0x11100;
	s21 =	simm.s32 $0x16100  }
0x78: {  	[tilespmem:s21], [sflag:$0x4] =	stream.indirect.gather [spmem:s0], $0x1, s18, s31, $0xb8;
	[tilespmem:$0x1A000] =	vst v63  }
0x79: {  	s18 =	simm.s32 $0x11500;
	s21 =	simm.s32 $0x16500  }
0x7a: {  	[tilespmem:s21], [sflag:$0x4] =	stream.indirect.gather [spmem:s0], $0x1, s18, s31, $0xb8;
	[tilespmem:$0x1A000] =	vst v63  }
0x7b: {  	s18 =	simm.s32 $0x11180;
	s21 =	simm.s32 $0x16180  }
0x7c: {  	[tilespmem:s21], [sflag:$0x4] =	stream.indirect.gather [spmem:s0], $0x1, s18, s31, $0xb8;
	[tilespmem:$0x1A000] =	vst v63  }
0x7d: {  	s18 =	simm.s32 $0x11580;
	s21 =	simm.s32 $0x16580  }
0x7e: {  	[tilespmem:s21], [sflag:$0x4] =	stream.indirect.gather [spmem:s0], $0x1, s18, s31, $0xb8;
	[tilespmem:$0x1A000] =	vst v63  }
0x7f: {  	s18 =	simm.s32 $0x11200;
	s21 =	simm.s32 $0x16200  }
0x80: {  	[tilespmem:s21], [sflag:$0x4] =	stream.indirect.gather [spmem:s0], $0x1, s18, s31, $0xb8;
	[tilespmem:$0x1A000] =	vst v63  }
0x81: {  	s18 =	simm.s32 $0x11600;
	s21 =	simm.s32 $0x16600  }
0x82: {  	[tilespmem:s21], [sflag:$0x4] =	stream.indirect.gather [spmem:s0], $0x1, s18, s31, $0xb8;
	[tilespmem:$0x1A000] =	vst v63  }
0x83: {  	s18 =	simm.s32 $0x11280;
	s21 =	simm.s32 $0x16280  }
0x84: {  	[tilespmem:s21], [sflag:$0x4] =	stream.indirect.gather [spmem:s0], $0x1, s18, s31, $0xb8;
	[tilespmem:$0x1A000] =	vst v63  }
0x85: {  	s18 =	simm.s32 $0x11680;
	s21 =	simm.s32 $0x16680  }
0x86: {  	[tilespmem:s21], [sflag:$0x4] =	stream.indirect.gather [spmem:s0], $0x1, s18, s31, $0xb8;
	[tilespmem:$0x1A000] =	vst v63  }
0x87: {  	s18 =	simm.s32 $0x11300;
	s21 =	simm.s32 $0x16300  }
0x88: {  	[tilespmem:s21], [sflag:$0x4] =	stream.indirect.gather [spmem:s0], $0x1, s18, s31, $0xb8;
	[tilespmem:$0x1A000] =	vst v63  }
0x89: {  	s18 =	simm.s32 $0x11700;
	s21 =	simm.s32 $0x16700  }
0x8a: {  	[tilespmem:s21], [sflag:$0x4] =	stream.indirect.gather [spmem:s0], $0x1, s18, s31, $0xb8;
	[tilespmem:$0x1A000] =	vst v63  }
0x8b: {  	s18 =	simm.s32 $0x11380;
	s21 =	simm.s32 $0x16380  }
0x8c: {  	[tilespmem:s21], [sflag:$0x4] =	stream.indirect.gather [spmem:s0], $0x1, s18, s31, $0xb8;
	[tilespmem:$0x1A000] =	vst v63  }
0x8d: {  	s18 =	simm.s32 $0x11780;
	s21 =	simm.s32 $0x16780  }
0x8e: {  	[tilespmem:s21], [sflag:$0x4] =	stream.indirect.gather [spmem:s0], $0x1, s18, s31, $0xb8;
	[tilespmem:$0x1A000] =	vst v63  }
0x8f: {  	s18 =	simm.s32 $0x11800;
	s21 =	simm.s32 $0x16800  }
0x90: {  	[tilespmem:s21], [sflag:$0x4] =	stream.indirect.gather [spmem:s0], $0x1, s18, s31, $0xb8;
	[tilespmem:$0x1A000] =	vst v63  }
0x91: {  	s18 =	simm.s32 $0x11C00;
	s21 =	simm.s32 $0x16C00  }
0x92: {  	[tilespmem:s21], [sflag:$0x4] =	stream.indirect.gather [spmem:s0], $0x1, s18, s31, $0xb8;
	[tilespmem:$0x1A000] =	vst v63  }
0x93: {  	s18 =	simm.s32 $0x11880;
	s21 =	simm.s32 $0x16880  }
0x94: {  	[tilespmem:s21], [sflag:$0x4] =	stream.indirect.gather [spmem:s0], $0x1, s18, s31, $0xb8;
	[tilespmem:$0x1A000] =	vst v63  }
0x95: {  	s18 =	simm.s32 $0x11C80;
	s21 =	simm.s32 $0x16C80  }
0x96: {  	[tilespmem:s21], [sflag:$0x4] =	stream.indirect.gather [spmem:s0], $0x1, s18, s31, $0xb8;
	[tilespmem:$0x1A000] =	vst v63  }
0x97: {  	s18 =	simm.s32 $0x11900;
	s21 =	simm.s32 $0x16900  }
0x98: {  	[tilespmem:s21], [sflag:$0x4] =	stream.indirect.gather [spmem:s0], $0x1, s18, s31, $0xb8;
	[tilespmem:$0x1A000] =	vst v63  }
0x99: {  	s18 =	simm.s32 $0x11D00;
	s21 =	simm.s32 $0x16D00  }
0x9a: {  	[tilespmem:s21], [sflag:$0x4] =	stream.indirect.gather [spmem:s0], $0x1, s18, s31, $0xb8;
	[tilespmem:$0x1A000] =	vst v63  }
0x9b: {  	s18 =	simm.s32 $0x11980;
	s21 =	simm.s32 $0x16980  }
0x9c: {  	[tilespmem:s21], [sflag:$0x4] =	stream.indirect.gather [spmem:s0], $0x1, s18, s31, $0xb8;
	[tilespmem:$0x1A000] =	vst v63  }
0x9d: {  	s18 =	simm.s32 $0x11D80;
	s21 =	simm.s32 $0x16D80  }
0x9e: {  	[tilespmem:s21], [sflag:$0x4] =	stream.indirect.gather [spmem:s0], $0x1, s18, s31, $0xb8;
	[tilespmem:$0x1A000] =	vst v63  }
0x9f: {  	s18 =	simm.s32 $0x11A00;
	s21 =	simm.s32 $0x16A00  }
0xa0: {  	[tilespmem:s21], [sflag:$0x4] =	stream.indirect.gather [spmem:s0], $0x1, s18, s31, $0xb8;
	[tilespmem:$0x1A000] =	vst v63  }
0xa1: {  	s18 =	simm.s32 $0x11E00;
	s21 =	simm.s32 $0x16E00  }
0xa2: {  	[tilespmem:s21], [sflag:$0x4] =	stream.indirect.gather [spmem:s0], $0x1, s18, s31, $0xb8;
	[tilespmem:$0x1A000] =	vst v63  }
0xa3: {  	s18 =	simm.s32 $0x11A80;
	s21 =	simm.s32 $0x16A80  }
0xa4: {  	[tilespmem:s21], [sflag:$0x4] =	stream.indirect.gather [spmem:s0], $0x1, s18, s31, $0xb8;
	[tilespmem:$0x1A000] =	vst v63  }
0xa5: {  	s18 =	simm.s32 $0x11E80;
	s21 =	simm.s32 $0x16E80  }
0xa6: {  	[tilespmem:s21], [sflag:$0x4] =	stream.indirect.gather [spmem:s0], $0x1, s18, s31, $0xb8;
	[tilespmem:$0x1A000] =	vst v63  }
0xa7: {  	s18 =	simm.s32 $0x11B00;
	s21 =	simm.s32 $0x16B00  }
0xa8: {  	[tilespmem:s21], [sflag:$0x4] =	stream.indirect.gather [spmem:s0], $0x1, s18, s31, $0xb8;
	[tilespmem:$0x1A000] =	vst v63  }
0xa9: {  	s18 =	simm.s32 $0x11F00;
	s21 =	simm.s32 $0x16F00  }
0xaa: {  	[tilespmem:s21], [sflag:$0x4] =	stream.indirect.gather [spmem:s0], $0x1, s18, s31, $0xb8;
	[tilespmem:$0x1A000] =	vst v63  }
0xab: {  	s18 =	simm.s32 $0x11B80;
	s21 =	simm.s32 $0x16B80  }
0xac: {  	[tilespmem:s21], [sflag:$0x4] =	stream.indirect.gather [spmem:s0], $0x1, s18, s31, $0xb8;
	[tilespmem:$0x1A000] =	vst v63  }
0xad: {  	s18 =	simm.s32 $0x11F80;
	s21 =	simm.s32 $0x16F80  }
0xae: {  	[tilespmem:s21], [sflag:$0x4] =	stream.indirect.gather [spmem:s0], $0x1, s18, s31, $0xb8;
	[tilespmem:$0x1A000] =	vst v63  }
0xaf: {  	s18 =	simm.s32 $0x12000;
	s21 =	simm.s32 $0x17000  }
0xb0: {  	[tilespmem:s21], [sflag:$0x4] =	stream.indirect.gather [spmem:s0], $0x1, s18, s31, $0xb8;
	[tilespmem:$0x1A000] =	vst v63  }
0xb1: {  	s18 =	simm.s32 $0x12400;
	s21 =	simm.s32 $0x17400  }
0xb2: {  	[tilespmem:s21], [sflag:$0x4] =	stream.indirect.gather [spmem:s0], $0x1, s18, s31, $0xb8;
	[tilespmem:$0x1A000] =	vst v63  }
0xb3: {  	s18 =	simm.s32 $0x12080;
	s21 =	simm.s32 $0x17080  }
0xb4: {  	[tilespmem:s21], [sflag:$0x4] =	stream.indirect.gather [spmem:s0], $0x1, s18, s31, $0xb8;
	[tilespmem:$0x1A000] =	vst v63  }
0xb5: {  	s18 =	simm.s32 $0x12480;
	s21 =	simm.s32 $0x17480  }
0xb6: {  	[tilespmem:s21], [sflag:$0x4] =	stream.indirect.gather [spmem:s0], $0x1, s18, s31, $0xb8;
	[tilespmem:$0x1A000] =	vst v63  }
0xb7: {  	s18 =	simm.s32 $0x12100;
	s21 =	simm.s32 $0x17100  }
0xb8: {  	[tilespmem:s21], [sflag:$0x4] =	stream.indirect.gather [spmem:s0], $0x1, s18, s31, $0xb8;
	[tilespmem:$0x1A000] =	vst v63  }
0xb9: {  	s18 =	simm.s32 $0x12500;
	s21 =	simm.s32 $0x17500  }
0xba: {  	[tilespmem:s21], [sflag:$0x4] =	stream.indirect.gather [spmem:s0], $0x1, s18, s31, $0xb8;
	[tilespmem:$0x1A000] =	vst v63  }
0xbb: {  	s18 =	simm.s32 $0x12180;
	s21 =	simm.s32 $0x17180  }
0xbc: {  	[tilespmem:s21], [sflag:$0x4] =	stream.indirect.gather [spmem:s0], $0x1, s18, s31, $0xb8;
	[tilespmem:$0x1A000] =	vst v63  }
0xbd: {  	s18 =	simm.s32 $0x12580;
	s21 =	simm.s32 $0x17580  }
0xbe: {  	[tilespmem:s21], [sflag:$0x4] =	stream.indirect.gather [spmem:s0], $0x1, s18, s31, $0xb8;
	[tilespmem:$0x1A000] =	vst v63  }
0xbf: {  	s18 =	simm.s32 $0x12200;
	s21 =	simm.s32 $0x17200  }
0xc0: {  	[tilespmem:s21], [sflag:$0x4] =	stream.indirect.gather [spmem:s0], $0x1, s18, s31, $0xb8;
	[tilespmem:$0x1A000] =	vst v63  }
0xc1: {  	s18 =	simm.s32 $0x12600;
	s21 =	simm.s32 $0x17600  }
0xc2: {  	[tilespmem:s21], [sflag:$0x4] =	stream.indirect.gather [spmem:s0], $0x1, s18, s31, $0xb8;
	[tilespmem:$0x1A000] =	vst v63  }
0xc3: {  	s18 =	simm.s32 $0x12280;
	s21 =	simm.s32 $0x17280  }
0xc4: {  	[tilespmem:s21], [sflag:$0x4] =	stream.indirect.gather [spmem:s0], $0x1, s18, s31, $0xb8;
	[tilespmem:$0x1A000] =	vst v63  }
0xc5: {  	s18 =	simm.s32 $0x12680;
	s21 =	simm.s32 $0x17680  }
0xc6: {  	[tilespmem:s21], [sflag:$0x4] =	stream.indirect.gather [spmem:s0], $0x1, s18, s31, $0xb8;
	[tilespmem:$0x1A000] =	vst v63  }
0xc7: {  	s18 =	simm.s32 $0x12300;
	s21 =	simm.s32 $0x17300  }
0xc8: {  	[tilespmem:s21], [sflag:$0x4] =	stream.indirect.gather [spmem:s0], $0x1, s18, s31, $0xb8;
	[tilespmem:$0x1A000] =	vst v63  }
0xc9: {  	s18 =	simm.s32 $0x12700;
	s21 =	simm.s32 $0x17700  }
0xca: {  	[tilespmem:s21], [sflag:$0x4] =	stream.indirect.gather [spmem:s0], $0x1, s18, s31, $0xb8;
	[tilespmem:$0x1A000] =	vst v63  }
0xcb: {  	s18 =	simm.s32 $0x12380;
	s21 =	simm.s32 $0x17380  }
0xcc: {  	[tilespmem:s21], [sflag:$0x4] =	stream.indirect.gather [spmem:s0], $0x1, s18, s31, $0xb8;
	[tilespmem:$0x1A000] =	vst v63  }
0xcd: {  	s18 =	simm.s32 $0x12780;
	s21 =	simm.s32 $0x17780  }
0xce: {  	[tilespmem:s21], [sflag:$0x4] =	stream.indirect.gather [spmem:s0], $0x1, s18, s31, $0xb8;
	[tilespmem:$0x1A000] =	vst v63  }
0xcf: {  	_ =	swait.ge [sflag:s6], $0x80  }
0xd0: {  	[sflag:s6] =	ssyncset.done $0x0  }
0xd1: {  	[sflag:s6] =	ssyncadd.s32 $0xFFFFFF80  }
0xd2: {  	_ =	swait.ge [sflag:s6], $0x80  }
0xd3: {  	[sflag:s6] =	ssyncset.done $0x0  }
0xd4: {  	[sflag:s6] =	ssyncadd.s32 $0xFFFFFF80  }
0xd5: {  	_ =	swait.ge [sflag:s6], $0x80  }
0xd6: {  	[sflag:s6] =	ssyncset.done $0x0  }
0xd7: {  	[sflag:s6] =	ssyncadd.s32 $0xFFFFFF80  }
0xd8: {  	_ =	swait.ge [sflag:s6], $0x80  }
0xd9: {  	[sflag:s6] =	ssyncset.done $0x0  }
0xda: {  	[sflag:s6] =	ssyncadd.s32 $0xFFFFFF80  }
0xdb: {  	_ =	swait.ge [sflag:s6], $0x80  }
0xdc: {  	[sflag:s6] =	ssyncset.done $0x0  }
0xdd: {  	[sflag:s6] =	ssyncadd.s32 $0xFFFFFF80  }
0xde: {  	_ =	swait.ge [sflag:s6], $0x80  }
0xdf: {  	[sflag:s6] =	ssyncset.done $0x0  }
0xe0: {  	[sflag:s6] =	ssyncadd.s32 $0xFFFFFF80  }
0xe1: {  	_ =	swait.ge [sflag:s6], $0x80  }
0xe2: {  	[sflag:s6] =	ssyncset.done $0x0  }
0xe3: {  	[sflag:s6] =	ssyncadd.s32 $0xFFFFFF80  }
0xe4: {  	_ =	swait.ge [sflag:s6], $0x80  }
0xe5: {  	s18 =	simm.s32 $0x0;
	[sflag:s6] =	ssyncset.done $0x0  }
.LBB2_2:
0xe6: {  	s18 =	sadd.s32 $0x8, s18;
	[sflag:s6] =	ssyncadd.s32 $0xFFFFFF80  }
0xe7: {  	_ =	swait.ge [sflag:s6], $0x80;
	p1 =	slt.u32 s18, $0x48  }
0xe8: {  	[sflag:s6] =	ssyncset.done $0x0  }
0xe9: {  	[sflag:s6] =	ssyncadd.s32 $0xFFFFFF80  }
0xea: {  	_ =	swait.ge [sflag:s6], $0x80  }
0xeb: {  	[sflag:s6] =	ssyncset.done $0x0  }
0xec: {  	[sflag:s6] =	ssyncadd.s32 $0xFFFFFF80  }
0xed: {  	_ =	swait.ge [sflag:s6], $0x80  }
0xee: {  	[sflag:s6] =	ssyncset.done $0x0  }
0xef: {  	[sflag:s6] =	ssyncadd.s32 $0xFFFFFF80  }
0xf0: {  	_ =	swait.ge [sflag:s6], $0x80  }
0xf1: {  	[sflag:s6] =	ssyncset.done $0x0  }
0xf2: {  	[sflag:s6] =	ssyncadd.s32 $0xFFFFFF80  }
0xf3: {  	_ =	swait.ge [sflag:s6], $0x80  }
0xf4: {  	[sflag:s6] =	ssyncset.done $0x0  }
0xf5: {  	[sflag:s6] =	ssyncadd.s32 $0xFFFFFF80  }
0xf6: {  	_ =	swait.ge [sflag:s6], $0x80  }
0xf7: {  	[sflag:s6] =	ssyncset.done $0x0  }
0xf8: {  	[sflag:s6] =	ssyncadd.s32 $0xFFFFFF80  }
.Ltmp0:
0xf9: {  	_ =	swait.ge [sflag:s6], $0x80;
	(pc) =	sbr.rel @p1 .LBB2_2-.Ltmp0, $4  }
0xfa: {  	[sflag:s6] =	ssyncset.done $0x0  }
0xfb: {  	[sflag:s6] =	ssyncadd.s32 $0xFFFFFF80  }
0xfc: {  	_ =	swait.ge [sflag:s6], $0x80  }
0xfd: {  	[sflag:s6] =	ssyncset.done $0x0  }
0xfe: {  	[sflag:s6] =	ssyncadd.s32 $0xFFFFFF80;
	s18 =	rddreg [dreg:$0x7]  }
0xff: {  	[hbm4b:s18+s25] =	stream.strided.scatter [tilespmem:s17], [sflag:$0x5], $0x2800, s26, s25, $0x38;
	[tilespmem:$0x1A000] =	vst v63  }
0x100: {  	_ =	swait.ge [sflag:s7], $0x2800  }
0x101: {  	[sflag:s7] =	ssyncset.done $0x0  }
0x102: {  	s21 =	rddreg [dreg:$0x8];
	[sflag:s7] =	ssyncadd.s32 $0xFFFFD800  }
0x103: {  	[tilespmem:s28], [sflag:$0x2] =	stream.strided.gather [hbm4b:s21+s25], $0x2800, s26, s25, $0x38;
	[tilespmem:$0x1A000] =	vst v63  }
0x104: {  	_ = 	snop  }
0x105: {  	[tilespmem:s8], [sflag:$0x4] =	stream.indirect.gather [spmem:s0], $0x1, s30, s31, $0xb8;
	[tilespmem:$0x1A000] =	vst v63  }
0x106: {  	s18 =	simm.s32 $0x12C00;
	s21 =	simm.s32 $0x17C00  }
0x107: {  	[tilespmem:s21], [sflag:$0x4] =	stream.indirect.gather [spmem:s0], $0x1, s18, s31, $0xb8;
	[tilespmem:$0x1A000] =	vst v63  }
0x108: {  	s18 =	simm.s32 $0x12880;
	s21 =	simm.s32 $0x17880  }
0x109: {  	[tilespmem:s21], [sflag:$0x4] =	stream.indirect.gather [spmem:s0], $0x1, s18, s31, $0xb8;
	[tilespmem:$0x1A000] =	vst v63  }
0x10a: {  	s18 =	simm.s32 $0x12C80;
	s21 =	simm.s32 $0x17C80  }
0x10b: {  	[tilespmem:s21], [sflag:$0x4] =	stream.indirect.gather [spmem:s0], $0x1, s18, s31, $0xb8;
	[tilespmem:$0x1A000] =	vst v63  }
0x10c: {  	s18 =	simm.s32 $0x12900;
	s21 =	simm.s32 $0x17900  }
0x10d: {  	[tilespmem:s21], [sflag:$0x4] =	stream.indirect.gather [spmem:s0], $0x1, s18, s31, $0xb8;
	[tilespmem:$0x1A000] =	vst v63  }
0x10e: {  	s18 =	simm.s32 $0x12D00;
	s21 =	simm.s32 $0x17D00  }
0x10f: {  	[tilespmem:s21], [sflag:$0x4] =	stream.indirect.gather [spmem:s0], $0x1, s18, s31, $0xb8;
	[tilespmem:$0x1A000] =	vst v63  }
0x110: {  	s18 =	simm.s32 $0x12980;
	s21 =	simm.s32 $0x17980  }
0x111: {  	[tilespmem:s21], [sflag:$0x4] =	stream.indirect.gather [spmem:s0], $0x1, s18, s31, $0xb8;
	[tilespmem:$0x1A000] =	vst v63  }
0x112: {  	s18 =	simm.s32 $0x12D80;
	s21 =	simm.s32 $0x17D80  }
0x113: {  	[tilespmem:s21], [sflag:$0x4] =	stream.indirect.gather [spmem:s0], $0x1, s18, s31, $0xb8;
	[tilespmem:$0x1A000] =	vst v63  }
0x114: {  	s18 =	simm.s32 $0x12A00;
	s21 =	simm.s32 $0x17A00  }
0x115: {  	[tilespmem:s21], [sflag:$0x4] =	stream.indirect.gather [spmem:s0], $0x1, s18, s31, $0xb8;
	[tilespmem:$0x1A000] =	vst v63  }
0x116: {  	s18 =	simm.s32 $0x12E00;
	s21 =	simm.s32 $0x17E00  }
0x117: {  	[tilespmem:s21], [sflag:$0x4] =	stream.indirect.gather [spmem:s0], $0x1, s18, s31, $0xb8;
	[tilespmem:$0x1A000] =	vst v63  }
0x118: {  	s18 =	simm.s32 $0x12A80;
	s21 =	simm.s32 $0x17A80  }
0x119: {  	[tilespmem:s21], [sflag:$0x4] =	stream.indirect.gather [spmem:s0], $0x1, s18, s31, $0xb8;
	[tilespmem:$0x1A000] =	vst v63  }
0x11a: {  	s18 =	simm.s32 $0x12E80;
	s21 =	simm.s32 $0x17E80  }
0x11b: {  	[tilespmem:s21], [sflag:$0x4] =	stream.indirect.gather [spmem:s0], $0x1, s18, s31, $0xb8;
	[tilespmem:$0x1A000] =	vst v63  }
0x11c: {  	s18 =	simm.s32 $0x12B00;
	s21 =	simm.s32 $0x17B00  }
0x11d: {  	[tilespmem:s21], [sflag:$0x4] =	stream.indirect.gather [spmem:s0], $0x1, s18, s31, $0xb8;
	[tilespmem:$0x1A000] =	vst v63  }
0x11e: {  	s18 =	simm.s32 $0x12F00;
	s21 =	simm.s32 $0x17F00  }
0x11f: {  	[tilespmem:s21], [sflag:$0x4] =	stream.indirect.gather [spmem:s0], $0x1, s18, s31, $0xb8;
	[tilespmem:$0x1A000] =	vst v63  }
0x120: {  	s18 =	simm.s32 $0x12B80;
	s21 =	simm.s32 $0x17B80  }
0x121: {  	[tilespmem:s21], [sflag:$0x4] =	stream.indirect.gather [spmem:s0], $0x1, s18, s31, $0xb8;
	[tilespmem:$0x1A000] =	vst v63  }
0x122: {  	s18 =	simm.s32 $0x12F80;
	s21 =	simm.s32 $0x17F80  }
0x123: {  	[tilespmem:s21], [sflag:$0x4] =	stream.indirect.gather [spmem:s0], $0x1, s18, s31, $0xb8;
	[tilespmem:$0x1A000] =	vst v63  }
0x124: {  	s18 =	simm.s32 $0x13000;
	s21 =	simm.s32 $0x18000  }
0x125: {  	[tilespmem:s21], [sflag:$0x4] =	stream.indirect.gather [spmem:s0], $0x1, s18, s31, $0xb8;
	[tilespmem:$0x1A000] =	vst v63  }
0x126: {  	s18 =	simm.s32 $0x13400;
	s21 =	simm.s32 $0x18400  }
0x127: {  	[tilespmem:s21], [sflag:$0x4] =	stream.indirect.gather [spmem:s0], $0x1, s18, s31, $0xb8;
	[tilespmem:$0x1A000] =	vst v63  }
0x128: {  	s18 =	simm.s32 $0x13080;
	s21 =	simm.s32 $0x18080  }
0x129: {  	[tilespmem:s21], [sflag:$0x4] =	stream.indirect.gather [spmem:s0], $0x1, s18, s31, $0xb8;
	[tilespmem:$0x1A000] =	vst v63  }
0x12a: {  	s18 =	simm.s32 $0x13480;
	s21 =	simm.s32 $0x18480  }
0x12b: {  	[tilespmem:s21], [sflag:$0x4] =	stream.indirect.gather [spmem:s0], $0x1, s18, s31, $0xb8;
	[tilespmem:$0x1A000] =	vst v63  }
0x12c: {  	s18 =	simm.s32 $0x13100;
	s21 =	simm.s32 $0x18100  }
0x12d: {  	[tilespmem:s21], [sflag:$0x4] =	stream.indirect.gather [spmem:s0], $0x1, s18, s31, $0xb8;
	[tilespmem:$0x1A000] =	vst v63  }
0x12e: {  	s18 =	simm.s32 $0x13500;
	s21 =	simm.s32 $0x18500  }
0x12f: {  	[tilespmem:s21], [sflag:$0x4] =	stream.indirect.gather [spmem:s0], $0x1, s18, s31, $0xb8;
	[tilespmem:$0x1A000] =	vst v63  }
0x130: {  	s18 =	simm.s32 $0x13180;
	s21 =	simm.s32 $0x18180  }
0x131: {  	[tilespmem:s21], [sflag:$0x4] =	stream.indirect.gather [spmem:s0], $0x1, s18, s31, $0xb8;
	[tilespmem:$0x1A000] =	vst v63  }
0x132: {  	s18 =	simm.s32 $0x13580;
	s21 =	simm.s32 $0x18580  }
0x133: {  	[tilespmem:s21], [sflag:$0x4] =	stream.indirect.gather [spmem:s0], $0x1, s18, s31, $0xb8;
	[tilespmem:$0x1A000] =	vst v63  }
0x134: {  	s18 =	simm.s32 $0x13200;
	s21 =	simm.s32 $0x18200  }
0x135: {  	[tilespmem:s21], [sflag:$0x4] =	stream.indirect.gather [spmem:s0], $0x1, s18, s31, $0xb8;
	[tilespmem:$0x1A000] =	vst v63  }
0x136: {  	s18 =	simm.s32 $0x13600;
	s21 =	simm.s32 $0x18600  }
0x137: {  	[tilespmem:s21], [sflag:$0x4] =	stream.indirect.gather [spmem:s0], $0x1, s18, s31, $0xb8;
	[tilespmem:$0x1A000] =	vst v63  }
0x138: {  	s18 =	simm.s32 $0x13280;
	s21 =	simm.s32 $0x18280  }
0x139: {  	[tilespmem:s21], [sflag:$0x4] =	stream.indirect.gather [spmem:s0], $0x1, s18, s31, $0xb8;
	[tilespmem:$0x1A000] =	vst v63  }
0x13a: {  	s18 =	simm.s32 $0x13680;
	s21 =	simm.s32 $0x18680  }
0x13b: {  	[tilespmem:s21], [sflag:$0x4] =	stream.indirect.gather [spmem:s0], $0x1, s18, s31, $0xb8;
	[tilespmem:$0x1A000] =	vst v63  }
0x13c: {  	s18 =	simm.s32 $0x13300;
	s21 =	simm.s32 $0x18300  }
0x13d: {  	[tilespmem:s21], [sflag:$0x4] =	stream.indirect.gather [spmem:s0], $0x1, s18, s31, $0xb8;
	[tilespmem:$0x1A000] =	vst v63  }
0x13e: {  	s18 =	simm.s32 $0x13700;
	s21 =	simm.s32 $0x18700  }
0x13f: {  	[tilespmem:s21], [sflag:$0x4] =	stream.indirect.gather [spmem:s0], $0x1, s18, s31, $0xb8;
	[tilespmem:$0x1A000] =	vst v63  }
0x140: {  	s18 =	simm.s32 $0x13380;
	s21 =	simm.s32 $0x18380  }
0x141: {  	[tilespmem:s21], [sflag:$0x4] =	stream.indirect.gather [spmem:s0], $0x1, s18, s31, $0xb8;
	[tilespmem:$0x1A000] =	vst v63  }
0x142: {  	s18 =	simm.s32 $0x13780;
	s21 =	simm.s32 $0x18780  }
0x143: {  	[tilespmem:s21], [sflag:$0x4] =	stream.indirect.gather [spmem:s0], $0x1, s18, s31, $0xb8;
	[tilespmem:$0x1A000] =	vst v63  }
0x144: {  	s18 =	simm.s32 $0x13800;
	s21 =	simm.s32 $0x18800  }
0x145: {  	[tilespmem:s21], [sflag:$0x4] =	stream.indirect.gather [spmem:s0], $0x1, s18, s31, $0xb8;
	[tilespmem:$0x1A000] =	vst v63  }
0x146: {  	s18 =	simm.s32 $0x13C00;
	s21 =	simm.s32 $0x18C00  }
0x147: {  	[tilespmem:s21], [sflag:$0x4] =	stream.indirect.gather [spmem:s0], $0x1, s18, s31, $0xb8;
	[tilespmem:$0x1A000] =	vst v63  }
0x148: {  	s18 =	simm.s32 $0x13880;
	s21 =	simm.s32 $0x18880  }
0x149: {  	[tilespmem:s21], [sflag:$0x4] =	stream.indirect.gather [spmem:s0], $0x1, s18, s31, $0xb8;
	[tilespmem:$0x1A000] =	vst v63  }
0x14a: {  	s18 =	simm.s32 $0x13C80;
	s21 =	simm.s32 $0x18C80  }
0x14b: {  	[tilespmem:s21], [sflag:$0x4] =	stream.indirect.gather [spmem:s0], $0x1, s18, s31, $0xb8;
	[tilespmem:$0x1A000] =	vst v63  }
0x14c: {  	s18 =	simm.s32 $0x13900;
	s21 =	simm.s32 $0x18900  }
0x14d: {  	[tilespmem:s21], [sflag:$0x4] =	stream.indirect.gather [spmem:s0], $0x1, s18, s31, $0xb8;
	[tilespmem:$0x1A000] =	vst v63  }
0x14e: {  	s18 =	simm.s32 $0x13D00;
	s21 =	simm.s32 $0x18D00  }
0x14f: {  	[tilespmem:s21], [sflag:$0x4] =	stream.indirect.gather [spmem:s0], $0x1, s18, s31, $0xb8;
	[tilespmem:$0x1A000] =	vst v63  }
0x150: {  	s18 =	simm.s32 $0x13980;
	s21 =	simm.s32 $0x18980  }
0x151: {  	[tilespmem:s21], [sflag:$0x4] =	stream.indirect.gather [spmem:s0], $0x1, s18, s31, $0xb8;
	[tilespmem:$0x1A000] =	vst v63  }
0x152: {  	s18 =	simm.s32 $0x13D80;
	s21 =	simm.s32 $0x18D80  }
0x153: {  	[tilespmem:s21], [sflag:$0x4] =	stream.indirect.gather [spmem:s0], $0x1, s18, s31, $0xb8;
	[tilespmem:$0x1A000] =	vst v63  }
0x154: {  	s18 =	simm.s32 $0x13A00;
	s21 =	simm.s32 $0x18A00  }
0x155: {  	[tilespmem:s21], [sflag:$0x4] =	stream.indirect.gather [spmem:s0], $0x1, s18, s31, $0xb8;
	[tilespmem:$0x1A000] =	vst v63  }
0x156: {  	s18 =	simm.s32 $0x13E00;
	s21 =	simm.s32 $0x18E00  }
0x157: {  	[tilespmem:s21], [sflag:$0x4] =	stream.indirect.gather [spmem:s0], $0x1, s18, s31, $0xb8;
	[tilespmem:$0x1A000] =	vst v63  }
0x158: {  	s18 =	simm.s32 $0x13A80;
	s21 =	simm.s32 $0x18A80  }
0x159: {  	[tilespmem:s21], [sflag:$0x4] =	stream.indirect.gather [spmem:s0], $0x1, s18, s31, $0xb8;
	[tilespmem:$0x1A000] =	vst v63  }
0x15a: {  	s18 =	simm.s32 $0x13E80;
	s21 =	simm.s32 $0x18E80  }
0x15b: {  	[tilespmem:s21], [sflag:$0x4] =	stream.indirect.gather [spmem:s0], $0x1, s18, s31, $0xb8;
	[tilespmem:$0x1A000] =	vst v63  }
0x15c: {  	s18 =	simm.s32 $0x13B00;
	s21 =	simm.s32 $0x18B00  }
0x15d: {  	[tilespmem:s21], [sflag:$0x4] =	stream.indirect.gather [spmem:s0], $0x1, s18, s31, $0xb8;
	[tilespmem:$0x1A000] =	vst v63  }
0x15e: {  	s18 =	simm.s32 $0x13F00;
	s21 =	simm.s32 $0x18F00  }
0x15f: {  	[tilespmem:s21], [sflag:$0x4] =	stream.indirect.gather [spmem:s0], $0x1, s18, s31, $0xb8;
	[tilespmem:$0x1A000] =	vst v63  }
0x160: {  	s18 =	simm.s32 $0x13B80;
	s21 =	simm.s32 $0x18B80  }
0x161: {  	[tilespmem:s21], [sflag:$0x4] =	stream.indirect.gather [spmem:s0], $0x1, s18, s31, $0xb8;
	[tilespmem:$0x1A000] =	vst v63  }
0x162: {  	s18 =	simm.s32 $0x13F80;
	s21 =	simm.s32 $0x18F80  }
0x163: {  	[tilespmem:s21], [sflag:$0x4] =	stream.indirect.gather [spmem:s0], $0x1, s18, s31, $0xb8;
	[tilespmem:$0x1A000] =	vst v63  }
0x164: {  	s18 =	simm.s32 $0x14000;
	s21 =	simm.s32 $0x19000  }
0x165: {  	[tilespmem:s21], [sflag:$0x4] =	stream.indirect.gather [spmem:s0], $0x1, s18, s31, $0xb8;
	[tilespmem:$0x1A000] =	vst v63  }
0x166: {  	s18 =	simm.s32 $0x14400;
	s21 =	simm.s32 $0x19400  }
0x167: {  	[tilespmem:s21], [sflag:$0x4] =	stream.indirect.gather [spmem:s0], $0x1, s18, s31, $0xb8;
	[tilespmem:$0x1A000] =	vst v63  }
0x168: {  	s18 =	simm.s32 $0x14080;
	s21 =	simm.s32 $0x19080  }
0x169: {  	[tilespmem:s21], [sflag:$0x4] =	stream.indirect.gather [spmem:s0], $0x1, s18, s31, $0xb8;
	[tilespmem:$0x1A000] =	vst v63  }
0x16a: {  	s18 =	simm.s32 $0x14480;
	s21 =	simm.s32 $0x19480  }
0x16b: {  	[tilespmem:s21], [sflag:$0x4] =	stream.indirect.gather [spmem:s0], $0x1, s18, s31, $0xb8;
	[tilespmem:$0x1A000] =	vst v63  }
0x16c: {  	s18 =	simm.s32 $0x14100;
	s21 =	simm.s32 $0x19100  }
0x16d: {  	[tilespmem:s21], [sflag:$0x4] =	stream.indirect.gather [spmem:s0], $0x1, s18, s31, $0xb8;
	[tilespmem:$0x1A000] =	vst v63  }
0x16e: {  	s18 =	simm.s32 $0x14500;
	s21 =	simm.s32 $0x19500  }
0x16f: {  	[tilespmem:s21], [sflag:$0x4] =	stream.indirect.gather [spmem:s0], $0x1, s18, s31, $0xb8;
	[tilespmem:$0x1A000] =	vst v63  }
0x170: {  	s18 =	simm.s32 $0x14180;
	s21 =	simm.s32 $0x19180  }
0x171: {  	[tilespmem:s21], [sflag:$0x4] =	stream.indirect.gather [spmem:s0], $0x1, s18, s31, $0xb8;
	[tilespmem:$0x1A000] =	vst v63  }
0x172: {  	s18 =	simm.s32 $0x14580;
	s21 =	simm.s32 $0x19580  }
0x173: {  	[tilespmem:s21], [sflag:$0x4] =	stream.indirect.gather [spmem:s0], $0x1, s18, s31, $0xb8;
	[tilespmem:$0x1A000] =	vst v63  }
0x174: {  	s18 =	simm.s32 $0x14200;
	s21 =	simm.s32 $0x19200  }
0x175: {  	[tilespmem:s21], [sflag:$0x4] =	stream.indirect.gather [spmem:s0], $0x1, s18, s31, $0xb8;
	[tilespmem:$0x1A000] =	vst v63  }
0x176: {  	s18 =	simm.s32 $0x14600;
	s21 =	simm.s32 $0x19600  }
0x177: {  	[tilespmem:s21], [sflag:$0x4] =	stream.indirect.gather [spmem:s0], $0x1, s18, s31, $0xb8;
	[tilespmem:$0x1A000] =	vst v63  }
0x178: {  	s18 =	simm.s32 $0x14280;
	s21 =	simm.s32 $0x19280  }
0x179: {  	[tilespmem:s21], [sflag:$0x4] =	stream.indirect.gather [spmem:s0], $0x1, s18, s31, $0xb8;
	[tilespmem:$0x1A000] =	vst v63  }
0x17a: {  	s18 =	simm.s32 $0x14680;
	s21 =	simm.s32 $0x19680  }
0x17b: {  	[tilespmem:s21], [sflag:$0x4] =	stream.indirect.gather [spmem:s0], $0x1, s18, s31, $0xb8;
	[tilespmem:$0x1A000] =	vst v63  }
0x17c: {  	s18 =	simm.s32 $0x14300;
	s21 =	simm.s32 $0x19300  }
0x17d: {  	[tilespmem:s21], [sflag:$0x4] =	stream.indirect.gather [spmem:s0], $0x1, s18, s31, $0xb8;
	[tilespmem:$0x1A000] =	vst v63  }
0x17e: {  	s18 =	simm.s32 $0x14700;
	s21 =	simm.s32 $0x19700  }
0x17f: {  	[tilespmem:s21], [sflag:$0x4] =	stream.indirect.gather [spmem:s0], $0x1, s18, s31, $0xb8;
	[tilespmem:$0x1A000] =	vst v63  }
0x180: {  	s18 =	simm.s32 $0x14380;
	s21 =	simm.s32 $0x19380  }
0x181: {  	[tilespmem:s21], [sflag:$0x4] =	stream.indirect.gather [spmem:s0], $0x1, s18, s31, $0xb8;
	[tilespmem:$0x1A000] =	vst v63  }
0x182: {  	s18 =	simm.s32 $0x14780;
	s21 =	simm.s32 $0x19780  }
0x183: {  	[tilespmem:s21], [sflag:$0x4] =	stream.indirect.gather [spmem:s0], $0x1, s18, s31, $0xb8;
	[tilespmem:$0x1A000] =	vst v63  }
0x184: {  	s18 =	simm.s32 $0x14800;
	s21 =	simm.s32 $0x19800  }
0x185: {  	[tilespmem:s21], [sflag:$0x4] =	stream.indirect.gather [spmem:s0], $0x1, s18, s31, $0xb8;
	[tilespmem:$0x1A000] =	vst v63  }
0x186: {  	s18 =	simm.s32 $0x14C00;
	s21 =	simm.s32 $0x19C00  }
0x187: {  	[tilespmem:s21], [sflag:$0x4] =	stream.indirect.gather [spmem:s0], $0x1, s18, s31, $0xb8;
	[tilespmem:$0x1A000] =	vst v63  }
0x188: {  	s18 =	simm.s32 $0x14880;
	s21 =	simm.s32 $0x19880  }
0x189: {  	[tilespmem:s21], [sflag:$0x4] =	stream.indirect.gather [spmem:s0], $0x1, s18, s31, $0xb8;
	[tilespmem:$0x1A000] =	vst v63  }
0x18a: {  	s18 =	simm.s32 $0x14C80;
	s21 =	simm.s32 $0x19C80  }
0x18b: {  	[tilespmem:s21], [sflag:$0x4] =	stream.indirect.gather [spmem:s0], $0x1, s18, s31, $0xb8;
	[tilespmem:$0x1A000] =	vst v63  }
0x18c: {  	s18 =	simm.s32 $0x14900;
	s21 =	simm.s32 $0x19900  }
0x18d: {  	[tilespmem:s21], [sflag:$0x4] =	stream.indirect.gather [spmem:s0], $0x1, s18, s31, $0xb8;
	[tilespmem:$0x1A000] =	vst v63  }
0x18e: {  	s18 =	simm.s32 $0x14D00;
	s21 =	simm.s32 $0x19D00  }
0x18f: {  	[tilespmem:s21], [sflag:$0x4] =	stream.indirect.gather [spmem:s0], $0x1, s18, s31, $0xb8;
	[tilespmem:$0x1A000] =	vst v63  }
0x190: {  	s18 =	simm.s32 $0x14980;
	s21 =	simm.s32 $0x19980  }
0x191: {  	[tilespmem:s21], [sflag:$0x4] =	stream.indirect.gather [spmem:s0], $0x1, s18, s31, $0xb8;
	[tilespmem:$0x1A000] =	vst v63  }
0x192: {  	s18 =	simm.s32 $0x14D80;
	s21 =	simm.s32 $0x19D80  }
0x193: {  	[tilespmem:s21], [sflag:$0x4] =	stream.indirect.gather [spmem:s0], $0x1, s18, s31, $0xb8;
	[tilespmem:$0x1A000] =	vst v63  }
0x194: {  	s18 =	simm.s32 $0x14A00;
	s21 =	simm.s32 $0x19A00  }
0x195: {  	[tilespmem:s21], [sflag:$0x4] =	stream.indirect.gather [spmem:s0], $0x1, s18, s31, $0xb8;
	[tilespmem:$0x1A000] =	vst v63  }
0x196: {  	s21 =	simm.s32 $0x14E00  }
0x197: {  	[tilespmem:s22], [sflag:$0x4] =	stream.indirect.gather [spmem:s0], $0x1, s21, s31, $0xb8;
	[tilespmem:$0x1A000] =	vst v63  }
0x198: {  	_ = 	snop  }
0x199: {  	[tilespmem:s24], [sflag:$0x4] =	stream.indirect.gather [spmem:s0], $0x1, s23, s31, $0xb8;
	[tilespmem:$0x1A000] =	vst v63  }
0x19a: {  	_ = 	snop  }
0x19b: {  	[tilespmem:s3], [sflag:$0x4] =	stream.indirect.gather [spmem:s0], $0x1, s2, s31, $0xb8;
	[tilespmem:$0x1A000] =	vst v63  }
0x19c: {  	_ = 	snop  }
0x19d: {  	[tilespmem:s5], [sflag:$0x4] =	stream.indirect.gather [spmem:s0], $0x1, s4, s31, $0xb8;
	[tilespmem:$0x1A000] =	vst v63  }
0x19e: {  	_ = 	snop  }
0x19f: {  	[tilespmem:s10], [sflag:$0x4] =	stream.indirect.gather [spmem:s0], $0x1, s9, s31, $0xb8;
	[tilespmem:$0x1A000] =	vst v63  }
0x1a0: {  	_ = 	snop  }
0x1a1: {  	[tilespmem:s12], [sflag:$0x4] =	stream.indirect.gather [spmem:s0], $0x1, s11, s31, $0xb8;
	[tilespmem:$0x1A000] =	vst v63  }
0x1a2: {  	_ = 	snop  }
0x1a3: {  	[tilespmem:s14], [sflag:$0x4] =	stream.indirect.gather [spmem:s0], $0x1, s13, s31, $0xb8;
	[tilespmem:$0x1A000] =	vst v63  }
0x1a4: {  	_ =	swait.ge [sflag:s6], $0x80  }
0x1a5: {  	[sflag:s6] =	ssyncset.done $0x0  }
0x1a6: {  	[sflag:s6] =	ssyncadd.s32 $0xFFFFFF80  }
0x1a7: {  	_ =	swait.ge [sflag:s6], $0x80  }
0x1a8: {  	[sflag:s6] =	ssyncset.done $0x0  }
0x1a9: {  	[sflag:s6] =	ssyncadd.s32 $0xFFFFFF80  }
0x1aa: {  	_ =	swait.ge [sflag:s6], $0x80  }
0x1ab: {  	[sflag:s6] =	ssyncset.done $0x0  }
0x1ac: {  	[sflag:s6] =	ssyncadd.s32 $0xFFFFFF80  }
0x1ad: {  	_ =	swait.ge [sflag:s6], $0x80  }
0x1ae: {  	[sflag:s6] =	ssyncset.done $0x0  }
0x1af: {  	[sflag:s6] =	ssyncadd.s32 $0xFFFFFF80  }
0x1b0: {  	_ =	swait.ge [sflag:s6], $0x80  }
0x1b1: {  	[sflag:s6] =	ssyncset.done $0x0  }
0x1b2: {  	[sflag:s6] =	ssyncadd.s32 $0xFFFFFF80  }
0x1b3: {  	_ =	swait.ge [sflag:s6], $0x80  }
0x1b4: {  	[sflag:s6] =	ssyncset.done $0x0  }
0x1b5: {  	[sflag:s6] =	ssyncadd.s32 $0xFFFFFF80  }
0x1b6: {  	_ =	swait.ge [sflag:s6], $0x80  }
0x1b7: {  	[sflag:s6] =	ssyncset.done $0x0  }
0x1b8: {  	[sflag:s6] =	ssyncadd.s32 $0xFFFFFF80  }
0x1b9: {  	_ =	swait.ge [sflag:s6], $0x80  }
0x1ba: {  	s18 =	simm.s32 $0x0;
	[sflag:s6] =	ssyncset.done $0x0  }
.LBB2_4:
0x1bb: {  	s18 =	sadd.s32 $0x8, s18;
	[sflag:s6] =	ssyncadd.s32 $0xFFFFFF80  }
0x1bc: {  	_ =	swait.ge [sflag:s6], $0x80;
	p1 =	slt.u32 s18, $0x48  }
0x1bd: {  	[sflag:s6] =	ssyncset.done $0x0  }
0x1be: {  	[sflag:s6] =	ssyncadd.s32 $0xFFFFFF80  }
0x1bf: {  	_ =	swait.ge [sflag:s6], $0x80  }
0x1c0: {  	[sflag:s6] =	ssyncset.done $0x0  }
0x1c1: {  	[sflag:s6] =	ssyncadd.s32 $0xFFFFFF80  }
0x1c2: {  	_ =	swait.ge [sflag:s6], $0x80  }
0x1c3: {  	[sflag:s6] =	ssyncset.done $0x0  }
0x1c4: {  	[sflag:s6] =	ssyncadd.s32 $0xFFFFFF80  }
0x1c5: {  	_ =	swait.ge [sflag:s6], $0x80  }
0x1c6: {  	[sflag:s6] =	ssyncset.done $0x0  }
0x1c7: {  	[sflag:s6] =	ssyncadd.s32 $0xFFFFFF80  }
0x1c8: {  	_ =	swait.ge [sflag:s6], $0x80  }
0x1c9: {  	[sflag:s6] =	ssyncset.done $0x0  }
0x1ca: {  	[sflag:s6] =	ssyncadd.s32 $0xFFFFFF80  }
0x1cb: {  	_ =	swait.ge [sflag:s6], $0x80  }
0x1cc: {  	[sflag:s6] =	ssyncset.done $0x0  }
0x1cd: {  	[sflag:s6] =	ssyncadd.s32 $0xFFFFFF80  }
.Ltmp1:
0x1ce: {  	_ =	swait.ge [sflag:s6], $0x80;
	(pc) =	sbr.rel @p1 .LBB2_4-.Ltmp1, $4  }
0x1cf: {  	[sflag:s6] =	ssyncset.done $0x0  }
0x1d0: {  	[sflag:s6] =	ssyncadd.s32 $0xFFFFFF80  }
0x1d1: {  	_ =	swait.ge [sflag:s6], $0x80  }
0x1d2: {  	[sflag:s6] =	ssyncset.done $0x0  }
0x1d3: {  	[sflag:s6] =	ssyncadd.s32 $0xFFFFFF80;
	s18 =	rddreg [dreg:$0x9]  }
0x1d4: {  	[hbm4b:s18+s25] =	stream.strided.scatter [tilespmem:s8], [sflag:$0x6], $0x2800, s26, s25, $0x38;
	[tilespmem:$0x1A000] =	vst v63  }
0x1d5: {  	_ =	swait.ge [sflag:s15], $0x2800  }
0x1d6: {  	[sflag:s15] =	ssyncset.done $0x0  }
0x1d7: {  	[sflag:s15] =	ssyncadd.s32 $0xFFFFD800  }
0x1d8: {  	_ =	swait.ge [sflag:s29], $0x2800  }
0x1d9: {  	[sflag:s29] =	ssyncset.done $0x0  }
0x1da: {  	s21 =	rddreg [dreg:$0xa];
	[sflag:s29] =	ssyncadd.s32 $0xFFFFD800  }
0x1db: {  	[tilespmem:s30], [sflag:$0x3] =	stream.strided.gather [hbm4b:s21+s25], $0x2800, s26, s25, $0x38;
	[tilespmem:$0x1A000] =	vst v63  }
0x1dc: {  	_ = 	snop  }
0x1dd: {  	[tilespmem:s17], [sflag:$0x4] =	stream.indirect.gather [spmem:s0], $0x1, s28, s31, $0xb8;
	[tilespmem:$0x1A000] =	vst v63  }
0x1de: {  	_ = 	snop  }
0x1df: {  	[tilespmem:s20], [sflag:$0x4] =	stream.indirect.gather [spmem:s0], $0x1, s19, s31, $0xb8;
	[tilespmem:$0x1A000] =	vst v63  }
0x1e0: {  	s18 =	simm.s32 $0x10080;
	s21 =	simm.s32 $0x15080  }
0x1e1: {  	[tilespmem:s21], [sflag:$0x4] =	stream.indirect.gather [spmem:s0], $0x1, s18, s31, $0xb8;
	[tilespmem:$0x1A000] =	vst v63  }
0x1e2: {  	s18 =	simm.s32 $0x10480;
	s21 =	simm.s32 $0x15480  }
0x1e3: {  	[tilespmem:s21], [sflag:$0x4] =	stream.indirect.gather [spmem:s0], $0x1, s18, s31, $0xb8;
	[tilespmem:$0x1A000] =	vst v63  }
0x1e4: {  	s18 =	simm.s32 $0x10100;
	s21 =	simm.s32 $0x15100  }
0x1e5: {  	[tilespmem:s21], [sflag:$0x4] =	stream.indirect.gather [spmem:s0], $0x1, s18, s31, $0xb8;
	[tilespmem:$0x1A000] =	vst v63  }
0x1e6: {  	s18 =	simm.s32 $0x10500;
	s21 =	simm.s32 $0x15500  }
0x1e7: {  	[tilespmem:s21], [sflag:$0x4] =	stream.indirect.gather [spmem:s0], $0x1, s18, s31, $0xb8;
	[tilespmem:$0x1A000] =	vst v63  }
0x1e8: {  	s18 =	simm.s32 $0x10180;
	s21 =	simm.s32 $0x15180  }
0x1e9: {  	[tilespmem:s21], [sflag:$0x4] =	stream.indirect.gather [spmem:s0], $0x1, s18, s31, $0xb8;
	[tilespmem:$0x1A000] =	vst v63  }
0x1ea: {  	s18 =	simm.s32 $0x10580;
	s21 =	simm.s32 $0x15580  }
0x1eb: {  	[tilespmem:s21], [sflag:$0x4] =	stream.indirect.gather [spmem:s0], $0x1, s18, s31, $0xb8;
	[tilespmem:$0x1A000] =	vst v63  }
0x1ec: {  	s18 =	simm.s32 $0x10200;
	s21 =	simm.s32 $0x15200  }
0x1ed: {  	[tilespmem:s21], [sflag:$0x4] =	stream.indirect.gather [spmem:s0], $0x1, s18, s31, $0xb8;
	[tilespmem:$0x1A000] =	vst v63  }
0x1ee: {  	s18 =	simm.s32 $0x10600;
	s21 =	simm.s32 $0x15600  }
0x1ef: {  	[tilespmem:s21], [sflag:$0x4] =	stream.indirect.gather [spmem:s0], $0x1, s18, s31, $0xb8;
	[tilespmem:$0x1A000] =	vst v63  }
0x1f0: {  	s18 =	simm.s32 $0x10280;
	s21 =	simm.s32 $0x15280  }
0x1f1: {  	[tilespmem:s21], [sflag:$0x4] =	stream.indirect.gather [spmem:s0], $0x1, s18, s31, $0xb8;
	[tilespmem:$0x1A000] =	vst v63  }
0x1f2: {  	s18 =	simm.s32 $0x10680;
	s21 =	simm.s32 $0x15680  }
0x1f3: {  	[tilespmem:s21], [sflag:$0x4] =	stream.indirect.gather [spmem:s0], $0x1, s18, s31, $0xb8;
	[tilespmem:$0x1A000] =	vst v63  }
0x1f4: {  	s18 =	simm.s32 $0x10300;
	s21 =	simm.s32 $0x15300  }
0x1f5: {  	[tilespmem:s21], [sflag:$0x4] =	stream.indirect.gather [spmem:s0], $0x1, s18, s31, $0xb8;
	[tilespmem:$0x1A000] =	vst v63  }
0x1f6: {  	s18 =	simm.s32 $0x10700;
	s21 =	simm.s32 $0x15700  }
0x1f7: {  	[tilespmem:s21], [sflag:$0x4] =	stream.indirect.gather [spmem:s0], $0x1, s18, s31, $0xb8;
	[tilespmem:$0x1A000] =	vst v63  }
0x1f8: {  	s18 =	simm.s32 $0x10380;
	s21 =	simm.s32 $0x15380  }
0x1f9: {  	[tilespmem:s21], [sflag:$0x4] =	stream.indirect.gather [spmem:s0], $0x1, s18, s31, $0xb8;
	[tilespmem:$0x1A000] =	vst v63  }
0x1fa: {  	s18 =	simm.s32 $0x10780;
	s21 =	simm.s32 $0x15780  }
0x1fb: {  	[tilespmem:s21], [sflag:$0x4] =	stream.indirect.gather [spmem:s0], $0x1, s18, s31, $0xb8;
	[tilespmem:$0x1A000] =	vst v63  }
0x1fc: {  	s18 =	simm.s32 $0x10800;
	s21 =	simm.s32 $0x15800  }
0x1fd: {  	[tilespmem:s21], [sflag:$0x4] =	stream.indirect.gather [spmem:s0], $0x1, s18, s31, $0xb8;
	[tilespmem:$0x1A000] =	vst v63  }
0x1fe: {  	s18 =	simm.s32 $0x10C00;
	s21 =	simm.s32 $0x15C00  }
0x1ff: {  	[tilespmem:s21], [sflag:$0x4] =	stream.indirect.gather [spmem:s0], $0x1, s18, s31, $0xb8;
	[tilespmem:$0x1A000] =	vst v63  }
0x200: {  	s18 =	simm.s32 $0x10880;
	s21 =	simm.s32 $0x15880  }
0x201: {  	[tilespmem:s21], [sflag:$0x4] =	stream.indirect.gather [spmem:s0], $0x1, s18, s31, $0xb8;
	[tilespmem:$0x1A000] =	vst v63  }
0x202: {  	s18 =	simm.s32 $0x10C80;
	s21 =	simm.s32 $0x15C80  }
0x203: {  	[tilespmem:s21], [sflag:$0x4] =	stream.indirect.gather [spmem:s0], $0x1, s18, s31, $0xb8;
	[tilespmem:$0x1A000] =	vst v63  }
0x204: {  	s18 =	simm.s32 $0x10900;
	s21 =	simm.s32 $0x15900  }
0x205: {  	[tilespmem:s21], [sflag:$0x4] =	stream.indirect.gather [spmem:s0], $0x1, s18, s31, $0xb8;
	[tilespmem:$0x1A000] =	vst v63  }
0x206: {  	s18 =	simm.s32 $0x10D00;
	s21 =	simm.s32 $0x15D00  }
0x207: {  	[tilespmem:s21], [sflag:$0x4] =	stream.indirect.gather [spmem:s0], $0x1, s18, s31, $0xb8;
	[tilespmem:$0x1A000] =	vst v63  }
0x208: {  	s18 =	simm.s32 $0x10980;
	s21 =	simm.s32 $0x15980  }
0x209: {  	[tilespmem:s21], [sflag:$0x4] =	stream.indirect.gather [spmem:s0], $0x1, s18, s31, $0xb8;
	[tilespmem:$0x1A000] =	vst v63  }
0x20a: {  	s18 =	simm.s32 $0x10D80;
	s21 =	simm.s32 $0x15D80  }
0x20b: {  	[tilespmem:s21], [sflag:$0x4] =	stream.indirect.gather [spmem:s0], $0x1, s18, s31, $0xb8;
	[tilespmem:$0x1A000] =	vst v63  }
0x20c: {  	s18 =	simm.s32 $0x10A00;
	s21 =	simm.s32 $0x15A00  }
0x20d: {  	[tilespmem:s21], [sflag:$0x4] =	stream.indirect.gather [spmem:s0], $0x1, s18, s31, $0xb8;
	[tilespmem:$0x1A000] =	vst v63  }
0x20e: {  	s18 =	simm.s32 $0x10E00;
	s21 =	simm.s32 $0x15E00  }
0x20f: {  	[tilespmem:s21], [sflag:$0x4] =	stream.indirect.gather [spmem:s0], $0x1, s18, s31, $0xb8;
	[tilespmem:$0x1A000] =	vst v63  }
0x210: {  	s18 =	simm.s32 $0x10A80;
	s21 =	simm.s32 $0x15A80  }
0x211: {  	[tilespmem:s21], [sflag:$0x4] =	stream.indirect.gather [spmem:s0], $0x1, s18, s31, $0xb8;
	[tilespmem:$0x1A000] =	vst v63  }
0x212: {  	s18 =	simm.s32 $0x10E80;
	s21 =	simm.s32 $0x15E80  }
0x213: {  	[tilespmem:s21], [sflag:$0x4] =	stream.indirect.gather [spmem:s0], $0x1, s18, s31, $0xb8;
	[tilespmem:$0x1A000] =	vst v63  }
0x214: {  	s18 =	simm.s32 $0x10B00;
	s21 =	simm.s32 $0x15B00  }
0x215: {  	[tilespmem:s21], [sflag:$0x4] =	stream.indirect.gather [spmem:s0], $0x1, s18, s31, $0xb8;
	[tilespmem:$0x1A000] =	vst v63  }
0x216: {  	s18 =	simm.s32 $0x10F00;
	s21 =	simm.s32 $0x15F00  }
0x217: {  	[tilespmem:s21], [sflag:$0x4] =	stream.indirect.gather [spmem:s0], $0x1, s18, s31, $0xb8;
	[tilespmem:$0x1A000] =	vst v63  }
0x218: {  	s18 =	simm.s32 $0x10B80;
	s21 =	simm.s32 $0x15B80  }
0x219: {  	[tilespmem:s21], [sflag:$0x4] =	stream.indirect.gather [spmem:s0], $0x1, s18, s31, $0xb8;
	[tilespmem:$0x1A000] =	vst v63  }
0x21a: {  	s18 =	simm.s32 $0x10F80;
	s21 =	simm.s32 $0x15F80  }
0x21b: {  	[tilespmem:s21], [sflag:$0x4] =	stream.indirect.gather [spmem:s0], $0x1, s18, s31, $0xb8;
	[tilespmem:$0x1A000] =	vst v63  }
0x21c: {  	s18 =	simm.s32 $0x11000;
	s21 =	simm.s32 $0x16000  }
0x21d: {  	[tilespmem:s21], [sflag:$0x4] =	stream.indirect.gather [spmem:s0], $0x1, s18, s31, $0xb8;
	[tilespmem:$0x1A000] =	vst v63  }
0x21e: {  	s18 =	simm.s32 $0x11400;
	s21 =	simm.s32 $0x16400  }
0x21f: {  	[tilespmem:s21], [sflag:$0x4] =	stream.indirect.gather [spmem:s0], $0x1, s18, s31, $0xb8;
	[tilespmem:$0x1A000] =	vst v63  }
0x220: {  	s18 =	simm.s32 $0x11080;
	s21 =	simm.s32 $0x16080  }
0x221: {  	[tilespmem:s21], [sflag:$0x4] =	stream.indirect.gather [spmem:s0], $0x1, s18, s31, $0xb8;
	[tilespmem:$0x1A000] =	vst v63  }
0x222: {  	s18 =	simm.s32 $0x11480;
	s21 =	simm.s32 $0x16480  }
0x223: {  	[tilespmem:s21], [sflag:$0x4] =	stream.indirect.gather [spmem:s0], $0x1, s18, s31, $0xb8;
	[tilespmem:$0x1A000] =	vst v63  }
0x224: {  	s18 =	simm.s32 $0x11100;
	s21 =	simm.s32 $0x16100  }
0x225: {  	[tilespmem:s21], [sflag:$0x4] =	stream.indirect.gather [spmem:s0], $0x1, s18, s31, $0xb8;
	[tilespmem:$0x1A000] =	vst v63  }
0x226: {  	s18 =	simm.s32 $0x11500;
	s21 =	simm.s32 $0x16500  }
0x227: {  	[tilespmem:s21], [sflag:$0x4] =	stream.indirect.gather [spmem:s0], $0x1, s18, s31, $0xb8;
	[tilespmem:$0x1A000] =	vst v63  }
0x228: {  	s18 =	simm.s32 $0x11180;
	s21 =	simm.s32 $0x16180  }
0x229: {  	[tilespmem:s21], [sflag:$0x4] =	stream.indirect.gather [spmem:s0], $0x1, s18, s31, $0xb8;
	[tilespmem:$0x1A000] =	vst v63  }
0x22a: {  	s18 =	simm.s32 $0x11580;
	s21 =	simm.s32 $0x16580  }
0x22b: {  	[tilespmem:s21], [sflag:$0x4] =	stream.indirect.gather [spmem:s0], $0x1, s18, s31, $0xb8;
	[tilespmem:$0x1A000] =	vst v63  }
0x22c: {  	s18 =	simm.s32 $0x11200;
	s21 =	simm.s32 $0x16200  }
0x22d: {  	[tilespmem:s21], [sflag:$0x4] =	stream.indirect.gather [spmem:s0], $0x1, s18, s31, $0xb8;
	[tilespmem:$0x1A000] =	vst v63  }
0x22e: {  	s18 =	simm.s32 $0x11600;
	s21 =	simm.s32 $0x16600  }
0x22f: {  	[tilespmem:s21], [sflag:$0x4] =	stream.indirect.gather [spmem:s0], $0x1, s18, s31, $0xb8;
	[tilespmem:$0x1A000] =	vst v63  }
0x230: {  	s18 =	simm.s32 $0x11280;
	s21 =	simm.s32 $0x16280  }
0x231: {  	[tilespmem:s21], [sflag:$0x4] =	stream.indirect.gather [spmem:s0], $0x1, s18, s31, $0xb8;
	[tilespmem:$0x1A000] =	vst v63  }
0x232: {  	s18 =	simm.s32 $0x11680;
	s21 =	simm.s32 $0x16680  }
0x233: {  	[tilespmem:s21], [sflag:$0x4] =	stream.indirect.gather [spmem:s0], $0x1, s18, s31, $0xb8;
	[tilespmem:$0x1A000] =	vst v63  }
0x234: {  	s18 =	simm.s32 $0x11300;
	s21 =	simm.s32 $0x16300  }
0x235: {  	[tilespmem:s21], [sflag:$0x4] =	stream.indirect.gather [spmem:s0], $0x1, s18, s31, $0xb8;
	[tilespmem:$0x1A000] =	vst v63  }
0x236: {  	s18 =	simm.s32 $0x11700;
	s21 =	simm.s32 $0x16700  }
0x237: {  	[tilespmem:s21], [sflag:$0x4] =	stream.indirect.gather [spmem:s0], $0x1, s18, s31, $0xb8;
	[tilespmem:$0x1A000] =	vst v63  }
0x238: {  	s18 =	simm.s32 $0x11380;
	s21 =	simm.s32 $0x16380  }
0x239: {  	[tilespmem:s21], [sflag:$0x4] =	stream.indirect.gather [spmem:s0], $0x1, s18, s31, $0xb8;
	[tilespmem:$0x1A000] =	vst v63  }
0x23a: {  	s18 =	simm.s32 $0x11780;
	s21 =	simm.s32 $0x16780  }
0x23b: {  	[tilespmem:s21], [sflag:$0x4] =	stream.indirect.gather [spmem:s0], $0x1, s18, s31, $0xb8;
	[tilespmem:$0x1A000] =	vst v63  }
0x23c: {  	s18 =	simm.s32 $0x11800;
	s21 =	simm.s32 $0x16800  }
0x23d: {  	[tilespmem:s21], [sflag:$0x4] =	stream.indirect.gather [spmem:s0], $0x1, s18, s31, $0xb8;
	[tilespmem:$0x1A000] =	vst v63  }
0x23e: {  	s18 =	simm.s32 $0x11C00;
	s21 =	simm.s32 $0x16C00  }
0x23f: {  	[tilespmem:s21], [sflag:$0x4] =	stream.indirect.gather [spmem:s0], $0x1, s18, s31, $0xb8;
	[tilespmem:$0x1A000] =	vst v63  }
0x240: {  	s18 =	simm.s32 $0x11880;
	s21 =	simm.s32 $0x16880  }
0x241: {  	[tilespmem:s21], [sflag:$0x4] =	stream.indirect.gather [spmem:s0], $0x1, s18, s31, $0xb8;
	[tilespmem:$0x1A000] =	vst v63  }
0x242: {  	s18 =	simm.s32 $0x11C80;
	s21 =	simm.s32 $0x16C80  }
0x243: {  	[tilespmem:s21], [sflag:$0x4] =	stream.indirect.gather [spmem:s0], $0x1, s18, s31, $0xb8;
	[tilespmem:$0x1A000] =	vst v63  }
0x244: {  	s18 =	simm.s32 $0x11900;
	s21 =	simm.s32 $0x16900  }
0x245: {  	[tilespmem:s21], [sflag:$0x4] =	stream.indirect.gather [spmem:s0], $0x1, s18, s31, $0xb8;
	[tilespmem:$0x1A000] =	vst v63  }
0x246: {  	s18 =	simm.s32 $0x11D00;
	s21 =	simm.s32 $0x16D00  }
0x247: {  	[tilespmem:s21], [sflag:$0x4] =	stream.indirect.gather [spmem:s0], $0x1, s18, s31, $0xb8;
	[tilespmem:$0x1A000] =	vst v63  }
0x248: {  	s18 =	simm.s32 $0x11980;
	s21 =	simm.s32 $0x16980  }
0x249: {  	[tilespmem:s21], [sflag:$0x4] =	stream.indirect.gather [spmem:s0], $0x1, s18, s31, $0xb8;
	[tilespmem:$0x1A000] =	vst v63  }
0x24a: {  	s18 =	simm.s32 $0x11D80;
	s21 =	simm.s32 $0x16D80  }
0x24b: {  	[tilespmem:s21], [sflag:$0x4] =	stream.indirect.gather [spmem:s0], $0x1, s18, s31, $0xb8;
	[tilespmem:$0x1A000] =	vst v63  }
0x24c: {  	s18 =	simm.s32 $0x11A00;
	s21 =	simm.s32 $0x16A00  }
0x24d: {  	[tilespmem:s21], [sflag:$0x4] =	stream.indirect.gather [spmem:s0], $0x1, s18, s31, $0xb8;
	[tilespmem:$0x1A000] =	vst v63  }
0x24e: {  	s18 =	simm.s32 $0x11E00;
	s21 =	simm.s32 $0x16E00  }
0x24f: {  	[tilespmem:s21], [sflag:$0x4] =	stream.indirect.gather [spmem:s0], $0x1, s18, s31, $0xb8;
	[tilespmem:$0x1A000] =	vst v63  }
0x250: {  	s18 =	simm.s32 $0x11A80;
	s21 =	simm.s32 $0x16A80  }
0x251: {  	[tilespmem:s21], [sflag:$0x4] =	stream.indirect.gather [spmem:s0], $0x1, s18, s31, $0xb8;
	[tilespmem:$0x1A000] =	vst v63  }
0x252: {  	s18 =	simm.s32 $0x11E80;
	s21 =	simm.s32 $0x16E80  }
0x253: {  	[tilespmem:s21], [sflag:$0x4] =	stream.indirect.gather [spmem:s0], $0x1, s18, s31, $0xb8;
	[tilespmem:$0x1A000] =	vst v63  }
0x254: {  	s18 =	simm.s32 $0x11B00;
	s21 =	simm.s32 $0x16B00  }
0x255: {  	[tilespmem:s21], [sflag:$0x4] =	stream.indirect.gather [spmem:s0], $0x1, s18, s31, $0xb8;
	[tilespmem:$0x1A000] =	vst v63  }
0x256: {  	s18 =	simm.s32 $0x11F00;
	s21 =	simm.s32 $0x16F00  }
0x257: {  	[tilespmem:s21], [sflag:$0x4] =	stream.indirect.gather [spmem:s0], $0x1, s18, s31, $0xb8;
	[tilespmem:$0x1A000] =	vst v63  }
0x258: {  	s18 =	simm.s32 $0x11B80;
	s21 =	simm.s32 $0x16B80  }
0x259: {  	[tilespmem:s21], [sflag:$0x4] =	stream.indirect.gather [spmem:s0], $0x1, s18, s31, $0xb8;
	[tilespmem:$0x1A000] =	vst v63  }
0x25a: {  	s18 =	simm.s32 $0x11F80;
	s21 =	simm.s32 $0x16F80  }
0x25b: {  	[tilespmem:s21], [sflag:$0x4] =	stream.indirect.gather [spmem:s0], $0x1, s18, s31, $0xb8;
	[tilespmem:$0x1A000] =	vst v63  }
0x25c: {  	s18 =	simm.s32 $0x12000;
	s21 =	simm.s32 $0x17000  }
0x25d: {  	[tilespmem:s21], [sflag:$0x4] =	stream.indirect.gather [spmem:s0], $0x1, s18, s31, $0xb8;
	[tilespmem:$0x1A000] =	vst v63  }
0x25e: {  	s18 =	simm.s32 $0x12400;
	s21 =	simm.s32 $0x17400  }
0x25f: {  	[tilespmem:s21], [sflag:$0x4] =	stream.indirect.gather [spmem:s0], $0x1, s18, s31, $0xb8;
	[tilespmem:$0x1A000] =	vst v63  }
0x260: {  	s18 =	simm.s32 $0x12080;
	s21 =	simm.s32 $0x17080  }
0x261: {  	[tilespmem:s21], [sflag:$0x4] =	stream.indirect.gather [spmem:s0], $0x1, s18, s31, $0xb8;
	[tilespmem:$0x1A000] =	vst v63  }
0x262: {  	s18 =	simm.s32 $0x12480;
	s21 =	simm.s32 $0x17480  }
0x263: {  	[tilespmem:s21], [sflag:$0x4] =	stream.indirect.gather [spmem:s0], $0x1, s18, s31, $0xb8;
	[tilespmem:$0x1A000] =	vst v63  }
0x264: {  	s18 =	simm.s32 $0x12100;
	s21 =	simm.s32 $0x17100  }
0x265: {  	[tilespmem:s21], [sflag:$0x4] =	stream.indirect.gather [spmem:s0], $0x1, s18, s31, $0xb8;
	[tilespmem:$0x1A000] =	vst v63  }
0x266: {  	s18 =	simm.s32 $0x12500;
	s21 =	simm.s32 $0x17500  }
0x267: {  	[tilespmem:s21], [sflag:$0x4] =	stream.indirect.gather [spmem:s0], $0x1, s18, s31, $0xb8;
	[tilespmem:$0x1A000] =	vst v63  }
0x268: {  	s18 =	simm.s32 $0x12180;
	s21 =	simm.s32 $0x17180  }
0x269: {  	[tilespmem:s21], [sflag:$0x4] =	stream.indirect.gather [spmem:s0], $0x1, s18, s31, $0xb8;
	[tilespmem:$0x1A000] =	vst v63  }
0x26a: {  	s18 =	simm.s32 $0x12580;
	s21 =	simm.s32 $0x17580  }
0x26b: {  	[tilespmem:s21], [sflag:$0x4] =	stream.indirect.gather [spmem:s0], $0x1, s18, s31, $0xb8;
	[tilespmem:$0x1A000] =	vst v63  }
0x26c: {  	s18 =	simm.s32 $0x12200;
	s21 =	simm.s32 $0x17200  }
0x26d: {  	[tilespmem:s21], [sflag:$0x4] =	stream.indirect.gather [spmem:s0], $0x1, s18, s31, $0xb8;
	[tilespmem:$0x1A000] =	vst v63  }
0x26e: {  	s18 =	simm.s32 $0x12600;
	s21 =	simm.s32 $0x17600  }
0x26f: {  	[tilespmem:s21], [sflag:$0x4] =	stream.indirect.gather [spmem:s0], $0x1, s18, s31, $0xb8;
	[tilespmem:$0x1A000] =	vst v63  }
0x270: {  	s18 =	simm.s32 $0x12280;
	s21 =	simm.s32 $0x17280  }
0x271: {  	[tilespmem:s21], [sflag:$0x4] =	stream.indirect.gather [spmem:s0], $0x1, s18, s31, $0xb8;
	[tilespmem:$0x1A000] =	vst v63  }
0x272: {  	s18 =	simm.s32 $0x12680;
	s21 =	simm.s32 $0x17680  }
0x273: {  	[tilespmem:s21], [sflag:$0x4] =	stream.indirect.gather [spmem:s0], $0x1, s18, s31, $0xb8;
	[tilespmem:$0x1A000] =	vst v63  }
0x274: {  	s18 =	simm.s32 $0x12300;
	s21 =	simm.s32 $0x17300  }
0x275: {  	[tilespmem:s21], [sflag:$0x4] =	stream.indirect.gather [spmem:s0], $0x1, s18, s31, $0xb8;
	[tilespmem:$0x1A000] =	vst v63  }
0x276: {  	s18 =	simm.s32 $0x12700;
	s21 =	simm.s32 $0x17700  }
0x277: {  	[tilespmem:s21], [sflag:$0x4] =	stream.indirect.gather [spmem:s0], $0x1, s18, s31, $0xb8;
	[tilespmem:$0x1A000] =	vst v63  }
0x278: {  	s18 =	simm.s32 $0x12380;
	s21 =	simm.s32 $0x17380  }
0x279: {  	[tilespmem:s21], [sflag:$0x4] =	stream.indirect.gather [spmem:s0], $0x1, s18, s31, $0xb8;
	[tilespmem:$0x1A000] =	vst v63  }
0x27a: {  	s18 =	simm.s32 $0x12780;
	s21 =	simm.s32 $0x17780  }
0x27b: {  	[tilespmem:s21], [sflag:$0x4] =	stream.indirect.gather [spmem:s0], $0x1, s18, s31, $0xb8;
	[tilespmem:$0x1A000] =	vst v63  }
0x27c: {  	_ =	swait.ge [sflag:s6], $0x80  }
0x27d: {  	[sflag:s6] =	ssyncset.done $0x0  }
0x27e: {  	[sflag:s6] =	ssyncadd.s32 $0xFFFFFF80  }
0x27f: {  	_ =	swait.ge [sflag:s6], $0x80  }
0x280: {  	[sflag:s6] =	ssyncset.done $0x0  }
0x281: {  	[sflag:s6] =	ssyncadd.s32 $0xFFFFFF80  }
0x282: {  	_ =	swait.ge [sflag:s6], $0x80  }
0x283: {  	[sflag:s6] =	ssyncset.done $0x0  }
0x284: {  	[sflag:s6] =	ssyncadd.s32 $0xFFFFFF80  }
0x285: {  	_ =	swait.ge [sflag:s6], $0x80  }
0x286: {  	[sflag:s6] =	ssyncset.done $0x0  }
0x287: {  	[sflag:s6] =	ssyncadd.s32 $0xFFFFFF80  }
0x288: {  	_ =	swait.ge [sflag:s6], $0x80  }
0x289: {  	[sflag:s6] =	ssyncset.done $0x0  }
0x28a: {  	[sflag:s6] =	ssyncadd.s32 $0xFFFFFF80  }
0x28b: {  	_ =	swait.ge [sflag:s6], $0x80  }
0x28c: {  	[sflag:s6] =	ssyncset.done $0x0  }
0x28d: {  	[sflag:s6] =	ssyncadd.s32 $0xFFFFFF80  }
0x28e: {  	_ =	swait.ge [sflag:s6], $0x80  }
0x28f: {  	[sflag:s6] =	ssyncset.done $0x0  }
0x290: {  	[sflag:s6] =	ssyncadd.s32 $0xFFFFFF80  }
0x291: {  	_ =	swait.ge [sflag:s6], $0x80  }
0x292: {  	s18 =	simm.s32 $0x0;
	[sflag:s6] =	ssyncset.done $0x0  }
.LBB2_6:
0x293: {  	s18 =	sadd.s32 $0x8, s18;
	[sflag:s6] =	ssyncadd.s32 $0xFFFFFF80  }
0x294: {  	_ =	swait.ge [sflag:s6], $0x80;
	p1 =	slt.u32 s18, $0x48  }
0x295: {  	[sflag:s6] =	ssyncset.done $0x0  }
0x296: {  	[sflag:s6] =	ssyncadd.s32 $0xFFFFFF80  }
0x297: {  	_ =	swait.ge [sflag:s6], $0x80  }
0x298: {  	[sflag:s6] =	ssyncset.done $0x0  }
0x299: {  	[sflag:s6] =	ssyncadd.s32 $0xFFFFFF80  }
0x29a: {  	_ =	swait.ge [sflag:s6], $0x80  }
0x29b: {  	[sflag:s6] =	ssyncset.done $0x0  }
0x29c: {  	[sflag:s6] =	ssyncadd.s32 $0xFFFFFF80  }
0x29d: {  	_ =	swait.ge [sflag:s6], $0x80  }
0x29e: {  	[sflag:s6] =	ssyncset.done $0x0  }
0x29f: {  	[sflag:s6] =	ssyncadd.s32 $0xFFFFFF80  }
0x2a0: {  	_ =	swait.ge [sflag:s6], $0x80  }
0x2a1: {  	[sflag:s6] =	ssyncset.done $0x0  }
0x2a2: {  	[sflag:s6] =	ssyncadd.s32 $0xFFFFFF80  }
0x2a3: {  	_ =	swait.ge [sflag:s6], $0x80  }
0x2a4: {  	[sflag:s6] =	ssyncset.done $0x0  }
0x2a5: {  	[sflag:s6] =	ssyncadd.s32 $0xFFFFFF80  }
.Ltmp2:
0x2a6: {  	_ =	swait.ge [sflag:s6], $0x80;
	(pc) =	sbr.rel @p1 .LBB2_6-.Ltmp2, $4  }
0x2a7: {  	[sflag:s6] =	ssyncset.done $0x0  }
0x2a8: {  	[sflag:s6] =	ssyncadd.s32 $0xFFFFFF80  }
0x2a9: {  	_ =	swait.ge [sflag:s6], $0x80  }
0x2aa: {  	[sflag:s6] =	ssyncset.done $0x0  }
0x2ab: {  	[sflag:s6] =	ssyncadd.s32 $0xFFFFFF80;
	s18 =	rddreg [dreg:$0xb]  }
0x2ac: {  	[hbm4b:s18+s25] =	stream.strided.scatter [tilespmem:s17], [sflag:$0x5], $0x2800, s26, s25, $0x38;
	[tilespmem:$0x1A000] =	vst v63  }
0x2ad: {  	_ =	swait.ge [sflag:s16], $0x2800  }
0x2ae: {  	[sflag:s16] =	ssyncset.done $0x0  }
0x2af: {  	[sflag:s16] =	ssyncadd.s32 $0xFFFFD800  }
0x2b0: {  	_ =	swait.ge [sflag:s7], $0x2800  }
0x2b1: {  	[sflag:s7] =	ssyncset.done $0x0  }
0x2b2: {  	s21 =	rddreg [dreg:$0xc];
	[sflag:s7] =	ssyncadd.s32 $0xFFFFD800  }
0x2b3: {  	[tilespmem:s28], [sflag:$0x2] =	stream.strided.gather [hbm4b:s21+s25], $0x2800, s26, s25, $0x38;
	[tilespmem:$0x1A000] =	vst v63  }
0x2b4: {  	_ = 	snop  }
0x2b5: {  	[tilespmem:s8], [sflag:$0x4] =	stream.indirect.gather [spmem:s0], $0x1, s30, s31, $0xb8;
	[tilespmem:$0x1A000] =	vst v63  }
0x2b6: {  	s18 =	simm.s32 $0x12C00;
	s21 =	simm.s32 $0x17C00  }
0x2b7: {  	[tilespmem:s21], [sflag:$0x4] =	stream.indirect.gather [spmem:s0], $0x1, s18, s31, $0xb8;
	[tilespmem:$0x1A000] =	vst v63  }
0x2b8: {  	s18 =	simm.s32 $0x12880;
	s21 =	simm.s32 $0x17880  }
0x2b9: {  	[tilespmem:s21], [sflag:$0x4] =	stream.indirect.gather [spmem:s0], $0x1, s18, s31, $0xb8;
	[tilespmem:$0x1A000] =	vst v63  }
0x2ba: {  	s18 =	simm.s32 $0x12C80;
	s21 =	simm.s32 $0x17C80  }
0x2bb: {  	[tilespmem:s21], [sflag:$0x4] =	stream.indirect.gather [spmem:s0], $0x1, s18, s31, $0xb8;
	[tilespmem:$0x1A000] =	vst v63  }
0x2bc: {  	s18 =	simm.s32 $0x12900;
	s21 =	simm.s32 $0x17900  }
0x2bd: {  	[tilespmem:s21], [sflag:$0x4] =	stream.indirect.gather [spmem:s0], $0x1, s18, s31, $0xb8;
	[tilespmem:$0x1A000] =	vst v63  }
0x2be: {  	s18 =	simm.s32 $0x12D00;
	s21 =	simm.s32 $0x17D00  }
0x2bf: {  	[tilespmem:s21], [sflag:$0x4] =	stream.indirect.gather [spmem:s0], $0x1, s18, s31, $0xb8;
	[tilespmem:$0x1A000] =	vst v63  }
0x2c0: {  	s18 =	simm.s32 $0x12980;
	s21 =	simm.s32 $0x17980  }
0x2c1: {  	[tilespmem:s21], [sflag:$0x4] =	stream.indirect.gather [spmem:s0], $0x1, s18, s31, $0xb8;
	[tilespmem:$0x1A000] =	vst v63  }
0x2c2: {  	s18 =	simm.s32 $0x12D80;
	s21 =	simm.s32 $0x17D80  }
0x2c3: {  	[tilespmem:s21], [sflag:$0x4] =	stream.indirect.gather [spmem:s0], $0x1, s18, s31, $0xb8;
	[tilespmem:$0x1A000] =	vst v63  }
0x2c4: {  	s18 =	simm.s32 $0x12A00;
	s21 =	simm.s32 $0x17A00  }
0x2c5: {  	[tilespmem:s21], [sflag:$0x4] =	stream.indirect.gather [spmem:s0], $0x1, s18, s31, $0xb8;
	[tilespmem:$0x1A000] =	vst v63  }
0x2c6: {  	s18 =	simm.s32 $0x12E00;
	s21 =	simm.s32 $0x17E00  }
0x2c7: {  	[tilespmem:s21], [sflag:$0x4] =	stream.indirect.gather [spmem:s0], $0x1, s18, s31, $0xb8;
	[tilespmem:$0x1A000] =	vst v63  }
0x2c8: {  	s18 =	simm.s32 $0x12A80;
	s21 =	simm.s32 $0x17A80  }
0x2c9: {  	[tilespmem:s21], [sflag:$0x4] =	stream.indirect.gather [spmem:s0], $0x1, s18, s31, $0xb8;
	[tilespmem:$0x1A000] =	vst v63  }
0x2ca: {  	s18 =	simm.s32 $0x12E80;
	s21 =	simm.s32 $0x17E80  }
0x2cb: {  	[tilespmem:s21], [sflag:$0x4] =	stream.indirect.gather [spmem:s0], $0x1, s18, s31, $0xb8;
	[tilespmem:$0x1A000] =	vst v63  }
0x2cc: {  	s18 =	simm.s32 $0x12B00;
	s21 =	simm.s32 $0x17B00  }
0x2cd: {  	[tilespmem:s21], [sflag:$0x4] =	stream.indirect.gather [spmem:s0], $0x1, s18, s31, $0xb8;
	[tilespmem:$0x1A000] =	vst v63  }
0x2ce: {  	s18 =	simm.s32 $0x12F00;
	s21 =	simm.s32 $0x17F00  }
0x2cf: {  	[tilespmem:s21], [sflag:$0x4] =	stream.indirect.gather [spmem:s0], $0x1, s18, s31, $0xb8;
	[tilespmem:$0x1A000] =	vst v63  }
0x2d0: {  	s18 =	simm.s32 $0x12B80;
	s21 =	simm.s32 $0x17B80  }
0x2d1: {  	[tilespmem:s21], [sflag:$0x4] =	stream.indirect.gather [spmem:s0], $0x1, s18, s31, $0xb8;
	[tilespmem:$0x1A000] =	vst v63  }
0x2d2: {  	s18 =	simm.s32 $0x12F80;
	s21 =	simm.s32 $0x17F80  }
0x2d3: {  	[tilespmem:s21], [sflag:$0x4] =	stream.indirect.gather [spmem:s0], $0x1, s18, s31, $0xb8;
	[tilespmem:$0x1A000] =	vst v63  }
0x2d4: {  	s18 =	simm.s32 $0x13000;
	s21 =	simm.s32 $0x18000  }
0x2d5: {  	[tilespmem:s21], [sflag:$0x4] =	stream.indirect.gather [spmem:s0], $0x1, s18, s31, $0xb8;
	[tilespmem:$0x1A000] =	vst v63  }
0x2d6: {  	s18 =	simm.s32 $0x13400;
	s21 =	simm.s32 $0x18400  }
0x2d7: {  	[tilespmem:s21], [sflag:$0x4] =	stream.indirect.gather [spmem:s0], $0x1, s18, s31, $0xb8;
	[tilespmem:$0x1A000] =	vst v63  }
0x2d8: {  	s18 =	simm.s32 $0x13080;
	s21 =	simm.s32 $0x18080  }
0x2d9: {  	[tilespmem:s21], [sflag:$0x4] =	stream.indirect.gather [spmem:s0], $0x1, s18, s31, $0xb8;
	[tilespmem:$0x1A000] =	vst v63  }
0x2da: {  	s18 =	simm.s32 $0x13480;
	s21 =	simm.s32 $0x18480  }
0x2db: {  	[tilespmem:s21], [sflag:$0x4] =	stream.indirect.gather [spmem:s0], $0x1, s18, s31, $0xb8;
	[tilespmem:$0x1A000] =	vst v63  }
0x2dc: {  	s18 =	simm.s32 $0x13100;
	s21 =	simm.s32 $0x18100  }
0x2dd: {  	[tilespmem:s21], [sflag:$0x4] =	stream.indirect.gather [spmem:s0], $0x1, s18, s31, $0xb8;
	[tilespmem:$0x1A000] =	vst v63  }
0x2de: {  	s18 =	simm.s32 $0x13500;
	s21 =	simm.s32 $0x18500  }
0x2df: {  	[tilespmem:s21], [sflag:$0x4] =	stream.indirect.gather [spmem:s0], $0x1, s18, s31, $0xb8;
	[tilespmem:$0x1A000] =	vst v63  }
0x2e0: {  	s18 =	simm.s32 $0x13180;
	s21 =	simm.s32 $0x18180  }
0x2e1: {  	[tilespmem:s21], [sflag:$0x4] =	stream.indirect.gather [spmem:s0], $0x1, s18, s31, $0xb8;
	[tilespmem:$0x1A000] =	vst v63  }
0x2e2: {  	s18 =	simm.s32 $0x13580;
	s21 =	simm.s32 $0x18580  }
0x2e3: {  	[tilespmem:s21], [sflag:$0x4] =	stream.indirect.gather [spmem:s0], $0x1, s18, s31, $0xb8;
	[tilespmem:$0x1A000] =	vst v63  }
0x2e4: {  	s18 =	simm.s32 $0x13200;
	s21 =	simm.s32 $0x18200  }
0x2e5: {  	[tilespmem:s21], [sflag:$0x4] =	stream.indirect.gather [spmem:s0], $0x1, s18, s31, $0xb8;
	[tilespmem:$0x1A000] =	vst v63  }
0x2e6: {  	s18 =	simm.s32 $0x13600;
	s21 =	simm.s32 $0x18600  }
0x2e7: {  	[tilespmem:s21], [sflag:$0x4] =	stream.indirect.gather [spmem:s0], $0x1, s18, s31, $0xb8;
	[tilespmem:$0x1A000] =	vst v63  }
0x2e8: {  	s18 =	simm.s32 $0x13280;
	s21 =	simm.s32 $0x18280  }
0x2e9: {  	[tilespmem:s21], [sflag:$0x4] =	stream.indirect.gather [spmem:s0], $0x1, s18, s31, $0xb8;
	[tilespmem:$0x1A000] =	vst v63  }
0x2ea: {  	s18 =	simm.s32 $0x13680;
	s21 =	simm.s32 $0x18680  }
0x2eb: {  	[tilespmem:s21], [sflag:$0x4] =	stream.indirect.gather [spmem:s0], $0x1, s18, s31, $0xb8;
	[tilespmem:$0x1A000] =	vst v63  }
0x2ec: {  	s18 =	simm.s32 $0x13300;
	s21 =	simm.s32 $0x18300  }
0x2ed: {  	[tilespmem:s21], [sflag:$0x4] =	stream.indirect.gather [spmem:s0], $0x1, s18, s31, $0xb8;
	[tilespmem:$0x1A000] =	vst v63  }
0x2ee: {  	s18 =	simm.s32 $0x13700;
	s21 =	simm.s32 $0x18700  }
0x2ef: {  	[tilespmem:s21], [sflag:$0x4] =	stream.indirect.gather [spmem:s0], $0x1, s18, s31, $0xb8;
	[tilespmem:$0x1A000] =	vst v63  }
0x2f0: {  	s18 =	simm.s32 $0x13380;
	s21 =	simm.s32 $0x18380  }
0x2f1: {  	[tilespmem:s21], [sflag:$0x4] =	stream.indirect.gather [spmem:s0], $0x1, s18, s31, $0xb8;
	[tilespmem:$0x1A000] =	vst v63  }
0x2f2: {  	s18 =	simm.s32 $0x13780;
	s21 =	simm.s32 $0x18780  }
0x2f3: {  	[tilespmem:s21], [sflag:$0x4] =	stream.indirect.gather [spmem:s0], $0x1, s18, s31, $0xb8;
	[tilespmem:$0x1A000] =	vst v63  }
0x2f4: {  	s18 =	simm.s32 $0x13800;
	s21 =	simm.s32 $0x18800  }
0x2f5: {  	[tilespmem:s21], [sflag:$0x4] =	stream.indirect.gather [spmem:s0], $0x1, s18, s31, $0xb8;
	[tilespmem:$0x1A000] =	vst v63  }
0x2f6: {  	s18 =	simm.s32 $0x13C00;
	s21 =	simm.s32 $0x18C00  }
0x2f7: {  	[tilespmem:s21], [sflag:$0x4] =	stream.indirect.gather [spmem:s0], $0x1, s18, s31, $0xb8;
	[tilespmem:$0x1A000] =	vst v63  }
0x2f8: {  	s18 =	simm.s32 $0x13880;
	s21 =	simm.s32 $0x18880  }
0x2f9: {  	[tilespmem:s21], [sflag:$0x4] =	stream.indirect.gather [spmem:s0], $0x1, s18, s31, $0xb8;
	[tilespmem:$0x1A000] =	vst v63  }
0x2fa: {  	s18 =	simm.s32 $0x13C80;
	s21 =	simm.s32 $0x18C80  }
0x2fb: {  	[tilespmem:s21], [sflag:$0x4] =	stream.indirect.gather [spmem:s0], $0x1, s18, s31, $0xb8;
	[tilespmem:$0x1A000] =	vst v63  }
0x2fc: {  	s18 =	simm.s32 $0x13900;
	s21 =	simm.s32 $0x18900  }
0x2fd: {  	[tilespmem:s21], [sflag:$0x4] =	stream.indirect.gather [spmem:s0], $0x1, s18, s31, $0xb8;
	[tilespmem:$0x1A000] =	vst v63  }
0x2fe: {  	s18 =	simm.s32 $0x13D00;
	s21 =	simm.s32 $0x18D00  }
0x2ff: {  	[tilespmem:s21], [sflag:$0x4] =	stream.indirect.gather [spmem:s0], $0x1, s18, s31, $0xb8;
	[tilespmem:$0x1A000] =	vst v63  }
0x300: {  	s18 =	simm.s32 $0x13980;
	s21 =	simm.s32 $0x18980  }
0x301: {  	[tilespmem:s21], [sflag:$0x4] =	stream.indirect.gather [spmem:s0], $0x1, s18, s31, $0xb8;
	[tilespmem:$0x1A000] =	vst v63  }
0x302: {  	s18 =	simm.s32 $0x13D80;
	s21 =	simm.s32 $0x18D80  }
0x303: {  	[tilespmem:s21], [sflag:$0x4] =	stream.indirect.gather [spmem:s0], $0x1, s18, s31, $0xb8;
	[tilespmem:$0x1A000] =	vst v63  }
0x304: {  	s18 =	simm.s32 $0x13A00;
	s21 =	simm.s32 $0x18A00  }
0x305: {  	[tilespmem:s21], [sflag:$0x4] =	stream.indirect.gather [spmem:s0], $0x1, s18, s31, $0xb8;
	[tilespmem:$0x1A000] =	vst v63  }
0x306: {  	s18 =	simm.s32 $0x13E00;
	s21 =	simm.s32 $0x18E00  }
0x307: {  	[tilespmem:s21], [sflag:$0x4] =	stream.indirect.gather [spmem:s0], $0x1, s18, s31, $0xb8;
	[tilespmem:$0x1A000] =	vst v63  }
0x308: {  	s18 =	simm.s32 $0x13A80;
	s21 =	simm.s32 $0x18A80  }
0x309: {  	[tilespmem:s21], [sflag:$0x4] =	stream.indirect.gather [spmem:s0], $0x1, s18, s31, $0xb8;
	[tilespmem:$0x1A000] =	vst v63  }
0x30a: {  	s18 =	simm.s32 $0x13E80;
	s21 =	simm.s32 $0x18E80  }
0x30b: {  	[tilespmem:s21], [sflag:$0x4] =	stream.indirect.gather [spmem:s0], $0x1, s18, s31, $0xb8;
	[tilespmem:$0x1A000] =	vst v63  }
0x30c: {  	s18 =	simm.s32 $0x13B00;
	s21 =	simm.s32 $0x18B00  }
0x30d: {  	[tilespmem:s21], [sflag:$0x4] =	stream.indirect.gather [spmem:s0], $0x1, s18, s31, $0xb8;
	[tilespmem:$0x1A000] =	vst v63  }
0x30e: {  	s18 =	simm.s32 $0x13F00;
	s21 =	simm.s32 $0x18F00  }
0x30f: {  	[tilespmem:s21], [sflag:$0x4] =	stream.indirect.gather [spmem:s0], $0x1, s18, s31, $0xb8;
	[tilespmem:$0x1A000] =	vst v63  }
0x310: {  	s18 =	simm.s32 $0x13B80;
	s21 =	simm.s32 $0x18B80  }
0x311: {  	[tilespmem:s21], [sflag:$0x4] =	stream.indirect.gather [spmem:s0], $0x1, s18, s31, $0xb8;
	[tilespmem:$0x1A000] =	vst v63  }
0x312: {  	s18 =	simm.s32 $0x13F80;
	s21 =	simm.s32 $0x18F80  }
0x313: {  	[tilespmem:s21], [sflag:$0x4] =	stream.indirect.gather [spmem:s0], $0x1, s18, s31, $0xb8;
	[tilespmem:$0x1A000] =	vst v63  }
0x314: {  	s18 =	simm.s32 $0x14000;
	s21 =	simm.s32 $0x19000  }
0x315: {  	[tilespmem:s21], [sflag:$0x4] =	stream.indirect.gather [spmem:s0], $0x1, s18, s31, $0xb8;
	[tilespmem:$0x1A000] =	vst v63  }
0x316: {  	s18 =	simm.s32 $0x14400;
	s21 =	simm.s32 $0x19400  }
0x317: {  	[tilespmem:s21], [sflag:$0x4] =	stream.indirect.gather [spmem:s0], $0x1, s18, s31, $0xb8;
	[tilespmem:$0x1A000] =	vst v63  }
0x318: {  	s18 =	simm.s32 $0x14080;
	s21 =	simm.s32 $0x19080  }
0x319: {  	[tilespmem:s21], [sflag:$0x4] =	stream.indirect.gather [spmem:s0], $0x1, s18, s31, $0xb8;
	[tilespmem:$0x1A000] =	vst v63  }
0x31a: {  	s18 =	simm.s32 $0x14480;
	s21 =	simm.s32 $0x19480  }
0x31b: {  	[tilespmem:s21], [sflag:$0x4] =	stream.indirect.gather [spmem:s0], $0x1, s18, s31, $0xb8;
	[tilespmem:$0x1A000] =	vst v63  }
0x31c: {  	s18 =	simm.s32 $0x14100;
	s21 =	simm.s32 $0x19100  }
0x31d: {  	[tilespmem:s21], [sflag:$0x4] =	stream.indirect.gather [spmem:s0], $0x1, s18, s31, $0xb8;
	[tilespmem:$0x1A000] =	vst v63  }
0x31e: {  	s18 =	simm.s32 $0x14500;
	s21 =	simm.s32 $0x19500  }
0x31f: {  	[tilespmem:s21], [sflag:$0x4] =	stream.indirect.gather [spmem:s0], $0x1, s18, s31, $0xb8;
	[tilespmem:$0x1A000] =	vst v63  }
0x320: {  	s18 =	simm.s32 $0x14180;
	s21 =	simm.s32 $0x19180  }
0x321: {  	[tilespmem:s21], [sflag:$0x4] =	stream.indirect.gather [spmem:s0], $0x1, s18, s31, $0xb8;
	[tilespmem:$0x1A000] =	vst v63  }
0x322: {  	s18 =	simm.s32 $0x14580;
	s21 =	simm.s32 $0x19580  }
0x323: {  	[tilespmem:s21], [sflag:$0x4] =	stream.indirect.gather [spmem:s0], $0x1, s18, s31, $0xb8;
	[tilespmem:$0x1A000] =	vst v63  }
0x324: {  	s18 =	simm.s32 $0x14200;
	s21 =	simm.s32 $0x19200  }
0x325: {  	[tilespmem:s21], [sflag:$0x4] =	stream.indirect.gather [spmem:s0], $0x1, s18, s31, $0xb8;
	[tilespmem:$0x1A000] =	vst v63  }
0x326: {  	s18 =	simm.s32 $0x14600;
	s21 =	simm.s32 $0x19600  }
0x327: {  	[tilespmem:s21], [sflag:$0x4] =	stream.indirect.gather [spmem:s0], $0x1, s18, s31, $0xb8;
	[tilespmem:$0x1A000] =	vst v63  }
0x328: {  	s18 =	simm.s32 $0x14280;
	s21 =	simm.s32 $0x19280  }
0x329: {  	[tilespmem:s21], [sflag:$0x4] =	stream.indirect.gather [spmem:s0], $0x1, s18, s31, $0xb8;
	[tilespmem:$0x1A000] =	vst v63  }
0x32a: {  	s18 =	simm.s32 $0x14680;
	s21 =	simm.s32 $0x19680  }
0x32b: {  	[tilespmem:s21], [sflag:$0x4] =	stream.indirect.gather [spmem:s0], $0x1, s18, s31, $0xb8;
	[tilespmem:$0x1A000] =	vst v63  }
0x32c: {  	s18 =	simm.s32 $0x14300;
	s21 =	simm.s32 $0x19300  }
0x32d: {  	[tilespmem:s21], [sflag:$0x4] =	stream.indirect.gather [spmem:s0], $0x1, s18, s31, $0xb8;
	[tilespmem:$0x1A000] =	vst v63  }
0x32e: {  	s18 =	simm.s32 $0x14700;
	s21 =	simm.s32 $0x19700  }
0x32f: {  	[tilespmem:s21], [sflag:$0x4] =	stream.indirect.gather [spmem:s0], $0x1, s18, s31, $0xb8;
	[tilespmem:$0x1A000] =	vst v63  }
0x330: {  	s18 =	simm.s32 $0x14380;
	s21 =	simm.s32 $0x19380  }
0x331: {  	[tilespmem:s21], [sflag:$0x4] =	stream.indirect.gather [spmem:s0], $0x1, s18, s31, $0xb8;
	[tilespmem:$0x1A000] =	vst v63  }
0x332: {  	s18 =	simm.s32 $0x14780;
	s21 =	simm.s32 $0x19780  }
0x333: {  	[tilespmem:s21], [sflag:$0x4] =	stream.indirect.gather [spmem:s0], $0x1, s18, s31, $0xb8;
	[tilespmem:$0x1A000] =	vst v63  }
0x334: {  	s18 =	simm.s32 $0x14800;
	s21 =	simm.s32 $0x19800  }
0x335: {  	[tilespmem:s21], [sflag:$0x4] =	stream.indirect.gather [spmem:s0], $0x1, s18, s31, $0xb8;
	[tilespmem:$0x1A000] =	vst v63  }
0x336: {  	s18 =	simm.s32 $0x14C00;
	s21 =	simm.s32 $0x19C00  }
0x337: {  	[tilespmem:s21], [sflag:$0x4] =	stream.indirect.gather [spmem:s0], $0x1, s18, s31, $0xb8;
	[tilespmem:$0x1A000] =	vst v63  }
0x338: {  	s18 =	simm.s32 $0x14880;
	s21 =	simm.s32 $0x19880  }
0x339: {  	[tilespmem:s21], [sflag:$0x4] =	stream.indirect.gather [spmem:s0], $0x1, s18, s31, $0xb8;
	[tilespmem:$0x1A000] =	vst v63  }
0x33a: {  	s18 =	simm.s32 $0x14C80;
	s21 =	simm.s32 $0x19C80  }
0x33b: {  	[tilespmem:s21], [sflag:$0x4] =	stream.indirect.gather [spmem:s0], $0x1, s18, s31, $0xb8;
	[tilespmem:$0x1A000] =	vst v63  }
0x33c: {  	s18 =	simm.s32 $0x14900;
	s21 =	simm.s32 $0x19900  }
0x33d: {  	[tilespmem:s21], [sflag:$0x4] =	stream.indirect.gather [spmem:s0], $0x1, s18, s31, $0xb8;
	[tilespmem:$0x1A000] =	vst v63  }
0x33e: {  	s18 =	simm.s32 $0x14D00;
	s21 =	simm.s32 $0x19D00  }
0x33f: {  	[tilespmem:s21], [sflag:$0x4] =	stream.indirect.gather [spmem:s0], $0x1, s18, s31, $0xb8;
	[tilespmem:$0x1A000] =	vst v63  }
0x340: {  	s18 =	simm.s32 $0x14980;
	s21 =	simm.s32 $0x19980  }
0x341: {  	[tilespmem:s21], [sflag:$0x4] =	stream.indirect.gather [spmem:s0], $0x1, s18, s31, $0xb8;
	[tilespmem:$0x1A000] =	vst v63  }
0x342: {  	s18 =	simm.s32 $0x14D80;
	s21 =	simm.s32 $0x19D80  }
0x343: {  	[tilespmem:s21], [sflag:$0x4] =	stream.indirect.gather [spmem:s0], $0x1, s18, s31, $0xb8;
	[tilespmem:$0x1A000] =	vst v63  }
0x344: {  	s18 =	simm.s32 $0x14A00;
	s21 =	simm.s32 $0x19A00  }
0x345: {  	[tilespmem:s21], [sflag:$0x4] =	stream.indirect.gather [spmem:s0], $0x1, s18, s31, $0xb8;
	[tilespmem:$0x1A000] =	vst v63  }
0x346: {  	s21 =	simm.s32 $0x14E00  }
0x347: {  	[tilespmem:s22], [sflag:$0x4] =	stream.indirect.gather [spmem:s0], $0x1, s21, s31, $0xb8;
	[tilespmem:$0x1A000] =	vst v63  }
0x348: {  	_ = 	snop  }
0x349: {  	[tilespmem:s24], [sflag:$0x4] =	stream.indirect.gather [spmem:s0], $0x1, s23, s31, $0xb8;
	[tilespmem:$0x1A000] =	vst v63  }
0x34a: {  	_ = 	snop  }
0x34b: {  	[tilespmem:s3], [sflag:$0x4] =	stream.indirect.gather [spmem:s0], $0x1, s2, s31, $0xb8;
	[tilespmem:$0x1A000] =	vst v63  }
0x34c: {  	_ = 	snop  }
0x34d: {  	[tilespmem:s5], [sflag:$0x4] =	stream.indirect.gather [spmem:s0], $0x1, s4, s31, $0xb8;
	[tilespmem:$0x1A000] =	vst v63  }
0x34e: {  	_ = 	snop  }
0x34f: {  	[tilespmem:s10], [sflag:$0x4] =	stream.indirect.gather [spmem:s0], $0x1, s9, s31, $0xb8;
	[tilespmem:$0x1A000] =	vst v63  }
0x350: {  	_ = 	snop  }
0x351: {  	[tilespmem:s12], [sflag:$0x4] =	stream.indirect.gather [spmem:s0], $0x1, s11, s31, $0xb8;
	[tilespmem:$0x1A000] =	vst v63  }
0x352: {  	_ = 	snop  }
0x353: {  	[tilespmem:s14], [sflag:$0x4] =	stream.indirect.gather [spmem:s0], $0x1, s13, s31, $0xb8;
	[tilespmem:$0x1A000] =	vst v63  }
0x354: {  	_ =	swait.ge [sflag:s6], $0x80  }
0x355: {  	[sflag:s6] =	ssyncset.done $0x0  }
0x356: {  	[sflag:s6] =	ssyncadd.s32 $0xFFFFFF80  }
0x357: {  	_ =	swait.ge [sflag:s6], $0x80  }
0x358: {  	[sflag:s6] =	ssyncset.done $0x0  }
0x359: {  	[sflag:s6] =	ssyncadd.s32 $0xFFFFFF80  }
0x35a: {  	_ =	swait.ge [sflag:s6], $0x80  }
0x35b: {  	[sflag:s6] =	ssyncset.done $0x0  }
0x35c: {  	[sflag:s6] =	ssyncadd.s32 $0xFFFFFF80  }
0x35d: {  	_ =	swait.ge [sflag:s6], $0x80  }
0x35e: {  	[sflag:s6] =	ssyncset.done $0x0  }
0x35f: {  	[sflag:s6] =	ssyncadd.s32 $0xFFFFFF80  }
0x360: {  	_ =	swait.ge [sflag:s6], $0x80  }
0x361: {  	[sflag:s6] =	ssyncset.done $0x0  }
0x362: {  	[sflag:s6] =	ssyncadd.s32 $0xFFFFFF80  }
0x363: {  	_ =	swait.ge [sflag:s6], $0x80  }
0x364: {  	[sflag:s6] =	ssyncset.done $0x0  }
0x365: {  	[sflag:s6] =	ssyncadd.s32 $0xFFFFFF80  }
0x366: {  	_ =	swait.ge [sflag:s6], $0x80  }
0x367: {  	[sflag:s6] =	ssyncset.done $0x0  }
0x368: {  	[sflag:s6] =	ssyncadd.s32 $0xFFFFFF80  }
0x369: {  	_ =	swait.ge [sflag:s6], $0x80  }
0x36a: {  	s18 =	simm.s32 $0x0;
	[sflag:s6] =	ssyncset.done $0x0  }
.LBB2_8:
0x36b: {  	s18 =	sadd.s32 $0x8, s18;
	[sflag:s6] =	ssyncadd.s32 $0xFFFFFF80  }
0x36c: {  	_ =	swait.ge [sflag:s6], $0x80;
	p1 =	slt.u32 s18, $0x48  }
0x36d: {  	[sflag:s6] =	ssyncset.done $0x0  }
0x36e: {  	[sflag:s6] =	ssyncadd.s32 $0xFFFFFF80  }
0x36f: {  	_ =	swait.ge [sflag:s6], $0x80  }
0x370: {  	[sflag:s6] =	ssyncset.done $0x0  }
0x371: {  	[sflag:s6] =	ssyncadd.s32 $0xFFFFFF80  }
0x372: {  	_ =	swait.ge [sflag:s6], $0x80  }
0x373: {  	[sflag:s6] =	ssyncset.done $0x0  }
0x374: {  	[sflag:s6] =	ssyncadd.s32 $0xFFFFFF80  }
0x375: {  	_ =	swait.ge [sflag:s6], $0x80  }
0x376: {  	[sflag:s6] =	ssyncset.done $0x0  }
0x377: {  	[sflag:s6] =	ssyncadd.s32 $0xFFFFFF80  }
0x378: {  	_ =	swait.ge [sflag:s6], $0x80  }
0x379: {  	[sflag:s6] =	ssyncset.done $0x0  }
0x37a: {  	[sflag:s6] =	ssyncadd.s32 $0xFFFFFF80  }
0x37b: {  	_ =	swait.ge [sflag:s6], $0x80  }
0x37c: {  	[sflag:s6] =	ssyncset.done $0x0  }
0x37d: {  	[sflag:s6] =	ssyncadd.s32 $0xFFFFFF80  }
.Ltmp3:
0x37e: {  	_ =	swait.ge [sflag:s6], $0x80;
	(pc) =	sbr.rel @p1 .LBB2_8-.Ltmp3, $4  }
0x37f: {  	[sflag:s6] =	ssyncset.done $0x0  }
0x380: {  	[sflag:s6] =	ssyncadd.s32 $0xFFFFFF80  }
0x381: {  	_ =	swait.ge [sflag:s6], $0x80  }
0x382: {  	[sflag:s6] =	ssyncset.done $0x0  }
0x383: {  	[sflag:s6] =	ssyncadd.s32 $0xFFFFFF80;
	s18 =	rddreg [dreg:$0xd]  }
0x384: {  	[hbm4b:s18+s25] =	stream.strided.scatter [tilespmem:s8], [sflag:$0x6], $0x2800, s26, s25, $0x38;
	[tilespmem:$0x1A000] =	vst v63  }
0x385: {  	_ =	swait.ge [sflag:s15], $0x2800  }
0x386: {  	[sflag:s15] =	ssyncset.done $0x0  }
0x387: {  	[sflag:s15] =	ssyncadd.s32 $0xFFFFD800  }
0x388: {  	_ =	swait.ge [sflag:s29], $0x2800  }
0x389: {  	[sflag:s29] =	ssyncset.done $0x0  }
0x38a: {  	s21 =	rddreg [dreg:$0xe];
	[sflag:s29] =	ssyncadd.s32 $0xFFFFD800  }
0x38b: {  	[tilespmem:s30], [sflag:$0x3] =	stream.strided.gather [hbm4b:s21+s25], $0x2800, s26, s25, $0x38;
	[tilespmem:$0x1A000] =	vst v63  }
0x38c: {  	_ = 	snop  }
0x38d: {  	[tilespmem:s17], [sflag:$0x4] =	stream.indirect.gather [spmem:s0], $0x1, s28, s31, $0xb8;
	[tilespmem:$0x1A000] =	vst v63  }
0x38e: {  	_ = 	snop  }
0x38f: {  	[tilespmem:s20], [sflag:$0x4] =	stream.indirect.gather [spmem:s0], $0x1, s19, s31, $0xb8;
	[tilespmem:$0x1A000] =	vst v63  }
0x390: {  	s18 =	simm.s32 $0x10080;
	s21 =	simm.s32 $0x15080  }
0x391: {  	[tilespmem:s21], [sflag:$0x4] =	stream.indirect.gather [spmem:s0], $0x1, s18, s31, $0xb8;
	[tilespmem:$0x1A000] =	vst v63  }
0x392: {  	s18 =	simm.s32 $0x10480;
	s21 =	simm.s32 $0x15480  }
0x393: {  	[tilespmem:s21], [sflag:$0x4] =	stream.indirect.gather [spmem:s0], $0x1, s18, s31, $0xb8;
	[tilespmem:$0x1A000] =	vst v63  }
0x394: {  	s18 =	simm.s32 $0x10100;
	s21 =	simm.s32 $0x15100  }
0x395: {  	[tilespmem:s21], [sflag:$0x4] =	stream.indirect.gather [spmem:s0], $0x1, s18, s31, $0xb8;
	[tilespmem:$0x1A000] =	vst v63  }
0x396: {  	s18 =	simm.s32 $0x10500;
	s21 =	simm.s32 $0x15500  }
0x397: {  	[tilespmem:s21], [sflag:$0x4] =	stream.indirect.gather [spmem:s0], $0x1, s18, s31, $0xb8;
	[tilespmem:$0x1A000] =	vst v63  }
0x398: {  	s18 =	simm.s32 $0x10180;
	s21 =	simm.s32 $0x15180  }
0x399: {  	[tilespmem:s21], [sflag:$0x4] =	stream.indirect.gather [spmem:s0], $0x1, s18, s31, $0xb8;
	[tilespmem:$0x1A000] =	vst v63  }
0x39a: {  	s18 =	simm.s32 $0x10580;
	s21 =	simm.s32 $0x15580  }
0x39b: {  	[tilespmem:s21], [sflag:$0x4] =	stream.indirect.gather [spmem:s0], $0x1, s18, s31, $0xb8;
	[tilespmem:$0x1A000] =	vst v63  }
0x39c: {  	s18 =	simm.s32 $0x10200;
	s21 =	simm.s32 $0x15200  }
0x39d: {  	[tilespmem:s21], [sflag:$0x4] =	stream.indirect.gather [spmem:s0], $0x1, s18, s31, $0xb8;
	[tilespmem:$0x1A000] =	vst v63  }
0x39e: {  	s18 =	simm.s32 $0x10600;
	s21 =	simm.s32 $0x15600  }
0x39f: {  	[tilespmem:s21], [sflag:$0x4] =	stream.indirect.gather [spmem:s0], $0x1, s18, s31, $0xb8;
	[tilespmem:$0x1A000] =	vst v63  }
0x3a0: {  	s18 =	simm.s32 $0x10280;
	s21 =	simm.s32 $0x15280  }
0x3a1: {  	[tilespmem:s21], [sflag:$0x4] =	stream.indirect.gather [spmem:s0], $0x1, s18, s31, $0xb8;
	[tilespmem:$0x1A000] =	vst v63  }
0x3a2: {  	s18 =	simm.s32 $0x10680;
	s21 =	simm.s32 $0x15680  }
0x3a3: {  	[tilespmem:s21], [sflag:$0x4] =	stream.indirect.gather [spmem:s0], $0x1, s18, s31, $0xb8;
	[tilespmem:$0x1A000] =	vst v63  }
0x3a4: {  	s18 =	simm.s32 $0x10300;
	s21 =	simm.s32 $0x15300  }
0x3a5: {  	[tilespmem:s21], [sflag:$0x4] =	stream.indirect.gather [spmem:s0], $0x1, s18, s31, $0xb8;
	[tilespmem:$0x1A000] =	vst v63  }
0x3a6: {  	s18 =	simm.s32 $0x10700;
	s21 =	simm.s32 $0x15700  }
0x3a7: {  	[tilespmem:s21], [sflag:$0x4] =	stream.indirect.gather [spmem:s0], $0x1, s18, s31, $0xb8;
	[tilespmem:$0x1A000] =	vst v63  }
0x3a8: {  	s18 =	simm.s32 $0x10380;
	s21 =	simm.s32 $0x15380  }
0x3a9: {  	[tilespmem:s21], [sflag:$0x4] =	stream.indirect.gather [spmem:s0], $0x1, s18, s31, $0xb8;
	[tilespmem:$0x1A000] =	vst v63  }
0x3aa: {  	s18 =	simm.s32 $0x10780;
	s21 =	simm.s32 $0x15780  }
0x3ab: {  	[tilespmem:s21], [sflag:$0x4] =	stream.indirect.gather [spmem:s0], $0x1, s18, s31, $0xb8;
	[tilespmem:$0x1A000] =	vst v63  }
0x3ac: {  	s18 =	simm.s32 $0x10800;
	s21 =	simm.s32 $0x15800  }
0x3ad: {  	[tilespmem:s21], [sflag:$0x4] =	stream.indirect.gather [spmem:s0], $0x1, s18, s31, $0xb8;
	[tilespmem:$0x1A000] =	vst v63  }
0x3ae: {  	s18 =	simm.s32 $0x10C00;
	s21 =	simm.s32 $0x15C00  }
0x3af: {  	[tilespmem:s21], [sflag:$0x4] =	stream.indirect.gather [spmem:s0], $0x1, s18, s31, $0xb8;
	[tilespmem:$0x1A000] =	vst v63  }
0x3b0: {  	s18 =	simm.s32 $0x10880;
	s21 =	simm.s32 $0x15880  }
0x3b1: {  	[tilespmem:s21], [sflag:$0x4] =	stream.indirect.gather [spmem:s0], $0x1, s18, s31, $0xb8;
	[tilespmem:$0x1A000] =	vst v63  }
0x3b2: {  	s18 =	simm.s32 $0x10C80;
	s21 =	simm.s32 $0x15C80  }
0x3b3: {  	[tilespmem:s21], [sflag:$0x4] =	stream.indirect.gather [spmem:s0], $0x1, s18, s31, $0xb8;
	[tilespmem:$0x1A000] =	vst v63  }
0x3b4: {  	s18 =	simm.s32 $0x10900;
	s21 =	simm.s32 $0x15900  }
0x3b5: {  	[tilespmem:s21], [sflag:$0x4] =	stream.indirect.gather [spmem:s0], $0x1, s18, s31, $0xb8;
	[tilespmem:$0x1A000] =	vst v63  }
0x3b6: {  	s18 =	simm.s32 $0x10D00;
	s21 =	simm.s32 $0x15D00  }
0x3b7: {  	[tilespmem:s21], [sflag:$0x4] =	stream.indirect.gather [spmem:s0], $0x1, s18, s31, $0xb8;
	[tilespmem:$0x1A000] =	vst v63  }
0x3b8: {  	s18 =	simm.s32 $0x10980;
	s21 =	simm.s32 $0x15980  }
0x3b9: {  	[tilespmem:s21], [sflag:$0x4] =	stream.indirect.gather [spmem:s0], $0x1, s18, s31, $0xb8;
	[tilespmem:$0x1A000] =	vst v63  }
0x3ba: {  	s18 =	simm.s32 $0x10D80;
	s21 =	simm.s32 $0x15D80  }
0x3bb: {  	[tilespmem:s21], [sflag:$0x4] =	stream.indirect.gather [spmem:s0], $0x1, s18, s31, $0xb8;
	[tilespmem:$0x1A000] =	vst v63  }
0x3bc: {  	s18 =	simm.s32 $0x10A00;
	s21 =	simm.s32 $0x15A00  }
0x3bd: {  	[tilespmem:s21], [sflag:$0x4] =	stream.indirect.gather [spmem:s0], $0x1, s18, s31, $0xb8;
	[tilespmem:$0x1A000] =	vst v63  }
0x3be: {  	s18 =	simm.s32 $0x10E00;
	s21 =	simm.s32 $0x15E00  }
0x3bf: {  	[tilespmem:s21], [sflag:$0x4] =	stream.indirect.gather [spmem:s0], $0x1, s18, s31, $0xb8;
	[tilespmem:$0x1A000] =	vst v63  }
0x3c0: {  	s18 =	simm.s32 $0x10A80;
	s21 =	simm.s32 $0x15A80  }
0x3c1: {  	[tilespmem:s21], [sflag:$0x4] =	stream.indirect.gather [spmem:s0], $0x1, s18, s31, $0xb8;
	[tilespmem:$0x1A000] =	vst v63  }
0x3c2: {  	s18 =	simm.s32 $0x10E80;
	s21 =	simm.s32 $0x15E80  }
0x3c3: {  	[tilespmem:s21], [sflag:$0x4] =	stream.indirect.gather [spmem:s0], $0x1, s18, s31, $0xb8;
	[tilespmem:$0x1A000] =	vst v63  }
0x3c4: {  	s18 =	simm.s32 $0x10B00;
	s21 =	simm.s32 $0x15B00  }
0x3c5: {  	[tilespmem:s21], [sflag:$0x4] =	stream.indirect.gather [spmem:s0], $0x1, s18, s31, $0xb8;
	[tilespmem:$0x1A000] =	vst v63  }
0x3c6: {  	s18 =	simm.s32 $0x10F00;
	s21 =	simm.s32 $0x15F00  }
0x3c7: {  	[tilespmem:s21], [sflag:$0x4] =	stream.indirect.gather [spmem:s0], $0x1, s18, s31, $0xb8;
	[tilespmem:$0x1A000] =	vst v63  }
0x3c8: {  	s18 =	simm.s32 $0x10B80;
	s21 =	simm.s32 $0x15B80  }
0x3c9: {  	[tilespmem:s21], [sflag:$0x4] =	stream.indirect.gather [spmem:s0], $0x1, s18, s31, $0xb8;
	[tilespmem:$0x1A000] =	vst v63  }
0x3ca: {  	s18 =	simm.s32 $0x10F80;
	s21 =	simm.s32 $0x15F80  }
0x3cb: {  	[tilespmem:s21], [sflag:$0x4] =	stream.indirect.gather [spmem:s0], $0x1, s18, s31, $0xb8;
	[tilespmem:$0x1A000] =	vst v63  }
0x3cc: {  	s18 =	simm.s32 $0x11000;
	s21 =	simm.s32 $0x16000  }
0x3cd: {  	[tilespmem:s21], [sflag:$0x4] =	stream.indirect.gather [spmem:s0], $0x1, s18, s31, $0xb8;
	[tilespmem:$0x1A000] =	vst v63  }
0x3ce: {  	s18 =	simm.s32 $0x11400;
	s21 =	simm.s32 $0x16400  }
0x3cf: {  	[tilespmem:s21], [sflag:$0x4] =	stream.indirect.gather [spmem:s0], $0x1, s18, s31, $0xb8;
	[tilespmem:$0x1A000] =	vst v63  }
0x3d0: {  	s18 =	simm.s32 $0x11080;
	s21 =	simm.s32 $0x16080  }
0x3d1: {  	[tilespmem:s21], [sflag:$0x4] =	stream.indirect.gather [spmem:s0], $0x1, s18, s31, $0xb8;
	[tilespmem:$0x1A000] =	vst v63  }
0x3d2: {  	s18 =	simm.s32 $0x11480;
	s21 =	simm.s32 $0x16480  }
0x3d3: {  	[tilespmem:s21], [sflag:$0x4] =	stream.indirect.gather [spmem:s0], $0x1, s18, s31, $0xb8;
	[tilespmem:$0x1A000] =	vst v63  }
0x3d4: {  	s18 =	simm.s32 $0x11100;
	s21 =	simm.s32 $0x16100  }
0x3d5: {  	[tilespmem:s21], [sflag:$0x4] =	stream.indirect.gather [spmem:s0], $0x1, s18, s31, $0xb8;
	[tilespmem:$0x1A000] =	vst v63  }
0x3d6: {  	s18 =	simm.s32 $0x11500;
	s21 =	simm.s32 $0x16500  }
0x3d7: {  	[tilespmem:s21], [sflag:$0x4] =	stream.indirect.gather [spmem:s0], $0x1, s18, s31, $0xb8;
	[tilespmem:$0x1A000] =	vst v63  }
0x3d8: {  	s18 =	simm.s32 $0x11180;
	s21 =	simm.s32 $0x16180  }
0x3d9: {  	[tilespmem:s21], [sflag:$0x4] =	stream.indirect.gather [spmem:s0], $0x1, s18, s31, $0xb8;
	[tilespmem:$0x1A000] =	vst v63  }
0x3da: {  	s18 =	simm.s32 $0x11580;
	s21 =	simm.s32 $0x16580  }
0x3db: {  	[tilespmem:s21], [sflag:$0x4] =	stream.indirect.gather [spmem:s0], $0x1, s18, s31, $0xb8;
	[tilespmem:$0x1A000] =	vst v63  }
0x3dc: {  	s18 =	simm.s32 $0x11200;
	s21 =	simm.s32 $0x16200  }
0x3dd: {  	[tilespmem:s21], [sflag:$0x4] =	stream.indirect.gather [spmem:s0], $0x1, s18, s31, $0xb8;
	[tilespmem:$0x1A000] =	vst v63  }
0x3de: {  	s18 =	simm.s32 $0x11600;
	s21 =	simm.s32 $0x16600  }
0x3df: {  	[tilespmem:s21], [sflag:$0x4] =	stream.indirect.gather [spmem:s0], $0x1, s18, s31, $0xb8;
	[tilespmem:$0x1A000] =	vst v63  }
0x3e0: {  	s18 =	simm.s32 $0x11280;
	s21 =	simm.s32 $0x16280  }
0x3e1: {  	[tilespmem:s21], [sflag:$0x4] =	stream.indirect.gather [spmem:s0], $0x1, s18, s31, $0xb8;
	[tilespmem:$0x1A000] =	vst v63  }
0x3e2: {  	s18 =	simm.s32 $0x11680;
	s21 =	simm.s32 $0x16680  }
0x3e3: {  	[tilespmem:s21], [sflag:$0x4] =	stream.indirect.gather [spmem:s0], $0x1, s18, s31, $0xb8;
	[tilespmem:$0x1A000] =	vst v63  }
0x3e4: {  	s18 =	simm.s32 $0x11300;
	s21 =	simm.s32 $0x16300  }
0x3e5: {  	[tilespmem:s21], [sflag:$0x4] =	stream.indirect.gather [spmem:s0], $0x1, s18, s31, $0xb8;
	[tilespmem:$0x1A000] =	vst v63  }
0x3e6: {  	s18 =	simm.s32 $0x11700;
	s21 =	simm.s32 $0x16700  }
0x3e7: {  	[tilespmem:s21], [sflag:$0x4] =	stream.indirect.gather [spmem:s0], $0x1, s18, s31, $0xb8;
	[tilespmem:$0x1A000] =	vst v63  }
0x3e8: {  	s18 =	simm.s32 $0x11380;
	s21 =	simm.s32 $0x16380  }
0x3e9: {  	[tilespmem:s21], [sflag:$0x4] =	stream.indirect.gather [spmem:s0], $0x1, s18, s31, $0xb8;
	[tilespmem:$0x1A000] =	vst v63  }
0x3ea: {  	s18 =	simm.s32 $0x11780;
	s21 =	simm.s32 $0x16780  }
0x3eb: {  	[tilespmem:s21], [sflag:$0x4] =	stream.indirect.gather [spmem:s0], $0x1, s18, s31, $0xb8;
	[tilespmem:$0x1A000] =	vst v63  }
0x3ec: {  	s18 =	simm.s32 $0x11800;
	s21 =	simm.s32 $0x16800  }
0x3ed: {  	[tilespmem:s21], [sflag:$0x4] =	stream.indirect.gather [spmem:s0], $0x1, s18, s31, $0xb8;
	[tilespmem:$0x1A000] =	vst v63  }
0x3ee: {  	s18 =	simm.s32 $0x11C00;
	s21 =	simm.s32 $0x16C00  }
0x3ef: {  	[tilespmem:s21], [sflag:$0x4] =	stream.indirect.gather [spmem:s0], $0x1, s18, s31, $0xb8;
	[tilespmem:$0x1A000] =	vst v63  }
0x3f0: {  	s18 =	simm.s32 $0x11880;
	s21 =	simm.s32 $0x16880  }
0x3f1: {  	[tilespmem:s21], [sflag:$0x4] =	stream.indirect.gather [spmem:s0], $0x1, s18, s31, $0xb8;
	[tilespmem:$0x1A000] =	vst v63  }
0x3f2: {  	s18 =	simm.s32 $0x11C80;
	s21 =	simm.s32 $0x16C80  }
0x3f3: {  	[tilespmem:s21], [sflag:$0x4] =	stream.indirect.gather [spmem:s0], $0x1, s18, s31, $0xb8;
	[tilespmem:$0x1A000] =	vst v63  }
0x3f4: {  	s18 =	simm.s32 $0x11900;
	s21 =	simm.s32 $0x16900  }
0x3f5: {  	[tilespmem:s21], [sflag:$0x4] =	stream.indirect.gather [spmem:s0], $0x1, s18, s31, $0xb8;
	[tilespmem:$0x1A000] =	vst v63  }
0x3f6: {  	s18 =	simm.s32 $0x11D00;
	s21 =	simm.s32 $0x16D00  }
0x3f7: {  	[tilespmem:s21], [sflag:$0x4] =	stream.indirect.gather [spmem:s0], $0x1, s18, s31, $0xb8;
	[tilespmem:$0x1A000] =	vst v63  }
0x3f8: {  	s18 =	simm.s32 $0x11980;
	s21 =	simm.s32 $0x16980  }
0x3f9: {  	[tilespmem:s21], [sflag:$0x4] =	stream.indirect.gather [spmem:s0], $0x1, s18, s31, $0xb8;
	[tilespmem:$0x1A000] =	vst v63  }
0x3fa: {  	s18 =	simm.s32 $0x11D80;
	s21 =	simm.s32 $0x16D80  }
0x3fb: {  	[tilespmem:s21], [sflag:$0x4] =	stream.indirect.gather [spmem:s0], $0x1, s18, s31, $0xb8;
	[tilespmem:$0x1A000] =	vst v63  }
0x3fc: {  	s18 =	simm.s32 $0x11A00;
	s21 =	simm.s32 $0x16A00  }
0x3fd: {  	[tilespmem:s21], [sflag:$0x4] =	stream.indirect.gather [spmem:s0], $0x1, s18, s31, $0xb8;
	[tilespmem:$0x1A000] =	vst v63  }
0x3fe: {  	s18 =	simm.s32 $0x11E00;
	s21 =	simm.s32 $0x16E00  }
0x3ff: {  	[tilespmem:s21], [sflag:$0x4] =	stream.indirect.gather [spmem:s0], $0x1, s18, s31, $0xb8;
	[tilespmem:$0x1A000] =	vst v63  }
0x400: {  	s18 =	simm.s32 $0x11A80;
	s21 =	simm.s32 $0x16A80  }
0x401: {  	[tilespmem:s21], [sflag:$0x4] =	stream.indirect.gather [spmem:s0], $0x1, s18, s31, $0xb8;
	[tilespmem:$0x1A000] =	vst v63  }
0x402: {  	s18 =	simm.s32 $0x11E80;
	s21 =	simm.s32 $0x16E80  }
0x403: {  	[tilespmem:s21], [sflag:$0x4] =	stream.indirect.gather [spmem:s0], $0x1, s18, s31, $0xb8;
	[tilespmem:$0x1A000] =	vst v63  }
0x404: {  	s18 =	simm.s32 $0x11B00;
	s21 =	simm.s32 $0x16B00  }
0x405: {  	[tilespmem:s21], [sflag:$0x4] =	stream.indirect.gather [spmem:s0], $0x1, s18, s31, $0xb8;
	[tilespmem:$0x1A000] =	vst v63  }
0x406: {  	s18 =	simm.s32 $0x11F00;
	s21 =	simm.s32 $0x16F00  }
0x407: {  	[tilespmem:s21], [sflag:$0x4] =	stream.indirect.gather [spmem:s0], $0x1, s18, s31, $0xb8;
	[tilespmem:$0x1A000] =	vst v63  }
0x408: {  	s18 =	simm.s32 $0x11B80;
	s21 =	simm.s32 $0x16B80  }
0x409: {  	[tilespmem:s21], [sflag:$0x4] =	stream.indirect.gather [spmem:s0], $0x1, s18, s31, $0xb8;
	[tilespmem:$0x1A000] =	vst v63  }
0x40a: {  	s18 =	simm.s32 $0x11F80;
	s21 =	simm.s32 $0x16F80  }
0x40b: {  	[tilespmem:s21], [sflag:$0x4] =	stream.indirect.gather [spmem:s0], $0x1, s18, s31, $0xb8;
	[tilespmem:$0x1A000] =	vst v63  }
0x40c: {  	s18 =	simm.s32 $0x12000;
	s21 =	simm.s32 $0x17000  }
0x40d: {  	[tilespmem:s21], [sflag:$0x4] =	stream.indirect.gather [spmem:s0], $0x1, s18, s31, $0xb8;
	[tilespmem:$0x1A000] =	vst v63  }
0x40e: {  	s18 =	simm.s32 $0x12400;
	s21 =	simm.s32 $0x17400  }
0x40f: {  	[tilespmem:s21], [sflag:$0x4] =	stream.indirect.gather [spmem:s0], $0x1, s18, s31, $0xb8;
	[tilespmem:$0x1A000] =	vst v63  }
0x410: {  	s18 =	simm.s32 $0x12080;
	s21 =	simm.s32 $0x17080  }
0x411: {  	[tilespmem:s21], [sflag:$0x4] =	stream.indirect.gather [spmem:s0], $0x1, s18, s31, $0xb8;
	[tilespmem:$0x1A000] =	vst v63  }
0x412: {  	s18 =	simm.s32 $0x12480;
	s21 =	simm.s32 $0x17480  }
0x413: {  	[tilespmem:s21], [sflag:$0x4] =	stream.indirect.gather [spmem:s0], $0x1, s18, s31, $0xb8;
	[tilespmem:$0x1A000] =	vst v63  }
0x414: {  	s18 =	simm.s32 $0x12100;
	s21 =	simm.s32 $0x17100  }
0x415: {  	[tilespmem:s21], [sflag:$0x4] =	stream.indirect.gather [spmem:s0], $0x1, s18, s31, $0xb8;
	[tilespmem:$0x1A000] =	vst v63  }
0x416: {  	s18 =	simm.s32 $0x12500;
	s21 =	simm.s32 $0x17500  }
0x417: {  	[tilespmem:s21], [sflag:$0x4] =	stream.indirect.gather [spmem:s0], $0x1, s18, s31, $0xb8;
	[tilespmem:$0x1A000] =	vst v63  }
0x418: {  	s18 =	simm.s32 $0x12180;
	s21 =	simm.s32 $0x17180  }
0x419: {  	[tilespmem:s21], [sflag:$0x4] =	stream.indirect.gather [spmem:s0], $0x1, s18, s31, $0xb8;
	[tilespmem:$0x1A000] =	vst v63  }
0x41a: {  	s18 =	simm.s32 $0x12580;
	s21 =	simm.s32 $0x17580  }
0x41b: {  	[tilespmem:s21], [sflag:$0x4] =	stream.indirect.gather [spmem:s0], $0x1, s18, s31, $0xb8;
	[tilespmem:$0x1A000] =	vst v63  }
0x41c: {  	s18 =	simm.s32 $0x12200;
	s21 =	simm.s32 $0x17200  }
0x41d: {  	[tilespmem:s21], [sflag:$0x4] =	stream.indirect.gather [spmem:s0], $0x1, s18, s31, $0xb8;
	[tilespmem:$0x1A000] =	vst v63  }
0x41e: {  	s18 =	simm.s32 $0x12600;
	s21 =	simm.s32 $0x17600  }
0x41f: {  	[tilespmem:s21], [sflag:$0x4] =	stream.indirect.gather [spmem:s0], $0x1, s18, s31, $0xb8;
	[tilespmem:$0x1A000] =	vst v63  }
0x420: {  	s18 =	simm.s32 $0x12280;
	s21 =	simm.s32 $0x17280  }
0x421: {  	[tilespmem:s21], [sflag:$0x4] =	stream.indirect.gather [spmem:s0], $0x1, s18, s31, $0xb8;
	[tilespmem:$0x1A000] =	vst v63  }
0x422: {  	s18 =	simm.s32 $0x12680;
	s21 =	simm.s32 $0x17680  }
0x423: {  	[tilespmem:s21], [sflag:$0x4] =	stream.indirect.gather [spmem:s0], $0x1, s18, s31, $0xb8;
	[tilespmem:$0x1A000] =	vst v63  }
0x424: {  	s18 =	simm.s32 $0x12300;
	s21 =	simm.s32 $0x17300  }
0x425: {  	[tilespmem:s21], [sflag:$0x4] =	stream.indirect.gather [spmem:s0], $0x1, s18, s31, $0xb8;
	[tilespmem:$0x1A000] =	vst v63  }
0x426: {  	s18 =	simm.s32 $0x12700;
	s21 =	simm.s32 $0x17700  }
0x427: {  	[tilespmem:s21], [sflag:$0x4] =	stream.indirect.gather [spmem:s0], $0x1, s18, s31, $0xb8;
	[tilespmem:$0x1A000] =	vst v63  }
0x428: {  	s18 =	simm.s32 $0x12380;
	s21 =	simm.s32 $0x17380  }
0x429: {  	[tilespmem:s21], [sflag:$0x4] =	stream.indirect.gather [spmem:s0], $0x1, s18, s31, $0xb8;
	[tilespmem:$0x1A000] =	vst v63  }
0x42a: {  	s18 =	simm.s32 $0x12780;
	s21 =	simm.s32 $0x17780  }
0x42b: {  	[tilespmem:s21], [sflag:$0x4] =	stream.indirect.gather [spmem:s0], $0x1, s18, s31, $0xb8;
	[tilespmem:$0x1A000] =	vst v63  }
0x42c: {  	_ =	swait.ge [sflag:s6], $0x80  }
0x42d: {  	[sflag:s6] =	ssyncset.done $0x0  }
0x42e: {  	[sflag:s6] =	ssyncadd.s32 $0xFFFFFF80  }
0x42f: {  	_ =	swait.ge [sflag:s6], $0x80  }
0x430: {  	[sflag:s6] =	ssyncset.done $0x0  }
0x431: {  	[sflag:s6] =	ssyncadd.s32 $0xFFFFFF80  }
0x432: {  	_ =	swait.ge [sflag:s6], $0x80  }
0x433: {  	[sflag:s6] =	ssyncset.done $0x0  }
0x434: {  	[sflag:s6] =	ssyncadd.s32 $0xFFFFFF80  }
0x435: {  	_ =	swait.ge [sflag:s6], $0x80  }
0x436: {  	[sflag:s6] =	ssyncset.done $0x0  }
0x437: {  	[sflag:s6] =	ssyncadd.s32 $0xFFFFFF80  }
0x438: {  	_ =	swait.ge [sflag:s6], $0x80  }
0x439: {  	[sflag:s6] =	ssyncset.done $0x0  }
0x43a: {  	[sflag:s6] =	ssyncadd.s32 $0xFFFFFF80  }
0x43b: {  	_ =	swait.ge [sflag:s6], $0x80  }
0x43c: {  	[sflag:s6] =	ssyncset.done $0x0  }
0x43d: {  	[sflag:s6] =	ssyncadd.s32 $0xFFFFFF80  }
0x43e: {  	_ =	swait.ge [sflag:s6], $0x80  }
0x43f: {  	[sflag:s6] =	ssyncset.done $0x0  }
0x440: {  	[sflag:s6] =	ssyncadd.s32 $0xFFFFFF80  }
0x441: {  	_ =	swait.ge [sflag:s6], $0x80  }
0x442: {  	s18 =	simm.s32 $0x0;
	[sflag:s6] =	ssyncset.done $0x0  }
.LBB2_10:
0x443: {  	s18 =	sadd.s32 $0x8, s18;
	[sflag:s6] =	ssyncadd.s32 $0xFFFFFF80  }
0x444: {  	_ =	swait.ge [sflag:s6], $0x80;
	p1 =	slt.u32 s18, $0x48  }
0x445: {  	[sflag:s6] =	ssyncset.done $0x0  }
0x446: {  	[sflag:s6] =	ssyncadd.s32 $0xFFFFFF80  }
0x447: {  	_ =	swait.ge [sflag:s6], $0x80  }
0x448: {  	[sflag:s6] =	ssyncset.done $0x0  }
0x449: {  	[sflag:s6] =	ssyncadd.s32 $0xFFFFFF80  }
0x44a: {  	_ =	swait.ge [sflag:s6], $0x80  }
0x44b: {  	[sflag:s6] =	ssyncset.done $0x0  }
0x44c: {  	[sflag:s6] =	ssyncadd.s32 $0xFFFFFF80  }
0x44d: {  	_ =	swait.ge [sflag:s6], $0x80  }
0x44e: {  	[sflag:s6] =	ssyncset.done $0x0  }
0x44f: {  	[sflag:s6] =	ssyncadd.s32 $0xFFFFFF80  }
0x450: {  	_ =	swait.ge [sflag:s6], $0x80  }
0x451: {  	[sflag:s6] =	ssyncset.done $0x0  }
0x452: {  	[sflag:s6] =	ssyncadd.s32 $0xFFFFFF80  }
0x453: {  	_ =	swait.ge [sflag:s6], $0x80  }
0x454: {  	[sflag:s6] =	ssyncset.done $0x0  }
0x455: {  	[sflag:s6] =	ssyncadd.s32 $0xFFFFFF80  }
.Ltmp4:
0x456: {  	_ =	swait.ge [sflag:s6], $0x80;
	(pc) =	sbr.rel @p1 .LBB2_10-.Ltmp4, $4  }
0x457: {  	[sflag:s6] =	ssyncset.done $0x0  }
0x458: {  	[sflag:s6] =	ssyncadd.s32 $0xFFFFFF80  }
0x459: {  	_ =	swait.ge [sflag:s6], $0x80  }
0x45a: {  	[sflag:s6] =	ssyncset.done $0x0  }
0x45b: {  	[sflag:s6] =	ssyncadd.s32 $0xFFFFFF80;
	s18 =	rddreg [dreg:$0xf]  }
0x45c: {  	[hbm4b:s18+s25] =	stream.strided.scatter [tilespmem:s17], [sflag:$0x5], $0x2800, s26, s25, $0x38;
	[tilespmem:$0x1A000] =	vst v63  }
0x45d: {  	_ =	swait.ge [sflag:s16], $0x2800  }
0x45e: {  	[sflag:s16] =	ssyncset.done $0x0  }
0x45f: {  	[sflag:s16] =	ssyncadd.s32 $0xFFFFD800  }
0x460: {  	_ =	swait.ge [sflag:s7], $0x2800  }
0x461: {  	[sflag:s7] =	ssyncset.done $0x0  }
0x462: {  	s21 =	rddreg [dreg:$0x10];
	[sflag:s7] =	ssyncadd.s32 $0xFFFFD800  }
0x463: {  	[tilespmem:s28], [sflag:$0x2] =	stream.strided.gather [hbm4b:s21+s25], $0x2800, s26, s25, $0x38;
	[tilespmem:$0x1A000] =	vst v63  }
0x464: {  	_ = 	snop  }
0x465: {  	[tilespmem:s8], [sflag:$0x4] =	stream.indirect.gather [spmem:s0], $0x1, s30, s31, $0xb8;
	[tilespmem:$0x1A000] =	vst v63  }
0x466: {  	s18 =	simm.s32 $0x12C00;
	s21 =	simm.s32 $0x17C00  }
0x467: {  	[tilespmem:s21], [sflag:$0x4] =	stream.indirect.gather [spmem:s0], $0x1, s18, s31, $0xb8;
	[tilespmem:$0x1A000] =	vst v63  }
0x468: {  	s18 =	simm.s32 $0x12880;
	s21 =	simm.s32 $0x17880  }
0x469: {  	[tilespmem:s21], [sflag:$0x4] =	stream.indirect.gather [spmem:s0], $0x1, s18, s31, $0xb8;
	[tilespmem:$0x1A000] =	vst v63  }
0x46a: {  	s18 =	simm.s32 $0x12C80;
	s21 =	simm.s32 $0x17C80  }
0x46b: {  	[tilespmem:s21], [sflag:$0x4] =	stream.indirect.gather [spmem:s0], $0x1, s18, s31, $0xb8;
	[tilespmem:$0x1A000] =	vst v63  }
0x46c: {  	s18 =	simm.s32 $0x12900;
	s21 =	simm.s32 $0x17900  }
0x46d: {  	[tilespmem:s21], [sflag:$0x4] =	stream.indirect.gather [spmem:s0], $0x1, s18, s31, $0xb8;
	[tilespmem:$0x1A000] =	vst v63  }
0x46e: {  	s18 =	simm.s32 $0x12D00;
	s21 =	simm.s32 $0x17D00  }
0x46f: {  	[tilespmem:s21], [sflag:$0x4] =	stream.indirect.gather [spmem:s0], $0x1, s18, s31, $0xb8;
	[tilespmem:$0x1A000] =	vst v63  }
0x470: {  	s18 =	simm.s32 $0x12980;
	s21 =	simm.s32 $0x17980  }
0x471: {  	[tilespmem:s21], [sflag:$0x4] =	stream.indirect.gather [spmem:s0], $0x1, s18, s31, $0xb8;
	[tilespmem:$0x1A000] =	vst v63  }
0x472: {  	s18 =	simm.s32 $0x12D80;
	s21 =	simm.s32 $0x17D80  }
0x473: {  	[tilespmem:s21], [sflag:$0x4] =	stream.indirect.gather [spmem:s0], $0x1, s18, s31, $0xb8;
	[tilespmem:$0x1A000] =	vst v63  }
0x474: {  	s18 =	simm.s32 $0x12A00;
	s21 =	simm.s32 $0x17A00  }
0x475: {  	[tilespmem:s21], [sflag:$0x4] =	stream.indirect.gather [spmem:s0], $0x1, s18, s31, $0xb8;
	[tilespmem:$0x1A000] =	vst v63  }
0x476: {  	s18 =	simm.s32 $0x12E00;
	s21 =	simm.s32 $0x17E00  }
0x477: {  	[tilespmem:s21], [sflag:$0x4] =	stream.indirect.gather [spmem:s0], $0x1, s18, s31, $0xb8;
	[tilespmem:$0x1A000] =	vst v63  }
0x478: {  	s18 =	simm.s32 $0x12A80;
	s21 =	simm.s32 $0x17A80  }
0x479: {  	[tilespmem:s21], [sflag:$0x4] =	stream.indirect.gather [spmem:s0], $0x1, s18, s31, $0xb8;
	[tilespmem:$0x1A000] =	vst v63  }
0x47a: {  	s18 =	simm.s32 $0x12E80;
	s21 =	simm.s32 $0x17E80  }
0x47b: {  	[tilespmem:s21], [sflag:$0x4] =	stream.indirect.gather [spmem:s0], $0x1, s18, s31, $0xb8;
	[tilespmem:$0x1A000] =	vst v63  }
0x47c: {  	s18 =	simm.s32 $0x12B00;
	s21 =	simm.s32 $0x17B00  }
0x47d: {  	[tilespmem:s21], [sflag:$0x4] =	stream.indirect.gather [spmem:s0], $0x1, s18, s31, $0xb8;
	[tilespmem:$0x1A000] =	vst v63  }
0x47e: {  	s18 =	simm.s32 $0x12F00;
	s21 =	simm.s32 $0x17F00  }
0x47f: {  	[tilespmem:s21], [sflag:$0x4] =	stream.indirect.gather [spmem:s0], $0x1, s18, s31, $0xb8;
	[tilespmem:$0x1A000] =	vst v63  }
0x480: {  	s18 =	simm.s32 $0x12B80;
	s21 =	simm.s32 $0x17B80  }
0x481: {  	[tilespmem:s21], [sflag:$0x4] =	stream.indirect.gather [spmem:s0], $0x1, s18, s31, $0xb8;
	[tilespmem:$0x1A000] =	vst v63  }
0x482: {  	s18 =	simm.s32 $0x12F80;
	s21 =	simm.s32 $0x17F80  }
0x483: {  	[tilespmem:s21], [sflag:$0x4] =	stream.indirect.gather [spmem:s0], $0x1, s18, s31, $0xb8;
	[tilespmem:$0x1A000] =	vst v63  }
0x484: {  	s18 =	simm.s32 $0x13000;
	s21 =	simm.s32 $0x18000  }
0x485: {  	[tilespmem:s21], [sflag:$0x4] =	stream.indirect.gather [spmem:s0], $0x1, s18, s31, $0xb8;
	[tilespmem:$0x1A000] =	vst v63  }
0x486: {  	s18 =	simm.s32 $0x13400;
	s21 =	simm.s32 $0x18400  }
0x487: {  	[tilespmem:s21], [sflag:$0x4] =	stream.indirect.gather [spmem:s0], $0x1, s18, s31, $0xb8;
	[tilespmem:$0x1A000] =	vst v63  }
0x488: {  	s18 =	simm.s32 $0x13080;
	s21 =	simm.s32 $0x18080  }
0x489: {  	[tilespmem:s21], [sflag:$0x4] =	stream.indirect.gather [spmem:s0], $0x1, s18, s31, $0xb8;
	[tilespmem:$0x1A000] =	vst v63  }
0x48a: {  	s18 =	simm.s32 $0x13480;
	s21 =	simm.s32 $0x18480  }
0x48b: {  	[tilespmem:s21], [sflag:$0x4] =	stream.indirect.gather [spmem:s0], $0x1, s18, s31, $0xb8;
	[tilespmem:$0x1A000] =	vst v63  }
0x48c: {  	s18 =	simm.s32 $0x13100;
	s21 =	simm.s32 $0x18100  }
0x48d: {  	[tilespmem:s21], [sflag:$0x4] =	stream.indirect.gather [spmem:s0], $0x1, s18, s31, $0xb8;
	[tilespmem:$0x1A000] =	vst v63  }
0x48e: {  	s18 =	simm.s32 $0x13500;
	s21 =	simm.s32 $0x18500  }
0x48f: {  	[tilespmem:s21], [sflag:$0x4] =	stream.indirect.gather [spmem:s0], $0x1, s18, s31, $0xb8;
	[tilespmem:$0x1A000] =	vst v63  }
0x490: {  	s18 =	simm.s32 $0x13180;
	s21 =	simm.s32 $0x18180  }
0x491: {  	[tilespmem:s21], [sflag:$0x4] =	stream.indirect.gather [spmem:s0], $0x1, s18, s31, $0xb8;
	[tilespmem:$0x1A000] =	vst v63  }
0x492: {  	s18 =	simm.s32 $0x13580;
	s21 =	simm.s32 $0x18580  }
0x493: {  	[tilespmem:s21], [sflag:$0x4] =	stream.indirect.gather [spmem:s0], $0x1, s18, s31, $0xb8;
	[tilespmem:$0x1A000] =	vst v63  }
0x494: {  	s18 =	simm.s32 $0x13200;
	s21 =	simm.s32 $0x18200  }
0x495: {  	[tilespmem:s21], [sflag:$0x4] =	stream.indirect.gather [spmem:s0], $0x1, s18, s31, $0xb8;
	[tilespmem:$0x1A000] =	vst v63  }
0x496: {  	s18 =	simm.s32 $0x13600;
	s21 =	simm.s32 $0x18600  }
0x497: {  	[tilespmem:s21], [sflag:$0x4] =	stream.indirect.gather [spmem:s0], $0x1, s18, s31, $0xb8;
	[tilespmem:$0x1A000] =	vst v63  }
0x498: {  	s18 =	simm.s32 $0x13280;
	s21 =	simm.s32 $0x18280  }
0x499: {  	[tilespmem:s21], [sflag:$0x4] =	stream.indirect.gather [spmem:s0], $0x1, s18, s31, $0xb8;
	[tilespmem:$0x1A000] =	vst v63  }
0x49a: {  	s18 =	simm.s32 $0x13680;
	s21 =	simm.s32 $0x18680  }
0x49b: {  	[tilespmem:s21], [sflag:$0x4] =	stream.indirect.gather [spmem:s0], $0x1, s18, s31, $0xb8;
	[tilespmem:$0x1A000] =	vst v63  }
0x49c: {  	s18 =	simm.s32 $0x13300;
	s21 =	simm.s32 $0x18300  }
0x49d: {  	[tilespmem:s21], [sflag:$0x4] =	stream.indirect.gather [spmem:s0], $0x1, s18, s31, $0xb8;
	[tilespmem:$0x1A000] =	vst v63  }
0x49e: {  	s18 =	simm.s32 $0x13700;
	s21 =	simm.s32 $0x18700  }
0x49f: {  	[tilespmem:s21], [sflag:$0x4] =	stream.indirect.gather [spmem:s0], $0x1, s18, s31, $0xb8;
	[tilespmem:$0x1A000] =	vst v63  }
0x4a0: {  	s18 =	simm.s32 $0x13380;
	s21 =	simm.s32 $0x18380  }
0x4a1: {  	[tilespmem:s21], [sflag:$0x4] =	stream.indirect.gather [spmem:s0], $0x1, s18, s31, $0xb8;
	[tilespmem:$0x1A000] =	vst v63  }
0x4a2: {  	s18 =	simm.s32 $0x13780;
	s21 =	simm.s32 $0x18780  }
0x4a3: {  	[tilespmem:s21], [sflag:$0x4] =	stream.indirect.gather [spmem:s0], $0x1, s18, s31, $0xb8;
	[tilespmem:$0x1A000] =	vst v63  }
0x4a4: {  	s18 =	simm.s32 $0x13800;
	s21 =	simm.s32 $0x18800  }
0x4a5: {  	[tilespmem:s21], [sflag:$0x4] =	stream.indirect.gather [spmem:s0], $0x1, s18, s31, $0xb8;
	[tilespmem:$0x1A000] =	vst v63  }
0x4a6: {  	s18 =	simm.s32 $0x13C00;
	s21 =	simm.s32 $0x18C00  }
0x4a7: {  	[tilespmem:s21], [sflag:$0x4] =	stream.indirect.gather [spmem:s0], $0x1, s18, s31, $0xb8;
	[tilespmem:$0x1A000] =	vst v63  }
0x4a8: {  	s18 =	simm.s32 $0x13880;
	s21 =	simm.s32 $0x18880  }
0x4a9: {  	[tilespmem:s21], [sflag:$0x4] =	stream.indirect.gather [spmem:s0], $0x1, s18, s31, $0xb8;
	[tilespmem:$0x1A000] =	vst v63  }
0x4aa: {  	s18 =	simm.s32 $0x13C80;
	s21 =	simm.s32 $0x18C80  }
0x4ab: {  	[tilespmem:s21], [sflag:$0x4] =	stream.indirect.gather [spmem:s0], $0x1, s18, s31, $0xb8;
	[tilespmem:$0x1A000] =	vst v63  }
0x4ac: {  	s18 =	simm.s32 $0x13900;
	s21 =	simm.s32 $0x18900  }
0x4ad: {  	[tilespmem:s21], [sflag:$0x4] =	stream.indirect.gather [spmem:s0], $0x1, s18, s31, $0xb8;
	[tilespmem:$0x1A000] =	vst v63  }
0x4ae: {  	s18 =	simm.s32 $0x13D00;
	s21 =	simm.s32 $0x18D00  }
0x4af: {  	[tilespmem:s21], [sflag:$0x4] =	stream.indirect.gather [spmem:s0], $0x1, s18, s31, $0xb8;
	[tilespmem:$0x1A000] =	vst v63  }
0x4b0: {  	s18 =	simm.s32 $0x13980;
	s21 =	simm.s32 $0x18980  }
0x4b1: {  	[tilespmem:s21], [sflag:$0x4] =	stream.indirect.gather [spmem:s0], $0x1, s18, s31, $0xb8;
	[tilespmem:$0x1A000] =	vst v63  }
0x4b2: {  	s18 =	simm.s32 $0x13D80;
	s21 =	simm.s32 $0x18D80  }
0x4b3: {  	[tilespmem:s21], [sflag:$0x4] =	stream.indirect.gather [spmem:s0], $0x1, s18, s31, $0xb8;
	[tilespmem:$0x1A000] =	vst v63  }
0x4b4: {  	s18 =	simm.s32 $0x13A00;
	s21 =	simm.s32 $0x18A00  }
0x4b5: {  	[tilespmem:s21], [sflag:$0x4] =	stream.indirect.gather [spmem:s0], $0x1, s18, s31, $0xb8;
	[tilespmem:$0x1A000] =	vst v63  }
0x4b6: {  	s18 =	simm.s32 $0x13E00;
	s21 =	simm.s32 $0x18E00  }
0x4b7: {  	[tilespmem:s21], [sflag:$0x4] =	stream.indirect.gather [spmem:s0], $0x1, s18, s31, $0xb8;
	[tilespmem:$0x1A000] =	vst v63  }
0x4b8: {  	s18 =	simm.s32 $0x13A80;
	s21 =	simm.s32 $0x18A80  }
0x4b9: {  	[tilespmem:s21], [sflag:$0x4] =	stream.indirect.gather [spmem:s0], $0x1, s18, s31, $0xb8;
	[tilespmem:$0x1A000] =	vst v63  }
0x4ba: {  	s18 =	simm.s32 $0x13E80;
	s21 =	simm.s32 $0x18E80  }
0x4bb: {  	[tilespmem:s21], [sflag:$0x4] =	stream.indirect.gather [spmem:s0], $0x1, s18, s31, $0xb8;
	[tilespmem:$0x1A000] =	vst v63  }
0x4bc: {  	s18 =	simm.s32 $0x13B00;
	s21 =	simm.s32 $0x18B00  }
0x4bd: {  	[tilespmem:s21], [sflag:$0x4] =	stream.indirect.gather [spmem:s0], $0x1, s18, s31, $0xb8;
	[tilespmem:$0x1A000] =	vst v63  }
0x4be: {  	s18 =	simm.s32 $0x13F00;
	s21 =	simm.s32 $0x18F00  }
0x4bf: {  	[tilespmem:s21], [sflag:$0x4] =	stream.indirect.gather [spmem:s0], $0x1, s18, s31, $0xb8;
	[tilespmem:$0x1A000] =	vst v63  }
0x4c0: {  	s18 =	simm.s32 $0x13B80;
	s21 =	simm.s32 $0x18B80  }
0x4c1: {  	[tilespmem:s21], [sflag:$0x4] =	stream.indirect.gather [spmem:s0], $0x1, s18, s31, $0xb8;
	[tilespmem:$0x1A000] =	vst v63  }
0x4c2: {  	s18 =	simm.s32 $0x13F80;
	s21 =	simm.s32 $0x18F80  }
0x4c3: {  	[tilespmem:s21], [sflag:$0x4] =	stream.indirect.gather [spmem:s0], $0x1, s18, s31, $0xb8;
	[tilespmem:$0x1A000] =	vst v63  }
0x4c4: {  	s18 =	simm.s32 $0x14000;
	s21 =	simm.s32 $0x19000  }
0x4c5: {  	[tilespmem:s21], [sflag:$0x4] =	stream.indirect.gather [spmem:s0], $0x1, s18, s31, $0xb8;
	[tilespmem:$0x1A000] =	vst v63  }
0x4c6: {  	s18 =	simm.s32 $0x14400;
	s21 =	simm.s32 $0x19400  }
0x4c7: {  	[tilespmem:s21], [sflag:$0x4] =	stream.indirect.gather [spmem:s0], $0x1, s18, s31, $0xb8;
	[tilespmem:$0x1A000] =	vst v63  }
0x4c8: {  	s18 =	simm.s32 $0x14080;
	s21 =	simm.s32 $0x19080  }
0x4c9: {  	[tilespmem:s21], [sflag:$0x4] =	stream.indirect.gather [spmem:s0], $0x1, s18, s31, $0xb8;
	[tilespmem:$0x1A000] =	vst v63  }
0x4ca: {  	s18 =	simm.s32 $0x14480;
	s21 =	simm.s32 $0x19480  }
0x4cb: {  	[tilespmem:s21], [sflag:$0x4] =	stream.indirect.gather [spmem:s0], $0x1, s18, s31, $0xb8;
	[tilespmem:$0x1A000] =	vst v63  }
0x4cc: {  	s18 =	simm.s32 $0x14100;
	s21 =	simm.s32 $0x19100  }
0x4cd: {  	[tilespmem:s21], [sflag:$0x4] =	stream.indirect.gather [spmem:s0], $0x1, s18, s31, $0xb8;
	[tilespmem:$0x1A000] =	vst v63  }
0x4ce: {  	s18 =	simm.s32 $0x14500;
	s21 =	simm.s32 $0x19500  }
0x4cf: {  	[tilespmem:s21], [sflag:$0x4] =	stream.indirect.gather [spmem:s0], $0x1, s18, s31, $0xb8;
	[tilespmem:$0x1A000] =	vst v63  }
0x4d0: {  	s18 =	simm.s32 $0x14180;
	s21 =	simm.s32 $0x19180  }
0x4d1: {  	[tilespmem:s21], [sflag:$0x4] =	stream.indirect.gather [spmem:s0], $0x1, s18, s31, $0xb8;
	[tilespmem:$0x1A000] =	vst v63  }
0x4d2: {  	s18 =	simm.s32 $0x14580;
	s21 =	simm.s32 $0x19580  }
0x4d3: {  	[tilespmem:s21], [sflag:$0x4] =	stream.indirect.gather [spmem:s0], $0x1, s18, s31, $0xb8;
	[tilespmem:$0x1A000] =	vst v63  }
0x4d4: {  	s18 =	simm.s32 $0x14200;
	s21 =	simm.s32 $0x19200  }
0x4d5: {  	[tilespmem:s21], [sflag:$0x4] =	stream.indirect.gather [spmem:s0], $0x1, s18, s31, $0xb8;
	[tilespmem:$0x1A000] =	vst v63  }
0x4d6: {  	s18 =	simm.s32 $0x14600;
	s21 =	simm.s32 $0x19600  }
0x4d7: {  	[tilespmem:s21], [sflag:$0x4] =	stream.indirect.gather [spmem:s0], $0x1, s18, s31, $0xb8;
	[tilespmem:$0x1A000] =	vst v63  }
0x4d8: {  	s18 =	simm.s32 $0x14280;
	s21 =	simm.s32 $0x19280  }
0x4d9: {  	[tilespmem:s21], [sflag:$0x4] =	stream.indirect.gather [spmem:s0], $0x1, s18, s31, $0xb8;
	[tilespmem:$0x1A000] =	vst v63  }
0x4da: {  	s18 =	simm.s32 $0x14680;
	s21 =	simm.s32 $0x19680  }
0x4db: {  	[tilespmem:s21], [sflag:$0x4] =	stream.indirect.gather [spmem:s0], $0x1, s18, s31, $0xb8;
	[tilespmem:$0x1A000] =	vst v63  }
0x4dc: {  	s18 =	simm.s32 $0x14300;
	s21 =	simm.s32 $0x19300  }
0x4dd: {  	[tilespmem:s21], [sflag:$0x4] =	stream.indirect.gather [spmem:s0], $0x1, s18, s31, $0xb8;
	[tilespmem:$0x1A000] =	vst v63  }
0x4de: {  	s18 =	simm.s32 $0x14700;
	s21 =	simm.s32 $0x19700  }
0x4df: {  	[tilespmem:s21], [sflag:$0x4] =	stream.indirect.gather [spmem:s0], $0x1, s18, s31, $0xb8;
	[tilespmem:$0x1A000] =	vst v63  }
0x4e0: {  	s18 =	simm.s32 $0x14380;
	s21 =	simm.s32 $0x19380  }
0x4e1: {  	[tilespmem:s21], [sflag:$0x4] =	stream.indirect.gather [spmem:s0], $0x1, s18, s31, $0xb8;
	[tilespmem:$0x1A000] =	vst v63  }
0x4e2: {  	s18 =	simm.s32 $0x14780;
	s21 =	simm.s32 $0x19780  }
0x4e3: {  	[tilespmem:s21], [sflag:$0x4] =	stream.indirect.gather [spmem:s0], $0x1, s18, s31, $0xb8;
	[tilespmem:$0x1A000] =	vst v63  }
0x4e4: {  	s18 =	simm.s32 $0x14800;
	s21 =	simm.s32 $0x19800  }
0x4e5: {  	[tilespmem:s21], [sflag:$0x4] =	stream.indirect.gather [spmem:s0], $0x1, s18, s31, $0xb8;
	[tilespmem:$0x1A000] =	vst v63  }
0x4e6: {  	s18 =	simm.s32 $0x14C00;
	s21 =	simm.s32 $0x19C00  }
0x4e7: {  	[tilespmem:s21], [sflag:$0x4] =	stream.indirect.gather [spmem:s0], $0x1, s18, s31, $0xb8;
	[tilespmem:$0x1A000] =	vst v63  }
0x4e8: {  	s18 =	simm.s32 $0x14880;
	s21 =	simm.s32 $0x19880  }
0x4e9: {  	[tilespmem:s21], [sflag:$0x4] =	stream.indirect.gather [spmem:s0], $0x1, s18, s31, $0xb8;
	[tilespmem:$0x1A000] =	vst v63  }
0x4ea: {  	s18 =	simm.s32 $0x14C80;
	s21 =	simm.s32 $0x19C80  }
0x4eb: {  	[tilespmem:s21], [sflag:$0x4] =	stream.indirect.gather [spmem:s0], $0x1, s18, s31, $0xb8;
	[tilespmem:$0x1A000] =	vst v63  }
0x4ec: {  	s18 =	simm.s32 $0x14900;
	s21 =	simm.s32 $0x19900  }
0x4ed: {  	[tilespmem:s21], [sflag:$0x4] =	stream.indirect.gather [spmem:s0], $0x1, s18, s31, $0xb8;
	[tilespmem:$0x1A000] =	vst v63  }
0x4ee: {  	s18 =	simm.s32 $0x14D00;
	s21 =	simm.s32 $0x19D00  }
0x4ef: {  	[tilespmem:s21], [sflag:$0x4] =	stream.indirect.gather [spmem:s0], $0x1, s18, s31, $0xb8;
	[tilespmem:$0x1A000] =	vst v63  }
0x4f0: {  	s18 =	simm.s32 $0x14980;
	s21 =	simm.s32 $0x19980  }
0x4f1: {  	[tilespmem:s21], [sflag:$0x4] =	stream.indirect.gather [spmem:s0], $0x1, s18, s31, $0xb8;
	[tilespmem:$0x1A000] =	vst v63  }
0x4f2: {  	s18 =	simm.s32 $0x14D80;
	s21 =	simm.s32 $0x19D80  }
0x4f3: {  	[tilespmem:s21], [sflag:$0x4] =	stream.indirect.gather [spmem:s0], $0x1, s18, s31, $0xb8;
	[tilespmem:$0x1A000] =	vst v63  }
0x4f4: {  	s18 =	simm.s32 $0x14A00;
	s21 =	simm.s32 $0x19A00  }
0x4f5: {  	[tilespmem:s21], [sflag:$0x4] =	stream.indirect.gather [spmem:s0], $0x1, s18, s31, $0xb8;
	[tilespmem:$0x1A000] =	vst v63  }
0x4f6: {  	s21 =	simm.s32 $0x14E00  }
0x4f7: {  	[tilespmem:s22], [sflag:$0x4] =	stream.indirect.gather [spmem:s0], $0x1, s21, s31, $0xb8;
	[tilespmem:$0x1A000] =	vst v63  }
0x4f8: {  	_ = 	snop  }
0x4f9: {  	[tilespmem:s24], [sflag:$0x4] =	stream.indirect.gather [spmem:s0], $0x1, s23, s31, $0xb8;
	[tilespmem:$0x1A000] =	vst v63  }
0x4fa: {  	_ = 	snop  }
0x4fb: {  	[tilespmem:s3], [sflag:$0x4] =	stream.indirect.gather [spmem:s0], $0x1, s2, s31, $0xb8;
	[tilespmem:$0x1A000] =	vst v63  }
0x4fc: {  	_ = 	snop  }
0x4fd: {  	[tilespmem:s5], [sflag:$0x4] =	stream.indirect.gather [spmem:s0], $0x1, s4, s31, $0xb8;
	[tilespmem:$0x1A000] =	vst v63  }
0x4fe: {  	_ = 	snop  }
0x4ff: {  	[tilespmem:s10], [sflag:$0x4] =	stream.indirect.gather [spmem:s0], $0x1, s9, s31, $0xb8;
	[tilespmem:$0x1A000] =	vst v63  }
0x500: {  	_ = 	snop  }
0x501: {  	[tilespmem:s12], [sflag:$0x4] =	stream.indirect.gather [spmem:s0], $0x1, s11, s31, $0xb8;
	[tilespmem:$0x1A000] =	vst v63  }
0x502: {  	_ = 	snop  }
0x503: {  	[tilespmem:s14], [sflag:$0x4] =	stream.indirect.gather [spmem:s0], $0x1, s13, s31, $0xb8;
	[tilespmem:$0x1A000] =	vst v63  }
0x504: {  	_ =	swait.ge [sflag:s6], $0x80  }
0x505: {  	[sflag:s6] =	ssyncset.done $0x0  }
0x506: {  	[sflag:s6] =	ssyncadd.s32 $0xFFFFFF80  }
0x507: {  	_ =	swait.ge [sflag:s6], $0x80  }
0x508: {  	[sflag:s6] =	ssyncset.done $0x0  }
0x509: {  	[sflag:s6] =	ssyncadd.s32 $0xFFFFFF80  }
0x50a: {  	_ =	swait.ge [sflag:s6], $0x80  }
0x50b: {  	[sflag:s6] =	ssyncset.done $0x0  }
0x50c: {  	[sflag:s6] =	ssyncadd.s32 $0xFFFFFF80  }
0x50d: {  	_ =	swait.ge [sflag:s6], $0x80  }
0x50e: {  	[sflag:s6] =	ssyncset.done $0x0  }
0x50f: {  	[sflag:s6] =	ssyncadd.s32 $0xFFFFFF80  }
0x510: {  	_ =	swait.ge [sflag:s6], $0x80  }
0x511: {  	[sflag:s6] =	ssyncset.done $0x0  }
0x512: {  	[sflag:s6] =	ssyncadd.s32 $0xFFFFFF80  }
0x513: {  	_ =	swait.ge [sflag:s6], $0x80  }
0x514: {  	[sflag:s6] =	ssyncset.done $0x0  }
0x515: {  	[sflag:s6] =	ssyncadd.s32 $0xFFFFFF80  }
0x516: {  	_ =	swait.ge [sflag:s6], $0x80  }
0x517: {  	[sflag:s6] =	ssyncset.done $0x0  }
0x518: {  	[sflag:s6] =	ssyncadd.s32 $0xFFFFFF80  }
0x519: {  	_ =	swait.ge [sflag:s6], $0x80  }
0x51a: {  	s18 =	simm.s32 $0x0;
	[sflag:s6] =	ssyncset.done $0x0  }
.LBB2_12:
0x51b: {  	s18 =	sadd.s32 $0x8, s18;
	[sflag:s6] =	ssyncadd.s32 $0xFFFFFF80  }
0x51c: {  	_ =	swait.ge [sflag:s6], $0x80;
	p1 =	slt.u32 s18, $0x48  }
0x51d: {  	[sflag:s6] =	ssyncset.done $0x0  }
0x51e: {  	[sflag:s6] =	ssyncadd.s32 $0xFFFFFF80  }
0x51f: {  	_ =	swait.ge [sflag:s6], $0x80  }
0x520: {  	[sflag:s6] =	ssyncset.done $0x0  }
0x521: {  	[sflag:s6] =	ssyncadd.s32 $0xFFFFFF80  }
0x522: {  	_ =	swait.ge [sflag:s6], $0x80  }
0x523: {  	[sflag:s6] =	ssyncset.done $0x0  }
0x524: {  	[sflag:s6] =	ssyncadd.s32 $0xFFFFFF80  }
0x525: {  	_ =	swait.ge [sflag:s6], $0x80  }
0x526: {  	[sflag:s6] =	ssyncset.done $0x0  }
0x527: {  	[sflag:s6] =	ssyncadd.s32 $0xFFFFFF80  }
0x528: {  	_ =	swait.ge [sflag:s6], $0x80  }
0x529: {  	[sflag:s6] =	ssyncset.done $0x0  }
0x52a: {  	[sflag:s6] =	ssyncadd.s32 $0xFFFFFF80  }
0x52b: {  	_ =	swait.ge [sflag:s6], $0x80  }
0x52c: {  	[sflag:s6] =	ssyncset.done $0x0  }
0x52d: {  	[sflag:s6] =	ssyncadd.s32 $0xFFFFFF80  }
.Ltmp5:
0x52e: {  	_ =	swait.ge [sflag:s6], $0x80;
	(pc) =	sbr.rel @p1 .LBB2_12-.Ltmp5, $4  }
0x52f: {  	[sflag:s6] =	ssyncset.done $0x0  }
0x530: {  	[sflag:s6] =	ssyncadd.s32 $0xFFFFFF80  }
0x531: {  	_ =	swait.ge [sflag:s6], $0x80  }
0x532: {  	[sflag:s6] =	ssyncset.done $0x0  }
0x533: {  	[sflag:s6] =	ssyncadd.s32 $0xFFFFFF80;
	s18 =	rddreg [dreg:$0x11]  }
0x534: {  	[hbm4b:s18+s25] =	stream.strided.scatter [tilespmem:s8], [sflag:$0x6], $0x2800, s26, s25, $0x38;
	[tilespmem:$0x1A000] =	vst v63  }
0x535: {  	_ =	swait.ge [sflag:s15], $0x2800  }
0x536: {  	[sflag:s15] =	ssyncset.done $0x0  }
0x537: {  	[sflag:s15] =	ssyncadd.s32 $0xFFFFD800  }
0x538: {  	_ =	swait.ge [sflag:s29], $0x2800  }
0x539: {  	[sflag:s29] =	ssyncset.done $0x0  }
0x53a: {  	s21 =	rddreg [dreg:$0x12];
	[sflag:s29] =	ssyncadd.s32 $0xFFFFD800  }
0x53b: {  	[tilespmem:s30], [sflag:$0x3] =	stream.strided.gather [hbm4b:s21+s25], $0x2800, s26, s25, $0x38;
	[tilespmem:$0x1A000] =	vst v63  }
0x53c: {  	_ = 	snop  }
0x53d: {  	[tilespmem:s17], [sflag:$0x4] =	stream.indirect.gather [spmem:s0], $0x1, s28, s31, $0xb8;
	[tilespmem:$0x1A000] =	vst v63  }
0x53e: {  	_ = 	snop  }
0x53f: {  	[tilespmem:s20], [sflag:$0x4] =	stream.indirect.gather [spmem:s0], $0x1, s19, s31, $0xb8;
	[tilespmem:$0x1A000] =	vst v63  }
0x540: {  	s18 =	simm.s32 $0x10080;
	s21 =	simm.s32 $0x15080  }
0x541: {  	[tilespmem:s21], [sflag:$0x4] =	stream.indirect.gather [spmem:s0], $0x1, s18, s31, $0xb8;
	[tilespmem:$0x1A000] =	vst v63  }
0x542: {  	s18 =	simm.s32 $0x10480;
	s21 =	simm.s32 $0x15480  }
0x543: {  	[tilespmem:s21], [sflag:$0x4] =	stream.indirect.gather [spmem:s0], $0x1, s18, s31, $0xb8;
	[tilespmem:$0x1A000] =	vst v63  }
0x544: {  	s18 =	simm.s32 $0x10100;
	s21 =	simm.s32 $0x15100  }
0x545: {  	[tilespmem:s21], [sflag:$0x4] =	stream.indirect.gather [spmem:s0], $0x1, s18, s31, $0xb8;
	[tilespmem:$0x1A000] =	vst v63  }
0x546: {  	s18 =	simm.s32 $0x10500;
	s21 =	simm.s32 $0x15500  }
0x547: {  	[tilespmem:s21], [sflag:$0x4] =	stream.indirect.gather [spmem:s0], $0x1, s18, s31, $0xb8;
	[tilespmem:$0x1A000] =	vst v63  }
0x548: {  	s18 =	simm.s32 $0x10180;
	s21 =	simm.s32 $0x15180  }
0x549: {  	[tilespmem:s21], [sflag:$0x4] =	stream.indirect.gather [spmem:s0], $0x1, s18, s31, $0xb8;
	[tilespmem:$0x1A000] =	vst v63  }
0x54a: {  	s18 =	simm.s32 $0x10580;
	s21 =	simm.s32 $0x15580  }
0x54b: {  	[tilespmem:s21], [sflag:$0x4] =	stream.indirect.gather [spmem:s0], $0x1, s18, s31, $0xb8;
	[tilespmem:$0x1A000] =	vst v63  }
0x54c: {  	s18 =	simm.s32 $0x10200;
	s21 =	simm.s32 $0x15200  }
0x54d: {  	[tilespmem:s21], [sflag:$0x4] =	stream.indirect.gather [spmem:s0], $0x1, s18, s31, $0xb8;
	[tilespmem:$0x1A000] =	vst v63  }
0x54e: {  	s18 =	simm.s32 $0x10600;
	s21 =	simm.s32 $0x15600  }
0x54f: {  	[tilespmem:s21], [sflag:$0x4] =	stream.indirect.gather [spmem:s0], $0x1, s18, s31, $0xb8;
	[tilespmem:$0x1A000] =	vst v63  }
0x550: {  	s18 =	simm.s32 $0x10280;
	s21 =	simm.s32 $0x15280  }
0x551: {  	[tilespmem:s21], [sflag:$0x4] =	stream.indirect.gather [spmem:s0], $0x1, s18, s31, $0xb8;
	[tilespmem:$0x1A000] =	vst v63  }
0x552: {  	s18 =	simm.s32 $0x10680;
	s21 =	simm.s32 $0x15680  }
0x553: {  	[tilespmem:s21], [sflag:$0x4] =	stream.indirect.gather [spmem:s0], $0x1, s18, s31, $0xb8;
	[tilespmem:$0x1A000] =	vst v63  }
0x554: {  	s18 =	simm.s32 $0x10300;
	s21 =	simm.s32 $0x15300  }
0x555: {  	[tilespmem:s21], [sflag:$0x4] =	stream.indirect.gather [spmem:s0], $0x1, s18, s31, $0xb8;
	[tilespmem:$0x1A000] =	vst v63  }
0x556: {  	s18 =	simm.s32 $0x10700;
	s21 =	simm.s32 $0x15700  }
0x557: {  	[tilespmem:s21], [sflag:$0x4] =	stream.indirect.gather [spmem:s0], $0x1, s18, s31, $0xb8;
	[tilespmem:$0x1A000] =	vst v63  }
0x558: {  	s18 =	simm.s32 $0x10380;
	s21 =	simm.s32 $0x15380  }
0x559: {  	[tilespmem:s21], [sflag:$0x4] =	stream.indirect.gather [spmem:s0], $0x1, s18, s31, $0xb8;
	[tilespmem:$0x1A000] =	vst v63  }
0x55a: {  	s18 =	simm.s32 $0x10780;
	s21 =	simm.s32 $0x15780  }
0x55b: {  	[tilespmem:s21], [sflag:$0x4] =	stream.indirect.gather [spmem:s0], $0x1, s18, s31, $0xb8;
	[tilespmem:$0x1A000] =	vst v63  }
0x55c: {  	s18 =	simm.s32 $0x10800;
	s21 =	simm.s32 $0x15800  }
0x55d: {  	[tilespmem:s21], [sflag:$0x4] =	stream.indirect.gather [spmem:s0], $0x1, s18, s31, $0xb8;
	[tilespmem:$0x1A000] =	vst v63  }
0x55e: {  	s18 =	simm.s32 $0x10C00;
	s21 =	simm.s32 $0x15C00  }
0x55f: {  	[tilespmem:s21], [sflag:$0x4] =	stream.indirect.gather [spmem:s0], $0x1, s18, s31, $0xb8;
	[tilespmem:$0x1A000] =	vst v63  }
0x560: {  	s18 =	simm.s32 $0x10880;
	s21 =	simm.s32 $0x15880  }
0x561: {  	[tilespmem:s21], [sflag:$0x4] =	stream.indirect.gather [spmem:s0], $0x1, s18, s31, $0xb8;
	[tilespmem:$0x1A000] =	vst v63  }
0x562: {  	s18 =	simm.s32 $0x10C80;
	s21 =	simm.s32 $0x15C80  }
0x563: {  	[tilespmem:s21], [sflag:$0x4] =	stream.indirect.gather [spmem:s0], $0x1, s18, s31, $0xb8;
	[tilespmem:$0x1A000] =	vst v63  }
0x564: {  	s18 =	simm.s32 $0x10900;
	s21 =	simm.s32 $0x15900  }
0x565: {  	[tilespmem:s21], [sflag:$0x4] =	stream.indirect.gather [spmem:s0], $0x1, s18, s31, $0xb8;
	[tilespmem:$0x1A000] =	vst v63  }
0x566: {  	s18 =	simm.s32 $0x10D00;
	s21 =	simm.s32 $0x15D00  }
0x567: {  	[tilespmem:s21], [sflag:$0x4] =	stream.indirect.gather [spmem:s0], $0x1, s18, s31, $0xb8;
	[tilespmem:$0x1A000] =	vst v63  }
0x568: {  	s18 =	simm.s32 $0x10980;
	s21 =	simm.s32 $0x15980  }
0x569: {  	[tilespmem:s21], [sflag:$0x4] =	stream.indirect.gather [spmem:s0], $0x1, s18, s31, $0xb8;
	[tilespmem:$0x1A000] =	vst v63  }
0x56a: {  	s18 =	simm.s32 $0x10D80;
	s21 =	simm.s32 $0x15D80  }
0x56b: {  	[tilespmem:s21], [sflag:$0x4] =	stream.indirect.gather [spmem:s0], $0x1, s18, s31, $0xb8;
	[tilespmem:$0x1A000] =	vst v63  }
0x56c: {  	s18 =	simm.s32 $0x10A00;
	s21 =	simm.s32 $0x15A00  }
0x56d: {  	[tilespmem:s21], [sflag:$0x4] =	stream.indirect.gather [spmem:s0], $0x1, s18, s31, $0xb8;
	[tilespmem:$0x1A000] =	vst v63  }
0x56e: {  	s18 =	simm.s32 $0x10E00;
	s21 =	simm.s32 $0x15E00  }
0x56f: {  	[tilespmem:s21], [sflag:$0x4] =	stream.indirect.gather [spmem:s0], $0x1, s18, s31, $0xb8;
	[tilespmem:$0x1A000] =	vst v63  }
0x570: {  	s18 =	simm.s32 $0x10A80;
	s21 =	simm.s32 $0x15A80  }
0x571: {  	[tilespmem:s21], [sflag:$0x4] =	stream.indirect.gather [spmem:s0], $0x1, s18, s31, $0xb8;
	[tilespmem:$0x1A000] =	vst v63  }
0x572: {  	s18 =	simm.s32 $0x10E80;
	s21 =	simm.s32 $0x15E80  }
0x573: {  	[tilespmem:s21], [sflag:$0x4] =	stream.indirect.gather [spmem:s0], $0x1, s18, s31, $0xb8;
	[tilespmem:$0x1A000] =	vst v63  }
0x574: {  	s18 =	simm.s32 $0x10B00;
	s21 =	simm.s32 $0x15B00  }
0x575: {  	[tilespmem:s21], [sflag:$0x4] =	stream.indirect.gather [spmem:s0], $0x1, s18, s31, $0xb8;
	[tilespmem:$0x1A000] =	vst v63  }
0x576: {  	s18 =	simm.s32 $0x10F00;
	s21 =	simm.s32 $0x15F00  }
0x577: {  	[tilespmem:s21], [sflag:$0x4] =	stream.indirect.gather [spmem:s0], $0x1, s18, s31, $0xb8;
	[tilespmem:$0x1A000] =	vst v63  }
0x578: {  	s18 =	simm.s32 $0x10B80;
	s21 =	simm.s32 $0x15B80  }
0x579: {  	[tilespmem:s21], [sflag:$0x4] =	stream.indirect.gather [spmem:s0], $0x1, s18, s31, $0xb8;
	[tilespmem:$0x1A000] =	vst v63  }
0x57a: {  	s18 =	simm.s32 $0x10F80;
	s21 =	simm.s32 $0x15F80  }
0x57b: {  	[tilespmem:s21], [sflag:$0x4] =	stream.indirect.gather [spmem:s0], $0x1, s18, s31, $0xb8;
	[tilespmem:$0x1A000] =	vst v63  }
0x57c: {  	s18 =	simm.s32 $0x11000;
	s21 =	simm.s32 $0x16000  }
0x57d: {  	[tilespmem:s21], [sflag:$0x4] =	stream.indirect.gather [spmem:s0], $0x1, s18, s31, $0xb8;
	[tilespmem:$0x1A000] =	vst v63  }
0x57e: {  	s18 =	simm.s32 $0x11400;
	s21 =	simm.s32 $0x16400  }
0x57f: {  	[tilespmem:s21], [sflag:$0x4] =	stream.indirect.gather [spmem:s0], $0x1, s18, s31, $0xb8;
	[tilespmem:$0x1A000] =	vst v63  }
0x580: {  	s18 =	simm.s32 $0x11080;
	s21 =	simm.s32 $0x16080  }
0x581: {  	[tilespmem:s21], [sflag:$0x4] =	stream.indirect.gather [spmem:s0], $0x1, s18, s31, $0xb8;
	[tilespmem:$0x1A000] =	vst v63  }
0x582: {  	s18 =	simm.s32 $0x11480;
	s21 =	simm.s32 $0x16480  }
0x583: {  	[tilespmem:s21], [sflag:$0x4] =	stream.indirect.gather [spmem:s0], $0x1, s18, s31, $0xb8;
	[tilespmem:$0x1A000] =	vst v63  }
0x584: {  	s18 =	simm.s32 $0x11100;
	s21 =	simm.s32 $0x16100  }
0x585: {  	[tilespmem:s21], [sflag:$0x4] =	stream.indirect.gather [spmem:s0], $0x1, s18, s31, $0xb8;
	[tilespmem:$0x1A000] =	vst v63  }
0x586: {  	s18 =	simm.s32 $0x11500;
	s21 =	simm.s32 $0x16500  }
0x587: {  	[tilespmem:s21], [sflag:$0x4] =	stream.indirect.gather [spmem:s0], $0x1, s18, s31, $0xb8;
	[tilespmem:$0x1A000] =	vst v63  }
0x588: {  	s18 =	simm.s32 $0x11180;
	s21 =	simm.s32 $0x16180  }
0x589: {  	[tilespmem:s21], [sflag:$0x4] =	stream.indirect.gather [spmem:s0], $0x1, s18, s31, $0xb8;
	[tilespmem:$0x1A000] =	vst v63  }
0x58a: {  	s18 =	simm.s32 $0x11580;
	s21 =	simm.s32 $0x16580  }
0x58b: {  	[tilespmem:s21], [sflag:$0x4] =	stream.indirect.gather [spmem:s0], $0x1, s18, s31, $0xb8;
	[tilespmem:$0x1A000] =	vst v63  }
0x58c: {  	s18 =	simm.s32 $0x11200;
	s21 =	simm.s32 $0x16200  }
0x58d: {  	[tilespmem:s21], [sflag:$0x4] =	stream.indirect.gather [spmem:s0], $0x1, s18, s31, $0xb8;
	[tilespmem:$0x1A000] =	vst v63  }
0x58e: {  	s18 =	simm.s32 $0x11600;
	s21 =	simm.s32 $0x16600  }
0x58f: {  	[tilespmem:s21], [sflag:$0x4] =	stream.indirect.gather [spmem:s0], $0x1, s18, s31, $0xb8;
	[tilespmem:$0x1A000] =	vst v63  }
0x590: {  	s18 =	simm.s32 $0x11280;
	s21 =	simm.s32 $0x16280  }
0x591: {  	[tilespmem:s21], [sflag:$0x4] =	stream.indirect.gather [spmem:s0], $0x1, s18, s31, $0xb8;
	[tilespmem:$0x1A000] =	vst v63  }
0x592: {  	s18 =	simm.s32 $0x11680;
	s21 =	simm.s32 $0x16680  }
0x593: {  	[tilespmem:s21], [sflag:$0x4] =	stream.indirect.gather [spmem:s0], $0x1, s18, s31, $0xb8;
	[tilespmem:$0x1A000] =	vst v63  }
0x594: {  	s18 =	simm.s32 $0x11300;
	s21 =	simm.s32 $0x16300  }
0x595: {  	[tilespmem:s21], [sflag:$0x4] =	stream.indirect.gather [spmem:s0], $0x1, s18, s31, $0xb8;
	[tilespmem:$0x1A000] =	vst v63  }
0x596: {  	s18 =	simm.s32 $0x11700;
	s21 =	simm.s32 $0x16700  }
0x597: {  	[tilespmem:s21], [sflag:$0x4] =	stream.indirect.gather [spmem:s0], $0x1, s18, s31, $0xb8;
	[tilespmem:$0x1A000] =	vst v63  }
0x598: {  	s18 =	simm.s32 $0x11380;
	s21 =	simm.s32 $0x16380  }
0x599: {  	[tilespmem:s21], [sflag:$0x4] =	stream.indirect.gather [spmem:s0], $0x1, s18, s31, $0xb8;
	[tilespmem:$0x1A000] =	vst v63  }
0x59a: {  	s18 =	simm.s32 $0x11780;
	s21 =	simm.s32 $0x16780  }
0x59b: {  	[tilespmem:s21], [sflag:$0x4] =	stream.indirect.gather [spmem:s0], $0x1, s18, s31, $0xb8;
	[tilespmem:$0x1A000] =	vst v63  }
0x59c: {  	s18 =	simm.s32 $0x11800;
	s21 =	simm.s32 $0x16800  }
0x59d: {  	[tilespmem:s21], [sflag:$0x4] =	stream.indirect.gather [spmem:s0], $0x1, s18, s31, $0xb8;
	[tilespmem:$0x1A000] =	vst v63  }
0x59e: {  	s18 =	simm.s32 $0x11C00;
	s21 =	simm.s32 $0x16C00  }
0x59f: {  	[tilespmem:s21], [sflag:$0x4] =	stream.indirect.gather [spmem:s0], $0x1, s18, s31, $0xb8;
	[tilespmem:$0x1A000] =	vst v63  }
0x5a0: {  	s18 =	simm.s32 $0x11880;
	s21 =	simm.s32 $0x16880  }
0x5a1: {  	[tilespmem:s21], [sflag:$0x4] =	stream.indirect.gather [spmem:s0], $0x1, s18, s31, $0xb8;
	[tilespmem:$0x1A000] =	vst v63  }
0x5a2: {  	s18 =	simm.s32 $0x11C80;
	s21 =	simm.s32 $0x16C80  }
0x5a3: {  	[tilespmem:s21], [sflag:$0x4] =	stream.indirect.gather [spmem:s0], $0x1, s18, s31, $0xb8;
	[tilespmem:$0x1A000] =	vst v63  }
0x5a4: {  	s18 =	simm.s32 $0x11900;
	s21 =	simm.s32 $0x16900  }
0x5a5: {  	[tilespmem:s21], [sflag:$0x4] =	stream.indirect.gather [spmem:s0], $0x1, s18, s31, $0xb8;
	[tilespmem:$0x1A000] =	vst v63  }
0x5a6: {  	s18 =	simm.s32 $0x11D00;
	s21 =	simm.s32 $0x16D00  }
0x5a7: {  	[tilespmem:s21], [sflag:$0x4] =	stream.indirect.gather [spmem:s0], $0x1, s18, s31, $0xb8;
	[tilespmem:$0x1A000] =	vst v63  }
0x5a8: {  	s18 =	simm.s32 $0x11980;
	s21 =	simm.s32 $0x16980  }
0x5a9: {  	[tilespmem:s21], [sflag:$0x4] =	stream.indirect.gather [spmem:s0], $0x1, s18, s31, $0xb8;
	[tilespmem:$0x1A000] =	vst v63  }
0x5aa: {  	s18 =	simm.s32 $0x11D80;
	s21 =	simm.s32 $0x16D80  }
0x5ab: {  	[tilespmem:s21], [sflag:$0x4] =	stream.indirect.gather [spmem:s0], $0x1, s18, s31, $0xb8;
	[tilespmem:$0x1A000] =	vst v63  }
0x5ac: {  	s18 =	simm.s32 $0x11A00;
	s21 =	simm.s32 $0x16A00  }
0x5ad: {  	[tilespmem:s21], [sflag:$0x4] =	stream.indirect.gather [spmem:s0], $0x1, s18, s31, $0xb8;
	[tilespmem:$0x1A000] =	vst v63  }
0x5ae: {  	s18 =	simm.s32 $0x11E00;
	s21 =	simm.s32 $0x16E00  }
0x5af: {  	[tilespmem:s21], [sflag:$0x4] =	stream.indirect.gather [spmem:s0], $0x1, s18, s31, $0xb8;
	[tilespmem:$0x1A000] =	vst v63  }
0x5b0: {  	s18 =	simm.s32 $0x11A80;
	s21 =	simm.s32 $0x16A80  }
0x5b1: {  	[tilespmem:s21], [sflag:$0x4] =	stream.indirect.gather [spmem:s0], $0x1, s18, s31, $0xb8;
	[tilespmem:$0x1A000] =	vst v63  }
0x5b2: {  	s18 =	simm.s32 $0x11E80;
	s21 =	simm.s32 $0x16E80  }
0x5b3: {  	[tilespmem:s21], [sflag:$0x4] =	stream.indirect.gather [spmem:s0], $0x1, s18, s31, $0xb8;
	[tilespmem:$0x1A000] =	vst v63  }
0x5b4: {  	s18 =	simm.s32 $0x11B00;
	s21 =	simm.s32 $0x16B00  }
0x5b5: {  	[tilespmem:s21], [sflag:$0x4] =	stream.indirect.gather [spmem:s0], $0x1, s18, s31, $0xb8;
	[tilespmem:$0x1A000] =	vst v63  }
0x5b6: {  	s18 =	simm.s32 $0x11F00;
	s21 =	simm.s32 $0x16F00  }
0x5b7: {  	[tilespmem:s21], [sflag:$0x4] =	stream.indirect.gather [spmem:s0], $0x1, s18, s31, $0xb8;
	[tilespmem:$0x1A000] =	vst v63  }
0x5b8: {  	s18 =	simm.s32 $0x11B80;
	s21 =	simm.s32 $0x16B80  }
0x5b9: {  	[tilespmem:s21], [sflag:$0x4] =	stream.indirect.gather [spmem:s0], $0x1, s18, s31, $0xb8;
	[tilespmem:$0x1A000] =	vst v63  }
0x5ba: {  	s18 =	simm.s32 $0x11F80;
	s21 =	simm.s32 $0x16F80  }
0x5bb: {  	[tilespmem:s21], [sflag:$0x4] =	stream.indirect.gather [spmem:s0], $0x1, s18, s31, $0xb8;
	[tilespmem:$0x1A000] =	vst v63  }
0x5bc: {  	s18 =	simm.s32 $0x12000;
	s21 =	simm.s32 $0x17000  }
0x5bd: {  	[tilespmem:s21], [sflag:$0x4] =	stream.indirect.gather [spmem:s0], $0x1, s18, s31, $0xb8;
	[tilespmem:$0x1A000] =	vst v63  }
0x5be: {  	s18 =	simm.s32 $0x12400;
	s21 =	simm.s32 $0x17400  }
0x5bf: {  	[tilespmem:s21], [sflag:$0x4] =	stream.indirect.gather [spmem:s0], $0x1, s18, s31, $0xb8;
	[tilespmem:$0x1A000] =	vst v63  }
0x5c0: {  	s18 =	simm.s32 $0x12080;
	s21 =	simm.s32 $0x17080  }
0x5c1: {  	[tilespmem:s21], [sflag:$0x4] =	stream.indirect.gather [spmem:s0], $0x1, s18, s31, $0xb8;
	[tilespmem:$0x1A000] =	vst v63  }
0x5c2: {  	s18 =	simm.s32 $0x12480;
	s21 =	simm.s32 $0x17480  }
0x5c3: {  	[tilespmem:s21], [sflag:$0x4] =	stream.indirect.gather [spmem:s0], $0x1, s18, s31, $0xb8;
	[tilespmem:$0x1A000] =	vst v63  }
0x5c4: {  	s18 =	simm.s32 $0x12100;
	s21 =	simm.s32 $0x17100  }
0x5c5: {  	[tilespmem:s21], [sflag:$0x4] =	stream.indirect.gather [spmem:s0], $0x1, s18, s31, $0xb8;
	[tilespmem:$0x1A000] =	vst v63  }
0x5c6: {  	s18 =	simm.s32 $0x12500;
	s21 =	simm.s32 $0x17500  }
0x5c7: {  	[tilespmem:s21], [sflag:$0x4] =	stream.indirect.gather [spmem:s0], $0x1, s18, s31, $0xb8;
	[tilespmem:$0x1A000] =	vst v63  }
0x5c8: {  	s18 =	simm.s32 $0x12180;
	s21 =	simm.s32 $0x17180  }
0x5c9: {  	[tilespmem:s21], [sflag:$0x4] =	stream.indirect.gather [spmem:s0], $0x1, s18, s31, $0xb8;
	[tilespmem:$0x1A000] =	vst v63  }
0x5ca: {  	s18 =	simm.s32 $0x12580;
	s21 =	simm.s32 $0x17580  }
0x5cb: {  	[tilespmem:s21], [sflag:$0x4] =	stream.indirect.gather [spmem:s0], $0x1, s18, s31, $0xb8;
	[tilespmem:$0x1A000] =	vst v63  }
0x5cc: {  	s18 =	simm.s32 $0x12200;
	s21 =	simm.s32 $0x17200  }
0x5cd: {  	[tilespmem:s21], [sflag:$0x4] =	stream.indirect.gather [spmem:s0], $0x1, s18, s31, $0xb8;
	[tilespmem:$0x1A000] =	vst v63  }
0x5ce: {  	s18 =	simm.s32 $0x12600;
	s21 =	simm.s32 $0x17600  }
0x5cf: {  	[tilespmem:s21], [sflag:$0x4] =	stream.indirect.gather [spmem:s0], $0x1, s18, s31, $0xb8;
	[tilespmem:$0x1A000] =	vst v63  }
0x5d0: {  	s18 =	simm.s32 $0x12280;
	s21 =	simm.s32 $0x17280  }
0x5d1: {  	[tilespmem:s21], [sflag:$0x4] =	stream.indirect.gather [spmem:s0], $0x1, s18, s31, $0xb8;
	[tilespmem:$0x1A000] =	vst v63  }
0x5d2: {  	s18 =	simm.s32 $0x12680;
	s21 =	simm.s32 $0x17680  }
0x5d3: {  	[tilespmem:s21], [sflag:$0x4] =	stream.indirect.gather [spmem:s0], $0x1, s18, s31, $0xb8;
	[tilespmem:$0x1A000] =	vst v63  }
0x5d4: {  	s18 =	simm.s32 $0x12300;
	s21 =	simm.s32 $0x17300  }
0x5d5: {  	[tilespmem:s21], [sflag:$0x4] =	stream.indirect.gather [spmem:s0], $0x1, s18, s31, $0xb8;
	[tilespmem:$0x1A000] =	vst v63  }
0x5d6: {  	s18 =	simm.s32 $0x12700;
	s21 =	simm.s32 $0x17700  }
0x5d7: {  	[tilespmem:s21], [sflag:$0x4] =	stream.indirect.gather [spmem:s0], $0x1, s18, s31, $0xb8;
	[tilespmem:$0x1A000] =	vst v63  }
0x5d8: {  	s18 =	simm.s32 $0x12380;
	s21 =	simm.s32 $0x17380  }
0x5d9: {  	[tilespmem:s21], [sflag:$0x4] =	stream.indirect.gather [spmem:s0], $0x1, s18, s31, $0xb8;
	[tilespmem:$0x1A000] =	vst v63  }
0x5da: {  	s18 =	simm.s32 $0x12780;
	s21 =	simm.s32 $0x17780  }
0x5db: {  	[tilespmem:s21], [sflag:$0x4] =	stream.indirect.gather [spmem:s0], $0x1, s18, s31, $0xb8;
	[tilespmem:$0x1A000] =	vst v63  }
0x5dc: {  	_ =	swait.ge [sflag:s6], $0x80  }
0x5dd: {  	[sflag:s6] =	ssyncset.done $0x0  }
0x5de: {  	[sflag:s6] =	ssyncadd.s32 $0xFFFFFF80  }
0x5df: {  	_ =	swait.ge [sflag:s6], $0x80  }
0x5e0: {  	[sflag:s6] =	ssyncset.done $0x0  }
0x5e1: {  	[sflag:s6] =	ssyncadd.s32 $0xFFFFFF80  }
0x5e2: {  	_ =	swait.ge [sflag:s6], $0x80  }
0x5e3: {  	[sflag:s6] =	ssyncset.done $0x0  }
0x5e4: {  	[sflag:s6] =	ssyncadd.s32 $0xFFFFFF80  }
0x5e5: {  	_ =	swait.ge [sflag:s6], $0x80  }
0x5e6: {  	[sflag:s6] =	ssyncset.done $0x0  }
0x5e7: {  	[sflag:s6] =	ssyncadd.s32 $0xFFFFFF80  }
0x5e8: {  	_ =	swait.ge [sflag:s6], $0x80  }
0x5e9: {  	[sflag:s6] =	ssyncset.done $0x0  }
0x5ea: {  	[sflag:s6] =	ssyncadd.s32 $0xFFFFFF80  }
0x5eb: {  	_ =	swait.ge [sflag:s6], $0x80  }
0x5ec: {  	[sflag:s6] =	ssyncset.done $0x0  }
0x5ed: {  	[sflag:s6] =	ssyncadd.s32 $0xFFFFFF80  }
0x5ee: {  	_ =	swait.ge [sflag:s6], $0x80  }
0x5ef: {  	[sflag:s6] =	ssyncset.done $0x0  }
0x5f0: {  	[sflag:s6] =	ssyncadd.s32 $0xFFFFFF80  }
0x5f1: {  	_ =	swait.ge [sflag:s6], $0x80  }
0x5f2: {  	s18 =	simm.s32 $0x0;
	[sflag:s6] =	ssyncset.done $0x0  }
.LBB2_14:
0x5f3: {  	s18 =	sadd.s32 $0x8, s18;
	[sflag:s6] =	ssyncadd.s32 $0xFFFFFF80  }
0x5f4: {  	_ =	swait.ge [sflag:s6], $0x80;
	p1 =	slt.u32 s18, $0x48  }
0x5f5: {  	[sflag:s6] =	ssyncset.done $0x0  }
0x5f6: {  	[sflag:s6] =	ssyncadd.s32 $0xFFFFFF80  }
0x5f7: {  	_ =	swait.ge [sflag:s6], $0x80  }
0x5f8: {  	[sflag:s6] =	ssyncset.done $0x0  }
0x5f9: {  	[sflag:s6] =	ssyncadd.s32 $0xFFFFFF80  }
0x5fa: {  	_ =	swait.ge [sflag:s6], $0x80  }
0x5fb: {  	[sflag:s6] =	ssyncset.done $0x0  }
0x5fc: {  	[sflag:s6] =	ssyncadd.s32 $0xFFFFFF80  }
0x5fd: {  	_ =	swait.ge [sflag:s6], $0x80  }
0x5fe: {  	[sflag:s6] =	ssyncset.done $0x0  }
0x5ff: {  	[sflag:s6] =	ssyncadd.s32 $0xFFFFFF80  }
0x600: {  	_ =	swait.ge [sflag:s6], $0x80  }
0x601: {  	[sflag:s6] =	ssyncset.done $0x0  }
0x602: {  	[sflag:s6] =	ssyncadd.s32 $0xFFFFFF80  }
0x603: {  	_ =	swait.ge [sflag:s6], $0x80  }
0x604: {  	[sflag:s6] =	ssyncset.done $0x0  }
0x605: {  	[sflag:s6] =	ssyncadd.s32 $0xFFFFFF80  }
.Ltmp6:
0x606: {  	_ =	swait.ge [sflag:s6], $0x80;
	(pc) =	sbr.rel @p1 .LBB2_14-.Ltmp6, $4  }
0x607: {  	[sflag:s6] =	ssyncset.done $0x0  }
0x608: {  	[sflag:s6] =	ssyncadd.s32 $0xFFFFFF80  }
0x609: {  	_ =	swait.ge [sflag:s6], $0x80  }
0x60a: {  	[sflag:s6] =	ssyncset.done $0x0  }
0x60b: {  	[sflag:s6] =	ssyncadd.s32 $0xFFFFFF80;
	s18 =	rddreg [dreg:$0x13]  }
0x60c: {  	[hbm4b:s18+s25] =	stream.strided.scatter [tilespmem:s17], [sflag:$0x5], $0x2800, s26, s25, $0x38;
	[tilespmem:$0x1A000] =	vst v63  }
0x60d: {  	_ =	swait.ge [sflag:s16], $0x2800  }
0x60e: {  	[sflag:s16] =	ssyncset.done $0x0  }
0x60f: {  	[sflag:s16] =	ssyncadd.s32 $0xFFFFD800  }
0x610: {  	_ =	swait.ge [sflag:s7], $0x2800  }
0x611: {  	[sflag:s7] =	ssyncset.done $0x0  }
0x612: {  	s21 =	rddreg [dreg:$0x14];
	[sflag:s7] =	ssyncadd.s32 $0xFFFFD800  }
0x613: {  	[tilespmem:s28], [sflag:$0x2] =	stream.strided.gather [hbm4b:s21+s25], $0x2800, s26, s25, $0x38;
	[tilespmem:$0x1A000] =	vst v63  }
0x614: {  	_ = 	snop  }
0x615: {  	[tilespmem:s8], [sflag:$0x4] =	stream.indirect.gather [spmem:s0], $0x1, s30, s31, $0xb8;
	[tilespmem:$0x1A000] =	vst v63  }
0x616: {  	s18 =	simm.s32 $0x12C00;
	s21 =	simm.s32 $0x17C00  }
0x617: {  	[tilespmem:s21], [sflag:$0x4] =	stream.indirect.gather [spmem:s0], $0x1, s18, s31, $0xb8;
	[tilespmem:$0x1A000] =	vst v63  }
0x618: {  	s18 =	simm.s32 $0x12880;
	s21 =	simm.s32 $0x17880  }
0x619: {  	[tilespmem:s21], [sflag:$0x4] =	stream.indirect.gather [spmem:s0], $0x1, s18, s31, $0xb8;
	[tilespmem:$0x1A000] =	vst v63  }
0x61a: {  	s18 =	simm.s32 $0x12C80;
	s21 =	simm.s32 $0x17C80  }
0x61b: {  	[tilespmem:s21], [sflag:$0x4] =	stream.indirect.gather [spmem:s0], $0x1, s18, s31, $0xb8;
	[tilespmem:$0x1A000] =	vst v63  }
0x61c: {  	s18 =	simm.s32 $0x12900;
	s21 =	simm.s32 $0x17900  }
0x61d: {  	[tilespmem:s21], [sflag:$0x4] =	stream.indirect.gather [spmem:s0], $0x1, s18, s31, $0xb8;
	[tilespmem:$0x1A000] =	vst v63  }
0x61e: {  	s18 =	simm.s32 $0x12D00;
	s21 =	simm.s32 $0x17D00  }
0x61f: {  	[tilespmem:s21], [sflag:$0x4] =	stream.indirect.gather [spmem:s0], $0x1, s18, s31, $0xb8;
	[tilespmem:$0x1A000] =	vst v63  }
0x620: {  	s18 =	simm.s32 $0x12980;
	s21 =	simm.s32 $0x17980  }
0x621: {  	[tilespmem:s21], [sflag:$0x4] =	stream.indirect.gather [spmem:s0], $0x1, s18, s31, $0xb8;
	[tilespmem:$0x1A000] =	vst v63  }
0x622: {  	s18 =	simm.s32 $0x12D80;
	s21 =	simm.s32 $0x17D80  }
0x623: {  	[tilespmem:s21], [sflag:$0x4] =	stream.indirect.gather [spmem:s0], $0x1, s18, s31, $0xb8;
	[tilespmem:$0x1A000] =	vst v63  }
0x624: {  	s18 =	simm.s32 $0x12A00;
	s21 =	simm.s32 $0x17A00  }
0x625: {  	[tilespmem:s21], [sflag:$0x4] =	stream.indirect.gather [spmem:s0], $0x1, s18, s31, $0xb8;
	[tilespmem:$0x1A000] =	vst v63  }
0x626: {  	s18 =	simm.s32 $0x12E00;
	s21 =	simm.s32 $0x17E00  }
0x627: {  	[tilespmem:s21], [sflag:$0x4] =	stream.indirect.gather [spmem:s0], $0x1, s18, s31, $0xb8;
	[tilespmem:$0x1A000] =	vst v63  }
0x628: {  	s18 =	simm.s32 $0x12A80;
	s21 =	simm.s32 $0x17A80  }
0x629: {  	[tilespmem:s21], [sflag:$0x4] =	stream.indirect.gather [spmem:s0], $0x1, s18, s31, $0xb8;
	[tilespmem:$0x1A000] =	vst v63  }
0x62a: {  	s18 =	simm.s32 $0x12E80;
	s21 =	simm.s32 $0x17E80  }
0x62b: {  	[tilespmem:s21], [sflag:$0x4] =	stream.indirect.gather [spmem:s0], $0x1, s18, s31, $0xb8;
	[tilespmem:$0x1A000] =	vst v63  }
0x62c: {  	s18 =	simm.s32 $0x12B00;
	s21 =	simm.s32 $0x17B00  }
0x62d: {  	[tilespmem:s21], [sflag:$0x4] =	stream.indirect.gather [spmem:s0], $0x1, s18, s31, $0xb8;
	[tilespmem:$0x1A000] =	vst v63  }
0x62e: {  	s18 =	simm.s32 $0x12F00;
	s21 =	simm.s32 $0x17F00  }
0x62f: {  	[tilespmem:s21], [sflag:$0x4] =	stream.indirect.gather [spmem:s0], $0x1, s18, s31, $0xb8;
	[tilespmem:$0x1A000] =	vst v63  }
0x630: {  	s18 =	simm.s32 $0x12B80;
	s21 =	simm.s32 $0x17B80  }
0x631: {  	[tilespmem:s21], [sflag:$0x4] =	stream.indirect.gather [spmem:s0], $0x1, s18, s31, $0xb8;
	[tilespmem:$0x1A000] =	vst v63  }
0x632: {  	s18 =	simm.s32 $0x12F80;
	s21 =	simm.s32 $0x17F80  }
0x633: {  	[tilespmem:s21], [sflag:$0x4] =	stream.indirect.gather [spmem:s0], $0x1, s18, s31, $0xb8;
	[tilespmem:$0x1A000] =	vst v63  }
0x634: {  	s18 =	simm.s32 $0x13000;
	s21 =	simm.s32 $0x18000  }
0x635: {  	[tilespmem:s21], [sflag:$0x4] =	stream.indirect.gather [spmem:s0], $0x1, s18, s31, $0xb8;
	[tilespmem:$0x1A000] =	vst v63  }
0x636: {  	s18 =	simm.s32 $0x13400;
	s21 =	simm.s32 $0x18400  }
0x637: {  	[tilespmem:s21], [sflag:$0x4] =	stream.indirect.gather [spmem:s0], $0x1, s18, s31, $0xb8;
	[tilespmem:$0x1A000] =	vst v63  }
0x638: {  	s18 =	simm.s32 $0x13080;
	s21 =	simm.s32 $0x18080  }
0x639: {  	[tilespmem:s21], [sflag:$0x4] =	stream.indirect.gather [spmem:s0], $0x1, s18, s31, $0xb8;
	[tilespmem:$0x1A000] =	vst v63  }
0x63a: {  	s18 =	simm.s32 $0x13480;
	s21 =	simm.s32 $0x18480  }
0x63b: {  	[tilespmem:s21], [sflag:$0x4] =	stream.indirect.gather [spmem:s0], $0x1, s18, s31, $0xb8;
	[tilespmem:$0x1A000] =	vst v63  }
0x63c: {  	s18 =	simm.s32 $0x13100;
	s21 =	simm.s32 $0x18100  }
0x63d: {  	[tilespmem:s21], [sflag:$0x4] =	stream.indirect.gather [spmem:s0], $0x1, s18, s31, $0xb8;
	[tilespmem:$0x1A000] =	vst v63  }
0x63e: {  	s18 =	simm.s32 $0x13500;
	s21 =	simm.s32 $0x18500  }
0x63f: {  	[tilespmem:s21], [sflag:$0x4] =	stream.indirect.gather [spmem:s0], $0x1, s18, s31, $0xb8;
	[tilespmem:$0x1A000] =	vst v63  }
0x640: {  	s18 =	simm.s32 $0x13180;
	s21 =	simm.s32 $0x18180  }
0x641: {  	[tilespmem:s21], [sflag:$0x4] =	stream.indirect.gather [spmem:s0], $0x1, s18, s31, $0xb8;
	[tilespmem:$0x1A000] =	vst v63  }
0x642: {  	s18 =	simm.s32 $0x13580;
	s21 =	simm.s32 $0x18580  }
0x643: {  	[tilespmem:s21], [sflag:$0x4] =	stream.indirect.gather [spmem:s0], $0x1, s18, s31, $0xb8;
	[tilespmem:$0x1A000] =	vst v63  }
0x644: {  	s18 =	simm.s32 $0x13200;
	s21 =	simm.s32 $0x18200  }
0x645: {  	[tilespmem:s21], [sflag:$0x4] =	stream.indirect.gather [spmem:s0], $0x1, s18, s31, $0xb8;
	[tilespmem:$0x1A000] =	vst v63  }
0x646: {  	s18 =	simm.s32 $0x13600;
	s21 =	simm.s32 $0x18600  }
0x647: {  	[tilespmem:s21], [sflag:$0x4] =	stream.indirect.gather [spmem:s0], $0x1, s18, s31, $0xb8;
	[tilespmem:$0x1A000] =	vst v63  }
0x648: {  	s18 =	simm.s32 $0x13280;
	s21 =	simm.s32 $0x18280  }
0x649: {  	[tilespmem:s21], [sflag:$0x4] =	stream.indirect.gather [spmem:s0], $0x1, s18, s31, $0xb8;
	[tilespmem:$0x1A000] =	vst v63  }
0x64a: {  	s18 =	simm.s32 $0x13680;
	s21 =	simm.s32 $0x18680  }
0x64b: {  	[tilespmem:s21], [sflag:$0x4] =	stream.indirect.gather [spmem:s0], $0x1, s18, s31, $0xb8;
	[tilespmem:$0x1A000] =	vst v63  }
0x64c: {  	s18 =	simm.s32 $0x13300;
	s21 =	simm.s32 $0x18300  }
0x64d: {  	[tilespmem:s21], [sflag:$0x4] =	stream.indirect.gather [spmem:s0], $0x1, s18, s31, $0xb8;
	[tilespmem:$0x1A000] =	vst v63  }
0x64e: {  	s18 =	simm.s32 $0x13700;
	s21 =	simm.s32 $0x18700  }
0x64f: {  	[tilespmem:s21], [sflag:$0x4] =	stream.indirect.gather [spmem:s0], $0x1, s18, s31, $0xb8;
	[tilespmem:$0x1A000] =	vst v63  }
0x650: {  	s18 =	simm.s32 $0x13380;
	s21 =	simm.s32 $0x18380  }
0x651: {  	[tilespmem:s21], [sflag:$0x4] =	stream.indirect.gather [spmem:s0], $0x1, s18, s31, $0xb8;
	[tilespmem:$0x1A000] =	vst v63  }
0x652: {  	s18 =	simm.s32 $0x13780;
	s21 =	simm.s32 $0x18780  }
0x653: {  	[tilespmem:s21], [sflag:$0x4] =	stream.indirect.gather [spmem:s0], $0x1, s18, s31, $0xb8;
	[tilespmem:$0x1A000] =	vst v63  }
0x654: {  	s18 =	simm.s32 $0x13800;
	s21 =	simm.s32 $0x18800  }
0x655: {  	[tilespmem:s21], [sflag:$0x4] =	stream.indirect.gather [spmem:s0], $0x1, s18, s31, $0xb8;
	[tilespmem:$0x1A000] =	vst v63  }
0x656: {  	s18 =	simm.s32 $0x13C00;
	s21 =	simm.s32 $0x18C00  }
0x657: {  	[tilespmem:s21], [sflag:$0x4] =	stream.indirect.gather [spmem:s0], $0x1, s18, s31, $0xb8;
	[tilespmem:$0x1A000] =	vst v63  }
0x658: {  	s18 =	simm.s32 $0x13880;
	s21 =	simm.s32 $0x18880  }
0x659: {  	[tilespmem:s21], [sflag:$0x4] =	stream.indirect.gather [spmem:s0], $0x1, s18, s31, $0xb8;
	[tilespmem:$0x1A000] =	vst v63  }
0x65a: {  	s18 =	simm.s32 $0x13C80;
	s21 =	simm.s32 $0x18C80  }
0x65b: {  	[tilespmem:s21], [sflag:$0x4] =	stream.indirect.gather [spmem:s0], $0x1, s18, s31, $0xb8;
	[tilespmem:$0x1A000] =	vst v63  }
0x65c: {  	s18 =	simm.s32 $0x13900;
	s21 =	simm.s32 $0x18900  }
0x65d: {  	[tilespmem:s21], [sflag:$0x4] =	stream.indirect.gather [spmem:s0], $0x1, s18, s31, $0xb8;
	[tilespmem:$0x1A000] =	vst v63  }
0x65e: {  	s18 =	simm.s32 $0x13D00;
	s21 =	simm.s32 $0x18D00  }
0x65f: {  	[tilespmem:s21], [sflag:$0x4] =	stream.indirect.gather [spmem:s0], $0x1, s18, s31, $0xb8;
	[tilespmem:$0x1A000] =	vst v63  }
0x660: {  	s18 =	simm.s32 $0x13980;
	s21 =	simm.s32 $0x18980  }
0x661: {  	[tilespmem:s21], [sflag:$0x4] =	stream.indirect.gather [spmem:s0], $0x1, s18, s31, $0xb8;
	[tilespmem:$0x1A000] =	vst v63  }
0x662: {  	s18 =	simm.s32 $0x13D80;
	s21 =	simm.s32 $0x18D80  }
0x663: {  	[tilespmem:s21], [sflag:$0x4] =	stream.indirect.gather [spmem:s0], $0x1, s18, s31, $0xb8;
	[tilespmem:$0x1A000] =	vst v63  }
0x664: {  	s18 =	simm.s32 $0x13A00;
	s21 =	simm.s32 $0x18A00  }
0x665: {  	[tilespmem:s21], [sflag:$0x4] =	stream.indirect.gather [spmem:s0], $0x1, s18, s31, $0xb8;
	[tilespmem:$0x1A000] =	vst v63  }
0x666: {  	s18 =	simm.s32 $0x13E00;
	s21 =	simm.s32 $0x18E00  }
0x667: {  	[tilespmem:s21], [sflag:$0x4] =	stream.indirect.gather [spmem:s0], $0x1, s18, s31, $0xb8;
	[tilespmem:$0x1A000] =	vst v63  }
0x668: {  	s18 =	simm.s32 $0x13A80;
	s21 =	simm.s32 $0x18A80  }
0x669: {  	[tilespmem:s21], [sflag:$0x4] =	stream.indirect.gather [spmem:s0], $0x1, s18, s31, $0xb8;
	[tilespmem:$0x1A000] =	vst v63  }
0x66a: {  	s18 =	simm.s32 $0x13E80;
	s21 =	simm.s32 $0x18E80  }
0x66b: {  	[tilespmem:s21], [sflag:$0x4] =	stream.indirect.gather [spmem:s0], $0x1, s18, s31, $0xb8;
	[tilespmem:$0x1A000] =	vst v63  }
0x66c: {  	s18 =	simm.s32 $0x13B00;
	s21 =	simm.s32 $0x18B00  }
0x66d: {  	[tilespmem:s21], [sflag:$0x4] =	stream.indirect.gather [spmem:s0], $0x1, s18, s31, $0xb8;
	[tilespmem:$0x1A000] =	vst v63  }
0x66e: {  	s18 =	simm.s32 $0x13F00;
	s21 =	simm.s32 $0x18F00  }
0x66f: {  	[tilespmem:s21], [sflag:$0x4] =	stream.indirect.gather [spmem:s0], $0x1, s18, s31, $0xb8;
	[tilespmem:$0x1A000] =	vst v63  }
0x670: {  	s18 =	simm.s32 $0x13B80;
	s21 =	simm.s32 $0x18B80  }
0x671: {  	[tilespmem:s21], [sflag:$0x4] =	stream.indirect.gather [spmem:s0], $0x1, s18, s31, $0xb8;
	[tilespmem:$0x1A000] =	vst v63  }
0x672: {  	s18 =	simm.s32 $0x13F80;
	s21 =	simm.s32 $0x18F80  }
0x673: {  	[tilespmem:s21], [sflag:$0x4] =	stream.indirect.gather [spmem:s0], $0x1, s18, s31, $0xb8;
	[tilespmem:$0x1A000] =	vst v63  }
0x674: {  	s18 =	simm.s32 $0x14000;
	s21 =	simm.s32 $0x19000  }
0x675: {  	[tilespmem:s21], [sflag:$0x4] =	stream.indirect.gather [spmem:s0], $0x1, s18, s31, $0xb8;
	[tilespmem:$0x1A000] =	vst v63  }
0x676: {  	s18 =	simm.s32 $0x14400;
	s21 =	simm.s32 $0x19400  }
0x677: {  	[tilespmem:s21], [sflag:$0x4] =	stream.indirect.gather [spmem:s0], $0x1, s18, s31, $0xb8;
	[tilespmem:$0x1A000] =	vst v63  }
0x678: {  	s18 =	simm.s32 $0x14080;
	s21 =	simm.s32 $0x19080  }
0x679: {  	[tilespmem:s21], [sflag:$0x4] =	stream.indirect.gather [spmem:s0], $0x1, s18, s31, $0xb8;
	[tilespmem:$0x1A000] =	vst v63  }
0x67a: {  	s18 =	simm.s32 $0x14480;
	s21 =	simm.s32 $0x19480  }
0x67b: {  	[tilespmem:s21], [sflag:$0x4] =	stream.indirect.gather [spmem:s0], $0x1, s18, s31, $0xb8;
	[tilespmem:$0x1A000] =	vst v63  }
0x67c: {  	s18 =	simm.s32 $0x14100;
	s21 =	simm.s32 $0x19100  }
0x67d: {  	[tilespmem:s21], [sflag:$0x4] =	stream.indirect.gather [spmem:s0], $0x1, s18, s31, $0xb8;
	[tilespmem:$0x1A000] =	vst v63  }
0x67e: {  	s18 =	simm.s32 $0x14500;
	s21 =	simm.s32 $0x19500  }
0x67f: {  	[tilespmem:s21], [sflag:$0x4] =	stream.indirect.gather [spmem:s0], $0x1, s18, s31, $0xb8;
	[tilespmem:$0x1A000] =	vst v63  }
0x680: {  	s18 =	simm.s32 $0x14180;
	s21 =	simm.s32 $0x19180  }
0x681: {  	[tilespmem:s21], [sflag:$0x4] =	stream.indirect.gather [spmem:s0], $0x1, s18, s31, $0xb8;
	[tilespmem:$0x1A000] =	vst v63  }
0x682: {  	s18 =	simm.s32 $0x14580;
	s21 =	simm.s32 $0x19580  }
0x683: {  	[tilespmem:s21], [sflag:$0x4] =	stream.indirect.gather [spmem:s0], $0x1, s18, s31, $0xb8;
	[tilespmem:$0x1A000] =	vst v63  }
0x684: {  	s18 =	simm.s32 $0x14200;
	s21 =	simm.s32 $0x19200  }
0x685: {  	[tilespmem:s21], [sflag:$0x4] =	stream.indirect.gather [spmem:s0], $0x1, s18, s31, $0xb8;
	[tilespmem:$0x1A000] =	vst v63  }
0x686: {  	s18 =	simm.s32 $0x14600;
	s21 =	simm.s32 $0x19600  }
0x687: {  	[tilespmem:s21], [sflag:$0x4] =	stream.indirect.gather [spmem:s0], $0x1, s18, s31, $0xb8;
	[tilespmem:$0x1A000] =	vst v63  }
0x688: {  	s18 =	simm.s32 $0x14280;
	s21 =	simm.s32 $0x19280  }
0x689: {  	[tilespmem:s21], [sflag:$0x4] =	stream.indirect.gather [spmem:s0], $0x1, s18, s31, $0xb8;
	[tilespmem:$0x1A000] =	vst v63  }
0x68a: {  	s18 =	simm.s32 $0x14680;
	s21 =	simm.s32 $0x19680  }
0x68b: {  	[tilespmem:s21], [sflag:$0x4] =	stream.indirect.gather [spmem:s0], $0x1, s18, s31, $0xb8;
	[tilespmem:$0x1A000] =	vst v63  }
0x68c: {  	s18 =	simm.s32 $0x14300;
	s21 =	simm.s32 $0x19300  }
0x68d: {  	[tilespmem:s21], [sflag:$0x4] =	stream.indirect.gather [spmem:s0], $0x1, s18, s31, $0xb8;
	[tilespmem:$0x1A000] =	vst v63  }
0x68e: {  	s18 =	simm.s32 $0x14700;
	s21 =	simm.s32 $0x19700  }
0x68f: {  	[tilespmem:s21], [sflag:$0x4] =	stream.indirect.gather [spmem:s0], $0x1, s18, s31, $0xb8;
	[tilespmem:$0x1A000] =	vst v63  }
0x690: {  	s18 =	simm.s32 $0x14380;
	s21 =	simm.s32 $0x19380  }
0x691: {  	[tilespmem:s21], [sflag:$0x4] =	stream.indirect.gather [spmem:s0], $0x1, s18, s31, $0xb8;
	[tilespmem:$0x1A000] =	vst v63  }
0x692: {  	s18 =	simm.s32 $0x14780;
	s21 =	simm.s32 $0x19780  }
0x693: {  	[tilespmem:s21], [sflag:$0x4] =	stream.indirect.gather [spmem:s0], $0x1, s18, s31, $0xb8;
	[tilespmem:$0x1A000] =	vst v63  }
0x694: {  	s18 =	simm.s32 $0x14800;
	s21 =	simm.s32 $0x19800  }
0x695: {  	[tilespmem:s21], [sflag:$0x4] =	stream.indirect.gather [spmem:s0], $0x1, s18, s31, $0xb8;
	[tilespmem:$0x1A000] =	vst v63  }
0x696: {  	s18 =	simm.s32 $0x14C00;
	s21 =	simm.s32 $0x19C00  }
0x697: {  	[tilespmem:s21], [sflag:$0x4] =	stream.indirect.gather [spmem:s0], $0x1, s18, s31, $0xb8;
	[tilespmem:$0x1A000] =	vst v63  }
0x698: {  	s18 =	simm.s32 $0x14880;
	s21 =	simm.s32 $0x19880  }
0x699: {  	[tilespmem:s21], [sflag:$0x4] =	stream.indirect.gather [spmem:s0], $0x1, s18, s31, $0xb8;
	[tilespmem:$0x1A000] =	vst v63  }
0x69a: {  	s18 =	simm.s32 $0x14C80;
	s21 =	simm.s32 $0x19C80  }
0x69b: {  	[tilespmem:s21], [sflag:$0x4] =	stream.indirect.gather [spmem:s0], $0x1, s18, s31, $0xb8;
	[tilespmem:$0x1A000] =	vst v63  }
0x69c: {  	s18 =	simm.s32 $0x14900;
	s21 =	simm.s32 $0x19900  }
0x69d: {  	[tilespmem:s21], [sflag:$0x4] =	stream.indirect.gather [spmem:s0], $0x1, s18, s31, $0xb8;
	[tilespmem:$0x1A000] =	vst v63  }
0x69e: {  	s18 =	simm.s32 $0x14D00;
	s21 =	simm.s32 $0x19D00  }
0x69f: {  	[tilespmem:s21], [sflag:$0x4] =	stream.indirect.gather [spmem:s0], $0x1, s18, s31, $0xb8;
	[tilespmem:$0x1A000] =	vst v63  }
0x6a0: {  	s18 =	simm.s32 $0x14980;
	s21 =	simm.s32 $0x19980  }
0x6a1: {  	[tilespmem:s21], [sflag:$0x4] =	stream.indirect.gather [spmem:s0], $0x1, s18, s31, $0xb8;
	[tilespmem:$0x1A000] =	vst v63  }
0x6a2: {  	s18 =	simm.s32 $0x14D80;
	s21 =	simm.s32 $0x19D80  }
0x6a3: {  	[tilespmem:s21], [sflag:$0x4] =	stream.indirect.gather [spmem:s0], $0x1, s18, s31, $0xb8;
	[tilespmem:$0x1A000] =	vst v63  }
0x6a4: {  	s18 =	simm.s32 $0x14A00;
	s21 =	simm.s32 $0x19A00  }
0x6a5: {  	[tilespmem:s21], [sflag:$0x4] =	stream.indirect.gather [spmem:s0], $0x1, s18, s31, $0xb8;
	[tilespmem:$0x1A000] =	vst v63  }
0x6a6: {  	s21 =	simm.s32 $0x14E00  }
0x6a7: {  	[tilespmem:s22], [sflag:$0x4] =	stream.indirect.gather [spmem:s0], $0x1, s21, s31, $0xb8;
	[tilespmem:$0x1A000] =	vst v63  }
0x6a8: {  	_ = 	snop  }
0x6a9: {  	[tilespmem:s24], [sflag:$0x4] =	stream.indirect.gather [spmem:s0], $0x1, s23, s31, $0xb8;
	[tilespmem:$0x1A000] =	vst v63  }
0x6aa: {  	_ = 	snop  }
0x6ab: {  	[tilespmem:s3], [sflag:$0x4] =	stream.indirect.gather [spmem:s0], $0x1, s2, s31, $0xb8;
	[tilespmem:$0x1A000] =	vst v63  }
0x6ac: {  	_ = 	snop  }
0x6ad: {  	[tilespmem:s5], [sflag:$0x4] =	stream.indirect.gather [spmem:s0], $0x1, s4, s31, $0xb8;
	[tilespmem:$0x1A000] =	vst v63  }
0x6ae: {  	_ = 	snop  }
0x6af: {  	[tilespmem:s10], [sflag:$0x4] =	stream.indirect.gather [spmem:s0], $0x1, s9, s31, $0xb8;
	[tilespmem:$0x1A000] =	vst v63  }
0x6b0: {  	_ = 	snop  }
0x6b1: {  	[tilespmem:s12], [sflag:$0x4] =	stream.indirect.gather [spmem:s0], $0x1, s11, s31, $0xb8;
	[tilespmem:$0x1A000] =	vst v63  }
0x6b2: {  	_ = 	snop  }
0x6b3: {  	[tilespmem:s14], [sflag:$0x4] =	stream.indirect.gather [spmem:s0], $0x1, s13, s31, $0xb8;
	[tilespmem:$0x1A000] =	vst v63  }
0x6b4: {  	_ =	swait.ge [sflag:s6], $0x80  }
0x6b5: {  	[sflag:s6] =	ssyncset.done $0x0  }
0x6b6: {  	[sflag:s6] =	ssyncadd.s32 $0xFFFFFF80  }
0x6b7: {  	_ =	swait.ge [sflag:s6], $0x80  }
0x6b8: {  	[sflag:s6] =	ssyncset.done $0x0  }
0x6b9: {  	[sflag:s6] =	ssyncadd.s32 $0xFFFFFF80  }
0x6ba: {  	_ =	swait.ge [sflag:s6], $0x80  }
0x6bb: {  	[sflag:s6] =	ssyncset.done $0x0  }
0x6bc: {  	[sflag:s6] =	ssyncadd.s32 $0xFFFFFF80  }
0x6bd: {  	_ =	swait.ge [sflag:s6], $0x80  }
0x6be: {  	[sflag:s6] =	ssyncset.done $0x0  }
0x6bf: {  	[sflag:s6] =	ssyncadd.s32 $0xFFFFFF80  }
0x6c0: {  	_ =	swait.ge [sflag:s6], $0x80  }
0x6c1: {  	[sflag:s6] =	ssyncset.done $0x0  }
0x6c2: {  	[sflag:s6] =	ssyncadd.s32 $0xFFFFFF80  }
0x6c3: {  	_ =	swait.ge [sflag:s6], $0x80  }
0x6c4: {  	[sflag:s6] =	ssyncset.done $0x0  }
0x6c5: {  	[sflag:s6] =	ssyncadd.s32 $0xFFFFFF80  }
0x6c6: {  	_ =	swait.ge [sflag:s6], $0x80  }
0x6c7: {  	[sflag:s6] =	ssyncset.done $0x0  }
0x6c8: {  	[sflag:s6] =	ssyncadd.s32 $0xFFFFFF80  }
0x6c9: {  	_ =	swait.ge [sflag:s6], $0x80  }
0x6ca: {  	s18 =	simm.s32 $0x0;
	[sflag:s6] =	ssyncset.done $0x0  }
.LBB2_16:
0x6cb: {  	s18 =	sadd.s32 $0x8, s18;
	[sflag:s6] =	ssyncadd.s32 $0xFFFFFF80  }
0x6cc: {  	_ =	swait.ge [sflag:s6], $0x80;
	p1 =	slt.u32 s18, $0x48  }
0x6cd: {  	[sflag:s6] =	ssyncset.done $0x0  }
0x6ce: {  	[sflag:s6] =	ssyncadd.s32 $0xFFFFFF80  }
0x6cf: {  	_ =	swait.ge [sflag:s6], $0x80  }
0x6d0: {  	[sflag:s6] =	ssyncset.done $0x0  }
0x6d1: {  	[sflag:s6] =	ssyncadd.s32 $0xFFFFFF80  }
0x6d2: {  	_ =	swait.ge [sflag:s6], $0x80  }
0x6d3: {  	[sflag:s6] =	ssyncset.done $0x0  }
0x6d4: {  	[sflag:s6] =	ssyncadd.s32 $0xFFFFFF80  }
0x6d5: {  	_ =	swait.ge [sflag:s6], $0x80  }
0x6d6: {  	[sflag:s6] =	ssyncset.done $0x0  }
0x6d7: {  	[sflag:s6] =	ssyncadd.s32 $0xFFFFFF80  }
0x6d8: {  	_ =	swait.ge [sflag:s6], $0x80  }
0x6d9: {  	[sflag:s6] =	ssyncset.done $0x0  }
0x6da: {  	[sflag:s6] =	ssyncadd.s32 $0xFFFFFF80  }
0x6db: {  	_ =	swait.ge [sflag:s6], $0x80  }
0x6dc: {  	[sflag:s6] =	ssyncset.done $0x0  }
0x6dd: {  	[sflag:s6] =	ssyncadd.s32 $0xFFFFFF80  }
.Ltmp7:
0x6de: {  	_ =	swait.ge [sflag:s6], $0x80;
	(pc) =	sbr.rel @p1 .LBB2_16-.Ltmp7, $4  }
0x6df: {  	[sflag:s6] =	ssyncset.done $0x0  }
0x6e0: {  	[sflag:s6] =	ssyncadd.s32 $0xFFFFFF80  }
0x6e1: {  	_ =	swait.ge [sflag:s6], $0x80  }
0x6e2: {  	[sflag:s6] =	ssyncset.done $0x0  }
0x6e3: {  	[sflag:s6] =	ssyncadd.s32 $0xFFFFFF80;
	s18 =	rddreg [dreg:$0x15]  }
0x6e4: {  	[hbm4b:s18+s25] =	stream.strided.scatter [tilespmem:s8], [sflag:$0x6], $0x2800, s26, s25, $0x38;
	[tilespmem:$0x1A000] =	vst v63  }
0x6e5: {  	_ =	swait.ge [sflag:s15], $0x2800  }
0x6e6: {  	[sflag:s15] =	ssyncset.done $0x0  }
0x6e7: {  	[sflag:s15] =	ssyncadd.s32 $0xFFFFD800  }
0x6e8: {  	_ =	swait.ge [sflag:s29], $0x2800  }
0x6e9: {  	[sflag:s29] =	ssyncset.done $0x0  }
0x6ea: {  	s21 =	rddreg [dreg:$0x16];
	[sflag:s29] =	ssyncadd.s32 $0xFFFFD800  }
0x6eb: {  	[tilespmem:s30], [sflag:$0x3] =	stream.strided.gather [hbm4b:s21+s25], $0x2800, s26, s25, $0x38;
	[tilespmem:$0x1A000] =	vst v63  }
0x6ec: {  	_ = 	snop  }
0x6ed: {  	[tilespmem:s17], [sflag:$0x4] =	stream.indirect.gather [spmem:s0], $0x1, s28, s31, $0xb8;
	[tilespmem:$0x1A000] =	vst v63  }
0x6ee: {  	_ = 	snop  }
0x6ef: {  	[tilespmem:s20], [sflag:$0x4] =	stream.indirect.gather [spmem:s0], $0x1, s19, s31, $0xb8;
	[tilespmem:$0x1A000] =	vst v63  }
0x6f0: {  	s21 =	simm.s32 $0x15080;
	s20 =	simm.s32 $0x10080  }
0x6f1: {  	[tilespmem:s21], [sflag:$0x4] =	stream.indirect.gather [spmem:s0], $0x1, s20, s31, $0xb8;
	[tilespmem:$0x1A000] =	vst v63  }
0x6f2: {  	s20 =	simm.s32 $0x10480;
	s21 =	simm.s32 $0x15480  }
0x6f3: {  	[tilespmem:s21], [sflag:$0x4] =	stream.indirect.gather [spmem:s0], $0x1, s20, s31, $0xb8;
	[tilespmem:$0x1A000] =	vst v63  }
0x6f4: {  	s20 =	simm.s32 $0x10100;
	s21 =	simm.s32 $0x15100  }
0x6f5: {  	[tilespmem:s21], [sflag:$0x4] =	stream.indirect.gather [spmem:s0], $0x1, s20, s31, $0xb8;
	[tilespmem:$0x1A000] =	vst v63  }
0x6f6: {  	s20 =	simm.s32 $0x10500;
	s21 =	simm.s32 $0x15500  }
0x6f7: {  	[tilespmem:s21], [sflag:$0x4] =	stream.indirect.gather [spmem:s0], $0x1, s20, s31, $0xb8;
	[tilespmem:$0x1A000] =	vst v63  }
0x6f8: {  	s20 =	simm.s32 $0x10180;
	s21 =	simm.s32 $0x15180  }
0x6f9: {  	[tilespmem:s21], [sflag:$0x4] =	stream.indirect.gather [spmem:s0], $0x1, s20, s31, $0xb8;
	[tilespmem:$0x1A000] =	vst v63  }
0x6fa: {  	s20 =	simm.s32 $0x10580;
	s21 =	simm.s32 $0x15580  }
0x6fb: {  	[tilespmem:s21], [sflag:$0x4] =	stream.indirect.gather [spmem:s0], $0x1, s20, s31, $0xb8;
	[tilespmem:$0x1A000] =	vst v63  }
0x6fc: {  	s20 =	simm.s32 $0x10200;
	s21 =	simm.s32 $0x15200  }
0x6fd: {  	[tilespmem:s21], [sflag:$0x4] =	stream.indirect.gather [spmem:s0], $0x1, s20, s31, $0xb8;
	[tilespmem:$0x1A000] =	vst v63  }
0x6fe: {  	s20 =	simm.s32 $0x10600;
	s21 =	simm.s32 $0x15600  }
0x6ff: {  	[tilespmem:s21], [sflag:$0x4] =	stream.indirect.gather [spmem:s0], $0x1, s20, s31, $0xb8;
	[tilespmem:$0x1A000] =	vst v63  }
0x700: {  	s20 =	simm.s32 $0x10280;
	s21 =	simm.s32 $0x15280  }
0x701: {  	[tilespmem:s21], [sflag:$0x4] =	stream.indirect.gather [spmem:s0], $0x1, s20, s31, $0xb8;
	[tilespmem:$0x1A000] =	vst v63  }
0x702: {  	s20 =	simm.s32 $0x10680;
	s21 =	simm.s32 $0x15680  }
0x703: {  	[tilespmem:s21], [sflag:$0x4] =	stream.indirect.gather [spmem:s0], $0x1, s20, s31, $0xb8;
	[tilespmem:$0x1A000] =	vst v63  }
0x704: {  	s20 =	simm.s32 $0x10300;
	s21 =	simm.s32 $0x15300  }
0x705: {  	[tilespmem:s21], [sflag:$0x4] =	stream.indirect.gather [spmem:s0], $0x1, s20, s31, $0xb8;
	[tilespmem:$0x1A000] =	vst v63  }
0x706: {  	s20 =	simm.s32 $0x10700;
	s21 =	simm.s32 $0x15700  }
0x707: {  	[tilespmem:s21], [sflag:$0x4] =	stream.indirect.gather [spmem:s0], $0x1, s20, s31, $0xb8;
	[tilespmem:$0x1A000] =	vst v63  }
0x708: {  	s20 =	simm.s32 $0x10380;
	s21 =	simm.s32 $0x15380  }
0x709: {  	[tilespmem:s21], [sflag:$0x4] =	stream.indirect.gather [spmem:s0], $0x1, s20, s31, $0xb8;
	[tilespmem:$0x1A000] =	vst v63  }
0x70a: {  	s20 =	simm.s32 $0x10780;
	s21 =	simm.s32 $0x15780  }
0x70b: {  	[tilespmem:s21], [sflag:$0x4] =	stream.indirect.gather [spmem:s0], $0x1, s20, s31, $0xb8;
	[tilespmem:$0x1A000] =	vst v63  }
0x70c: {  	s20 =	simm.s32 $0x10800;
	s21 =	simm.s32 $0x15800  }
0x70d: {  	[tilespmem:s21], [sflag:$0x4] =	stream.indirect.gather [spmem:s0], $0x1, s20, s31, $0xb8;
	[tilespmem:$0x1A000] =	vst v63  }
0x70e: {  	s20 =	simm.s32 $0x10C00;
	s21 =	simm.s32 $0x15C00  }
0x70f: {  	[tilespmem:s21], [sflag:$0x4] =	stream.indirect.gather [spmem:s0], $0x1, s20, s31, $0xb8;
	[tilespmem:$0x1A000] =	vst v63  }
0x710: {  	s20 =	simm.s32 $0x10880;
	s21 =	simm.s32 $0x15880  }
0x711: {  	[tilespmem:s21], [sflag:$0x4] =	stream.indirect.gather [spmem:s0], $0x1, s20, s31, $0xb8;
	[tilespmem:$0x1A000] =	vst v63  }
0x712: {  	s20 =	simm.s32 $0x10C80;
	s21 =	simm.s32 $0x15C80  }
0x713: {  	[tilespmem:s21], [sflag:$0x4] =	stream.indirect.gather [spmem:s0], $0x1, s20, s31, $0xb8;
	[tilespmem:$0x1A000] =	vst v63  }
0x714: {  	s20 =	simm.s32 $0x10900;
	s21 =	simm.s32 $0x15900  }
0x715: {  	[tilespmem:s21], [sflag:$0x4] =	stream.indirect.gather [spmem:s0], $0x1, s20, s31, $0xb8;
	[tilespmem:$0x1A000] =	vst v63  }
0x716: {  	s20 =	simm.s32 $0x10D00;
	s21 =	simm.s32 $0x15D00  }
0x717: {  	[tilespmem:s21], [sflag:$0x4] =	stream.indirect.gather [spmem:s0], $0x1, s20, s31, $0xb8;
	[tilespmem:$0x1A000] =	vst v63  }
0x718: {  	s20 =	simm.s32 $0x10980;
	s21 =	simm.s32 $0x15980  }
0x719: {  	[tilespmem:s21], [sflag:$0x4] =	stream.indirect.gather [spmem:s0], $0x1, s20, s31, $0xb8;
	[tilespmem:$0x1A000] =	vst v63  }
0x71a: {  	s20 =	simm.s32 $0x10D80;
	s21 =	simm.s32 $0x15D80  }
0x71b: {  	[tilespmem:s21], [sflag:$0x4] =	stream.indirect.gather [spmem:s0], $0x1, s20, s31, $0xb8;
	[tilespmem:$0x1A000] =	vst v63  }
0x71c: {  	s20 =	simm.s32 $0x10A00;
	s21 =	simm.s32 $0x15A00  }
0x71d: {  	[tilespmem:s21], [sflag:$0x4] =	stream.indirect.gather [spmem:s0], $0x1, s20, s31, $0xb8;
	[tilespmem:$0x1A000] =	vst v63  }
0x71e: {  	s20 =	simm.s32 $0x10E00;
	s21 =	simm.s32 $0x15E00  }
0x71f: {  	[tilespmem:s21], [sflag:$0x4] =	stream.indirect.gather [spmem:s0], $0x1, s20, s31, $0xb8;
	[tilespmem:$0x1A000] =	vst v63  }
0x720: {  	s20 =	simm.s32 $0x10A80;
	s21 =	simm.s32 $0x15A80  }
0x721: {  	[tilespmem:s21], [sflag:$0x4] =	stream.indirect.gather [spmem:s0], $0x1, s20, s31, $0xb8;
	[tilespmem:$0x1A000] =	vst v63  }
0x722: {  	s20 =	simm.s32 $0x10E80;
	s21 =	simm.s32 $0x15E80  }
0x723: {  	[tilespmem:s21], [sflag:$0x4] =	stream.indirect.gather [spmem:s0], $0x1, s20, s31, $0xb8;
	[tilespmem:$0x1A000] =	vst v63  }
0x724: {  	s20 =	simm.s32 $0x10B00;
	s21 =	simm.s32 $0x15B00  }
0x725: {  	[tilespmem:s21], [sflag:$0x4] =	stream.indirect.gather [spmem:s0], $0x1, s20, s31, $0xb8;
	[tilespmem:$0x1A000] =	vst v63  }
0x726: {  	s20 =	simm.s32 $0x10F00;
	s21 =	simm.s32 $0x15F00  }
0x727: {  	[tilespmem:s21], [sflag:$0x4] =	stream.indirect.gather [spmem:s0], $0x1, s20, s31, $0xb8;
	[tilespmem:$0x1A000] =	vst v63  }
0x728: {  	s20 =	simm.s32 $0x10B80;
	s21 =	simm.s32 $0x15B80  }
0x729: {  	[tilespmem:s21], [sflag:$0x4] =	stream.indirect.gather [spmem:s0], $0x1, s20, s31, $0xb8;
	[tilespmem:$0x1A000] =	vst v63  }
0x72a: {  	s20 =	simm.s32 $0x10F80;
	s21 =	simm.s32 $0x15F80  }
0x72b: {  	[tilespmem:s21], [sflag:$0x4] =	stream.indirect.gather [spmem:s0], $0x1, s20, s31, $0xb8;
	[tilespmem:$0x1A000] =	vst v63  }
0x72c: {  	s20 =	simm.s32 $0x11000;
	s21 =	simm.s32 $0x16000  }
0x72d: {  	[tilespmem:s21], [sflag:$0x4] =	stream.indirect.gather [spmem:s0], $0x1, s20, s31, $0xb8;
	[tilespmem:$0x1A000] =	vst v63  }
0x72e: {  	s20 =	simm.s32 $0x11400;
	s21 =	simm.s32 $0x16400  }
0x72f: {  	[tilespmem:s21], [sflag:$0x4] =	stream.indirect.gather [spmem:s0], $0x1, s20, s31, $0xb8;
	[tilespmem:$0x1A000] =	vst v63  }
0x730: {  	s20 =	simm.s32 $0x11080;
	s21 =	simm.s32 $0x16080  }
0x731: {  	[tilespmem:s21], [sflag:$0x4] =	stream.indirect.gather [spmem:s0], $0x1, s20, s31, $0xb8;
	[tilespmem:$0x1A000] =	vst v63  }
0x732: {  	s20 =	simm.s32 $0x11480;
	s21 =	simm.s32 $0x16480  }
0x733: {  	[tilespmem:s21], [sflag:$0x4] =	stream.indirect.gather [spmem:s0], $0x1, s20, s31, $0xb8;
	[tilespmem:$0x1A000] =	vst v63  }
0x734: {  	s20 =	simm.s32 $0x11100;
	s21 =	simm.s32 $0x16100  }
0x735: {  	[tilespmem:s21], [sflag:$0x4] =	stream.indirect.gather [spmem:s0], $0x1, s20, s31, $0xb8;
	[tilespmem:$0x1A000] =	vst v63  }
0x736: {  	s20 =	simm.s32 $0x11500;
	s21 =	simm.s32 $0x16500  }
0x737: {  	[tilespmem:s21], [sflag:$0x4] =	stream.indirect.gather [spmem:s0], $0x1, s20, s31, $0xb8;
	[tilespmem:$0x1A000] =	vst v63  }
0x738: {  	s20 =	simm.s32 $0x11180;
	s21 =	simm.s32 $0x16180  }
0x739: {  	[tilespmem:s21], [sflag:$0x4] =	stream.indirect.gather [spmem:s0], $0x1, s20, s31, $0xb8;
	[tilespmem:$0x1A000] =	vst v63  }
0x73a: {  	s20 =	simm.s32 $0x11580;
	s21 =	simm.s32 $0x16580  }
0x73b: {  	[tilespmem:s21], [sflag:$0x4] =	stream.indirect.gather [spmem:s0], $0x1, s20, s31, $0xb8;
	[tilespmem:$0x1A000] =	vst v63  }
0x73c: {  	s20 =	simm.s32 $0x11200;
	s21 =	simm.s32 $0x16200  }
0x73d: {  	[tilespmem:s21], [sflag:$0x4] =	stream.indirect.gather [spmem:s0], $0x1, s20, s31, $0xb8;
	[tilespmem:$0x1A000] =	vst v63  }
0x73e: {  	s20 =	simm.s32 $0x11600;
	s21 =	simm.s32 $0x16600  }
0x73f: {  	[tilespmem:s21], [sflag:$0x4] =	stream.indirect.gather [spmem:s0], $0x1, s20, s31, $0xb8;
	[tilespmem:$0x1A000] =	vst v63  }
0x740: {  	s20 =	simm.s32 $0x11280;
	s21 =	simm.s32 $0x16280  }
0x741: {  	[tilespmem:s21], [sflag:$0x4] =	stream.indirect.gather [spmem:s0], $0x1, s20, s31, $0xb8;
	[tilespmem:$0x1A000] =	vst v63  }
0x742: {  	s20 =	simm.s32 $0x11680;
	s21 =	simm.s32 $0x16680  }
0x743: {  	[tilespmem:s21], [sflag:$0x4] =	stream.indirect.gather [spmem:s0], $0x1, s20, s31, $0xb8;
	[tilespmem:$0x1A000] =	vst v63  }
0x744: {  	s20 =	simm.s32 $0x11300;
	s21 =	simm.s32 $0x16300  }
0x745: {  	[tilespmem:s21], [sflag:$0x4] =	stream.indirect.gather [spmem:s0], $0x1, s20, s31, $0xb8;
	[tilespmem:$0x1A000] =	vst v63  }
0x746: {  	s20 =	simm.s32 $0x11700;
	s21 =	simm.s32 $0x16700  }
0x747: {  	[tilespmem:s21], [sflag:$0x4] =	stream.indirect.gather [spmem:s0], $0x1, s20, s31, $0xb8;
	[tilespmem:$0x1A000] =	vst v63  }
0x748: {  	s20 =	simm.s32 $0x11380;
	s21 =	simm.s32 $0x16380  }
0x749: {  	[tilespmem:s21], [sflag:$0x4] =	stream.indirect.gather [spmem:s0], $0x1, s20, s31, $0xb8;
	[tilespmem:$0x1A000] =	vst v63  }
0x74a: {  	s20 =	simm.s32 $0x11780;
	s21 =	simm.s32 $0x16780  }
0x74b: {  	[tilespmem:s21], [sflag:$0x4] =	stream.indirect.gather [spmem:s0], $0x1, s20, s31, $0xb8;
	[tilespmem:$0x1A000] =	vst v63  }
0x74c: {  	s20 =	simm.s32 $0x11800;
	s21 =	simm.s32 $0x16800  }
0x74d: {  	[tilespmem:s21], [sflag:$0x4] =	stream.indirect.gather [spmem:s0], $0x1, s20, s31, $0xb8;
	[tilespmem:$0x1A000] =	vst v63  }
0x74e: {  	s20 =	simm.s32 $0x11C00;
	s21 =	simm.s32 $0x16C00  }
0x74f: {  	[tilespmem:s21], [sflag:$0x4] =	stream.indirect.gather [spmem:s0], $0x1, s20, s31, $0xb8;
	[tilespmem:$0x1A000] =	vst v63  }
0x750: {  	s20 =	simm.s32 $0x11880;
	s21 =	simm.s32 $0x16880  }
0x751: {  	[tilespmem:s21], [sflag:$0x4] =	stream.indirect.gather [spmem:s0], $0x1, s20, s31, $0xb8;
	[tilespmem:$0x1A000] =	vst v63  }
0x752: {  	s20 =	simm.s32 $0x11C80;
	s21 =	simm.s32 $0x16C80  }
0x753: {  	[tilespmem:s21], [sflag:$0x4] =	stream.indirect.gather [spmem:s0], $0x1, s20, s31, $0xb8;
	[tilespmem:$0x1A000] =	vst v63  }
0x754: {  	s20 =	simm.s32 $0x11900;
	s21 =	simm.s32 $0x16900  }
0x755: {  	[tilespmem:s21], [sflag:$0x4] =	stream.indirect.gather [spmem:s0], $0x1, s20, s31, $0xb8;
	[tilespmem:$0x1A000] =	vst v63  }
0x756: {  	s20 =	simm.s32 $0x11D00;
	s21 =	simm.s32 $0x16D00  }
0x757: {  	[tilespmem:s21], [sflag:$0x4] =	stream.indirect.gather [spmem:s0], $0x1, s20, s31, $0xb8;
	[tilespmem:$0x1A000] =	vst v63  }
0x758: {  	s20 =	simm.s32 $0x11980;
	s21 =	simm.s32 $0x16980  }
0x759: {  	[tilespmem:s21], [sflag:$0x4] =	stream.indirect.gather [spmem:s0], $0x1, s20, s31, $0xb8;
	[tilespmem:$0x1A000] =	vst v63  }
0x75a: {  	s20 =	simm.s32 $0x11D80;
	s21 =	simm.s32 $0x16D80  }
0x75b: {  	[tilespmem:s21], [sflag:$0x4] =	stream.indirect.gather [spmem:s0], $0x1, s20, s31, $0xb8;
	[tilespmem:$0x1A000] =	vst v63  }
0x75c: {  	s20 =	simm.s32 $0x11A00;
	s21 =	simm.s32 $0x16A00  }
0x75d: {  	[tilespmem:s21], [sflag:$0x4] =	stream.indirect.gather [spmem:s0], $0x1, s20, s31, $0xb8;
	[tilespmem:$0x1A000] =	vst v63  }
0x75e: {  	s20 =	simm.s32 $0x11E00;
	s21 =	simm.s32 $0x16E00  }
0x75f: {  	[tilespmem:s21], [sflag:$0x4] =	stream.indirect.gather [spmem:s0], $0x1, s20, s31, $0xb8;
	[tilespmem:$0x1A000] =	vst v63  }
0x760: {  	s20 =	simm.s32 $0x11A80;
	s21 =	simm.s32 $0x16A80  }
0x761: {  	[tilespmem:s21], [sflag:$0x4] =	stream.indirect.gather [spmem:s0], $0x1, s20, s31, $0xb8;
	[tilespmem:$0x1A000] =	vst v63  }
0x762: {  	s20 =	simm.s32 $0x11E80;
	s21 =	simm.s32 $0x16E80  }
0x763: {  	[tilespmem:s21], [sflag:$0x4] =	stream.indirect.gather [spmem:s0], $0x1, s20, s31, $0xb8;
	[tilespmem:$0x1A000] =	vst v63  }
0x764: {  	s20 =	simm.s32 $0x11B00;
	s21 =	simm.s32 $0x16B00  }
0x765: {  	[tilespmem:s21], [sflag:$0x4] =	stream.indirect.gather [spmem:s0], $0x1, s20, s31, $0xb8;
	[tilespmem:$0x1A000] =	vst v63  }
0x766: {  	s20 =	simm.s32 $0x11F00;
	s21 =	simm.s32 $0x16F00  }
0x767: {  	[tilespmem:s21], [sflag:$0x4] =	stream.indirect.gather [spmem:s0], $0x1, s20, s31, $0xb8;
	[tilespmem:$0x1A000] =	vst v63  }
0x768: {  	s20 =	simm.s32 $0x11B80;
	s21 =	simm.s32 $0x16B80  }
0x769: {  	[tilespmem:s21], [sflag:$0x4] =	stream.indirect.gather [spmem:s0], $0x1, s20, s31, $0xb8;
	[tilespmem:$0x1A000] =	vst v63  }
0x76a: {  	s20 =	simm.s32 $0x11F80;
	s21 =	simm.s32 $0x16F80  }
0x76b: {  	[tilespmem:s21], [sflag:$0x4] =	stream.indirect.gather [spmem:s0], $0x1, s20, s31, $0xb8;
	[tilespmem:$0x1A000] =	vst v63  }
0x76c: {  	s20 =	simm.s32 $0x12000;
	s21 =	simm.s32 $0x17000  }
0x76d: {  	[tilespmem:s21], [sflag:$0x4] =	stream.indirect.gather [spmem:s0], $0x1, s20, s31, $0xb8;
	[tilespmem:$0x1A000] =	vst v63  }
0x76e: {  	s20 =	simm.s32 $0x12400;
	s21 =	simm.s32 $0x17400  }
0x76f: {  	[tilespmem:s21], [sflag:$0x4] =	stream.indirect.gather [spmem:s0], $0x1, s20, s31, $0xb8;
	[tilespmem:$0x1A000] =	vst v63  }
0x770: {  	s20 =	simm.s32 $0x12080;
	s21 =	simm.s32 $0x17080  }
0x771: {  	[tilespmem:s21], [sflag:$0x4] =	stream.indirect.gather [spmem:s0], $0x1, s20, s31, $0xb8;
	[tilespmem:$0x1A000] =	vst v63  }
0x772: {  	s20 =	simm.s32 $0x12480;
	s21 =	simm.s32 $0x17480  }
0x773: {  	[tilespmem:s21], [sflag:$0x4] =	stream.indirect.gather [spmem:s0], $0x1, s20, s31, $0xb8;
	[tilespmem:$0x1A000] =	vst v63  }
0x774: {  	s20 =	simm.s32 $0x12100;
	s21 =	simm.s32 $0x17100  }
0x775: {  	[tilespmem:s21], [sflag:$0x4] =	stream.indirect.gather [spmem:s0], $0x1, s20, s31, $0xb8;
	[tilespmem:$0x1A000] =	vst v63  }
0x776: {  	s20 =	simm.s32 $0x12500;
	s21 =	simm.s32 $0x17500  }
0x777: {  	[tilespmem:s21], [sflag:$0x4] =	stream.indirect.gather [spmem:s0], $0x1, s20, s31, $0xb8;
	[tilespmem:$0x1A000] =	vst v63  }
0x778: {  	s20 =	simm.s32 $0x12180;
	s21 =	simm.s32 $0x17180  }
0x779: {  	[tilespmem:s21], [sflag:$0x4] =	stream.indirect.gather [spmem:s0], $0x1, s20, s31, $0xb8;
	[tilespmem:$0x1A000] =	vst v63  }
0x77a: {  	s20 =	simm.s32 $0x12580;
	s21 =	simm.s32 $0x17580  }
0x77b: {  	[tilespmem:s21], [sflag:$0x4] =	stream.indirect.gather [spmem:s0], $0x1, s20, s31, $0xb8;
	[tilespmem:$0x1A000] =	vst v63  }
0x77c: {  	s20 =	simm.s32 $0x12200;
	s21 =	simm.s32 $0x17200  }
0x77d: {  	[tilespmem:s21], [sflag:$0x4] =	stream.indirect.gather [spmem:s0], $0x1, s20, s31, $0xb8;
	[tilespmem:$0x1A000] =	vst v63  }
0x77e: {  	s20 =	simm.s32 $0x12600;
	s21 =	simm.s32 $0x17600  }
0x77f: {  	[tilespmem:s21], [sflag:$0x4] =	stream.indirect.gather [spmem:s0], $0x1, s20, s31, $0xb8;
	[tilespmem:$0x1A000] =	vst v63  }
0x780: {  	s20 =	simm.s32 $0x12280;
	s21 =	simm.s32 $0x17280  }
0x781: {  	[tilespmem:s21], [sflag:$0x4] =	stream.indirect.gather [spmem:s0], $0x1, s20, s31, $0xb8;
	[tilespmem:$0x1A000] =	vst v63  }
0x782: {  	s20 =	simm.s32 $0x12680;
	s21 =	simm.s32 $0x17680  }
0x783: {  	[tilespmem:s21], [sflag:$0x4] =	stream.indirect.gather [spmem:s0], $0x1, s20, s31, $0xb8;
	[tilespmem:$0x1A000] =	vst v63  }
0x784: {  	s20 =	simm.s32 $0x12300;
	s21 =	simm.s32 $0x17300  }
0x785: {  	[tilespmem:s21], [sflag:$0x4] =	stream.indirect.gather [spmem:s0], $0x1, s20, s31, $0xb8;
	[tilespmem:$0x1A000] =	vst v63  }
0x786: {  	s20 =	simm.s32 $0x12700;
	s21 =	simm.s32 $0x17700  }
0x787: {  	[tilespmem:s21], [sflag:$0x4] =	stream.indirect.gather [spmem:s0], $0x1, s20, s31, $0xb8;
	[tilespmem:$0x1A000] =	vst v63  }
0x788: {  	s20 =	simm.s32 $0x12380;
	s21 =	simm.s32 $0x17380  }
0x789: {  	[tilespmem:s21], [sflag:$0x4] =	stream.indirect.gather [spmem:s0], $0x1, s20, s31, $0xb8;
	[tilespmem:$0x1A000] =	vst v63  }
0x78a: {  	s20 =	simm.s32 $0x12780;
	s21 =	simm.s32 $0x17780  }
0x78b: {  	[tilespmem:s21], [sflag:$0x4] =	stream.indirect.gather [spmem:s0], $0x1, s20, s31, $0xb8;
	[tilespmem:$0x1A000] =	vst v63  }
0x78c: {  	_ =	swait.ge [sflag:s6], $0x80  }
0x78d: {  	[sflag:s6] =	ssyncset.done $0x0  }
0x78e: {  	[sflag:s6] =	ssyncadd.s32 $0xFFFFFF80  }
0x78f: {  	_ =	swait.ge [sflag:s6], $0x80  }
0x790: {  	[sflag:s6] =	ssyncset.done $0x0  }
0x791: {  	[sflag:s6] =	ssyncadd.s32 $0xFFFFFF80  }
0x792: {  	_ =	swait.ge [sflag:s6], $0x80  }
0x793: {  	[sflag:s6] =	ssyncset.done $0x0  }
0x794: {  	[sflag:s6] =	ssyncadd.s32 $0xFFFFFF80  }
0x795: {  	_ =	swait.ge [sflag:s6], $0x80  }
0x796: {  	[sflag:s6] =	ssyncset.done $0x0  }
0x797: {  	[sflag:s6] =	ssyncadd.s32 $0xFFFFFF80  }
0x798: {  	_ =	swait.ge [sflag:s6], $0x80  }
0x799: {  	[sflag:s6] =	ssyncset.done $0x0  }
0x79a: {  	[sflag:s6] =	ssyncadd.s32 $0xFFFFFF80  }
0x79b: {  	_ =	swait.ge [sflag:s6], $0x80  }
0x79c: {  	[sflag:s6] =	ssyncset.done $0x0  }
0x79d: {  	[sflag:s6] =	ssyncadd.s32 $0xFFFFFF80  }
0x79e: {  	_ =	swait.ge [sflag:s6], $0x80  }
0x79f: {  	[sflag:s6] =	ssyncset.done $0x0  }
0x7a0: {  	[sflag:s6] =	ssyncadd.s32 $0xFFFFFF80  }
0x7a1: {  	_ =	swait.ge [sflag:s6], $0x80  }
0x7a2: {  	s18 =	simm.s32 $0x0;
	[sflag:s6] =	ssyncset.done $0x0  }
.LBB2_18:
0x7a3: {  	s18 =	sadd.s32 $0x8, s18;
	[sflag:s6] =	ssyncadd.s32 $0xFFFFFF80  }
0x7a4: {  	_ =	swait.ge [sflag:s6], $0x80;
	p1 =	slt.u32 s18, $0x48  }
0x7a5: {  	[sflag:s6] =	ssyncset.done $0x0  }
0x7a6: {  	[sflag:s6] =	ssyncadd.s32 $0xFFFFFF80  }
0x7a7: {  	_ =	swait.ge [sflag:s6], $0x80  }
0x7a8: {  	[sflag:s6] =	ssyncset.done $0x0  }
0x7a9: {  	[sflag:s6] =	ssyncadd.s32 $0xFFFFFF80  }
0x7aa: {  	_ =	swait.ge [sflag:s6], $0x80  }
0x7ab: {  	[sflag:s6] =	ssyncset.done $0x0  }
0x7ac: {  	[sflag:s6] =	ssyncadd.s32 $0xFFFFFF80  }
0x7ad: {  	_ =	swait.ge [sflag:s6], $0x80  }
0x7ae: {  	[sflag:s6] =	ssyncset.done $0x0  }
0x7af: {  	[sflag:s6] =	ssyncadd.s32 $0xFFFFFF80  }
0x7b0: {  	_ =	swait.ge [sflag:s6], $0x80  }
0x7b1: {  	[sflag:s6] =	ssyncset.done $0x0  }
0x7b2: {  	[sflag:s6] =	ssyncadd.s32 $0xFFFFFF80  }
0x7b3: {  	_ =	swait.ge [sflag:s6], $0x80  }
0x7b4: {  	[sflag:s6] =	ssyncset.done $0x0  }
0x7b5: {  	[sflag:s6] =	ssyncadd.s32 $0xFFFFFF80  }
.Ltmp8:
0x7b6: {  	_ =	swait.ge [sflag:s6], $0x80;
	(pc) =	sbr.rel @p1 .LBB2_18-.Ltmp8, $4  }
0x7b7: {  	[sflag:s6] =	ssyncset.done $0x0  }
0x7b8: {  	[sflag:s6] =	ssyncadd.s32 $0xFFFFFF80  }
0x7b9: {  	_ =	swait.ge [sflag:s6], $0x80  }
0x7ba: {  	[sflag:s6] =	ssyncset.done $0x0  }
0x7bb: {  	[sflag:s6] =	ssyncadd.s32 $0xFFFFFF80;
	s18 =	rddreg [dreg:$0x17]  }
0x7bc: {  	[hbm4b:s18+s25] =	stream.strided.scatter [tilespmem:s17], [sflag:$0x5], $0x2800, s26, s25, $0x38;
	[tilespmem:$0x1A000] =	vst v63  }
0x7bd: {  	_ =	swait.ge [sflag:s16], $0x2800  }
0x7be: {  	[sflag:s16] =	ssyncset.done $0x0  }
0x7bf: {  	[sflag:s16] =	ssyncadd.s32 $0xFFFFD800  }
0x7c0: {  	_ =	swait.ge [sflag:s7], $0x2800  }
0x7c1: {  	[sflag:s7] =	ssyncset.done $0x0  }
0x7c2: {  	[sflag:s7] =	ssyncadd.s32 $0xFFFFD800  }
0x7c3: {  	[tilespmem:s8], [sflag:$0x4] =	stream.indirect.gather [spmem:s0], $0x1, s30, s31, $0xb8;
	[tilespmem:$0x1A000] =	vst v63  }
0x7c4: {  	s21 =	simm.s32 $0x12C00;
	s19 =	simm.s32 $0x17C00  }
0x7c5: {  	[tilespmem:s19], [sflag:$0x4] =	stream.indirect.gather [spmem:s0], $0x1, s21, s31, $0xb8;
	[tilespmem:$0x1A000] =	vst v63  }
0x7c6: {  	s20 =	simm.s32 $0x12880;
	s21 =	simm.s32 $0x17880  }
0x7c7: {  	[tilespmem:s21], [sflag:$0x4] =	stream.indirect.gather [spmem:s0], $0x1, s20, s31, $0xb8;
	[tilespmem:$0x1A000] =	vst v63  }
0x7c8: {  	s20 =	simm.s32 $0x12C80;
	s21 =	simm.s32 $0x17C80  }
0x7c9: {  	[tilespmem:s21], [sflag:$0x4] =	stream.indirect.gather [spmem:s0], $0x1, s20, s31, $0xb8;
	[tilespmem:$0x1A000] =	vst v63  }
0x7ca: {  	s20 =	simm.s32 $0x12900;
	s21 =	simm.s32 $0x17900  }
0x7cb: {  	[tilespmem:s21], [sflag:$0x4] =	stream.indirect.gather [spmem:s0], $0x1, s20, s31, $0xb8;
	[tilespmem:$0x1A000] =	vst v63  }
0x7cc: {  	s20 =	simm.s32 $0x12D00;
	s21 =	simm.s32 $0x17D00  }
0x7cd: {  	[tilespmem:s21], [sflag:$0x4] =	stream.indirect.gather [spmem:s0], $0x1, s20, s31, $0xb8;
	[tilespmem:$0x1A000] =	vst v63  }
0x7ce: {  	s20 =	simm.s32 $0x12980;
	s21 =	simm.s32 $0x17980  }
0x7cf: {  	[tilespmem:s21], [sflag:$0x4] =	stream.indirect.gather [spmem:s0], $0x1, s20, s31, $0xb8;
	[tilespmem:$0x1A000] =	vst v63  }
0x7d0: {  	s20 =	simm.s32 $0x12D80;
	s21 =	simm.s32 $0x17D80  }
0x7d1: {  	[tilespmem:s21], [sflag:$0x4] =	stream.indirect.gather [spmem:s0], $0x1, s20, s31, $0xb8;
	[tilespmem:$0x1A000] =	vst v63  }
0x7d2: {  	s20 =	simm.s32 $0x12A00;
	s21 =	simm.s32 $0x17A00  }
0x7d3: {  	[tilespmem:s21], [sflag:$0x4] =	stream.indirect.gather [spmem:s0], $0x1, s20, s31, $0xb8;
	[tilespmem:$0x1A000] =	vst v63  }
0x7d4: {  	s20 =	simm.s32 $0x12E00;
	s21 =	simm.s32 $0x17E00  }
0x7d5: {  	[tilespmem:s21], [sflag:$0x4] =	stream.indirect.gather [spmem:s0], $0x1, s20, s31, $0xb8;
	[tilespmem:$0x1A000] =	vst v63  }
0x7d6: {  	s20 =	simm.s32 $0x12A80;
	s21 =	simm.s32 $0x17A80  }
0x7d7: {  	[tilespmem:s21], [sflag:$0x4] =	stream.indirect.gather [spmem:s0], $0x1, s20, s31, $0xb8;
	[tilespmem:$0x1A000] =	vst v63  }
0x7d8: {  	s20 =	simm.s32 $0x12E80;
	s21 =	simm.s32 $0x17E80  }
0x7d9: {  	[tilespmem:s21], [sflag:$0x4] =	stream.indirect.gather [spmem:s0], $0x1, s20, s31, $0xb8;
	[tilespmem:$0x1A000] =	vst v63  }
0x7da: {  	s20 =	simm.s32 $0x12B00;
	s21 =	simm.s32 $0x17B00  }
0x7db: {  	[tilespmem:s21], [sflag:$0x4] =	stream.indirect.gather [spmem:s0], $0x1, s20, s31, $0xb8;
	[tilespmem:$0x1A000] =	vst v63  }
0x7dc: {  	s20 =	simm.s32 $0x12F00;
	s21 =	simm.s32 $0x17F00  }
0x7dd: {  	[tilespmem:s21], [sflag:$0x4] =	stream.indirect.gather [spmem:s0], $0x1, s20, s31, $0xb8;
	[tilespmem:$0x1A000] =	vst v63  }
0x7de: {  	s20 =	simm.s32 $0x12B80;
	s21 =	simm.s32 $0x17B80  }
0x7df: {  	[tilespmem:s21], [sflag:$0x4] =	stream.indirect.gather [spmem:s0], $0x1, s20, s31, $0xb8;
	[tilespmem:$0x1A000] =	vst v63  }
0x7e0: {  	s20 =	simm.s32 $0x12F80;
	s21 =	simm.s32 $0x17F80  }
0x7e1: {  	[tilespmem:s21], [sflag:$0x4] =	stream.indirect.gather [spmem:s0], $0x1, s20, s31, $0xb8;
	[tilespmem:$0x1A000] =	vst v63  }
0x7e2: {  	s20 =	simm.s32 $0x13000;
	s21 =	simm.s32 $0x18000  }
0x7e3: {  	[tilespmem:s21], [sflag:$0x4] =	stream.indirect.gather [spmem:s0], $0x1, s20, s31, $0xb8;
	[tilespmem:$0x1A000] =	vst v63  }
0x7e4: {  	s20 =	simm.s32 $0x13400;
	s21 =	simm.s32 $0x18400  }
0x7e5: {  	[tilespmem:s21], [sflag:$0x4] =	stream.indirect.gather [spmem:s0], $0x1, s20, s31, $0xb8;
	[tilespmem:$0x1A000] =	vst v63  }
0x7e6: {  	s20 =	simm.s32 $0x13080;
	s21 =	simm.s32 $0x18080  }
0x7e7: {  	[tilespmem:s21], [sflag:$0x4] =	stream.indirect.gather [spmem:s0], $0x1, s20, s31, $0xb8;
	[tilespmem:$0x1A000] =	vst v63  }
0x7e8: {  	s20 =	simm.s32 $0x13480;
	s21 =	simm.s32 $0x18480  }
0x7e9: {  	[tilespmem:s21], [sflag:$0x4] =	stream.indirect.gather [spmem:s0], $0x1, s20, s31, $0xb8;
	[tilespmem:$0x1A000] =	vst v63  }
0x7ea: {  	s20 =	simm.s32 $0x13100;
	s21 =	simm.s32 $0x18100  }
0x7eb: {  	[tilespmem:s21], [sflag:$0x4] =	stream.indirect.gather [spmem:s0], $0x1, s20, s31, $0xb8;
	[tilespmem:$0x1A000] =	vst v63  }
0x7ec: {  	s20 =	simm.s32 $0x13500;
	s21 =	simm.s32 $0x18500  }
0x7ed: {  	[tilespmem:s21], [sflag:$0x4] =	stream.indirect.gather [spmem:s0], $0x1, s20, s31, $0xb8;
	[tilespmem:$0x1A000] =	vst v63  }
0x7ee: {  	s20 =	simm.s32 $0x13180;
	s21 =	simm.s32 $0x18180  }
0x7ef: {  	[tilespmem:s21], [sflag:$0x4] =	stream.indirect.gather [spmem:s0], $0x1, s20, s31, $0xb8;
	[tilespmem:$0x1A000] =	vst v63  }
0x7f0: {  	s20 =	simm.s32 $0x13580;
	s21 =	simm.s32 $0x18580  }
0x7f1: {  	[tilespmem:s21], [sflag:$0x4] =	stream.indirect.gather [spmem:s0], $0x1, s20, s31, $0xb8;
	[tilespmem:$0x1A000] =	vst v63  }
0x7f2: {  	s20 =	simm.s32 $0x13200;
	s21 =	simm.s32 $0x18200  }
0x7f3: {  	[tilespmem:s21], [sflag:$0x4] =	stream.indirect.gather [spmem:s0], $0x1, s20, s31, $0xb8;
	[tilespmem:$0x1A000] =	vst v63  }
0x7f4: {  	s20 =	simm.s32 $0x13600;
	s21 =	simm.s32 $0x18600  }
0x7f5: {  	[tilespmem:s21], [sflag:$0x4] =	stream.indirect.gather [spmem:s0], $0x1, s20, s31, $0xb8;
	[tilespmem:$0x1A000] =	vst v63  }
0x7f6: {  	s20 =	simm.s32 $0x13280;
	s21 =	simm.s32 $0x18280  }
0x7f7: {  	[tilespmem:s21], [sflag:$0x4] =	stream.indirect.gather [spmem:s0], $0x1, s20, s31, $0xb8;
	[tilespmem:$0x1A000] =	vst v63  }
0x7f8: {  	s20 =	simm.s32 $0x13680;
	s21 =	simm.s32 $0x18680  }
0x7f9: {  	[tilespmem:s21], [sflag:$0x4] =	stream.indirect.gather [spmem:s0], $0x1, s20, s31, $0xb8;
	[tilespmem:$0x1A000] =	vst v63  }
0x7fa: {  	s20 =	simm.s32 $0x13300;
	s21 =	simm.s32 $0x18300  }
0x7fb: {  	[tilespmem:s21], [sflag:$0x4] =	stream.indirect.gather [spmem:s0], $0x1, s20, s31, $0xb8;
	[tilespmem:$0x1A000] =	vst v63  }
0x7fc: {  	s20 =	simm.s32 $0x13700;
	s21 =	simm.s32 $0x18700  }
0x7fd: {  	[tilespmem:s21], [sflag:$0x4] =	stream.indirect.gather [spmem:s0], $0x1, s20, s31, $0xb8;
	[tilespmem:$0x1A000] =	vst v63  }
0x7fe: {  	s20 =	simm.s32 $0x13380;
	s21 =	simm.s32 $0x18380  }
0x7ff: {  	[tilespmem:s21], [sflag:$0x4] =	stream.indirect.gather [spmem:s0], $0x1, s20, s31, $0xb8;
	[tilespmem:$0x1A000] =	vst v63  }
0x800: {  	s20 =	simm.s32 $0x13780;
	s21 =	simm.s32 $0x18780  }
0x801: {  	[tilespmem:s21], [sflag:$0x4] =	stream.indirect.gather [spmem:s0], $0x1, s20, s31, $0xb8;
	[tilespmem:$0x1A000] =	vst v63  }
0x802: {  	s20 =	simm.s32 $0x13800;
	s21 =	simm.s32 $0x18800  }
0x803: {  	[tilespmem:s21], [sflag:$0x4] =	stream.indirect.gather [spmem:s0], $0x1, s20, s31, $0xb8;
	[tilespmem:$0x1A000] =	vst v63  }
0x804: {  	s20 =	simm.s32 $0x13C00;
	s21 =	simm.s32 $0x18C00  }
0x805: {  	[tilespmem:s21], [sflag:$0x4] =	stream.indirect.gather [spmem:s0], $0x1, s20, s31, $0xb8;
	[tilespmem:$0x1A000] =	vst v63  }
0x806: {  	s20 =	simm.s32 $0x13880;
	s21 =	simm.s32 $0x18880  }
0x807: {  	[tilespmem:s21], [sflag:$0x4] =	stream.indirect.gather [spmem:s0], $0x1, s20, s31, $0xb8;
	[tilespmem:$0x1A000] =	vst v63  }
0x808: {  	s20 =	simm.s32 $0x13C80;
	s21 =	simm.s32 $0x18C80  }
0x809: {  	[tilespmem:s21], [sflag:$0x4] =	stream.indirect.gather [spmem:s0], $0x1, s20, s31, $0xb8;
	[tilespmem:$0x1A000] =	vst v63  }
0x80a: {  	s20 =	simm.s32 $0x13900;
	s21 =	simm.s32 $0x18900  }
0x80b: {  	[tilespmem:s21], [sflag:$0x4] =	stream.indirect.gather [spmem:s0], $0x1, s20, s31, $0xb8;
	[tilespmem:$0x1A000] =	vst v63  }
0x80c: {  	s20 =	simm.s32 $0x13D00;
	s21 =	simm.s32 $0x18D00  }
0x80d: {  	[tilespmem:s21], [sflag:$0x4] =	stream.indirect.gather [spmem:s0], $0x1, s20, s31, $0xb8;
	[tilespmem:$0x1A000] =	vst v63  }
0x80e: {  	s20 =	simm.s32 $0x13980;
	s21 =	simm.s32 $0x18980  }
0x80f: {  	[tilespmem:s21], [sflag:$0x4] =	stream.indirect.gather [spmem:s0], $0x1, s20, s31, $0xb8;
	[tilespmem:$0x1A000] =	vst v63  }
0x810: {  	s20 =	simm.s32 $0x13D80;
	s21 =	simm.s32 $0x18D80  }
0x811: {  	[tilespmem:s21], [sflag:$0x4] =	stream.indirect.gather [spmem:s0], $0x1, s20, s31, $0xb8;
	[tilespmem:$0x1A000] =	vst v63  }
0x812: {  	s20 =	simm.s32 $0x13A00;
	s21 =	simm.s32 $0x18A00  }
0x813: {  	[tilespmem:s21], [sflag:$0x4] =	stream.indirect.gather [spmem:s0], $0x1, s20, s31, $0xb8;
	[tilespmem:$0x1A000] =	vst v63  }
0x814: {  	s20 =	simm.s32 $0x13E00;
	s21 =	simm.s32 $0x18E00  }
0x815: {  	[tilespmem:s21], [sflag:$0x4] =	stream.indirect.gather [spmem:s0], $0x1, s20, s31, $0xb8;
	[tilespmem:$0x1A000] =	vst v63  }
0x816: {  	s20 =	simm.s32 $0x13A80;
	s21 =	simm.s32 $0x18A80  }
0x817: {  	[tilespmem:s21], [sflag:$0x4] =	stream.indirect.gather [spmem:s0], $0x1, s20, s31, $0xb8;
	[tilespmem:$0x1A000] =	vst v63  }
0x818: {  	s20 =	simm.s32 $0x13E80;
	s21 =	simm.s32 $0x18E80  }
0x819: {  	[tilespmem:s21], [sflag:$0x4] =	stream.indirect.gather [spmem:s0], $0x1, s20, s31, $0xb8;
	[tilespmem:$0x1A000] =	vst v63  }
0x81a: {  	s20 =	simm.s32 $0x13B00;
	s21 =	simm.s32 $0x18B00  }
0x81b: {  	[tilespmem:s21], [sflag:$0x4] =	stream.indirect.gather [spmem:s0], $0x1, s20, s31, $0xb8;
	[tilespmem:$0x1A000] =	vst v63  }
0x81c: {  	s20 =	simm.s32 $0x13F00;
	s21 =	simm.s32 $0x18F00  }
0x81d: {  	[tilespmem:s21], [sflag:$0x4] =	stream.indirect.gather [spmem:s0], $0x1, s20, s31, $0xb8;
	[tilespmem:$0x1A000] =	vst v63  }
0x81e: {  	s20 =	simm.s32 $0x13B80;
	s21 =	simm.s32 $0x18B80  }
0x81f: {  	[tilespmem:s21], [sflag:$0x4] =	stream.indirect.gather [spmem:s0], $0x1, s20, s31, $0xb8;
	[tilespmem:$0x1A000] =	vst v63  }
0x820: {  	s20 =	simm.s32 $0x13F80;
	s21 =	simm.s32 $0x18F80  }
0x821: {  	[tilespmem:s21], [sflag:$0x4] =	stream.indirect.gather [spmem:s0], $0x1, s20, s31, $0xb8;
	[tilespmem:$0x1A000] =	vst v63  }
0x822: {  	s20 =	simm.s32 $0x14000;
	s21 =	simm.s32 $0x19000  }
0x823: {  	[tilespmem:s21], [sflag:$0x4] =	stream.indirect.gather [spmem:s0], $0x1, s20, s31, $0xb8;
	[tilespmem:$0x1A000] =	vst v63  }
0x824: {  	s20 =	simm.s32 $0x14400;
	s21 =	simm.s32 $0x19400  }
0x825: {  	[tilespmem:s21], [sflag:$0x4] =	stream.indirect.gather [spmem:s0], $0x1, s20, s31, $0xb8;
	[tilespmem:$0x1A000] =	vst v63  }
0x826: {  	s20 =	simm.s32 $0x14080;
	s21 =	simm.s32 $0x19080  }
0x827: {  	[tilespmem:s21], [sflag:$0x4] =	stream.indirect.gather [spmem:s0], $0x1, s20, s31, $0xb8;
	[tilespmem:$0x1A000] =	vst v63  }
0x828: {  	s20 =	simm.s32 $0x14480;
	s21 =	simm.s32 $0x19480  }
0x829: {  	[tilespmem:s21], [sflag:$0x4] =	stream.indirect.gather [spmem:s0], $0x1, s20, s31, $0xb8;
	[tilespmem:$0x1A000] =	vst v63  }
0x82a: {  	s20 =	simm.s32 $0x14100;
	s21 =	simm.s32 $0x19100  }
0x82b: {  	[tilespmem:s21], [sflag:$0x4] =	stream.indirect.gather [spmem:s0], $0x1, s20, s31, $0xb8;
	[tilespmem:$0x1A000] =	vst v63  }
0x82c: {  	s20 =	simm.s32 $0x14500;
	s21 =	simm.s32 $0x19500  }
0x82d: {  	[tilespmem:s21], [sflag:$0x4] =	stream.indirect.gather [spmem:s0], $0x1, s20, s31, $0xb8;
	[tilespmem:$0x1A000] =	vst v63  }
0x82e: {  	s20 =	simm.s32 $0x14180;
	s21 =	simm.s32 $0x19180  }
0x82f: {  	[tilespmem:s21], [sflag:$0x4] =	stream.indirect.gather [spmem:s0], $0x1, s20, s31, $0xb8;
	[tilespmem:$0x1A000] =	vst v63  }
0x830: {  	s20 =	simm.s32 $0x14580;
	s21 =	simm.s32 $0x19580  }
0x831: {  	[tilespmem:s21], [sflag:$0x4] =	stream.indirect.gather [spmem:s0], $0x1, s20, s31, $0xb8;
	[tilespmem:$0x1A000] =	vst v63  }
0x832: {  	s20 =	simm.s32 $0x14200;
	s21 =	simm.s32 $0x19200  }
0x833: {  	[tilespmem:s21], [sflag:$0x4] =	stream.indirect.gather [spmem:s0], $0x1, s20, s31, $0xb8;
	[tilespmem:$0x1A000] =	vst v63  }
0x834: {  	s20 =	simm.s32 $0x14600;
	s21 =	simm.s32 $0x19600  }
0x835: {  	[tilespmem:s21], [sflag:$0x4] =	stream.indirect.gather [spmem:s0], $0x1, s20, s31, $0xb8;
	[tilespmem:$0x1A000] =	vst v63  }
0x836: {  	s20 =	simm.s32 $0x14280;
	s21 =	simm.s32 $0x19280  }
0x837: {  	[tilespmem:s21], [sflag:$0x4] =	stream.indirect.gather [spmem:s0], $0x1, s20, s31, $0xb8;
	[tilespmem:$0x1A000] =	vst v63  }
0x838: {  	s20 =	simm.s32 $0x14680;
	s21 =	simm.s32 $0x19680  }
0x839: {  	[tilespmem:s21], [sflag:$0x4] =	stream.indirect.gather [spmem:s0], $0x1, s20, s31, $0xb8;
	[tilespmem:$0x1A000] =	vst v63  }
0x83a: {  	s20 =	simm.s32 $0x14300;
	s21 =	simm.s32 $0x19300  }
0x83b: {  	[tilespmem:s21], [sflag:$0x4] =	stream.indirect.gather [spmem:s0], $0x1, s20, s31, $0xb8;
	[tilespmem:$0x1A000] =	vst v63  }
0x83c: {  	s20 =	simm.s32 $0x14700;
	s21 =	simm.s32 $0x19700  }
0x83d: {  	[tilespmem:s21], [sflag:$0x4] =	stream.indirect.gather [spmem:s0], $0x1, s20, s31, $0xb8;
	[tilespmem:$0x1A000] =	vst v63  }
0x83e: {  	s20 =	simm.s32 $0x14380;
	s21 =	simm.s32 $0x19380  }
0x83f: {  	[tilespmem:s21], [sflag:$0x4] =	stream.indirect.gather [spmem:s0], $0x1, s20, s31, $0xb8;
	[tilespmem:$0x1A000] =	vst v63  }
0x840: {  	s20 =	simm.s32 $0x14780;
	s21 =	simm.s32 $0x19780  }
0x841: {  	[tilespmem:s21], [sflag:$0x4] =	stream.indirect.gather [spmem:s0], $0x1, s20, s31, $0xb8;
	[tilespmem:$0x1A000] =	vst v63  }
0x842: {  	s20 =	simm.s32 $0x14800;
	s21 =	simm.s32 $0x19800  }
0x843: {  	[tilespmem:s21], [sflag:$0x4] =	stream.indirect.gather [spmem:s0], $0x1, s20, s31, $0xb8;
	[tilespmem:$0x1A000] =	vst v63  }
0x844: {  	s20 =	simm.s32 $0x14C00;
	s21 =	simm.s32 $0x19C00  }
0x845: {  	[tilespmem:s21], [sflag:$0x4] =	stream.indirect.gather [spmem:s0], $0x1, s20, s31, $0xb8;
	[tilespmem:$0x1A000] =	vst v63  }
0x846: {  	s20 =	simm.s32 $0x14880;
	s21 =	simm.s32 $0x19880  }
0x847: {  	[tilespmem:s21], [sflag:$0x4] =	stream.indirect.gather [spmem:s0], $0x1, s20, s31, $0xb8;
	[tilespmem:$0x1A000] =	vst v63  }
0x848: {  	s20 =	simm.s32 $0x14C80;
	s21 =	simm.s32 $0x19C80  }
0x849: {  	[tilespmem:s21], [sflag:$0x4] =	stream.indirect.gather [spmem:s0], $0x1, s20, s31, $0xb8;
	[tilespmem:$0x1A000] =	vst v63  }
0x84a: {  	s20 =	simm.s32 $0x14900;
	s21 =	simm.s32 $0x19900  }
0x84b: {  	[tilespmem:s21], [sflag:$0x4] =	stream.indirect.gather [spmem:s0], $0x1, s20, s31, $0xb8;
	[tilespmem:$0x1A000] =	vst v63  }
0x84c: {  	s20 =	simm.s32 $0x14D00;
	s21 =	simm.s32 $0x19D00  }
0x84d: {  	[tilespmem:s21], [sflag:$0x4] =	stream.indirect.gather [spmem:s0], $0x1, s20, s31, $0xb8;
	[tilespmem:$0x1A000] =	vst v63  }
0x84e: {  	s20 =	simm.s32 $0x14980;
	s21 =	simm.s32 $0x19980  }
0x84f: {  	[tilespmem:s21], [sflag:$0x4] =	stream.indirect.gather [spmem:s0], $0x1, s20, s31, $0xb8;
	[tilespmem:$0x1A000] =	vst v63  }
0x850: {  	s20 =	simm.s32 $0x14D80;
	s21 =	simm.s32 $0x19D80  }
0x851: {  	[tilespmem:s21], [sflag:$0x4] =	stream.indirect.gather [spmem:s0], $0x1, s20, s31, $0xb8;
	[tilespmem:$0x1A000] =	vst v63  }
0x852: {  	s19 =	simm.s32 $0x14A00;
	s20 =	simm.s32 $0x19A00  }
0x853: {  	[tilespmem:s20], [sflag:$0x4] =	stream.indirect.gather [spmem:s0], $0x1, s19, s31, $0xb8;
	[tilespmem:$0x1A000] =	vst v63  }
0x854: {  	s21 =	simm.s32 $0x14E00  }
0x855: {  	[tilespmem:s22], [sflag:$0x4] =	stream.indirect.gather [spmem:s0], $0x1, s21, s31, $0xb8;
	[tilespmem:$0x1A000] =	vst v63  }
0x856: {  	_ = 	snop  }
0x857: {  	[tilespmem:s24], [sflag:$0x4] =	stream.indirect.gather [spmem:s0], $0x1, s23, s31, $0xb8;
	[tilespmem:$0x1A000] =	vst v63  }
0x858: {  	_ = 	snop  }
0x859: {  	[tilespmem:s3], [sflag:$0x4] =	stream.indirect.gather [spmem:s0], $0x1, s2, s31, $0xb8;
	[tilespmem:$0x1A000] =	vst v63  }
0x85a: {  	_ = 	snop  }
0x85b: {  	[tilespmem:s5], [sflag:$0x4] =	stream.indirect.gather [spmem:s0], $0x1, s4, s31, $0xb8;
	[tilespmem:$0x1A000] =	vst v63  }
0x85c: {  	_ = 	snop  }
0x85d: {  	[tilespmem:s10], [sflag:$0x4] =	stream.indirect.gather [spmem:s0], $0x1, s9, s31, $0xb8;
	[tilespmem:$0x1A000] =	vst v63  }
0x85e: {  	_ = 	snop  }
0x85f: {  	[tilespmem:s12], [sflag:$0x4] =	stream.indirect.gather [spmem:s0], $0x1, s11, s31, $0xb8;
	[tilespmem:$0x1A000] =	vst v63  }
0x860: {  	_ = 	snop  }
0x861: {  	[tilespmem:s14], [sflag:$0x4] =	stream.indirect.gather [spmem:s0], $0x1, s13, s31, $0xb8;
	[tilespmem:$0x1A000] =	vst v63  }
0x862: {  	_ =	swait.ge [sflag:s6], $0x80  }
0x863: {  	[sflag:s6] =	ssyncset.done $0x0  }
0x864: {  	[sflag:s6] =	ssyncadd.s32 $0xFFFFFF80  }
0x865: {  	_ =	swait.ge [sflag:s6], $0x80  }
0x866: {  	[sflag:s6] =	ssyncset.done $0x0  }
0x867: {  	[sflag:s6] =	ssyncadd.s32 $0xFFFFFF80  }
0x868: {  	_ =	swait.ge [sflag:s6], $0x80  }
0x869: {  	[sflag:s6] =	ssyncset.done $0x0  }
0x86a: {  	[sflag:s6] =	ssyncadd.s32 $0xFFFFFF80  }
0x86b: {  	_ =	swait.ge [sflag:s6], $0x80  }
0x86c: {  	[sflag:s6] =	ssyncset.done $0x0  }
0x86d: {  	[sflag:s6] =	ssyncadd.s32 $0xFFFFFF80  }
0x86e: {  	_ =	swait.ge [sflag:s6], $0x80  }
0x86f: {  	[sflag:s6] =	ssyncset.done $0x0  }
0x870: {  	[sflag:s6] =	ssyncadd.s32 $0xFFFFFF80  }
0x871: {  	_ =	swait.ge [sflag:s6], $0x80  }
0x872: {  	[sflag:s6] =	ssyncset.done $0x0  }
0x873: {  	[sflag:s6] =	ssyncadd.s32 $0xFFFFFF80  }
0x874: {  	_ =	swait.ge [sflag:s6], $0x80  }
0x875: {  	[sflag:s6] =	ssyncset.done $0x0  }
0x876: {  	[sflag:s6] =	ssyncadd.s32 $0xFFFFFF80  }
0x877: {  	_ =	swait.ge [sflag:s6], $0x80  }
0x878: {  	s18 =	simm.s32 $0x0;
	[sflag:s6] =	ssyncset.done $0x0  }
.LBB2_20:
0x879: {  	s18 =	sadd.s32 $0x8, s18;
	[sflag:s6] =	ssyncadd.s32 $0xFFFFFF80  }
0x87a: {  	_ =	swait.ge [sflag:s6], $0x80;
	p1 =	slt.u32 s18, $0x48  }
0x87b: {  	[sflag:s6] =	ssyncset.done $0x0  }
0x87c: {  	[sflag:s6] =	ssyncadd.s32 $0xFFFFFF80  }
0x87d: {  	_ =	swait.ge [sflag:s6], $0x80  }
0x87e: {  	[sflag:s6] =	ssyncset.done $0x0  }
0x87f: {  	[sflag:s6] =	ssyncadd.s32 $0xFFFFFF80  }
0x880: {  	_ =	swait.ge [sflag:s6], $0x80  }
0x881: {  	[sflag:s6] =	ssyncset.done $0x0  }
0x882: {  	[sflag:s6] =	ssyncadd.s32 $0xFFFFFF80  }
0x883: {  	_ =	swait.ge [sflag:s6], $0x80  }
0x884: {  	[sflag:s6] =	ssyncset.done $0x0  }
0x885: {  	[sflag:s6] =	ssyncadd.s32 $0xFFFFFF80  }
0x886: {  	_ =	swait.ge [sflag:s6], $0x80  }
0x887: {  	[sflag:s6] =	ssyncset.done $0x0  }
0x888: {  	[sflag:s6] =	ssyncadd.s32 $0xFFFFFF80  }
0x889: {  	_ =	swait.ge [sflag:s6], $0x80  }
0x88a: {  	[sflag:s6] =	ssyncset.done $0x0  }
0x88b: {  	[sflag:s6] =	ssyncadd.s32 $0xFFFFFF80  }
.Ltmp9:
0x88c: {  	_ =	swait.ge [sflag:s6], $0x80;
	(pc) =	sbr.rel @p1 .LBB2_20-.Ltmp9, $4  }
0x88d: {  	[sflag:s6] =	ssyncset.done $0x0  }
0x88e: {  	[sflag:s6] =	ssyncadd.s32 $0xFFFFFF80  }
0x88f: {  	_ =	swait.ge [sflag:s6], $0x80  }
0x890: {  	[sflag:s6] =	ssyncset.done $0x0  }
0x891: {  	[sflag:s6] =	ssyncadd.s32 $0xFFFFFF80;
	s18 =	rddreg [dreg:$0x18]  }
0x892: {  	[hbm4b:s18+s25] =	stream.strided.scatter [tilespmem:s8], [sflag:$0x6], $0x2800, s26, s25, $0x38;
	[tilespmem:$0x1A000] =	vst v63  }
0x893: {  	_ =	swait.ge [sflag:s15], $0x2800  }
0x894: {  	[sflag:s15] =	ssyncset.done $0x0  }
0x895: {  	[sflag:s15] =	ssyncadd.s32 $0xFFFFD800  }
0x896: {  	_ =	swait.ge [sflag:s16], $0x2800  }
0x897: {  	s1 =	sadd.s32 $0x1, s1;
	s21 =	rddreg [dreg:$0x1a]  }
0x898: {  	p1 =	sne.s32 s1, s21  }
.Ltmp10:
0x899: {  	_ = 	snop;
	(pc) =	sbr.rel @p1 .LBB2_1-.Ltmp10, $3  }
0x89a: {  	_ =	sdelay $0x1  }
0x89b: {  	[sflag:s16] =	ssyncset.done $0x0  }
0x89c: {  	[sflag:s16] =	ssyncadd.s32 $0xFFFFD800  }
0x89d: {  	_ =	sfence.sel $0x180000  }
0x89e: {  	[bflag:$0x0] =	sbarrier.arrive $0xFFFF  }
0x89f: {  	_ =	strace $0x90000047  }
0x8a0: {  	[bflag:$0x2] =	sbarrier.arrive $0xFFFF  }
0x8a1: {  	s0 =	rddreg [dreg:$0x4]  }
0x8a2: {  	s0 =	sadd.s32 @!p0 $0x100000, s0  }
0x8a3: {  	[sflag:s0] =	ssyncadd.tile.s32 @!p0 $0x1;
	_ =	shalt  }
.Lfunc_end2:
_tile_overlayer_lowered:
.L_overlay_start_2:
0x8a4: {  	(tag) =	ssettag $0x2  }
0x8a5: {  	s0 =	rddreg [dreg:$0x0];
	s2 =	stileid.u32  }
0x8a6: {  	s1 =	rddreg [dreg:$0x1];
	p0 =	sne.s32 s2, $0x0  }
0x8a7: {  	s3 =	rddreg [dreg:$0x2];
	[bflag:$0x3] =	sbarrier.arrive $0xFFFF;
	s2 =	simm.s32 @!p0 $0x1C07  }
0x8a8: {  	[timem:s3], [sflag:s2] =	dma.local @!p0 [hbm:s0], s1  }
0x8a9: {  	s0 =	simm.s32 @!p0 $0x7  }
0x8aa: {  	_ =	swait.ge @!p0 [sflag:s0], s1  }
0x8ab: {  	s1 =	ssub.s32 @!p0 $0x0, s1;
	[sflag:s0] =	ssyncset.done @!p0 $0x0  }
0x8ac: {  	[sflag:s0] =	ssyncadd.s32 @!p0 s1  }
0x8ad: {  	[bflag:$0x3] =	sbarrier.arrive $0xFFFF  }
0x8ae: {  	_ =	shalt  }

</sc_bundles>
